<compile_context>
chip_gen: v7x
topology: tpu7x:2x2x1
jax: 0.10.2.dev20260603
libtpu: 0.0.44.dev20260713+nightly
codegen_flags: <defaults>
</compile_context>

<pallas_src>
import functools

import jax
import jax.numpy as jnp
from jax import lax
from jax.experimental import pallas as pl
from jax.experimental.pallas import tpu as pltpu
from jax.experimental.pallas import tpu_sc as plsc

N = 10000
E = 320000
D = 128
H = 4
SLOPE = 0.2

NC = 2
NS = 16
NPAD = 10240
NPT = NPAD // NS
DRAIN = 80

G = 80
MJ = 25
BM = MJ * G
EPT = E // NS
NMAC = EPT // BM
ER = E // G
RPT = ER // NS

BN = 1024

_SC_PARAMS = pltpu.CompilerParams(needs_layout_passes=False,
                                  use_tc_tiling_on_sc=False)


def _tc_body(x_ref, w_ref, asr_ref, adr_ref, h_ref, as_ref, ad_ref):
    xb = x_ref[...]
    for hh in range(H):
        hb = jnp.dot(xb, w_ref[hh], preferred_element_type=jnp.float32)
        h_ref[hh] = hb
        asv = asr_ref[hh, :, 0][None, :]
        adv = adr_ref[hh, :, 0][None, :]
        as_ref[hh, :] = jnp.sum(hb * asv, axis=1)
        ad_ref[hh, :] = jnp.sum(hb * adv, axis=1)


def _project(x, W, a_src, a_dst):
    grid = (pl.cdiv(N, BN),)
    return pl.pallas_call(
        _tc_body,
        grid=grid,
        in_specs=[
            pl.BlockSpec((BN, D), lambda i: (i, 0)),
            pl.BlockSpec((H, D, D), lambda i: (0, 0, 0)),
            pl.BlockSpec((H, D, 1), lambda i: (0, 0, 0)),
            pl.BlockSpec((H, D, 1), lambda i: (0, 0, 0)),
        ],
        out_specs=[
            pl.BlockSpec((H, BN, D), lambda i: (0, i, 0)),
            pl.BlockSpec((H, BN), lambda i: (0, i)),
            pl.BlockSpec((H, BN), lambda i: (0, i)),
        ],
        out_shape=[
            jax.ShapeDtypeStruct((H, N, D), jnp.float32),
            jax.ShapeDtypeStruct((H, N), jnp.float32),
            jax.ShapeDtypeStruct((H, N), jnp.float32),
        ],
    )(x, W, a_src, a_dst)


def _phase_a_body(asf, adf, srcs, dsts, ews, e_out, rcp_out,
                  denom, as_t, ad_t, src_m, dst_m, w_m, e_m, didx):
    c = lax.axis_index("c")
    s = lax.axis_index("s")
    zero16 = jnp.zeros((16,), jnp.float32)

    for hp in range(2):
        head = 2 * c + hp
        pltpu.sync_copy(asf.at[pl.ds(head * N, N)], as_t.at[pl.ds(hp * N, N)])
        pltpu.sync_copy(adf.at[pl.ds(head * N, N)], ad_t.at[pl.ds(hp * N, N)])

    def _z16(i, _):
        w_m[0, pl.ds(i * 16, 16)] = zero16
        return 0
    lax.fori_loop(0, G // 16, _z16, 0)
    for hp in range(2):
        def _zc(k, _):
            pltpu.sync_copy(w_m.at[0],
                            denom.at[pl.ds(hp * NPAD + s * NPT + k * DRAIN, DRAIN)])
            return 0
        lax.fori_loop(0, NPT // DRAIN, _zc, 0)
    plsc.subcore_barrier()

    def _mac(m, _):
        rb = s * RPT + m * MJ
        pltpu.sync_copy(srcs.at[pl.ds(rb, MJ)], src_m)
        pltpu.sync_copy(dsts.at[pl.ds(rb, MJ)], dst_m)
        pltpu.sync_copy(ews.at[pl.ds(rb, MJ)], w_m)
        for hp in range(2):
            head = 2 * c + hp

            def _grp(j, _):
                def _e16(i, _):
                    s16 = src_m[j, pl.ds(i * 16, 16)]
                    d16 = dst_m[j, pl.ds(i * 16, 16)]
                    l = (plsc.load_gather(as_t, [s16 + hp * N])
                         + plsc.load_gather(ad_t, [d16 + hp * N]))
                    l = jnp.where(l >= 0.0, l, l * SLOPE) * w_m[j, pl.ds(i * 16, 16)]
                    e_m[j, pl.ds(i * 16, 16)] = jnp.exp(l)
                    didx[j, pl.ds(i * 16, 16)] = d16 + hp * NPAD
                    return 0
                lax.fori_loop(0, G // 16, _e16, 0)
                pltpu.sync_copy(e_m.at[j], denom.at[didx.at[j]], add=True)
                return 0
            lax.fori_loop(0, MJ, _grp, 0)
            pltpu.sync_copy(e_m, e_out.at[pl.ds(head * ER + rb, MJ)])
        return 0
    lax.fori_loop(0, NMAC, _mac, 0)
    plsc.subcore_barrier()

    for hp in range(2):
        head = 2 * c + hp

        def _dr(k, _):
            nb = s * NPT + k * DRAIN
            pltpu.sync_copy(denom.at[pl.ds(hp * NPAD + nb, DRAIN)], w_m.at[0])

            def _r16(i, _):
                d16 = w_m[0, pl.ds(i * 16, 16)]
                e_m[0, pl.ds(i * 16, 16)] = 1.0 / (d16 + 1e-10)
                return 0
            lax.fori_loop(0, DRAIN // 16, _r16, 0)
            pltpu.sync_copy(e_m.at[0], rcp_out.at[pl.ds(head * NPAD + nb, DRAIN)])
            return 0
        lax.fori_loop(0, NPT // DRAIN, _dr, 0)


def _phase_b_body(rcpf, srcs, dsts, ef, h2, out,
                  acc, rcp_t, src_m, dst_m, e_m, idx_m, gbuf, gbuf2, gsem, gsem2):
    c = lax.axis_index("c")
    s = lax.axis_index("s")
    zero16 = jnp.zeros((16,), jnp.float32)

    for hp in range(2):
        head = 2 * c + hp
        hoff = head * N
        pltpu.sync_copy(rcpf.at[pl.ds(head * NPAD, NPAD)], rcp_t)

        def _zrow(r, _):
            for j in range(D // 16):
                gbuf[r, pl.ds(16 * j, 16)] = zero16
            return 0
        lax.fori_loop(0, DRAIN, _zrow, 0)

        def _zc(k, _):
            pltpu.sync_copy(gbuf, acc.at[pl.ds(s * NPT + k * DRAIN, DRAIN)])
            return 0
        lax.fori_loop(0, NPT // DRAIN, _zc, 0)
        plsc.subcore_barrier()

        def _prep(j):
            def _a16(i, _):
                d16 = dst_m[j, pl.ds(i * 16, 16)]
                e_m[j, pl.ds(i * 16, 16)] = (e_m[j, pl.ds(i * 16, 16)]
                                             * plsc.load_gather(rcp_t, [d16]))
                idx_m[j, pl.ds(i * 16, 16)] = src_m[j, pl.ds(i * 16, 16)] + hoff
                return 0
            lax.fori_loop(0, G // 16, _a16, 0)

        def _consume(j, gb):
            def _row(r, _):
                a16 = plsc.load_gather(
                    e_m, [jnp.full((16,), j, jnp.int32),
                          jnp.full((16,), r, jnp.int32)])
                for jj in range(D // 16):
                    gb[r, pl.ds(16 * jj, 16)] = gb[r, pl.ds(16 * jj, 16)] * a16
                return 0
            lax.fori_loop(0, G, _row, 0)
            pltpu.sync_copy(gb, acc.at[dst_m.at[j]], add=True)

        def _mac(m, _):
            rb = s * RPT + m * MJ
            pltpu.sync_copy(srcs.at[pl.ds(rb, MJ)], src_m)
            pltpu.sync_copy(dsts.at[pl.ds(rb, MJ)], dst_m)
            pltpu.sync_copy(ef.at[pl.ds(head * ER + rb, MJ)], e_m)

            _prep(0)
            pltpu.make_async_copy(h2.at[idx_m.at[0]], gbuf, gsem).start()

            def _pair(k, _):
                j0 = 2 * k
                j1 = 2 * k + 1
                j2 = 2 * k + 2
                _prep(j1)
                cpb = pltpu.make_async_copy(h2.at[idx_m.at[j1]], gbuf2, gsem2)
                cpb.start()
                pltpu.make_async_copy(h2.at[idx_m.at[j0]], gbuf, gsem).wait()
                _consume(j0, gbuf)
                _prep(j2)
                cpa = pltpu.make_async_copy(h2.at[idx_m.at[j2]], gbuf, gsem)
                cpa.start()
                pltpu.make_async_copy(h2.at[idx_m.at[j1]], gbuf2, gsem2).wait()
                _consume(j1, gbuf2)
                return 0
            lax.fori_loop(0, (MJ - 1) // 2, _pair, 0)
            pltpu.make_async_copy(h2.at[idx_m.at[MJ - 1]], gbuf, gsem).wait()
            _consume(MJ - 1, gbuf)
            return 0
        lax.fori_loop(0, NMAC, _mac, 0)
        plsc.subcore_barrier()

        def _drain(k2, _):
            nb = s * NPT + k2 * DRAIN
            pltpu.sync_copy(acc.at[pl.ds(nb, DRAIN)], gbuf)
            pltpu.sync_copy(gbuf, out.at[pl.ds(head * NPAD + nb, DRAIN)])
            return 0
        lax.fori_loop(0, NPT // DRAIN, _drain, 0)


def _sc_phase_a(attn_src, attn_dst, src, dst, ew):
    mesh = plsc.VectorSubcoreMesh(core_axis_name="c", subcore_axis_name="s",
                                  num_cores=NC, num_subcores=NS)
    k = functools.partial(
        pl.kernel,
        out_type=[
            jax.ShapeDtypeStruct((H * ER, G), jnp.float32),
            jax.ShapeDtypeStruct((H * NPAD,), jnp.float32),
        ],
        mesh=mesh,
        scratch_types=[
            pltpu.VMEM_SHARED((2 * NPAD,), jnp.float32),
            pltpu.VMEM((2 * N,), jnp.float32),
            pltpu.VMEM((2 * N,), jnp.float32),
            pltpu.VMEM((MJ, G), jnp.int32),
            pltpu.VMEM((MJ, G), jnp.int32),
            pltpu.VMEM((MJ, G), jnp.float32),
            pltpu.VMEM((MJ, G), jnp.float32),
            pltpu.VMEM((MJ, G), jnp.int32),
        ],
        compiler_params=_SC_PARAMS,
    )(_phase_a_body)
    return k(attn_src, attn_dst, src, dst, ew)


def _sc_phase_b(rcp, src, dst, e_exp, h2):
    mesh = plsc.VectorSubcoreMesh(core_axis_name="c", subcore_axis_name="s",
                                  num_cores=NC, num_subcores=NS)
    k = functools.partial(
        pl.kernel,
        out_type=jax.ShapeDtypeStruct((H * NPAD, D), jnp.float32),
        mesh=mesh,
        scratch_types=[
            pltpu.VMEM_SHARED((NPAD, D), jnp.float32),
            pltpu.VMEM((NPAD,), jnp.float32),
            pltpu.VMEM((MJ, G), jnp.int32),
            pltpu.VMEM((MJ, G), jnp.int32),
            pltpu.VMEM((MJ, G), jnp.float32),
            pltpu.VMEM((MJ, G), jnp.int32),
            pltpu.VMEM((G, D), jnp.float32),
            pltpu.VMEM((G, D), jnp.float32),
            pltpu.SemaphoreType.DMA,
            pltpu.SemaphoreType.DMA,
        ],
        compiler_params=_SC_PARAMS,
    )(_phase_b_body)
    return k(rcp, src, dst, e_exp, h2)


def kernel(x, edge_index, edge_weight, W, a_src, a_dst):
    h, attn_src, attn_dst = _project(x, W, a_src, a_dst)
    src = edge_index[0].reshape(ER, G)
    dst = edge_index[1].reshape(ER, G)
    ew = edge_weight.reshape(ER, G)
    e_exp, rcp = _sc_phase_a(attn_src.reshape(-1), attn_dst.reshape(-1),
                             src, dst, ew)
    h2 = h.reshape(H * N, D)
    out = _sc_phase_b(rcp, src, dst, e_exp, h2)
    out = out.reshape(H, NPAD, D)[:, :N]
    return jnp.transpose(out, (1, 0, 2)).reshape(N, H * D)

# --- scband reference (transcript-rebuilt; emitter-appended) ---
"""Pipeline reference for scband-cross-asset-gnn-68247030333751 (READ-ONLY COPY).

The authoritative reference and input builder live on the scoring server;
editing this copy changes nothing except your own understanding.
"""

import jax, jax.numpy as jnp
import numpy as np

N = 10000
E = 320000
D_IN = 128
D_OUT = 128
H = 4
SLOPE = 0.2


def setup_inputs(seed: int = 0) -> dict:
    key = jax.random.key(seed)
    k1, k2, k3, k4, k5, k6 = jax.random.split(key, 6)
    x = jax.random.normal(k1, (N, D_IN), dtype=jnp.float32)
    edge_index = jax.random.randint(k2, (2, E), 0, N, dtype=jnp.int32)
    edge_weight = jax.random.uniform(k3, (E,), dtype=jnp.float32)
    # learned parameters (xavier-like init for leaky_relu gain)
    gain = float(np.sqrt(2.0 / (1.0 + SLOPE ** 2)))
    W = jax.random.normal(k4, (H, D_IN, D_OUT), dtype=jnp.float32) * (gain / np.sqrt(D_IN))
    a_src = jax.random.normal(k5, (H, D_OUT, 1), dtype=jnp.float32) * (gain / np.sqrt(D_OUT))
    a_dst = jax.random.normal(k6, (H, D_OUT, 1), dtype=jnp.float32) * (gain / np.sqrt(D_OUT))
    return {"x": x, "edge_index": edge_index, "edge_weight": edge_weight, "W": W, "a_src": a_src, "a_dst": a_dst}


def reference(x, edge_index, edge_weight, W, a_src, a_dst):
    src = edge_index[0]
    dst = edge_index[1]
    # h: [H, N, D_OUT]
    h = jnp.einsum('ni,hio->hno', x, W)
    # per-node attention logits: [H, N]
    attn_src = jnp.einsum('hno,hod->hnd', h, a_src)[:, :, 0]
    attn_dst = jnp.einsum('hno,hod->hnd', h, a_dst)[:, :, 0]
    # per-edge attention: [H, E] (gather)
    e = attn_src[:, src] + attn_dst[:, dst]
    e = jnp.where(e >= 0, e, SLOPE * e)  # leaky_relu
    e = e * edge_weight[None, :]
    e_exp = jnp.exp(e - jnp.max(e))
    # scatter-add normalizer per dst node: [H, N]
    attn_sum = jnp.zeros((H, N), dtype=x.dtype).at[:, dst].add(e_exp)
    alpha = e_exp / (attn_sum[:, dst] + 1e-10)
    # messages: gather h at src, weight, scatter-add at dst
    msg = h[:, src, :] * alpha[:, :, None]  # [H, E, D_OUT]
    out = jnp.zeros((H, N, D_OUT), dtype=x.dtype).at[:, dst].add(msg)
    # concat heads: [N, H*D_OUT]
    out = jnp.transpose(out, (1, 0, 2)).reshape(N, H * D_OUT)
    return out

if __name__ == "__main__":
    import jax
    _d = setup_inputs()
    print(jax.jit(kernel)(*tuple(_d.values())))

</pallas_src>

<mosaic_0001>
#map = affine_map<(d0, d1) -> (0)>
#map1 = affine_map<(d0, d1) -> (0, 0)>
module attributes {stable_mosaic.version = 14 : i64} {
  func.func @_phase_a_body(%arg0: i32, %arg1: i32, %arg2: memref<40000xf32, #tpu.memory_space<hbm>>, %arg3: memref<40000xf32, #tpu.memory_space<hbm>>, %arg4: memref<4000x80xi32, #tpu.memory_space<hbm>>, %arg5: memref<4000x80xi32, #tpu.memory_space<hbm>>, %arg6: memref<4000x80xf32, #tpu.memory_space<hbm>>, %arg7: memref<16000x80xf32, #tpu.memory_space<hbm>>, %arg8: memref<40960xf32, #tpu.memory_space<hbm>>, %arg9: memref<20480xf32, #tpu.memory_space<vmem_shared>>, %arg10: memref<20000xf32, #tpu.memory_space<vmem>>, %arg11: memref<20000xf32, #tpu.memory_space<vmem>>, %arg12: memref<25x80xi32, #tpu.memory_space<vmem>>, %arg13: memref<25x80xi32, #tpu.memory_space<vmem>>, %arg14: memref<25x80xf32, #tpu.memory_space<vmem>>, %arg15: memref<25x80xf32, #tpu.memory_space<vmem>>, %arg16: memref<25x80xi32, #tpu.memory_space<vmem>>) attributes {dimension_semantics = [#tpu.dimension_semantics<core_parallel>, #tpu.dimension_semantics<subcore_parallel>], iteration_bounds = array<i64: 2, 16>, scalar_prefetch = 0 : i64, scratch_operands = 8 : i64, tpu.core_type = #tpu.core_type<sc_vector_subcore>, window_params = [{transform_indices = #map}, {transform_indices = #map}, {transform_indices = #map1}, {transform_indices = #map1}, {transform_indices = #map1}, {transform_indices = #map1}, {transform_indices = #map}]} {
    %broadcast_in_dim3A = arith.constant 0.000000e+00 : f32
    %broadcast_in_dim3A_0 = vector.broadcast %broadcast_in_dim3A : f32 to vector<16xf32>
    %mul3A = arith.constant 2 : i32
    %mul3A_1 = arith.muli %mul3A, %arg0 : i32
    %add3A = arith.constant 0 : i32
    %add3A_2 = arith.addi %mul3A_1, %add3A : i32
    %mul3A_3 = arith.constant 10000 : i32
    %mul3A_4 = arith.muli %add3A_2, %mul3A_3 : i32
    "tpu.region"() ({
      %run_scoped3A = tpu.sem_alloc : memref<!tpu.dma_semaphore, #tpu.memory_space<semaphore_mem>>
      %dma_start3A = arith.constant 0 : i32
      %dma_start3A_65 = tpu.memref_slice %arg10[%dma_start3A] : memref<20000xf32, #tpu.memory_space<vmem>> -> memref<10000xf32, #tpu.memory_space<vmem>>
      %dma_start3A_66 = tpu.memref_slice %arg2[%mul3A_4] : memref<40000xf32, #tpu.memory_space<hbm>> -> memref<10000xf32, #tpu.memory_space<hbm>>
      %dma_start3A_67 = arith.constant 0 : i32
      %dma_start3A_68 = tpu.memref_slice %arg10[%dma_start3A_67] : memref<20000xf32, #tpu.memory_space<vmem>> -> memref<10000xf32, #tpu.memory_space<vmem>>
      %dma_start3A_69 = tpu.memref_slice %arg2[%mul3A_4] : memref<40000xf32, #tpu.memory_space<hbm>> -> memref<10000xf32, #tpu.memory_space<hbm>>
      tpu.enqueue_dma source(%dma_start3A_69 : memref<10000xf32, #tpu.memory_space<hbm>>) target(%dma_start3A_68 : memref<10000xf32, #tpu.memory_space<vmem>>) target_semaphore(%run_scoped3A : memref<!tpu.dma_semaphore, #tpu.memory_space<semaphore_mem>>)
      %dma_wait3A = arith.constant 0 : i32
      %dma_wait3A_70 = tpu.memref_slice %arg10[%dma_wait3A] : memref<20000xf32, #tpu.memory_space<vmem>> -> memref<10000xf32, #tpu.memory_space<vmem>>
      %dma_wait3A_71 = tpu.memref_slice %arg2[%mul3A_4] : memref<40000xf32, #tpu.memory_space<hbm>> -> memref<10000xf32, #tpu.memory_space<hbm>>
      %dma_wait3A_72 = arith.constant 0 : i32
      %dma_wait3A_73 = tpu.memref_slice %arg10[%dma_wait3A_72] : memref<20000xf32, #tpu.memory_space<vmem>> -> memref<10000xf32, #tpu.memory_space<vmem>>
      %dma_wait3A_74 = tpu.memref_slice %arg2[%mul3A_4] : memref<40000xf32, #tpu.memory_space<hbm>> -> memref<10000xf32, #tpu.memory_space<hbm>>
      tpu.wait_dma2 semaphore(%run_scoped3A : memref<!tpu.dma_semaphore, #tpu.memory_space<semaphore_mem>>) src(%dma_wait3A_74 : memref<10000xf32, #tpu.memory_space<hbm>>) dst(%dma_wait3A_73 : memref<10000xf32, #tpu.memory_space<vmem>>)
      tpu.yield
    }) : () -> ()
    %mul3A_5 = arith.constant 10000 : i32
    %mul3A_6 = arith.muli %add3A_2, %mul3A_5 : i32
    "tpu.region"() ({
      %run_scoped3A = tpu.sem_alloc : memref<!tpu.dma_semaphore, #tpu.memory_space<semaphore_mem>>
      %dma_start3A = arith.constant 0 : i32
      %dma_start3A_65 = tpu.memref_slice %arg11[%dma_start3A] : memref<20000xf32, #tpu.memory_space<vmem>> -> memref<10000xf32, #tpu.memory_space<vmem>>
      %dma_start3A_66 = tpu.memref_slice %arg3[%mul3A_6] : memref<40000xf32, #tpu.memory_space<hbm>> -> memref<10000xf32, #tpu.memory_space<hbm>>
      %dma_start3A_67 = arith.constant 0 : i32
      %dma_start3A_68 = tpu.memref_slice %arg11[%dma_start3A_67] : memref<20000xf32, #tpu.memory_space<vmem>> -> memref<10000xf32, #tpu.memory_space<vmem>>
      %dma_start3A_69 = tpu.memref_slice %arg3[%mul3A_6] : memref<40000xf32, #tpu.memory_space<hbm>> -> memref<10000xf32, #tpu.memory_space<hbm>>
      tpu.enqueue_dma source(%dma_start3A_69 : memref<10000xf32, #tpu.memory_space<hbm>>) target(%dma_start3A_68 : memref<10000xf32, #tpu.memory_space<vmem>>) target_semaphore(%run_scoped3A : memref<!tpu.dma_semaphore, #tpu.memory_space<semaphore_mem>>)
      %dma_wait3A = arith.constant 0 : i32
      %dma_wait3A_70 = tpu.memref_slice %arg11[%dma_wait3A] : memref<20000xf32, #tpu.memory_space<vmem>> -> memref<10000xf32, #tpu.memory_space<vmem>>
      %dma_wait3A_71 = tpu.memref_slice %arg3[%mul3A_6] : memref<40000xf32, #tpu.memory_space<hbm>> -> memref<10000xf32, #tpu.memory_space<hbm>>
      %dma_wait3A_72 = arith.constant 0 : i32
      %dma_wait3A_73 = tpu.memref_slice %arg11[%dma_wait3A_72] : memref<20000xf32, #tpu.memory_space<vmem>> -> memref<10000xf32, #tpu.memory_space<vmem>>
      %dma_wait3A_74 = tpu.memref_slice %arg3[%mul3A_6] : memref<40000xf32, #tpu.memory_space<hbm>> -> memref<10000xf32, #tpu.memory_space<hbm>>
      tpu.wait_dma2 semaphore(%run_scoped3A : memref<!tpu.dma_semaphore, #tpu.memory_space<semaphore_mem>>) src(%dma_wait3A_74 : memref<10000xf32, #tpu.memory_space<hbm>>) dst(%dma_wait3A_73 : memref<10000xf32, #tpu.memory_space<vmem>>)
      tpu.yield
    }) : () -> ()
    %mul3A_7 = arith.constant 2 : i32
    %mul3A_8 = arith.muli %mul3A_7, %arg0 : i32
    %add3A_9 = arith.constant 1 : i32
    %add3A_10 = arith.addi %mul3A_8, %add3A_9 : i32
    %mul3A_11 = arith.constant 10000 : i32
    %mul3A_12 = arith.muli %add3A_10, %mul3A_11 : i32
    "tpu.region"() ({
      %run_scoped3A = tpu.sem_alloc : memref<!tpu.dma_semaphore, #tpu.memory_space<semaphore_mem>>
      %dma_start3A = arith.constant 10000 : i32
      %dma_start3A_65 = tpu.memref_slice %arg10[%dma_start3A] : memref<20000xf32, #tpu.memory_space<vmem>> -> memref<10000xf32, #tpu.memory_space<vmem>>
      %dma_start3A_66 = tpu.memref_slice %arg2[%mul3A_12] : memref<40000xf32, #tpu.memory_space<hbm>> -> memref<10000xf32, #tpu.memory_space<hbm>>
      %dma_start3A_67 = arith.constant 10000 : i32
      %dma_start3A_68 = tpu.memref_slice %arg10[%dma_start3A_67] : memref<20000xf32, #tpu.memory_space<vmem>> -> memref<10000xf32, #tpu.memory_space<vmem>>
      %dma_start3A_69 = tpu.memref_slice %arg2[%mul3A_12] : memref<40000xf32, #tpu.memory_space<hbm>> -> memref<10000xf32, #tpu.memory_space<hbm>>
      tpu.enqueue_dma source(%dma_start3A_69 : memref<10000xf32, #tpu.memory_space<hbm>>) target(%dma_start3A_68 : memref<10000xf32, #tpu.memory_space<vmem>>) target_semaphore(%run_scoped3A : memref<!tpu.dma_semaphore, #tpu.memory_space<semaphore_mem>>)
      %dma_wait3A = arith.constant 10000 : i32
      %dma_wait3A_70 = tpu.memref_slice %arg10[%dma_wait3A] : memref<20000xf32, #tpu.memory_space<vmem>> -> memref<10000xf32, #tpu.memory_space<vmem>>
      %dma_wait3A_71 = tpu.memref_slice %arg2[%mul3A_12] : memref<40000xf32, #tpu.memory_space<hbm>> -> memref<10000xf32, #tpu.memory_space<hbm>>
      %dma_wait3A_72 = arith.constant 10000 : i32
      %dma_wait3A_73 = tpu.memref_slice %arg10[%dma_wait3A_72] : memref<20000xf32, #tpu.memory_space<vmem>> -> memref<10000xf32, #tpu.memory_space<vmem>>
      %dma_wait3A_74 = tpu.memref_slice %arg2[%mul3A_12] : memref<40000xf32, #tpu.memory_space<hbm>> -> memref<10000xf32, #tpu.memory_space<hbm>>
      tpu.wait_dma2 semaphore(%run_scoped3A : memref<!tpu.dma_semaphore, #tpu.memory_space<semaphore_mem>>) src(%dma_wait3A_74 : memref<10000xf32, #tpu.memory_space<hbm>>) dst(%dma_wait3A_73 : memref<10000xf32, #tpu.memory_space<vmem>>)
      tpu.yield
    }) : () -> ()
    %mul3A_13 = arith.constant 10000 : i32
    %mul3A_14 = arith.muli %add3A_10, %mul3A_13 : i32
    "tpu.region"() ({
      %run_scoped3A = tpu.sem_alloc : memref<!tpu.dma_semaphore, #tpu.memory_space<semaphore_mem>>
      %dma_start3A = arith.constant 10000 : i32
      %dma_start3A_65 = tpu.memref_slice %arg11[%dma_start3A] : memref<20000xf32, #tpu.memory_space<vmem>> -> memref<10000xf32, #tpu.memory_space<vmem>>
      %dma_start3A_66 = tpu.memref_slice %arg3[%mul3A_14] : memref<40000xf32, #tpu.memory_space<hbm>> -> memref<10000xf32, #tpu.memory_space<hbm>>
      %dma_start3A_67 = arith.constant 10000 : i32
      %dma_start3A_68 = tpu.memref_slice %arg11[%dma_start3A_67] : memref<20000xf32, #tpu.memory_space<vmem>> -> memref<10000xf32, #tpu.memory_space<vmem>>
      %dma_start3A_69 = tpu.memref_slice %arg3[%mul3A_14] : memref<40000xf32, #tpu.memory_space<hbm>> -> memref<10000xf32, #tpu.memory_space<hbm>>
      tpu.enqueue_dma source(%dma_start3A_69 : memref<10000xf32, #tpu.memory_space<hbm>>) target(%dma_start3A_68 : memref<10000xf32, #tpu.memory_space<vmem>>) target_semaphore(%run_scoped3A : memref<!tpu.dma_semaphore, #tpu.memory_space<semaphore_mem>>)
      %dma_wait3A = arith.constant 10000 : i32
      %dma_wait3A_70 = tpu.memref_slice %arg11[%dma_wait3A] : memref<20000xf32, #tpu.memory_space<vmem>> -> memref<10000xf32, #tpu.memory_space<vmem>>
      %dma_wait3A_71 = tpu.memref_slice %arg3[%mul3A_14] : memref<40000xf32, #tpu.memory_space<hbm>> -> memref<10000xf32, #tpu.memory_space<hbm>>
      %dma_wait3A_72 = arith.constant 10000 : i32
      %dma_wait3A_73 = tpu.memref_slice %arg11[%dma_wait3A_72] : memref<20000xf32, #tpu.memory_space<vmem>> -> memref<10000xf32, #tpu.memory_space<vmem>>
      %dma_wait3A_74 = tpu.memref_slice %arg3[%mul3A_14] : memref<40000xf32, #tpu.memory_space<hbm>> -> memref<10000xf32, #tpu.memory_space<hbm>>
      tpu.wait_dma2 semaphore(%run_scoped3A : memref<!tpu.dma_semaphore, #tpu.memory_space<semaphore_mem>>) src(%dma_wait3A_74 : memref<10000xf32, #tpu.memory_space<hbm>>) dst(%dma_wait3A_73 : memref<10000xf32, #tpu.memory_space<vmem>>)
      tpu.yield
    }) : () -> ()
    %scan3A = arith.constant 0 : i32
    %scan3A_15 = arith.constant 0 : i32
    %scan3A_16 = arith.constant 5 : i32
    %scan3A_17 = arith.addi %scan3A_15, %scan3A_16 : i32
    %scan3A_18 = arith.constant 1 : i32
    %scan3A_19 = scf.for %scan3A_65 = %scan3A_15 to %scan3A_17 step %scan3A_18 iter_args(%scan3A_66 = %scan3A) -> (i32)  : i32 {
      %mul3A_67 = arith.constant 16 : i32
      %mul3A_68 = arith.muli %scan3A_65, %mul3A_67 : i32
      %swap3A = arith.constant 0 : i32
      %swap3A_69 = arith.index_cast %swap3A : i32 to index
      %swap3A_70 = arith.index_cast %mul3A_68 : i32 to index
      %swap3A_71 = tpu.vector_load %arg14[%swap3A_69, %swap3A_70] {strides = array<i32>} : memref<25x80xf32, #tpu.memory_space<vmem>>, vector<16xf32>,
      tpu.vector_store %arg14[%swap3A_69, %swap3A_70], %broadcast_in_dim3A_0 {strides = array<i32>} : memref<25x80xf32, #tpu.memory_space<vmem>>, vector<16xf32>,
      %scan3A_72 = arith.constant 0 : i32
      scf.yield %scan3A_72 : i32
    }
    %scan3A_20 = arith.constant 5 : i32
    %scan3A_21 = arith.constant 0 : i32
    %scan3A_22 = arith.constant 0 : i32
    %scan3A_23 = arith.constant 8 : i32
    %scan3A_24 = arith.addi %scan3A_22, %scan3A_23 : i32
    %scan3A_25 = arith.constant 1 : i32
    %scan3A_26 = scf.for %scan3A_65 = %scan3A_22 to %scan3A_24 step %scan3A_25 iter_args(%scan3A_66 = %scan3A_21) -> (i32)  : i32 {
      %mul3A_67 = arith.constant 640 : i32
      %mul3A_68 = arith.muli %arg1, %mul3A_67 : i32
      %add3A_69 = arith.constant 0 : i32
      %add3A_70 = arith.addi %add3A_69, %mul3A_68 : i32
      %mul3A_71 = arith.constant 80 : i32
      %mul3A_72 = arith.muli %scan3A_65, %mul3A_71 : i32
      %add3A_73 = arith.addi %add3A_70, %mul3A_72 : i32
      %run_scoped3A = arith.constant 0 : i32
      "tpu.region"() ({
        %run_scoped3A_75 = tpu.sem_alloc : memref<!tpu.dma_semaphore, #tpu.memory_space<semaphore_mem>>
        %dma_start3A = arith.constant 0 : i32
        %dma_start3A_76 = tpu.memref_slice %arg14[%run_scoped3A, %dma_start3A] : memref<25x80xf32, #tpu.memory_space<vmem>> -> memref<1x80xf32, #tpu.memory_space<vmem>>
        %dma_start3A_77 = tpu.memref_squeeze %dma_start3A_76 : memref<1x80xf32, #tpu.memory_space<vmem>> -> memref<80xf32, #tpu.memory_space<vmem>>
        %dma_start3A_78 = tpu.memref_slice %arg9[%add3A_73] : memref<20480xf32, #tpu.memory_space<vmem_shared>> -> memref<80xf32, #tpu.memory_space<vmem_shared>>
        %dma_start3A_79 = tpu.memref_slice %arg9[%add3A_73] : memref<20480xf32, #tpu.memory_space<vmem_shared>> -> memref<80xf32, #tpu.memory_space<vmem_shared>>
        %dma_start3A_80 = arith.constant 0 : i32
        %dma_start3A_81 = tpu.memref_slice %arg14[%run_scoped3A, %dma_start3A_80] : memref<25x80xf32, #tpu.memory_space<vmem>> -> memref<1x80xf32, #tpu.memory_space<vmem>>
        %dma_start3A_82 = tpu.memref_squeeze %dma_start3A_81 : memref<1x80xf32, #tpu.memory_space<vmem>> -> memref<80xf32, #tpu.memory_space<vmem>>
        tpu.enqueue_dma source(%dma_start3A_82 : memref<80xf32, #tpu.memory_space<vmem>>) target(%dma_start3A_79 : memref<80xf32, #tpu.memory_space<vmem_shared>>) target_semaphore(%run_scoped3A_75 : memref<!tpu.dma_semaphore, #tpu.memory_space<semaphore_mem>>)
        %dma_wait3A = arith.constant 0 : i32
        %dma_wait3A_83 = tpu.memref_slice %arg14[%run_scoped3A, %dma_wait3A] : memref<25x80xf32, #tpu.memory_space<vmem>> -> memref<1x80xf32, #tpu.memory_space<vmem>>
        %dma_wait3A_84 = tpu.memref_squeeze %dma_wait3A_83 : memref<1x80xf32, #tpu.memory_space<vmem>> -> memref<80xf32, #tpu.memory_space<vmem>>
        %dma_wait3A_85 = tpu.memref_slice %arg9[%add3A_73] : memref<20480xf32, #tpu.memory_space<vmem_shared>> -> memref<80xf32, #tpu.memory_space<vmem_shared>>
        %dma_wait3A_86 = tpu.memref_slice %arg9[%add3A_73] : memref<20480xf32, #tpu.memory_space<vmem_shared>> -> memref<80xf32, #tpu.memory_space<vmem_shared>>
        %dma_wait3A_87 = arith.constant 0 : i32
        %dma_wait3A_88 = tpu.memref_slice %arg14[%run_scoped3A, %dma_wait3A_87] : memref<25x80xf32, #tpu.memory_space<vmem>> -> memref<1x80xf32, #tpu.memory_space<vmem>>
        %dma_wait3A_89 = tpu.memref_squeeze %dma_wait3A_88 : memref<1x80xf32, #tpu.memory_space<vmem>> -> memref<80xf32, #tpu.memory_space<vmem>>
        tpu.wait_dma2 semaphore(%run_scoped3A_75 : memref<!tpu.dma_semaphore, #tpu.memory_space<semaphore_mem>>) src(%dma_wait3A_89 : memref<80xf32, #tpu.memory_space<vmem>>) dst(%dma_wait3A_86 : memref<80xf32, #tpu.memory_space<vmem_shared>>)
        tpu.yield
      }) : () -> ()
      %scan3A_74 = arith.constant 0 : i32
      scf.yield %scan3A_74 : i32
    }
    %scan3A_27 = arith.constant 8 : i32
    %scan3A_28 = arith.constant 0 : i32
    %scan3A_29 = arith.constant 0 : i32
    %scan3A_30 = arith.constant 8 : i32
    %scan3A_31 = arith.addi %scan3A_29, %scan3A_30 : i32
    %scan3A_32 = arith.constant 1 : i32
    %scan3A_33 = scf.for %scan3A_65 = %scan3A_29 to %scan3A_31 step %scan3A_32 iter_args(%scan3A_66 = %scan3A_28) -> (i32)  : i32 {
      %mul3A_67 = arith.constant 640 : i32
      %mul3A_68 = arith.muli %arg1, %mul3A_67 : i32
      %add3A_69 = arith.constant 10240 : i32
      %add3A_70 = arith.addi %add3A_69, %mul3A_68 : i32
      %mul3A_71 = arith.constant 80 : i32
      %mul3A_72 = arith.muli %scan3A_65, %mul3A_71 : i32
      %add3A_73 = arith.addi %add3A_70, %mul3A_72 : i32
      %run_scoped3A = arith.constant 0 : i32
      "tpu.region"() ({
        %run_scoped3A_75 = tpu.sem_alloc : memref<!tpu.dma_semaphore, #tpu.memory_space<semaphore_mem>>
        %dma_start3A = arith.constant 0 : i32
        %dma_start3A_76 = tpu.memref_slice %arg14[%run_scoped3A, %dma_start3A] : memref<25x80xf32, #tpu.memory_space<vmem>> -> memref<1x80xf32, #tpu.memory_space<vmem>>
        %dma_start3A_77 = tpu.memref_squeeze %dma_start3A_76 : memref<1x80xf32, #tpu.memory_space<vmem>> -> memref<80xf32, #tpu.memory_space<vmem>>
        %dma_start3A_78 = tpu.memref_slice %arg9[%add3A_73] : memref<20480xf32, #tpu.memory_space<vmem_shared>> -> memref<80xf32, #tpu.memory_space<vmem_shared>>
        %dma_start3A_79 = tpu.memref_slice %arg9[%add3A_73] : memref<20480xf32, #tpu.memory_space<vmem_shared>> -> memref<80xf32, #tpu.memory_space<vmem_shared>>
        %dma_start3A_80 = arith.constant 0 : i32
        %dma_start3A_81 = tpu.memref_slice %arg14[%run_scoped3A, %dma_start3A_80] : memref<25x80xf32, #tpu.memory_space<vmem>> -> memref<1x80xf32, #tpu.memory_space<vmem>>
        %dma_start3A_82 = tpu.memref_squeeze %dma_start3A_81 : memref<1x80xf32, #tpu.memory_space<vmem>> -> memref<80xf32, #tpu.memory_space<vmem>>
        tpu.enqueue_dma source(%dma_start3A_82 : memref<80xf32, #tpu.memory_space<vmem>>) target(%dma_start3A_79 : memref<80xf32, #tpu.memory_space<vmem_shared>>) target_semaphore(%run_scoped3A_75 : memref<!tpu.dma_semaphore, #tpu.memory_space<semaphore_mem>>)
        %dma_wait3A = arith.constant 0 : i32
        %dma_wait3A_83 = tpu.memref_slice %arg14[%run_scoped3A, %dma_wait3A] : memref<25x80xf32, #tpu.memory_space<vmem>> -> memref<1x80xf32, #tpu.memory_space<vmem>>
        %dma_wait3A_84 = tpu.memref_squeeze %dma_wait3A_83 : memref<1x80xf32, #tpu.memory_space<vmem>> -> memref<80xf32, #tpu.memory_space<vmem>>
        %dma_wait3A_85 = tpu.memref_slice %arg9[%add3A_73] : memref<20480xf32, #tpu.memory_space<vmem_shared>> -> memref<80xf32, #tpu.memory_space<vmem_shared>>
        %dma_wait3A_86 = tpu.memref_slice %arg9[%add3A_73] : memref<20480xf32, #tpu.memory_space<vmem_shared>> -> memref<80xf32, #tpu.memory_space<vmem_shared>>
        %dma_wait3A_87 = arith.constant 0 : i32
        %dma_wait3A_88 = tpu.memref_slice %arg14[%run_scoped3A, %dma_wait3A_87] : memref<25x80xf32, #tpu.memory_space<vmem>> -> memref<1x80xf32, #tpu.memory_space<vmem>>
        %dma_wait3A_89 = tpu.memref_squeeze %dma_wait3A_88 : memref<1x80xf32, #tpu.memory_space<vmem>> -> memref<80xf32, #tpu.memory_space<vmem>>
        tpu.wait_dma2 semaphore(%run_scoped3A_75 : memref<!tpu.dma_semaphore, #tpu.memory_space<semaphore_mem>>) src(%dma_wait3A_89 : memref<80xf32, #tpu.memory_space<vmem>>) dst(%dma_wait3A_86 : memref<80xf32, #tpu.memory_space<vmem_shared>>)
        tpu.yield
      }) : () -> ()
      %scan3A_74 = arith.constant 0 : i32
      scf.yield %scan3A_74 : i32
    }
    %scan3A_34 = arith.constant 8 : i32
    %barrier3A = arith.constant 0 : index
    tpu.barrier barrier_id(%barrier3A)
    %scan3A_35 = arith.constant 0 : i32
    %scan3A_36 = arith.constant 0 : i32
    %scan3A_37 = arith.constant 10 : i32
    %scan3A_38 = arith.addi %scan3A_36, %scan3A_37 : i32
    %scan3A_39 = arith.constant 1 : i32
    %scan3A_40 = scf.for %scan3A_65 = %scan3A_36 to %scan3A_38 step %scan3A_39 iter_args(%scan3A_66 = %scan3A_35) -> (i32)  : i32 {
      %mul3A_67 = arith.constant 250 : i32
      %mul3A_68 = arith.muli %arg1, %mul3A_67 : i32
      %mul3A_69 = arith.constant 25 : i32
      %mul3A_70 = arith.muli %scan3A_65, %mul3A_69 : i32
      %add3A_71 = arith.addi %mul3A_68, %mul3A_70 : i32
      "tpu.region"() ({
        %run_scoped3A = tpu.sem_alloc : memref<!tpu.dma_semaphore, #tpu.memory_space<semaphore_mem>>
        %dma_start3A = arith.constant 0 : i32
        %dma_start3A_101 = tpu.memref_slice %arg4[%add3A_71, %dma_start3A] : memref<4000x80xi32, #tpu.memory_space<hbm>> -> memref<25x80xi32, #tpu.memory_space<hbm>>
        %dma_start3A_102 = arith.constant 0 : i32
        %dma_start3A_103 = tpu.memref_slice %arg4[%add3A_71, %dma_start3A_102] : memref<4000x80xi32, #tpu.memory_space<hbm>> -> memref<25x80xi32, #tpu.memory_space<hbm>>
        tpu.enqueue_dma source(%dma_start3A_103 : memref<25x80xi32, #tpu.memory_space<hbm>>) target(%arg12 : memref<25x80xi32, #tpu.memory_space<vmem>>) target_semaphore(%run_scoped3A : memref<!tpu.dma_semaphore, #tpu.memory_space<semaphore_mem>>)
        %dma_wait3A = arith.constant 0 : i32
        %dma_wait3A_104 = tpu.memref_slice %arg4[%add3A_71, %dma_wait3A] : memref<4000x80xi32, #tpu.memory_space<hbm>> -> memref<25x80xi32, #tpu.memory_space<hbm>>
        %dma_wait3A_105 = arith.constant 0 : i32
        %dma_wait3A_106 = tpu.memref_slice %arg4[%add3A_71, %dma_wait3A_105] : memref<4000x80xi32, #tpu.memory_space<hbm>> -> memref<25x80xi32, #tpu.memory_space<hbm>>
        tpu.wait_dma2 semaphore(%run_scoped3A : memref<!tpu.dma_semaphore, #tpu.memory_space<semaphore_mem>>) src(%dma_wait3A_106 : memref<25x80xi32, #tpu.memory_space<hbm>>) dst(%arg12 : memref<25x80xi32, #tpu.memory_space<vmem>>)
        tpu.yield
      }) : () -> ()
      "tpu.region"() ({
        %run_scoped3A = tpu.sem_alloc : memref<!tpu.dma_semaphore, #tpu.memory_space<semaphore_mem>>
        %dma_start3A = arith.constant 0 : i32
        %dma_start3A_101 = tpu.memref_slice %arg5[%add3A_71, %dma_start3A] : memref<4000x80xi32, #tpu.memory_space<hbm>> -> memref<25x80xi32, #tpu.memory_space<hbm>>
        %dma_start3A_102 = arith.constant 0 : i32
        %dma_start3A_103 = tpu.memref_slice %arg5[%add3A_71, %dma_start3A_102] : memref<4000x80xi32, #tpu.memory_space<hbm>> -> memref<25x80xi32, #tpu.memory_space<hbm>>
        tpu.enqueue_dma source(%dma_start3A_103 : memref<25x80xi32, #tpu.memory_space<hbm>>) target(%arg13 : memref<25x80xi32, #tpu.memory_space<vmem>>) target_semaphore(%run_scoped3A : memref<!tpu.dma_semaphore, #tpu.memory_space<semaphore_mem>>)
        %dma_wait3A = arith.constant 0 : i32
        %dma_wait3A_104 = tpu.memref_slice %arg5[%add3A_71, %dma_wait3A] : memref<4000x80xi32, #tpu.memory_space<hbm>> -> memref<25x80xi32, #tpu.memory_space<hbm>>
        %dma_wait3A_105 = arith.constant 0 : i32
        %dma_wait3A_106 = tpu.memref_slice %arg5[%add3A_71, %dma_wait3A_105] : memref<4000x80xi32, #tpu.memory_space<hbm>> -> memref<25x80xi32, #tpu.memory_space<hbm>>
        tpu.wait_dma2 semaphore(%run_scoped3A : memref<!tpu.dma_semaphore, #tpu.memory_space<semaphore_mem>>) src(%dma_wait3A_106 : memref<25x80xi32, #tpu.memory_space<hbm>>) dst(%arg13 : memref<25x80xi32, #tpu.memory_space<vmem>>)
        tpu.yield
      }) : () -> ()
      "tpu.region"() ({
        %run_scoped3A = tpu.sem_alloc : memref<!tpu.dma_semaphore, #tpu.memory_space<semaphore_mem>>
        %dma_start3A = arith.constant 0 : i32
        %dma_start3A_101 = tpu.memref_slice %arg6[%add3A_71, %dma_start3A] : memref<4000x80xf32, #tpu.memory_space<hbm>> -> memref<25x80xf32, #tpu.memory_space<hbm>>
        %dma_start3A_102 = arith.constant 0 : i32
        %dma_start3A_103 = tpu.memref_slice %arg6[%add3A_71, %dma_start3A_102] : memref<4000x80xf32, #tpu.memory_space<hbm>> -> memref<25x80xf32, #tpu.memory_space<hbm>>
        tpu.enqueue_dma source(%dma_start3A_103 : memref<25x80xf32, #tpu.memory_space<hbm>>) target(%arg14 : memref<25x80xf32, #tpu.memory_space<vmem>>) target_semaphore(%run_scoped3A : memref<!tpu.dma_semaphore, #tpu.memory_space<semaphore_mem>>)
        %dma_wait3A = arith.constant 0 : i32
        %dma_wait3A_104 = tpu.memref_slice %arg6[%add3A_71, %dma_wait3A] : memref<4000x80xf32, #tpu.memory_space<hbm>> -> memref<25x80xf32, #tpu.memory_space<hbm>>
        %dma_wait3A_105 = arith.constant 0 : i32
        %dma_wait3A_106 = tpu.memref_slice %arg6[%add3A_71, %dma_wait3A_105] : memref<4000x80xf32, #tpu.memory_space<hbm>> -> memref<25x80xf32, #tpu.memory_space<hbm>>
        tpu.wait_dma2 semaphore(%run_scoped3A : memref<!tpu.dma_semaphore, #tpu.memory_space<semaphore_mem>>) src(%dma_wait3A_106 : memref<25x80xf32, #tpu.memory_space<hbm>>) dst(%arg14 : memref<25x80xf32, #tpu.memory_space<vmem>>)
        tpu.yield
      }) : () -> ()
      %mul3A_72 = arith.constant 2 : i32
      %mul3A_73 = arith.muli %mul3A_72, %arg0 : i32
      %add3A_74 = arith.constant 0 : i32
      %add3A_75 = arith.addi %mul3A_73, %add3A_74 : i32
      %scan3A_76 = arith.constant 0 : i32
      %scan3A_77 = arith.constant 0 : i32
      %scan3A_78 = arith.constant 25 : i32
      %scan3A_79 = arith.addi %scan3A_77, %scan3A_78 : i32
      %scan3A_80 = arith.constant 1 : i32
      %scan3A_81 = scf.for %scan3A_101 = %scan3A_77 to %scan3A_79 step %scan3A_80 iter_args(%scan3A_102 = %scan3A_76) -> (i32)  : i32 {
        %scan3A_103 = arith.constant 0 : i32
        %scan3A_104 = arith.constant 0 : i32
        %scan3A_105 = arith.constant 5 : i32
        %scan3A_106 = arith.addi %scan3A_104, %scan3A_105 : i32
        %scan3A_107 = arith.constant 1 : i32
        %scan3A_108 = scf.for %scan3A_111 = %scan3A_104 to %scan3A_106 step %scan3A_107 iter_args(%scan3A_112 = %scan3A_103) -> (i32)  : i32 {
          %mul3A_113 = arith.constant 16 : i32
          %mul3A_114 = arith.muli %scan3A_111, %mul3A_113 : i32
          %get3A = arith.index_cast %scan3A_101 : i32 to index
          %get3A_115 = arith.index_cast %mul3A_114 : i32 to index
          %get3A_116 = tpu.vector_load %arg12[%get3A, %get3A_115] {strides = array<i32>} : memref<25x80xi32, #tpu.memory_space<vmem>>, vector<16xi32>,
          %mul3A_117 = arith.constant 16 : i32
          %mul3A_118 = arith.muli %scan3A_111, %mul3A_117 : i32
          %get3A_119 = arith.index_cast %scan3A_101 : i32 to index
          %get3A_120 = arith.index_cast %mul3A_118 : i32 to index
          %get3A_121 = tpu.vector_load %arg13[%get3A_119, %get3A_120] {strides = array<i32>} : memref<25x80xi32, #tpu.memory_space<vmem>>, vector<16xi32>,
          %add3A_122 = arith.constant 0 : i32
          %add3A_123 = vector.broadcast %add3A_122 : i32 to vector<16xi32>
          %add3A_124 = arith.addi %get3A_116, %add3A_123 : vector<16xi32>
          %gather3A = tpu.vector_load_idx %arg10[%add3A_124] : memref<20000xf32, #tpu.memory_space<vmem>>[vector<16xi32>], vector<16xf32>,
          %add3A_125 = arith.constant 0 : i32
          %add3A_126 = vector.broadcast %add3A_125 : i32 to vector<16xi32>
          %add3A_127 = arith.addi %get3A_121, %add3A_126 : vector<16xi32>
          %gather3A_128 = tpu.vector_load_idx %arg11[%add3A_127] : memref<20000xf32, #tpu.memory_space<vmem>>[vector<16xi32>], vector<16xf32>,
          %add3A_129 = arith.addf %gather3A, %gather3A_128 : vector<16xf32>
          %ge3A = arith.constant 0.000000e+00 : f32
          %ge3A_130 = vector.broadcast %ge3A : f32 to vector<16xf32>
          %ge3A_131 = arith.cmpf oge, %add3A_129, %ge3A_130 : vector<16xf32>
          %mul3A_132 = arith.constant 2.000000e-01 : f32
          %mul3A_133 = vector.broadcast %mul3A_132 : f32 to vector<16xf32>
          %mul3A_134 = arith.mulf %add3A_129, %mul3A_133 : vector<16xf32>
          %select_n3A = arith.select %ge3A_131, %add3A_129, %mul3A_134 : vector<16xi1>, vector<16xf32>
          %mul3A_135 = arith.constant 16 : i32
          %mul3A_136 = arith.muli %scan3A_111, %mul3A_135 : i32
          %get3A_137 = arith.index_cast %scan3A_101 : i32 to index
          %get3A_138 = arith.index_cast %mul3A_136 : i32 to index
          %get3A_139 = tpu.vector_load %arg14[%get3A_137, %get3A_138] {strides = array<i32>} : memref<25x80xf32, #tpu.memory_space<vmem>>, vector<16xf32>,
          %mul3A_140 = arith.mulf %select_n3A, %get3A_139 : vector<16xf32>
          %exp3A = math.exp %mul3A_140 : vector<16xf32>
          %mul3A_141 = arith.constant 16 : i32
          %mul3A_142 = arith.muli %scan3A_111, %mul3A_141 : i32
          %swap3A = arith.index_cast %scan3A_101 : i32 to index
          %swap3A_143 = arith.index_cast %mul3A_142 : i32 to index
          %swap3A_144 = tpu.vector_load %arg15[%swap3A, %swap3A_143] {strides = array<i32>} : memref<25x80xf32, #tpu.memory_space<vmem>>, vector<16xf32>,
          tpu.vector_store %arg15[%swap3A, %swap3A_143], %exp3A {strides = array<i32>} : memref<25x80xf32, #tpu.memory_space<vmem>>, vector<16xf32>,
          %add3A_145 = arith.constant 0 : i32
          %add3A_146 = vector.broadcast %add3A_145 : i32 to vector<16xi32>
          %add3A_147 = arith.addi %get3A_121, %add3A_146 : vector<16xi32>
          %mul3A_148 = arith.constant 16 : i32
          %mul3A_149 = arith.muli %scan3A_111, %mul3A_148 : i32
          %swap3A_150 = arith.index_cast %scan3A_101 : i32 to index
          %swap3A_151 = arith.index_cast %mul3A_149 : i32 to index
          %swap3A_152 = tpu.vector_load %arg16[%swap3A_150, %swap3A_151] {strides = array<i32>} : memref<25x80xi32, #tpu.memory_space<vmem>>, vector<16xi32>,
          tpu.vector_store %arg16[%swap3A_150, %swap3A_151], %add3A_147 {strides = array<i32>} : memref<25x80xi32, #tpu.memory_space<vmem>>, vector<16xi32>,
          %scan3A_153 = arith.constant 0 : i32
          scf.yield %scan3A_153 : i32
        }
        %scan3A_109 = arith.constant 5 : i32
        "tpu.region"() ({
          %run_scoped3A = tpu.sem_alloc : memref<!tpu.dma_semaphore, #tpu.memory_space<semaphore_mem>>
          %dma_start3A = arith.constant 0 : i32
          %dma_start3A_111 = tpu.memref_slice %arg15[%scan3A_101, %dma_start3A] : memref<25x80xf32, #tpu.memory_space<vmem>> -> memref<1x80xf32, #tpu.memory_space<vmem>>
          %dma_start3A_112 = tpu.memref_squeeze %dma_start3A_111 : memref<1x80xf32, #tpu.memory_space<vmem>> -> memref<80xf32, #tpu.memory_space<vmem>>
          %dma_start3A_113 = arith.constant 0 : i32
          %dma_start3A_114 = tpu.memref_slice %arg16[%scan3A_101, %dma_start3A_113] : memref<25x80xi32, #tpu.memory_space<vmem>> -> memref<1x80xi32, #tpu.memory_space<vmem>>
          %dma_start3A_115 = tpu.memref_squeeze %dma_start3A_114 : memref<1x80xi32, #tpu.memory_space<vmem>> -> memref<80xi32, #tpu.memory_space<vmem>>
          %dma_start3A_116 = arith.constant 0 : i32
          %dma_start3A_117 = tpu.memref_slice %arg9[%dma_start3A_116] : memref<20480xf32, #tpu.memory_space<vmem_shared>> -> memref<20480xf32, #tpu.memory_space<vmem_shared>>
          tpu.enqueue_indirect_dma source(%dma_start3A_112 : memref<80xf32, #tpu.memory_space<vmem>>) target(%dma_start3A_117 : memref<20480xf32, #tpu.memory_space<vmem_shared>>) offsets(%dma_start3A_115 : memref<80xi32, #tpu.memory_space<vmem>>) semaphore(%run_scoped3A : memref<!tpu.dma_semaphore, #tpu.memory_space<semaphore_mem>>) {add = true}
          %dma_wait3A = arith.constant 0 : i32
          %dma_wait3A_118 = tpu.memref_slice %arg15[%scan3A_101, %dma_wait3A] : memref<25x80xf32, #tpu.memory_space<vmem>> -> memref<1x80xf32, #tpu.memory_space<vmem>>
          %dma_wait3A_119 = tpu.memref_squeeze %dma_wait3A_118 : memref<1x80xf32, #tpu.memory_space<vmem>> -> memref<80xf32, #tpu.memory_space<vmem>>
          %dma_wait3A_120 = arith.constant 0 : i32
          %dma_wait3A_121 = tpu.memref_slice %arg16[%scan3A_101, %dma_wait3A_120] : memref<25x80xi32, #tpu.memory_space<vmem>> -> memref<1x80xi32, #tpu.memory_space<vmem>>
          %dma_wait3A_122 = tpu.memref_squeeze %dma_wait3A_121 : memref<1x80xi32, #tpu.memory_space<vmem>> -> memref<80xi32, #tpu.memory_space<vmem>>
          %dma_wait3A_123 = arith.constant 0 : i32
          %dma_wait3A_124 = tpu.memref_slice %arg9[%dma_wait3A_123] : memref<20480xf32, #tpu.memory_space<vmem_shared>> -> memref<20480xf32, #tpu.memory_space<vmem_shared>>
          tpu.wait_indirect_dma semaphore(%run_scoped3A : memref<!tpu.dma_semaphore, #tpu.memory_space<semaphore_mem>>) src(%dma_wait3A_119 : memref<80xf32, #tpu.memory_space<vmem>>) dst(%dma_wait3A_124 : memref<20480xf32, #tpu.memory_space<vmem_shared>>)
          tpu.yield
        }) : () -> ()
        %scan3A_110 = arith.constant 0 : i32
        scf.yield %scan3A_110 : i32
      }
      %scan3A_82 = arith.constant 25 : i32
      %mul3A_83 = arith.constant 4000 : i32
      %mul3A_84 = arith.muli %add3A_75, %mul3A_83 : i32
      %add3A_85 = arith.addi %mul3A_84, %add3A_71 : i32
      "tpu.region"() ({
        %run_scoped3A = tpu.sem_alloc : memref<!tpu.dma_semaphore, #tpu.memory_space<semaphore_mem>>
        %dma_start3A = arith.constant 0 : i32
        %dma_start3A_101 = tpu.memref_slice %arg7[%add3A_85, %dma_start3A] : memref<16000x80xf32, #tpu.memory_space<hbm>> -> memref<25x80xf32, #tpu.memory_space<hbm>>
        %dma_start3A_102 = arith.constant 0 : i32
        %dma_start3A_103 = tpu.memref_slice %arg7[%add3A_85, %dma_start3A_102] : memref<16000x80xf32, #tpu.memory_space<hbm>> -> memref<25x80xf32, #tpu.memory_space<hbm>>
        tpu.enqueue_dma source(%arg15 : memref<25x80xf32, #tpu.memory_space<vmem>>) target(%dma_start3A_103 : memref<25x80xf32, #tpu.memory_space<hbm>>) target_semaphore(%run_scoped3A : memref<!tpu.dma_semaphore, #tpu.memory_space<semaphore_mem>>)
        %dma_wait3A = arith.constant 0 : i32
        %dma_wait3A_104 = tpu.memref_slice %arg7[%add3A_85, %dma_wait3A] : memref<16000x80xf32, #tpu.memory_space<hbm>> -> memref<25x80xf32, #tpu.memory_space<hbm>>
        %dma_wait3A_105 = arith.constant 0 : i32
        %dma_wait3A_106 = tpu.memref_slice %arg7[%add3A_85, %dma_wait3A_105] : memref<16000x80xf32, #tpu.memory_space<hbm>> -> memref<25x80xf32, #tpu.memory_space<hbm>>
        tpu.wait_dma2 semaphore(%run_scoped3A : memref<!tpu.dma_semaphore, #tpu.memory_space<semaphore_mem>>) src(%arg15 : memref<25x80xf32, #tpu.memory_space<vmem>>) dst(%dma_wait3A_106 : memref<25x80xf32, #tpu.memory_space<hbm>>)
        tpu.yield
      }) : () -> ()
      %mul3A_86 = arith.constant 2 : i32
      %mul3A_87 = arith.muli %mul3A_86, %arg0 : i32
      %add3A_88 = arith.constant 1 : i32
      %add3A_89 = arith.addi %mul3A_87, %add3A_88 : i32
      %scan3A_90 = arith.constant 0 : i32
      %scan3A_91 = arith.constant 0 : i32
      %scan3A_92 = arith.constant 25 : i32
      %scan3A_93 = arith.addi %scan3A_91, %scan3A_92 : i32
      %scan3A_94 = arith.constant 1 : i32
      %scan3A_95 = scf.for %scan3A_101 = %scan3A_91 to %scan3A_93 step %scan3A_94 iter_args(%scan3A_102 = %scan3A_90) -> (i32)  : i32 {
        %scan3A_103 = arith.constant 0 : i32
        %scan3A_104 = arith.constant 0 : i32
        %scan3A_105 = arith.constant 5 : i32
        %scan3A_106 = arith.addi %scan3A_104, %scan3A_105 : i32
        %scan3A_107 = arith.constant 1 : i32
        %scan3A_108 = scf.for %scan3A_111 = %scan3A_104 to %scan3A_106 step %scan3A_107 iter_args(%scan3A_112 = %scan3A_103) -> (i32)  : i32 {
          %mul3A_113 = arith.constant 16 : i32
          %mul3A_114 = arith.muli %scan3A_111, %mul3A_113 : i32
          %get3A = arith.index_cast %scan3A_101 : i32 to index
          %get3A_115 = arith.index_cast %mul3A_114 : i32 to index
          %get3A_116 = tpu.vector_load %arg12[%get3A, %get3A_115] {strides = array<i32>} : memref<25x80xi32, #tpu.memory_space<vmem>>, vector<16xi32>,
          %mul3A_117 = arith.constant 16 : i32
          %mul3A_118 = arith.muli %scan3A_111, %mul3A_117 : i32
          %get3A_119 = arith.index_cast %scan3A_101 : i32 to index
          %get3A_120 = arith.index_cast %mul3A_118 : i32 to index
          %get3A_121 = tpu.vector_load %arg13[%get3A_119, %get3A_120] {strides = array<i32>} : memref<25x80xi32, #tpu.memory_space<vmem>>, vector<16xi32>,
          %add3A_122 = arith.constant 10000 : i32
          %add3A_123 = vector.broadcast %add3A_122 : i32 to vector<16xi32>
          %add3A_124 = arith.addi %get3A_116, %add3A_123 : vector<16xi32>
          %gather3A = tpu.vector_load_idx %arg10[%add3A_124] : memref<20000xf32, #tpu.memory_space<vmem>>[vector<16xi32>], vector<16xf32>,
          %add3A_125 = arith.constant 10000 : i32
          %add3A_126 = vector.broadcast %add3A_125 : i32 to vector<16xi32>
          %add3A_127 = arith.addi %get3A_121, %add3A_126 : vector<16xi32>
          %gather3A_128 = tpu.vector_load_idx %arg11[%add3A_127] : memref<20000xf32, #tpu.memory_space<vmem>>[vector<16xi32>], vector<16xf32>,
          %add3A_129 = arith.addf %gather3A, %gather3A_128 : vector<16xf32>
          %ge3A = arith.constant 0.000000e+00 : f32
          %ge3A_130 = vector.broadcast %ge3A : f32 to vector<16xf32>
          %ge3A_131 = arith.cmpf oge, %add3A_129, %ge3A_130 : vector<16xf32>
          %mul3A_132 = arith.constant 2.000000e-01 : f32
          %mul3A_133 = vector.broadcast %mul3A_132 : f32 to vector<16xf32>
          %mul3A_134 = arith.mulf %add3A_129, %mul3A_133 : vector<16xf32>
          %select_n3A = arith.select %ge3A_131, %add3A_129, %mul3A_134 : vector<16xi1>, vector<16xf32>
          %mul3A_135 = arith.constant 16 : i32
          %mul3A_136 = arith.muli %scan3A_111, %mul3A_135 : i32
          %get3A_137 = arith.index_cast %scan3A_101 : i32 to index
          %get3A_138 = arith.index_cast %mul3A_136 : i32 to index
          %get3A_139 = tpu.vector_load %arg14[%get3A_137, %get3A_138] {strides = array<i32>} : memref<25x80xf32, #tpu.memory_space<vmem>>, vector<16xf32>,
          %mul3A_140 = arith.mulf %select_n3A, %get3A_139 : vector<16xf32>
          %exp3A = math.exp %mul3A_140 : vector<16xf32>
          %mul3A_141 = arith.constant 16 : i32
          %mul3A_142 = arith.muli %scan3A_111, %mul3A_141 : i32
          %swap3A = arith.index_cast %scan3A_101 : i32 to index
          %swap3A_143 = arith.index_cast %mul3A_142 : i32 to index
          %swap3A_144 = tpu.vector_load %arg15[%swap3A, %swap3A_143] {strides = array<i32>} : memref<25x80xf32, #tpu.memory_space<vmem>>, vector<16xf32>,
          tpu.vector_store %arg15[%swap3A, %swap3A_143], %exp3A {strides = array<i32>} : memref<25x80xf32, #tpu.memory_space<vmem>>, vector<16xf32>,
          %add3A_145 = arith.constant 10240 : i32
          %add3A_146 = vector.broadcast %add3A_145 : i32 to vector<16xi32>
          %add3A_147 = arith.addi %get3A_121, %add3A_146 : vector<16xi32>
          %mul3A_148 = arith.constant 16 : i32
          %mul3A_149 = arith.muli %scan3A_111, %mul3A_148 : i32
          %swap3A_150 = arith.index_cast %scan3A_101 : i32 to index
          %swap3A_151 = arith.index_cast %mul3A_149 : i32 to index
          %swap3A_152 = tpu.vector_load %arg16[%swap3A_150, %swap3A_151] {strides = array<i32>} : memref<25x80xi32, #tpu.memory_space<vmem>>, vector<16xi32>,
          tpu.vector_store %arg16[%swap3A_150, %swap3A_151], %add3A_147 {strides = array<i32>} : memref<25x80xi32, #tpu.memory_space<vmem>>, vector<16xi32>,
          %scan3A_153 = arith.constant 0 : i32
          scf.yield %scan3A_153 : i32
        }
        %scan3A_109 = arith.constant 5 : i32
        "tpu.region"() ({
          %run_scoped3A = tpu.sem_alloc : memref<!tpu.dma_semaphore, #tpu.memory_space<semaphore_mem>>
          %dma_start3A = arith.constant 0 : i32
          %dma_start3A_111 = tpu.memref_slice %arg15[%scan3A_101, %dma_start3A] : memref<25x80xf32, #tpu.memory_space<vmem>> -> memref<1x80xf32, #tpu.memory_space<vmem>>
          %dma_start3A_112 = tpu.memref_squeeze %dma_start3A_111 : memref<1x80xf32, #tpu.memory_space<vmem>> -> memref<80xf32, #tpu.memory_space<vmem>>
          %dma_start3A_113 = arith.constant 0 : i32
          %dma_start3A_114 = tpu.memref_slice %arg16[%scan3A_101, %dma_start3A_113] : memref<25x80xi32, #tpu.memory_space<vmem>> -> memref<1x80xi32, #tpu.memory_space<vmem>>
          %dma_start3A_115 = tpu.memref_squeeze %dma_start3A_114 : memref<1x80xi32, #tpu.memory_space<vmem>> -> memref<80xi32, #tpu.memory_space<vmem>>
          %dma_start3A_116 = arith.constant 0 : i32
          %dma_start3A_117 = tpu.memref_slice %arg9[%dma_start3A_116] : memref<20480xf32, #tpu.memory_space<vmem_shared>> -> memref<20480xf32, #tpu.memory_space<vmem_shared>>
          tpu.enqueue_indirect_dma source(%dma_start3A_112 : memref<80xf32, #tpu.memory_space<vmem>>) target(%dma_start3A_117 : memref<20480xf32, #tpu.memory_space<vmem_shared>>) offsets(%dma_start3A_115 : memref<80xi32, #tpu.memory_space<vmem>>) semaphore(%run_scoped3A : memref<!tpu.dma_semaphore, #tpu.memory_space<semaphore_mem>>) {add = true}
          %dma_wait3A = arith.constant 0 : i32
          %dma_wait3A_118 = tpu.memref_slice %arg15[%scan3A_101, %dma_wait3A] : memref<25x80xf32, #tpu.memory_space<vmem>> -> memref<1x80xf32, #tpu.memory_space<vmem>>
          %dma_wait3A_119 = tpu.memref_squeeze %dma_wait3A_118 : memref<1x80xf32, #tpu.memory_space<vmem>> -> memref<80xf32, #tpu.memory_space<vmem>>
          %dma_wait3A_120 = arith.constant 0 : i32
          %dma_wait3A_121 = tpu.memref_slice %arg16[%scan3A_101, %dma_wait3A_120] : memref<25x80xi32, #tpu.memory_space<vmem>> -> memref<1x80xi32, #tpu.memory_space<vmem>>
          %dma_wait3A_122 = tpu.memref_squeeze %dma_wait3A_121 : memref<1x80xi32, #tpu.memory_space<vmem>> -> memref<80xi32, #tpu.memory_space<vmem>>
          %dma_wait3A_123 = arith.constant 0 : i32
          %dma_wait3A_124 = tpu.memref_slice %arg9[%dma_wait3A_123] : memref<20480xf32, #tpu.memory_space<vmem_shared>> -> memref<20480xf32, #tpu.memory_space<vmem_shared>>
          tpu.wait_indirect_dma semaphore(%run_scoped3A : memref<!tpu.dma_semaphore, #tpu.memory_space<semaphore_mem>>) src(%dma_wait3A_119 : memref<80xf32, #tpu.memory_space<vmem>>) dst(%dma_wait3A_124 : memref<20480xf32, #tpu.memory_space<vmem_shared>>)
          tpu.yield
        }) : () -> ()
        %scan3A_110 = arith.constant 0 : i32
        scf.yield %scan3A_110 : i32
      }
      %scan3A_96 = arith.constant 25 : i32
      %mul3A_97 = arith.constant 4000 : i32
      %mul3A_98 = arith.muli %add3A_89, %mul3A_97 : i32
      %add3A_99 = arith.addi %mul3A_98, %add3A_71 : i32
      "tpu.region"() ({
        %run_scoped3A = tpu.sem_alloc : memref<!tpu.dma_semaphore, #tpu.memory_space<semaphore_mem>>
        %dma_start3A = arith.constant 0 : i32
        %dma_start3A_101 = tpu.memref_slice %arg7[%add3A_99, %dma_start3A] : memref<16000x80xf32, #tpu.memory_space<hbm>> -> memref<25x80xf32, #tpu.memory_space<hbm>>
        %dma_start3A_102 = arith.constant 0 : i32
        %dma_start3A_103 = tpu.memref_slice %arg7[%add3A_99, %dma_start3A_102] : memref<16000x80xf32, #tpu.memory_space<hbm>> -> memref<25x80xf32, #tpu.memory_space<hbm>>
        tpu.enqueue_dma source(%arg15 : memref<25x80xf32, #tpu.memory_space<vmem>>) target(%dma_start3A_103 : memref<25x80xf32, #tpu.memory_space<hbm>>) target_semaphore(%run_scoped3A : memref<!tpu.dma_semaphore, #tpu.memory_space<semaphore_mem>>)
        %dma_wait3A = arith.constant 0 : i32
        %dma_wait3A_104 = tpu.memref_slice %arg7[%add3A_99, %dma_wait3A] : memref<16000x80xf32, #tpu.memory_space<hbm>> -> memref<25x80xf32, #tpu.memory_space<hbm>>
        %dma_wait3A_105 = arith.constant 0 : i32
        %dma_wait3A_106 = tpu.memref_slice %arg7[%add3A_99, %dma_wait3A_105] : memref<16000x80xf32, #tpu.memory_space<hbm>> -> memref<25x80xf32, #tpu.memory_space<hbm>>
        tpu.wait_dma2 semaphore(%run_scoped3A : memref<!tpu.dma_semaphore, #tpu.memory_space<semaphore_mem>>) src(%arg15 : memref<25x80xf32, #tpu.memory_space<vmem>>) dst(%dma_wait3A_106 : memref<25x80xf32, #tpu.memory_space<hbm>>)
        tpu.yield
      }) : () -> ()
      %scan3A_100 = arith.constant 0 : i32
      scf.yield %scan3A_100 : i32
    }
    %scan3A_41 = arith.constant 10 : i32
    %barrier3A_42 = arith.constant 0 : index
    tpu.barrier barrier_id(%barrier3A_42)
    %mul3A_43 = arith.constant 2 : i32
    %mul3A_44 = arith.muli %mul3A_43, %arg0 : i32
    %add3A_45 = arith.constant 0 : i32
    %add3A_46 = arith.addi %mul3A_44, %add3A_45 : i32
    %scan3A_47 = arith.constant 0 : i32
    %scan3A_48 = arith.constant 0 : i32
    %scan3A_49 = arith.constant 8 : i32
    %scan3A_50 = arith.addi %scan3A_48, %scan3A_49 : i32
    %scan3A_51 = arith.constant 1 : i32
    %scan3A_52 = scf.for %scan3A_65 = %scan3A_48 to %scan3A_50 step %scan3A_51 iter_args(%scan3A_66 = %scan3A_47) -> (i32)  : i32 {
      %mul3A_67 = arith.constant 640 : i32
      %mul3A_68 = arith.muli %arg1, %mul3A_67 : i32
      %mul3A_69 = arith.constant 80 : i32
      %mul3A_70 = arith.muli %scan3A_65, %mul3A_69 : i32
      %add3A_71 = arith.addi %mul3A_68, %mul3A_70 : i32
      %add3A_72 = arith.constant 0 : i32
      %add3A_73 = arith.addi %add3A_72, %add3A_71 : i32
      %run_scoped3A = arith.constant 0 : i32
      "tpu.region"() ({
        %run_scoped3A_86 = tpu.sem_alloc : memref<!tpu.dma_semaphore, #tpu.memory_space<semaphore_mem>>
        %dma_start3A = arith.constant 0 : i32
        %dma_start3A_87 = tpu.memref_slice %arg14[%run_scoped3A, %dma_start3A] : memref<25x80xf32, #tpu.memory_space<vmem>> -> memref<1x80xf32, #tpu.memory_space<vmem>>
        %dma_start3A_88 = tpu.memref_squeeze %dma_start3A_87 : memref<1x80xf32, #tpu.memory_space<vmem>> -> memref<80xf32, #tpu.memory_space<vmem>>
        %dma_start3A_89 = tpu.memref_slice %arg9[%add3A_73] : memref<20480xf32, #tpu.memory_space<vmem_shared>> -> memref<80xf32, #tpu.memory_space<vmem_shared>>
        %dma_start3A_90 = arith.constant 0 : i32
        %dma_start3A_91 = tpu.memref_slice %arg14[%run_scoped3A, %dma_start3A_90] : memref<25x80xf32, #tpu.memory_space<vmem>> -> memref<1x80xf32, #tpu.memory_space<vmem>>
        %dma_start3A_92 = tpu.memref_squeeze %dma_start3A_91 : memref<1x80xf32, #tpu.memory_space<vmem>> -> memref<80xf32, #tpu.memory_space<vmem>>
        %dma_start3A_93 = tpu.memref_slice %arg9[%add3A_73] : memref<20480xf32, #tpu.memory_space<vmem_shared>> -> memref<80xf32, #tpu.memory_space<vmem_shared>>
        tpu.enqueue_dma source(%dma_start3A_93 : memref<80xf32, #tpu.memory_space<vmem_shared>>) target(%dma_start3A_92 : memref<80xf32, #tpu.memory_space<vmem>>) target_semaphore(%run_scoped3A_86 : memref<!tpu.dma_semaphore, #tpu.memory_space<semaphore_mem>>)
        %dma_wait3A = arith.constant 0 : i32
        %dma_wait3A_94 = tpu.memref_slice %arg14[%run_scoped3A, %dma_wait3A] : memref<25x80xf32, #tpu.memory_space<vmem>> -> memref<1x80xf32, #tpu.memory_space<vmem>>
        %dma_wait3A_95 = tpu.memref_squeeze %dma_wait3A_94 : memref<1x80xf32, #tpu.memory_space<vmem>> -> memref<80xf32, #tpu.memory_space<vmem>>
        %dma_wait3A_96 = tpu.memref_slice %arg9[%add3A_73] : memref<20480xf32, #tpu.memory_space<vmem_shared>> -> memref<80xf32, #tpu.memory_space<vmem_shared>>
        %dma_wait3A_97 = arith.constant 0 : i32
        %dma_wait3A_98 = tpu.memref_slice %arg14[%run_scoped3A, %dma_wait3A_97] : memref<25x80xf32, #tpu.memory_space<vmem>> -> memref<1x80xf32, #tpu.memory_space<vmem>>
        %dma_wait3A_99 = tpu.memref_squeeze %dma_wait3A_98 : memref<1x80xf32, #tpu.memory_space<vmem>> -> memref<80xf32, #tpu.memory_space<vmem>>
        %dma_wait3A_100 = tpu.memref_slice %arg9[%add3A_73] : memref<20480xf32, #tpu.memory_space<vmem_shared>> -> memref<80xf32, #tpu.memory_space<vmem_shared>>
        tpu.wait_dma2 semaphore(%run_scoped3A_86 : memref<!tpu.dma_semaphore, #tpu.memory_space<semaphore_mem>>) src(%dma_wait3A_100 : memref<80xf32, #tpu.memory_space<vmem_shared>>) dst(%dma_wait3A_99 : memref<80xf32, #tpu.memory_space<vmem>>)
        tpu.yield
      }) : () -> ()
      %scan3A_74 = arith.constant 0 : i32
      %scan3A_75 = arith.constant 0 : i32
      %scan3A_76 = arith.constant 5 : i32
      %scan3A_77 = arith.addi %scan3A_75, %scan3A_76 : i32
      %scan3A_78 = arith.constant 1 : i32
      %scan3A_79 = scf.for %scan3A_86 = %scan3A_75 to %scan3A_77 step %scan3A_78 iter_args(%scan3A_87 = %scan3A_74) -> (i32)  : i32 {
        %mul3A_88 = arith.constant 16 : i32
        %mul3A_89 = arith.muli %scan3A_86, %mul3A_88 : i32
        %get3A = arith.constant 0 : i32
        %get3A_90 = arith.index_cast %get3A : i32 to index
        %get3A_91 = arith.index_cast %mul3A_89 : i32 to index
        %get3A_92 = tpu.vector_load %arg14[%get3A_90, %get3A_91] {strides = array<i32>} : memref<25x80xf32, #tpu.memory_space<vmem>>, vector<16xf32>,
        %add3A_93 = arith.constant 1.000000e-10 : f32
        %add3A_94 = vector.broadcast %add3A_93 : f32 to vector<16xf32>
        %add3A_95 = arith.addf %get3A_92, %add3A_94 : vector<16xf32>
        %div3A = arith.constant 1.000000e+00 : f32
        %div3A_96 = vector.broadcast %div3A : f32 to vector<16xf32>
        %div3A_97 = arith.divf %div3A_96, %add3A_95 : vector<16xf32>
        %mul3A_98 = arith.constant 16 : i32
        %mul3A_99 = arith.muli %scan3A_86, %mul3A_98 : i32
        %swap3A = arith.constant 0 : i32
        %swap3A_100 = arith.index_cast %swap3A : i32 to index
        %swap3A_101 = arith.index_cast %mul3A_99 : i32 to index
        %swap3A_102 = tpu.vector_load %arg15[%swap3A_100, %swap3A_101] {strides = array<i32>} : memref<25x80xf32, #tpu.memory_space<vmem>>, vector<16xf32>,
        tpu.vector_store %arg15[%swap3A_100, %swap3A_101], %div3A_97 {strides = array<i32>} : memref<25x80xf32, #tpu.memory_space<vmem>>, vector<16xf32>,
        %scan3A_103 = arith.constant 0 : i32
        scf.yield %scan3A_103 : i32
      }
      %scan3A_80 = arith.constant 5 : i32
      %mul3A_81 = arith.constant 10240 : i32
      %mul3A_82 = arith.muli %add3A_46, %mul3A_81 : i32
      %add3A_83 = arith.addi %mul3A_82, %add3A_71 : i32
      %run_scoped3A_84 = arith.constant 0 : i32
      "tpu.region"() ({
        %run_scoped3A_86 = tpu.sem_alloc : memref<!tpu.dma_semaphore, #tpu.memory_space<semaphore_mem>>
        %dma_start3A = arith.constant 0 : i32
        %dma_start3A_87 = tpu.memref_slice %arg15[%run_scoped3A_84, %dma_start3A] : memref<25x80xf32, #tpu.memory_space<vmem>> -> memref<1x80xf32, #tpu.memory_space<vmem>>
        %dma_start3A_88 = tpu.memref_squeeze %dma_start3A_87 : memref<1x80xf32, #tpu.memory_space<vmem>> -> memref<80xf32, #tpu.memory_space<vmem>>
        %dma_start3A_89 = tpu.memref_slice %arg8[%add3A_83] : memref<40960xf32, #tpu.memory_space<hbm>> -> memref<80xf32, #tpu.memory_space<hbm>>
        %dma_start3A_90 = tpu.memref_slice %arg8[%add3A_83] : memref<40960xf32, #tpu.memory_space<hbm>> -> memref<80xf32, #tpu.memory_space<hbm>>
        %dma_start3A_91 = arith.constant 0 : i32
        %dma_start3A_92 = tpu.memref_slice %arg15[%run_scoped3A_84, %dma_start3A_91] : memref<25x80xf32, #tpu.memory_space<vmem>> -> memref<1x80xf32, #tpu.memory_space<vmem>>
        %dma_start3A_93 = tpu.memref_squeeze %dma_start3A_92 : memref<1x80xf32, #tpu.memory_space<vmem>> -> memref<80xf32, #tpu.memory_space<vmem>>
        tpu.enqueue_dma source(%dma_start3A_93 : memref<80xf32, #tpu.memory_space<vmem>>) target(%dma_start3A_90 : memref<80xf32, #tpu.memory_space<hbm>>) target_semaphore(%run_scoped3A_86 : memref<!tpu.dma_semaphore, #tpu.memory_space<semaphore_mem>>)
        %dma_wait3A = arith.constant 0 : i32
        %dma_wait3A_94 = tpu.memref_slice %arg15[%run_scoped3A_84, %dma_wait3A] : memref<25x80xf32, #tpu.memory_space<vmem>> -> memref<1x80xf32, #tpu.memory_space<vmem>>
        %dma_wait3A_95 = tpu.memref_squeeze %dma_wait3A_94 : memref<1x80xf32, #tpu.memory_space<vmem>> -> memref<80xf32, #tpu.memory_space<vmem>>
        %dma_wait3A_96 = tpu.memref_slice %arg8[%add3A_83] : memref<40960xf32, #tpu.memory_space<hbm>> -> memref<80xf32, #tpu.memory_space<hbm>>
        %dma_wait3A_97 = tpu.memref_slice %arg8[%add3A_83] : memref<40960xf32, #tpu.memory_space<hbm>> -> memref<80xf32, #tpu.memory_space<hbm>>
        %dma_wait3A_98 = arith.constant 0 : i32
        %dma_wait3A_99 = tpu.memref_slice %arg15[%run_scoped3A_84, %dma_wait3A_98] : memref<25x80xf32, #tpu.memory_space<vmem>> -> memref<1x80xf32, #tpu.memory_space<vmem>>
        %dma_wait3A_100 = tpu.memref_squeeze %dma_wait3A_99 : memref<1x80xf32, #tpu.memory_space<vmem>> -> memref<80xf32, #tpu.memory_space<vmem>>
        tpu.wait_dma2 semaphore(%run_scoped3A_86 : memref<!tpu.dma_semaphore, #tpu.memory_space<semaphore_mem>>) src(%dma_wait3A_100 : memref<80xf32, #tpu.memory_space<vmem>>) dst(%dma_wait3A_97 : memref<80xf32, #tpu.memory_space<hbm>>)
        tpu.yield
      }) : () -> ()
      %scan3A_85 = arith.constant 0 : i32
      scf.yield %scan3A_85 : i32
    }
    %scan3A_53 = arith.constant 8 : i32
    %mul3A_54 = arith.constant 2 : i32
    %mul3A_55 = arith.muli %mul3A_54, %arg0 : i32
    %add3A_56 = arith.constant 1 : i32
    %add3A_57 = arith.addi %mul3A_55, %add3A_56 : i32
    %scan3A_58 = arith.constant 0 : i32
    %scan3A_59 = arith.constant 0 : i32
    %scan3A_60 = arith.constant 8 : i32
    %scan3A_61 = arith.addi %scan3A_59, %scan3A_60 : i32
    %scan3A_62 = arith.constant 1 : i32
    %scan3A_63 = scf.for %scan3A_65 = %scan3A_59 to %scan3A_61 step %scan3A_62 iter_args(%scan3A_66 = %scan3A_58) -> (i32)  : i32 {
      %mul3A_67 = arith.constant 640 : i32
      %mul3A_68 = arith.muli %arg1, %mul3A_67 : i32
      %mul3A_69 = arith.constant 80 : i32
      %mul3A_70 = arith.muli %scan3A_65, %mul3A_69 : i32
      %add3A_71 = arith.addi %mul3A_68, %mul3A_70 : i32
      %add3A_72 = arith.constant 10240 : i32
      %add3A_73 = arith.addi %add3A_72, %add3A_71 : i32
      %run_scoped3A = arith.constant 0 : i32
      "tpu.region"() ({
        %run_scoped3A_86 = tpu.sem_alloc : memref<!tpu.dma_semaphore, #tpu.memory_space<semaphore_mem>>
        %dma_start3A = arith.constant 0 : i32
        %dma_start3A_87 = tpu.memref_slice %arg14[%run_scoped3A, %dma_start3A] : memref<25x80xf32, #tpu.memory_space<vmem>> -> memref<1x80xf32, #tpu.memory_space<vmem>>
        %dma_start3A_88 = tpu.memref_squeeze %dma_start3A_87 : memref<1x80xf32, #tpu.memory_space<vmem>> -> memref<80xf32, #tpu.memory_space<vmem>>
        %dma_start3A_89 = tpu.memref_slice %arg9[%add3A_73] : memref<20480xf32, #tpu.memory_space<vmem_shared>> -> memref<80xf32, #tpu.memory_space<vmem_shared>>
        %dma_start3A_90 = arith.constant 0 : i32
        %dma_start3A_91 = tpu.memref_slice %arg14[%run_scoped3A, %dma_start3A_90] : memref<25x80xf32, #tpu.memory_space<vmem>> -> memref<1x80xf32, #tpu.memory_space<vmem>>
        %dma_start3A_92 = tpu.memref_squeeze %dma_start3A_91 : memref<1x80xf32, #tpu.memory_space<vmem>> -> memref<80xf32, #tpu.memory_space<vmem>>
        %dma_start3A_93 = tpu.memref_slice %arg9[%add3A_73] : memref<20480xf32, #tpu.memory_space<vmem_shared>> -> memref<80xf32, #tpu.memory_space<vmem_shared>>
        tpu.enqueue_dma source(%dma_start3A_93 : memref<80xf32, #tpu.memory_space<vmem_shared>>) target(%dma_start3A_92 : memref<80xf32, #tpu.memory_space<vmem>>) target_semaphore(%run_scoped3A_86 : memref<!tpu.dma_semaphore, #tpu.memory_space<semaphore_mem>>)
        %dma_wait3A = arith.constant 0 : i32
        %dma_wait3A_94 = tpu.memref_slice %arg14[%run_scoped3A, %dma_wait3A] : memref<25x80xf32, #tpu.memory_space<vmem>> -> memref<1x80xf32, #tpu.memory_space<vmem>>
        %dma_wait3A_95 = tpu.memref_squeeze %dma_wait3A_94 : memref<1x80xf32, #tpu.memory_space<vmem>> -> memref<80xf32, #tpu.memory_space<vmem>>
        %dma_wait3A_96 = tpu.memref_slice %arg9[%add3A_73] : memref<20480xf32, #tpu.memory_space<vmem_shared>> -> memref<80xf32, #tpu.memory_space<vmem_shared>>
        %dma_wait3A_97 = arith.constant 0 : i32
        %dma_wait3A_98 = tpu.memref_slice %arg14[%run_scoped3A, %dma_wait3A_97] : memref<25x80xf32, #tpu.memory_space<vmem>> -> memref<1x80xf32, #tpu.memory_space<vmem>>
        %dma_wait3A_99 = tpu.memref_squeeze %dma_wait3A_98 : memref<1x80xf32, #tpu.memory_space<vmem>> -> memref<80xf32, #tpu.memory_space<vmem>>
        %dma_wait3A_100 = tpu.memref_slice %arg9[%add3A_73] : memref<20480xf32, #tpu.memory_space<vmem_shared>> -> memref<80xf32, #tpu.memory_space<vmem_shared>>
        tpu.wait_dma2 semaphore(%run_scoped3A_86 : memref<!tpu.dma_semaphore, #tpu.memory_space<semaphore_mem>>) src(%dma_wait3A_100 : memref<80xf32, #tpu.memory_space<vmem_shared>>) dst(%dma_wait3A_99 : memref<80xf32, #tpu.memory_space<vmem>>)
        tpu.yield
      }) : () -> ()
      %scan3A_74 = arith.constant 0 : i32
      %scan3A_75 = arith.constant 0 : i32
      %scan3A_76 = arith.constant 5 : i32
      %scan3A_77 = arith.addi %scan3A_75, %scan3A_76 : i32
      %scan3A_78 = arith.constant 1 : i32
      %scan3A_79 = scf.for %scan3A_86 = %scan3A_75 to %scan3A_77 step %scan3A_78 iter_args(%scan3A_87 = %scan3A_74) -> (i32)  : i32 {
        %mul3A_88 = arith.constant 16 : i32
        %mul3A_89 = arith.muli %scan3A_86, %mul3A_88 : i32
        %get3A = arith.constant 0 : i32
        %get3A_90 = arith.index_cast %get3A : i32 to index
        %get3A_91 = arith.index_cast %mul3A_89 : i32 to index
        %get3A_92 = tpu.vector_load %arg14[%get3A_90, %get3A_91] {strides = array<i32>} : memref<25x80xf32, #tpu.memory_space<vmem>>, vector<16xf32>,
        %add3A_93 = arith.constant 1.000000e-10 : f32
        %add3A_94 = vector.broadcast %add3A_93 : f32 to vector<16xf32>
        %add3A_95 = arith.addf %get3A_92, %add3A_94 : vector<16xf32>
        %div3A = arith.constant 1.000000e+00 : f32
        %div3A_96 = vector.broadcast %div3A : f32 to vector<16xf32>
        %div3A_97 = arith.divf %div3A_96, %add3A_95 : vector<16xf32>
        %mul3A_98 = arith.constant 16 : i32
        %mul3A_99 = arith.muli %scan3A_86, %mul3A_98 : i32
        %swap3A = arith.constant 0 : i32
        %swap3A_100 = arith.index_cast %swap3A : i32 to index
        %swap3A_101 = arith.index_cast %mul3A_99 : i32 to index
        %swap3A_102 = tpu.vector_load %arg15[%swap3A_100, %swap3A_101] {strides = array<i32>} : memref<25x80xf32, #tpu.memory_space<vmem>>, vector<16xf32>,
        tpu.vector_store %arg15[%swap3A_100, %swap3A_101], %div3A_97 {strides = array<i32>} : memref<25x80xf32, #tpu.memory_space<vmem>>, vector<16xf32>,
        %scan3A_103 = arith.constant 0 : i32
        scf.yield %scan3A_103 : i32
      }
      %scan3A_80 = arith.constant 5 : i32
      %mul3A_81 = arith.constant 10240 : i32
      %mul3A_82 = arith.muli %add3A_57, %mul3A_81 : i32
      %add3A_83 = arith.addi %mul3A_82, %add3A_71 : i32
      %run_scoped3A_84 = arith.constant 0 : i32
      "tpu.region"() ({
        %run_scoped3A_86 = tpu.sem_alloc : memref<!tpu.dma_semaphore, #tpu.memory_space<semaphore_mem>>
        %dma_start3A = arith.constant 0 : i32
        %dma_start3A_87 = tpu.memref_slice %arg15[%run_scoped3A_84, %dma_start3A] : memref<25x80xf32, #tpu.memory_space<vmem>> -> memref<1x80xf32, #tpu.memory_space<vmem>>
        %dma_start3A_88 = tpu.memref_squeeze %dma_start3A_87 : memref<1x80xf32, #tpu.memory_space<vmem>> -> memref<80xf32, #tpu.memory_space<vmem>>
        %dma_start3A_89 = tpu.memref_slice %arg8[%add3A_83] : memref<40960xf32, #tpu.memory_space<hbm>> -> memref<80xf32, #tpu.memory_space<hbm>>
        %dma_start3A_90 = tpu.memref_slice %arg8[%add3A_83] : memref<40960xf32, #tpu.memory_space<hbm>> -> memref<80xf32, #tpu.memory_space<hbm>>
        %dma_start3A_91 = arith.constant 0 : i32
        %dma_start3A_92 = tpu.memref_slice %arg15[%run_scoped3A_84, %dma_start3A_91] : memref<25x80xf32, #tpu.memory_space<vmem>> -> memref<1x80xf32, #tpu.memory_space<vmem>>
        %dma_start3A_93 = tpu.memref_squeeze %dma_start3A_92 : memref<1x80xf32, #tpu.memory_space<vmem>> -> memref<80xf32, #tpu.memory_space<vmem>>
        tpu.enqueue_dma source(%dma_start3A_93 : memref<80xf32, #tpu.memory_space<vmem>>) target(%dma_start3A_90 : memref<80xf32, #tpu.memory_space<hbm>>) target_semaphore(%run_scoped3A_86 : memref<!tpu.dma_semaphore, #tpu.memory_space<semaphore_mem>>)
        %dma_wait3A = arith.constant 0 : i32
        %dma_wait3A_94 = tpu.memref_slice %arg15[%run_scoped3A_84, %dma_wait3A] : memref<25x80xf32, #tpu.memory_space<vmem>> -> memref<1x80xf32, #tpu.memory_space<vmem>>
        %dma_wait3A_95 = tpu.memref_squeeze %dma_wait3A_94 : memref<1x80xf32, #tpu.memory_space<vmem>> -> memref<80xf32, #tpu.memory_space<vmem>>
        %dma_wait3A_96 = tpu.memref_slice %arg8[%add3A_83] : memref<40960xf32, #tpu.memory_space<hbm>> -> memref<80xf32, #tpu.memory_space<hbm>>
        %dma_wait3A_97 = tpu.memref_slice %arg8[%add3A_83] : memref<40960xf32, #tpu.memory_space<hbm>> -> memref<80xf32, #tpu.memory_space<hbm>>
        %dma_wait3A_98 = arith.constant 0 : i32
        %dma_wait3A_99 = tpu.memref_slice %arg15[%run_scoped3A_84, %dma_wait3A_98] : memref<25x80xf32, #tpu.memory_space<vmem>> -> memref<1x80xf32, #tpu.memory_space<vmem>>
        %dma_wait3A_100 = tpu.memref_squeeze %dma_wait3A_99 : memref<1x80xf32, #tpu.memory_space<vmem>> -> memref<80xf32, #tpu.memory_space<vmem>>
        tpu.wait_dma2 semaphore(%run_scoped3A_86 : memref<!tpu.dma_semaphore, #tpu.memory_space<semaphore_mem>>) src(%dma_wait3A_100 : memref<80xf32, #tpu.memory_space<vmem>>) dst(%dma_wait3A_97 : memref<80xf32, #tpu.memory_space<hbm>>)
        tpu.yield
      }) : () -> ()
      %scan3A_85 = arith.constant 0 : i32
      scf.yield %scan3A_85 : i32
    }
    %scan3A_64 = arith.constant 8 : i32
    return
  }
}

#map = affine_map<(d0, d1) -> (0)>
#map1 = affine_map<(d0, d1) -> (0, 0)>
module attributes {stable_mosaic.version = 14 : i64} {
  func.func @_phase_b_body(%arg0: i32, %arg1: i32, %arg2: memref<40960xf32, #tpu.memory_space<hbm>>, %arg3: memref<4000x80xi32, #tpu.memory_space<hbm>>, %arg4: memref<4000x80xi32, #tpu.memory_space<hbm>>, %arg5: memref<16000x80xf32, #tpu.memory_space<hbm>>, %arg6: memref<40000x128xf32, #tpu.memory_space<hbm>>, %arg7: memref<40960x128xf32, #tpu.memory_space<hbm>>, %arg8: memref<10240x128xf32, #tpu.memory_space<vmem_shared>>, %arg9: memref<10240xf32, #tpu.memory_space<vmem>>, %arg10: memref<25x80xi32, #tpu.memory_space<vmem>>, %arg11: memref<25x80xi32, #tpu.memory_space<vmem>>, %arg12: memref<25x80xf32, #tpu.memory_space<vmem>>, %arg13: memref<25x80xi32, #tpu.memory_space<vmem>>, %arg14: memref<80x128xf32, #tpu.memory_space<vmem>>, %arg15: memref<80x128xf32, #tpu.memory_space<vmem>>, %arg16: memref<!tpu.dma_semaphore, #tpu.memory_space<semaphore_mem>>, %arg17: memref<!tpu.dma_semaphore, #tpu.memory_space<semaphore_mem>>) attributes {dimension_semantics = [#tpu.dimension_semantics<core_parallel>, #tpu.dimension_semantics<subcore_parallel>], iteration_bounds = array<i64: 2, 16>, scalar_prefetch = 0 : i64, scratch_operands = 10 : i64, tpu.core_type = #tpu.core_type<sc_vector_subcore>, window_params = [{transform_indices = #map}, {transform_indices = #map1}, {transform_indices = #map1}, {transform_indices = #map1}, {transform_indices = #map1}, {transform_indices = #map1}]} {
    %broadcast_in_dim3A = arith.constant 0.000000e+00 : f32
    %broadcast_in_dim3A_0 = vector.broadcast %broadcast_in_dim3A : f32 to vector<16xf32>
    %mul3A = arith.constant 2 : i32
    %mul3A_1 = arith.muli %mul3A, %arg0 : i32
    %add3A = arith.constant 0 : i32
    %add3A_2 = arith.addi %mul3A_1, %add3A : i32
    %mul3A_3 = arith.constant 10000 : i32
    %mul3A_4 = arith.muli %add3A_2, %mul3A_3 : i32
    %mul3A_5 = arith.constant 10240 : i32
    %mul3A_6 = arith.muli %add3A_2, %mul3A_5 : i32
    "tpu.region"() ({
      %run_scoped3A = tpu.sem_alloc : memref<!tpu.dma_semaphore, #tpu.memory_space<semaphore_mem>>
      %dma_start3A = tpu.memref_slice %arg2[%mul3A_6] : memref<40960xf32, #tpu.memory_space<hbm>> -> memref<10240xf32, #tpu.memory_space<hbm>>
      %dma_start3A_73 = tpu.memref_slice %arg2[%mul3A_6] : memref<40960xf32, #tpu.memory_space<hbm>> -> memref<10240xf32, #tpu.memory_space<hbm>>
      tpu.enqueue_dma source(%dma_start3A_73 : memref<10240xf32, #tpu.memory_space<hbm>>) target(%arg9 : memref<10240xf32, #tpu.memory_space<vmem>>) target_semaphore(%run_scoped3A : memref<!tpu.dma_semaphore, #tpu.memory_space<semaphore_mem>>)
      %dma_wait3A = tpu.memref_slice %arg2[%mul3A_6] : memref<40960xf32, #tpu.memory_space<hbm>> -> memref<10240xf32, #tpu.memory_space<hbm>>
      %dma_wait3A_74 = tpu.memref_slice %arg2[%mul3A_6] : memref<40960xf32, #tpu.memory_space<hbm>> -> memref<10240xf32, #tpu.memory_space<hbm>>
      tpu.wait_dma2 semaphore(%run_scoped3A : memref<!tpu.dma_semaphore, #tpu.memory_space<semaphore_mem>>) src(%dma_wait3A_74 : memref<10240xf32, #tpu.memory_space<hbm>>) dst(%arg9 : memref<10240xf32, #tpu.memory_space<vmem>>)
      tpu.yield
    }) : () -> ()
    %scan3A = arith.constant 0 : i32
    %scan3A_7 = arith.constant 0 : i32
    %scan3A_8 = arith.constant 80 : i32
    %scan3A_9 = arith.addi %scan3A_7, %scan3A_8 : i32
    %scan3A_10 = arith.constant 1 : i32
    %scan3A_11 = scf.for %scan3A_73 = %scan3A_7 to %scan3A_9 step %scan3A_10 iter_args(%scan3A_74 = %scan3A) -> (i32)  : i32 {
      %swap3A = arith.index_cast %scan3A_73 : i32 to index
      %swap3A_75 = arith.constant 0 : index
      %swap3A_76 = tpu.vector_load %arg14[%swap3A, %swap3A_75] {strides = array<i32>} : memref<80x128xf32, #tpu.memory_space<vmem>>, vector<16xf32>,
      tpu.vector_store %arg14[%swap3A, %swap3A_75], %broadcast_in_dim3A_0 {strides = array<i32>} : memref<80x128xf32, #tpu.memory_space<vmem>>, vector<16xf32>,
      %swap3A_77 = arith.index_cast %scan3A_73 : i32 to index
      %swap3A_78 = arith.constant 16 : index
      %swap3A_79 = tpu.vector_load %arg14[%swap3A_77, %swap3A_78] {strides = array<i32>} : memref<80x128xf32, #tpu.memory_space<vmem>>, vector<16xf32>,
      tpu.vector_store %arg14[%swap3A_77, %swap3A_78], %broadcast_in_dim3A_0 {strides = array<i32>} : memref<80x128xf32, #tpu.memory_space<vmem>>, vector<16xf32>,
      %swap3A_80 = arith.index_cast %scan3A_73 : i32 to index
      %swap3A_81 = arith.constant 32 : index
      %swap3A_82 = tpu.vector_load %arg14[%swap3A_80, %swap3A_81] {strides = array<i32>} : memref<80x128xf32, #tpu.memory_space<vmem>>, vector<16xf32>,
      tpu.vector_store %arg14[%swap3A_80, %swap3A_81], %broadcast_in_dim3A_0 {strides = array<i32>} : memref<80x128xf32, #tpu.memory_space<vmem>>, vector<16xf32>,
      %swap3A_83 = arith.index_cast %scan3A_73 : i32 to index
      %swap3A_84 = arith.constant 48 : index
      %swap3A_85 = tpu.vector_load %arg14[%swap3A_83, %swap3A_84] {strides = array<i32>} : memref<80x128xf32, #tpu.memory_space<vmem>>, vector<16xf32>,
      tpu.vector_store %arg14[%swap3A_83, %swap3A_84], %broadcast_in_dim3A_0 {strides = array<i32>} : memref<80x128xf32, #tpu.memory_space<vmem>>, vector<16xf32>,
      %swap3A_86 = arith.index_cast %scan3A_73 : i32 to index
      %swap3A_87 = arith.constant 64 : index
      %swap3A_88 = tpu.vector_load %arg14[%swap3A_86, %swap3A_87] {strides = array<i32>} : memref<80x128xf32, #tpu.memory_space<vmem>>, vector<16xf32>,
      tpu.vector_store %arg14[%swap3A_86, %swap3A_87], %broadcast_in_dim3A_0 {strides = array<i32>} : memref<80x128xf32, #tpu.memory_space<vmem>>, vector<16xf32>,
      %swap3A_89 = arith.index_cast %scan3A_73 : i32 to index
      %swap3A_90 = arith.constant 80 : index
      %swap3A_91 = tpu.vector_load %arg14[%swap3A_89, %swap3A_90] {strides = array<i32>} : memref<80x128xf32, #tpu.memory_space<vmem>>, vector<16xf32>,
      tpu.vector_store %arg14[%swap3A_89, %swap3A_90], %broadcast_in_dim3A_0 {strides = array<i32>} : memref<80x128xf32, #tpu.memory_space<vmem>>, vector<16xf32>,
      %swap3A_92 = arith.index_cast %scan3A_73 : i32 to index
      %swap3A_93 = arith.constant 96 : index
      %swap3A_94 = tpu.vector_load %arg14[%swap3A_92, %swap3A_93] {strides = array<i32>} : memref<80x128xf32, #tpu.memory_space<vmem>>, vector<16xf32>,
      tpu.vector_store %arg14[%swap3A_92, %swap3A_93], %broadcast_in_dim3A_0 {strides = array<i32>} : memref<80x128xf32, #tpu.memory_space<vmem>>, vector<16xf32>,
      %swap3A_95 = arith.index_cast %scan3A_73 : i32 to index
      %swap3A_96 = arith.constant 112 : index
      %swap3A_97 = tpu.vector_load %arg14[%swap3A_95, %swap3A_96] {strides = array<i32>} : memref<80x128xf32, #tpu.memory_space<vmem>>, vector<16xf32>,
      tpu.vector_store %arg14[%swap3A_95, %swap3A_96], %broadcast_in_dim3A_0 {strides = array<i32>} : memref<80x128xf32, #tpu.memory_space<vmem>>, vector<16xf32>,
      %scan3A_98 = arith.constant 0 : i32
      scf.yield %scan3A_98 : i32
    }
    %scan3A_12 = arith.constant 80 : i32
    %scan3A_13 = arith.constant 0 : i32
    %scan3A_14 = arith.constant 0 : i32
    %scan3A_15 = arith.constant 8 : i32
    %scan3A_16 = arith.addi %scan3A_14, %scan3A_15 : i32
    %scan3A_17 = arith.constant 1 : i32
    %scan3A_18 = scf.for %scan3A_73 = %scan3A_14 to %scan3A_16 step %scan3A_17 iter_args(%scan3A_74 = %scan3A_13) -> (i32)  : i32 {
      %mul3A_75 = arith.constant 640 : i32
      %mul3A_76 = arith.muli %arg1, %mul3A_75 : i32
      %mul3A_77 = arith.constant 80 : i32
      %mul3A_78 = arith.muli %scan3A_73, %mul3A_77 : i32
      %add3A_79 = arith.addi %mul3A_76, %mul3A_78 : i32
      "tpu.region"() ({
        %run_scoped3A = tpu.sem_alloc : memref<!tpu.dma_semaphore, #tpu.memory_space<semaphore_mem>>
        %dma_start3A = arith.constant 0 : i32
        %dma_start3A_81 = tpu.memref_slice %arg8[%add3A_79, %dma_start3A] : memref<10240x128xf32, #tpu.memory_space<vmem_shared>> -> memref<80x128xf32, #tpu.memory_space<vmem_shared>>
        %dma_start3A_82 = arith.constant 0 : i32
        %dma_start3A_83 = tpu.memref_slice %arg8[%add3A_79, %dma_start3A_82] : memref<10240x128xf32, #tpu.memory_space<vmem_shared>> -> memref<80x128xf32, #tpu.memory_space<vmem_shared>>
        tpu.enqueue_dma source(%arg14 : memref<80x128xf32, #tpu.memory_space<vmem>>) target(%dma_start3A_83 : memref<80x128xf32, #tpu.memory_space<vmem_shared>>) target_semaphore(%run_scoped3A : memref<!tpu.dma_semaphore, #tpu.memory_space<semaphore_mem>>)
        %dma_wait3A = arith.constant 0 : i32
        %dma_wait3A_84 = tpu.memref_slice %arg8[%add3A_79, %dma_wait3A] : memref<10240x128xf32, #tpu.memory_space<vmem_shared>> -> memref<80x128xf32, #tpu.memory_space<vmem_shared>>
        %dma_wait3A_85 = arith.constant 0 : i32
        %dma_wait3A_86 = tpu.memref_slice %arg8[%add3A_79, %dma_wait3A_85] : memref<10240x128xf32, #tpu.memory_space<vmem_shared>> -> memref<80x128xf32, #tpu.memory_space<vmem_shared>>
        tpu.wait_dma2 semaphore(%run_scoped3A : memref<!tpu.dma_semaphore, #tpu.memory_space<semaphore_mem>>) src(%arg14 : memref<80x128xf32, #tpu.memory_space<vmem>>) dst(%dma_wait3A_86 : memref<80x128xf32, #tpu.memory_space<vmem_shared>>)
        tpu.yield
      }) : () -> ()
      %scan3A_80 = arith.constant 0 : i32
      scf.yield %scan3A_80 : i32
    }
    %scan3A_19 = arith.constant 8 : i32
    %barrier3A = arith.constant 0 : index
    tpu.barrier barrier_id(%barrier3A)
    %scan3A_20 = arith.constant 0 : i32
    %scan3A_21 = arith.constant 0 : i32
    %scan3A_22 = arith.constant 10 : i32
    %scan3A_23 = arith.addi %scan3A_21, %scan3A_22 : i32
    %scan3A_24 = arith.constant 1 : i32
    %scan3A_25 = scf.for %scan3A_73 = %scan3A_21 to %scan3A_23 step %scan3A_24 iter_args(%scan3A_74 = %scan3A_20) -> (i32)  : i32 {
      %mul3A_75 = arith.constant 250 : i32
      %mul3A_76 = arith.muli %arg1, %mul3A_75 : i32
      %mul3A_77 = arith.constant 25 : i32
      %mul3A_78 = arith.muli %scan3A_73, %mul3A_77 : i32
      %add3A_79 = arith.addi %mul3A_76, %mul3A_78 : i32
      "tpu.region"() ({
        %run_scoped3A_117 = tpu.sem_alloc : memref<!tpu.dma_semaphore, #tpu.memory_space<semaphore_mem>>
        %dma_start3A_118 = arith.constant 0 : i32
        %dma_start3A_119 = tpu.memref_slice %arg3[%add3A_79, %dma_start3A_118] : memref<4000x80xi32, #tpu.memory_space<hbm>> -> memref<25x80xi32, #tpu.memory_space<hbm>>
        %dma_start3A_120 = arith.constant 0 : i32
        %dma_start3A_121 = tpu.memref_slice %arg3[%add3A_79, %dma_start3A_120] : memref<4000x80xi32, #tpu.memory_space<hbm>> -> memref<25x80xi32, #tpu.memory_space<hbm>>
        tpu.enqueue_dma source(%dma_start3A_121 : memref<25x80xi32, #tpu.memory_space<hbm>>) target(%arg10 : memref<25x80xi32, #tpu.memory_space<vmem>>) target_semaphore(%run_scoped3A_117 : memref<!tpu.dma_semaphore, #tpu.memory_space<semaphore_mem>>)
        %dma_wait3A_122 = arith.constant 0 : i32
        %dma_wait3A_123 = tpu.memref_slice %arg3[%add3A_79, %dma_wait3A_122] : memref<4000x80xi32, #tpu.memory_space<hbm>> -> memref<25x80xi32, #tpu.memory_space<hbm>>
        %dma_wait3A_124 = arith.constant 0 : i32
        %dma_wait3A_125 = tpu.memref_slice %arg3[%add3A_79, %dma_wait3A_124] : memref<4000x80xi32, #tpu.memory_space<hbm>> -> memref<25x80xi32, #tpu.memory_space<hbm>>
        tpu.wait_dma2 semaphore(%run_scoped3A_117 : memref<!tpu.dma_semaphore, #tpu.memory_space<semaphore_mem>>) src(%dma_wait3A_125 : memref<25x80xi32, #tpu.memory_space<hbm>>) dst(%arg10 : memref<25x80xi32, #tpu.memory_space<vmem>>)
        tpu.yield
      }) : () -> ()
      "tpu.region"() ({
        %run_scoped3A_117 = tpu.sem_alloc : memref<!tpu.dma_semaphore, #tpu.memory_space<semaphore_mem>>
        %dma_start3A_118 = arith.constant 0 : i32
        %dma_start3A_119 = tpu.memref_slice %arg4[%add3A_79, %dma_start3A_118] : memref<4000x80xi32, #tpu.memory_space<hbm>> -> memref<25x80xi32, #tpu.memory_space<hbm>>
        %dma_start3A_120 = arith.constant 0 : i32
        %dma_start3A_121 = tpu.memref_slice %arg4[%add3A_79, %dma_start3A_120] : memref<4000x80xi32, #tpu.memory_space<hbm>> -> memref<25x80xi32, #tpu.memory_space<hbm>>
        tpu.enqueue_dma source(%dma_start3A_121 : memref<25x80xi32, #tpu.memory_space<hbm>>) target(%arg11 : memref<25x80xi32, #tpu.memory_space<vmem>>) target_semaphore(%run_scoped3A_117 : memref<!tpu.dma_semaphore, #tpu.memory_space<semaphore_mem>>)
        %dma_wait3A_122 = arith.constant 0 : i32
        %dma_wait3A_123 = tpu.memref_slice %arg4[%add3A_79, %dma_wait3A_122] : memref<4000x80xi32, #tpu.memory_space<hbm>> -> memref<25x80xi32, #tpu.memory_space<hbm>>
        %dma_wait3A_124 = arith.constant 0 : i32
        %dma_wait3A_125 = tpu.memref_slice %arg4[%add3A_79, %dma_wait3A_124] : memref<4000x80xi32, #tpu.memory_space<hbm>> -> memref<25x80xi32, #tpu.memory_space<hbm>>
        tpu.wait_dma2 semaphore(%run_scoped3A_117 : memref<!tpu.dma_semaphore, #tpu.memory_space<semaphore_mem>>) src(%dma_wait3A_125 : memref<25x80xi32, #tpu.memory_space<hbm>>) dst(%arg11 : memref<25x80xi32, #tpu.memory_space<vmem>>)
        tpu.yield
      }) : () -> ()
      %mul3A_80 = arith.constant 4000 : i32
      %mul3A_81 = arith.muli %add3A_2, %mul3A_80 : i32
      %add3A_82 = arith.addi %mul3A_81, %add3A_79 : i32
      "tpu.region"() ({
        %run_scoped3A_117 = tpu.sem_alloc : memref<!tpu.dma_semaphore, #tpu.memory_space<semaphore_mem>>
        %dma_start3A_118 = arith.constant 0 : i32
        %dma_start3A_119 = tpu.memref_slice %arg5[%add3A_82, %dma_start3A_118] : memref<16000x80xf32, #tpu.memory_space<hbm>> -> memref<25x80xf32, #tpu.memory_space<hbm>>
        %dma_start3A_120 = arith.constant 0 : i32
        %dma_start3A_121 = tpu.memref_slice %arg5[%add3A_82, %dma_start3A_120] : memref<16000x80xf32, #tpu.memory_space<hbm>> -> memref<25x80xf32, #tpu.memory_space<hbm>>
        tpu.enqueue_dma source(%dma_start3A_121 : memref<25x80xf32, #tpu.memory_space<hbm>>) target(%arg12 : memref<25x80xf32, #tpu.memory_space<vmem>>) target_semaphore(%run_scoped3A_117 : memref<!tpu.dma_semaphore, #tpu.memory_space<semaphore_mem>>)
        %dma_wait3A_122 = arith.constant 0 : i32
        %dma_wait3A_123 = tpu.memref_slice %arg5[%add3A_82, %dma_wait3A_122] : memref<16000x80xf32, #tpu.memory_space<hbm>> -> memref<25x80xf32, #tpu.memory_space<hbm>>
        %dma_wait3A_124 = arith.constant 0 : i32
        %dma_wait3A_125 = tpu.memref_slice %arg5[%add3A_82, %dma_wait3A_124] : memref<16000x80xf32, #tpu.memory_space<hbm>> -> memref<25x80xf32, #tpu.memory_space<hbm>>
        tpu.wait_dma2 semaphore(%run_scoped3A_117 : memref<!tpu.dma_semaphore, #tpu.memory_space<semaphore_mem>>) src(%dma_wait3A_125 : memref<25x80xf32, #tpu.memory_space<hbm>>) dst(%arg12 : memref<25x80xf32, #tpu.memory_space<vmem>>)
        tpu.yield
      }) : () -> ()
      %scan3A_83 = arith.constant 0 : i32
      %scan3A_84 = arith.constant 0 : i32
      %scan3A_85 = arith.constant 5 : i32
      %scan3A_86 = arith.addi %scan3A_84, %scan3A_85 : i32
      %scan3A_87 = arith.constant 1 : i32
      %scan3A_88 = scf.for %scan3A_117 = %scan3A_84 to %scan3A_86 step %scan3A_87 iter_args(%scan3A_118 = %scan3A_83) -> (i32)  : i32 {
        %mul3A_119 = arith.constant 16 : i32
        %mul3A_120 = arith.muli %scan3A_117, %mul3A_119 : i32
        %get3A = arith.constant 0 : i32
        %get3A_121 = arith.index_cast %get3A : i32 to index
        %get3A_122 = arith.index_cast %mul3A_120 : i32 to index
        %get3A_123 = tpu.vector_load %arg11[%get3A_121, %get3A_122] {strides = array<i32>} : memref<25x80xi32, #tpu.memory_space<vmem>>, vector<16xi32>,
        %mul3A_124 = arith.constant 16 : i32
        %mul3A_125 = arith.muli %scan3A_117, %mul3A_124 : i32
        %get3A_126 = arith.constant 0 : i32
        %get3A_127 = arith.index_cast %get3A_126 : i32 to index
        %get3A_128 = arith.index_cast %mul3A_125 : i32 to index
        %get3A_129 = tpu.vector_load %arg12[%get3A_127, %get3A_128] {strides = array<i32>} : memref<25x80xf32, #tpu.memory_space<vmem>>, vector<16xf32>,
        %gather3A = tpu.vector_load_idx %arg9[%get3A_123] : memref<10240xf32, #tpu.memory_space<vmem>>[vector<16xi32>], vector<16xf32>,
        %mul3A_130 = arith.mulf %get3A_129, %gather3A : vector<16xf32>
        %mul3A_131 = arith.constant 16 : i32
        %mul3A_132 = arith.muli %scan3A_117, %mul3A_131 : i32
        %swap3A = arith.constant 0 : i32
        %swap3A_133 = arith.index_cast %swap3A : i32 to index
        %swap3A_134 = arith.index_cast %mul3A_132 : i32 to index
        %swap3A_135 = tpu.vector_load %arg12[%swap3A_133, %swap3A_134] {strides = array<i32>} : memref<25x80xf32, #tpu.memory_space<vmem>>, vector<16xf32>,
        tpu.vector_store %arg12[%swap3A_133, %swap3A_134], %mul3A_130 {strides = array<i32>} : memref<25x80xf32, #tpu.memory_space<vmem>>, vector<16xf32>,
        %mul3A_136 = arith.constant 16 : i32
        %mul3A_137 = arith.muli %scan3A_117, %mul3A_136 : i32
        %get3A_138 = arith.constant 0 : i32
        %get3A_139 = arith.index_cast %get3A_138 : i32 to index
        %get3A_140 = arith.index_cast %mul3A_137 : i32 to index
        %get3A_141 = tpu.vector_load %arg10[%get3A_139, %get3A_140] {strides = array<i32>} : memref<25x80xi32, #tpu.memory_space<vmem>>, vector<16xi32>,
        %add3A_142 = vector.broadcast %mul3A_4 : i32 to vector<16xi32>
        %add3A_143 = arith.addi %get3A_141, %add3A_142 : vector<16xi32>
        %mul3A_144 = arith.constant 16 : i32
        %mul3A_145 = arith.muli %scan3A_117, %mul3A_144 : i32
        %swap3A_146 = arith.constant 0 : i32
        %swap3A_147 = arith.index_cast %swap3A_146 : i32 to index
        %swap3A_148 = arith.index_cast %mul3A_145 : i32 to index
        %swap3A_149 = tpu.vector_load %arg13[%swap3A_147, %swap3A_148] {strides = array<i32>} : memref<25x80xi32, #tpu.memory_space<vmem>>, vector<16xi32>,
        tpu.vector_store %arg13[%swap3A_147, %swap3A_148], %add3A_143 {strides = array<i32>} : memref<25x80xi32, #tpu.memory_space<vmem>>, vector<16xi32>,
        %scan3A_150 = arith.constant 0 : i32
        scf.yield %scan3A_150 : i32
      }
      %scan3A_89 = arith.constant 5 : i32
      %dma_start3A = arith.constant 0 : i32
      %dma_start3A_90 = arith.constant 0 : i32
      %dma_start3A_91 = tpu.memref_slice %arg13[%dma_start3A, %dma_start3A_90] : memref<25x80xi32, #tpu.memory_space<vmem>> -> memref<1x80xi32, #tpu.memory_space<vmem>>
      %dma_start3A_92 = tpu.memref_squeeze %dma_start3A_91 : memref<1x80xi32, #tpu.memory_space<vmem>> -> memref<80xi32, #tpu.memory_space<vmem>>
      %dma_start3A_93 = arith.constant 0 : i32
      %dma_start3A_94 = arith.constant 0 : i32
      %dma_start3A_95 = tpu.memref_slice %arg6[%dma_start3A_93, %dma_start3A_94] : memref<40000x128xf32, #tpu.memory_space<hbm>> -> memref<40000x128xf32, #tpu.memory_space<hbm>>
      tpu.enqueue_indirect_dma source(%dma_start3A_95 : memref<40000x128xf32, #tpu.memory_space<hbm>>) target(%arg14 : memref<80x128xf32, #tpu.memory_space<vmem>>) offsets(%dma_start3A_92 : memref<80xi32, #tpu.memory_space<vmem>>) semaphore(%arg16 : memref<!tpu.dma_semaphore, #tpu.memory_space<semaphore_mem>>)
      %scan3A_96 = arith.constant 0 : i32
      %scan3A_97 = arith.constant 0 : i32
      %scan3A_98 = arith.constant 12 : i32
      %scan3A_99 = arith.addi %scan3A_97, %scan3A_98 : i32
      %scan3A_100 = arith.constant 1 : i32
      %scan3A_101 = scf.for %scan3A_117 = %scan3A_97 to %scan3A_99 step %scan3A_100 iter_args(%scan3A_118 = %scan3A_96) -> (i32)  : i32 {
        %mul3A_119 = arith.constant 2 : i32
        %mul3A_120 = arith.muli %mul3A_119, %scan3A_117 : i32
        %mul3A_121 = arith.constant 2 : i32
        %mul3A_122 = arith.muli %mul3A_121, %scan3A_117 : i32
        %add3A_123 = arith.constant 1 : i32
        %add3A_124 = arith.addi %mul3A_122, %add3A_123 : i32
        %mul3A_125 = arith.constant 2 : i32
        %mul3A_126 = arith.muli %mul3A_125, %scan3A_117 : i32
        %add3A_127 = arith.constant 2 : i32
        %add3A_128 = arith.addi %mul3A_126, %add3A_127 : i32
        %scan3A_129 = arith.constant 0 : i32
        %scan3A_130 = arith.constant 0 : i32
        %scan3A_131 = arith.constant 5 : i32
        %scan3A_132 = arith.addi %scan3A_130, %scan3A_131 : i32
        %scan3A_133 = arith.constant 1 : i32
        %scan3A_134 = scf.for %scan3A_182 = %scan3A_130 to %scan3A_132 step %scan3A_133 iter_args(%scan3A_183 = %scan3A_129) -> (i32)  : i32 {
          %mul3A_184 = arith.constant 16 : i32
          %mul3A_185 = arith.muli %scan3A_182, %mul3A_184 : i32
          %get3A = arith.index_cast %add3A_124 : i32 to index
          %get3A_186 = arith.index_cast %mul3A_185 : i32 to index
          %get3A_187 = tpu.vector_load %arg11[%get3A, %get3A_186] {strides = array<i32>} : memref<25x80xi32, #tpu.memory_space<vmem>>, vector<16xi32>,
          %mul3A_188 = arith.constant 16 : i32
          %mul3A_189 = arith.muli %scan3A_182, %mul3A_188 : i32
          %get3A_190 = arith.index_cast %add3A_124 : i32 to index
          %get3A_191 = arith.index_cast %mul3A_189 : i32 to index
          %get3A_192 = tpu.vector_load %arg12[%get3A_190, %get3A_191] {strides = array<i32>} : memref<25x80xf32, #tpu.memory_space<vmem>>, vector<16xf32>,
          %gather3A = tpu.vector_load_idx %arg9[%get3A_187] : memref<10240xf32, #tpu.memory_space<vmem>>[vector<16xi32>], vector<16xf32>,
          %mul3A_193 = arith.mulf %get3A_192, %gather3A : vector<16xf32>
          %mul3A_194 = arith.constant 16 : i32
          %mul3A_195 = arith.muli %scan3A_182, %mul3A_194 : i32
          %swap3A = arith.index_cast %add3A_124 : i32 to index
          %swap3A_196 = arith.index_cast %mul3A_195 : i32 to index
          %swap3A_197 = tpu.vector_load %arg12[%swap3A, %swap3A_196] {strides = array<i32>} : memref<25x80xf32, #tpu.memory_space<vmem>>, vector<16xf32>,
          tpu.vector_store %arg12[%swap3A, %swap3A_196], %mul3A_193 {strides = array<i32>} : memref<25x80xf32, #tpu.memory_space<vmem>>, vector<16xf32>,
          %mul3A_198 = arith.constant 16 : i32
          %mul3A_199 = arith.muli %scan3A_182, %mul3A_198 : i32
          %get3A_200 = arith.index_cast %add3A_124 : i32 to index
          %get3A_201 = arith.index_cast %mul3A_199 : i32 to index
          %get3A_202 = tpu.vector_load %arg10[%get3A_200, %get3A_201] {strides = array<i32>} : memref<25x80xi32, #tpu.memory_space<vmem>>, vector<16xi32>,
          %add3A_203 = vector.broadcast %mul3A_4 : i32 to vector<16xi32>
          %add3A_204 = arith.addi %get3A_202, %add3A_203 : vector<16xi32>
          %mul3A_205 = arith.constant 16 : i32
          %mul3A_206 = arith.muli %scan3A_182, %mul3A_205 : i32
          %swap3A_207 = arith.index_cast %add3A_124 : i32 to index
          %swap3A_208 = arith.index_cast %mul3A_206 : i32 to index
          %swap3A_209 = tpu.vector_load %arg13[%swap3A_207, %swap3A_208] {strides = array<i32>} : memref<25x80xi32, #tpu.memory_space<vmem>>, vector<16xi32>,
          tpu.vector_store %arg13[%swap3A_207, %swap3A_208], %add3A_204 {strides = array<i32>} : memref<25x80xi32, #tpu.memory_space<vmem>>, vector<16xi32>,
          %scan3A_210 = arith.constant 0 : i32
          scf.yield %scan3A_210 : i32
        }
        %scan3A_135 = arith.constant 5 : i32
        %dma_start3A_136 = arith.constant 0 : i32
        %dma_start3A_137 = tpu.memref_slice %arg13[%add3A_124, %dma_start3A_136] : memref<25x80xi32, #tpu.memory_space<vmem>> -> memref<1x80xi32, #tpu.memory_space<vmem>>
        %dma_start3A_138 = tpu.memref_squeeze %dma_start3A_137 : memref<1x80xi32, #tpu.memory_space<vmem>> -> memref<80xi32, #tpu.memory_space<vmem>>
        %dma_start3A_139 = arith.constant 0 : i32
        %dma_start3A_140 = arith.constant 0 : i32
        %dma_start3A_141 = tpu.memref_slice %arg6[%dma_start3A_139, %dma_start3A_140] : memref<40000x128xf32, #tpu.memory_space<hbm>> -> memref<40000x128xf32, #tpu.memory_space<hbm>>
        tpu.enqueue_indirect_dma source(%dma_start3A_141 : memref<40000x128xf32, #tpu.memory_space<hbm>>) target(%arg15 : memref<80x128xf32, #tpu.memory_space<vmem>>) offsets(%dma_start3A_138 : memref<80xi32, #tpu.memory_space<vmem>>) semaphore(%arg17 : memref<!tpu.dma_semaphore, #tpu.memory_space<semaphore_mem>>)
        %dma_wait3A_142 = arith.constant 0 : i32
        %dma_wait3A_143 = tpu.memref_slice %arg13[%mul3A_120, %dma_wait3A_142] : memref<25x80xi32, #tpu.memory_space<vmem>> -> memref<1x80xi32, #tpu.memory_space<vmem>>
        %dma_wait3A_144 = tpu.memref_squeeze %dma_wait3A_143 : memref<1x80xi32, #tpu.memory_space<vmem>> -> memref<80xi32, #tpu.memory_space<vmem>>
        %dma_wait3A_145 = arith.constant 0 : i32
        %dma_wait3A_146 = arith.constant 0 : i32
        %dma_wait3A_147 = tpu.memref_slice %arg6[%dma_wait3A_145, %dma_wait3A_146] : memref<40000x128xf32, #tpu.memory_space<hbm>> -> memref<40000x128xf32, #tpu.memory_space<hbm>>
        tpu.wait_indirect_dma semaphore(%arg16 : memref<!tpu.dma_semaphore, #tpu.memory_space<semaphore_mem>>) src(%dma_wait3A_147 : memref<40000x128xf32, #tpu.memory_space<hbm>>) dst(%arg14 : memref<80x128xf32, #tpu.memory_space<vmem>>)
        %scan3A_148 = arith.constant 0 : i32
        %scan3A_149 = arith.constant 0 : i32
        %scan3A_150 = arith.constant 80 : i32
        %scan3A_151 = arith.addi %scan3A_149, %scan3A_150 : i32
        %scan3A_152 = arith.constant 1 : i32
        %scan3A_153 = scf.for %scan3A_182 = %scan3A_149 to %scan3A_151 step %scan3A_152 iter_args(%scan3A_183 = %scan3A_148) -> (i32)  : i32 {
          %broadcast_in_dim3A_184 = vector.broadcast %mul3A_120 : i32 to vector<16xi32>
          %broadcast_in_dim3A_185 = vector.broadcast %scan3A_182 : i32 to vector<16xi32>
          %gather3A = tpu.vector_load_idx %arg12[%broadcast_in_dim3A_184, %broadcast_in_dim3A_185] : memref<25x80xf32, #tpu.memory_space<vmem>>[vector<16xi32>, vector<16xi32>], vector<16xf32>,
          %get3A = arith.index_cast %scan3A_182 : i32 to index
          %get3A_186 = arith.constant 0 : index
          %get3A_187 = tpu.vector_load %arg14[%get3A, %get3A_186] {strides = array<i32>} : memref<80x128xf32, #tpu.memory_space<vmem>>, vector<16xf32>,
          %mul3A_188 = arith.mulf %get3A_187, %gather3A : vector<16xf32>
          %swap3A = arith.index_cast %scan3A_182 : i32 to index
          %swap3A_189 = arith.constant 0 : index
          %swap3A_190 = tpu.vector_load %arg14[%swap3A, %swap3A_189] {strides = array<i32>} : memref<80x128xf32, #tpu.memory_space<vmem>>, vector<16xf32>,
          tpu.vector_store %arg14[%swap3A, %swap3A_189], %mul3A_188 {strides = array<i32>} : memref<80x128xf32, #tpu.memory_space<vmem>>, vector<16xf32>,
          %get3A_191 = arith.index_cast %scan3A_182 : i32 to index
          %get3A_192 = arith.constant 16 : index
          %get3A_193 = tpu.vector_load %arg14[%get3A_191, %get3A_192] {strides = array<i32>} : memref<80x128xf32, #tpu.memory_space<vmem>>, vector<16xf32>,
          %mul3A_194 = arith.mulf %get3A_193, %gather3A : vector<16xf32>
          %swap3A_195 = arith.index_cast %scan3A_182 : i32 to index
          %swap3A_196 = arith.constant 16 : index
          %swap3A_197 = tpu.vector_load %arg14[%swap3A_195, %swap3A_196] {strides = array<i32>} : memref<80x128xf32, #tpu.memory_space<vmem>>, vector<16xf32>,
          tpu.vector_store %arg14[%swap3A_195, %swap3A_196], %mul3A_194 {strides = array<i32>} : memref<80x128xf32, #tpu.memory_space<vmem>>, vector<16xf32>,
          %get3A_198 = arith.index_cast %scan3A_182 : i32 to index
          %get3A_199 = arith.constant 32 : index
          %get3A_200 = tpu.vector_load %arg14[%get3A_198, %get3A_199] {strides = array<i32>} : memref<80x128xf32, #tpu.memory_space<vmem>>, vector<16xf32>,
          %mul3A_201 = arith.mulf %get3A_200, %gather3A : vector<16xf32>
          %swap3A_202 = arith.index_cast %scan3A_182 : i32 to index
          %swap3A_203 = arith.constant 32 : index
          %swap3A_204 = tpu.vector_load %arg14[%swap3A_202, %swap3A_203] {strides = array<i32>} : memref<80x128xf32, #tpu.memory_space<vmem>>, vector<16xf32>,
          tpu.vector_store %arg14[%swap3A_202, %swap3A_203], %mul3A_201 {strides = array<i32>} : memref<80x128xf32, #tpu.memory_space<vmem>>, vector<16xf32>,
          %get3A_205 = arith.index_cast %scan3A_182 : i32 to index
          %get3A_206 = arith.constant 48 : index
          %get3A_207 = tpu.vector_load %arg14[%get3A_205, %get3A_206] {strides = array<i32>} : memref<80x128xf32, #tpu.memory_space<vmem>>, vector<16xf32>,
          %mul3A_208 = arith.mulf %get3A_207, %gather3A : vector<16xf32>
          %swap3A_209 = arith.index_cast %scan3A_182 : i32 to index
          %swap3A_210 = arith.constant 48 : index
          %swap3A_211 = tpu.vector_load %arg14[%swap3A_209, %swap3A_210] {strides = array<i32>} : memref<80x128xf32, #tpu.memory_space<vmem>>, vector<16xf32>,
          tpu.vector_store %arg14[%swap3A_209, %swap3A_210], %mul3A_208 {strides = array<i32>} : memref<80x128xf32, #tpu.memory_space<vmem>>, vector<16xf32>,
          %get3A_212 = arith.index_cast %scan3A_182 : i32 to index
          %get3A_213 = arith.constant 64 : index
          %get3A_214 = tpu.vector_load %arg14[%get3A_212, %get3A_213] {strides = array<i32>} : memref<80x128xf32, #tpu.memory_space<vmem>>, vector<16xf32>,
          %mul3A_215 = arith.mulf %get3A_214, %gather3A : vector<16xf32>
          %swap3A_216 = arith.index_cast %scan3A_182 : i32 to index
          %swap3A_217 = arith.constant 64 : index
          %swap3A_218 = tpu.vector_load %arg14[%swap3A_216, %swap3A_217] {strides = array<i32>} : memref<80x128xf32, #tpu.memory_space<vmem>>, vector<16xf32>,
          tpu.vector_store %arg14[%swap3A_216, %swap3A_217], %mul3A_215 {strides = array<i32>} : memref<80x128xf32, #tpu.memory_space<vmem>>, vector<16xf32>,
          %get3A_219 = arith.index_cast %scan3A_182 : i32 to index
          %get3A_220 = arith.constant 80 : index
          %get3A_221 = tpu.vector_load %arg14[%get3A_219, %get3A_220] {strides = array<i32>} : memref<80x128xf32, #tpu.memory_space<vmem>>, vector<16xf32>,
          %mul3A_222 = arith.mulf %get3A_221, %gather3A : vector<16xf32>
          %swap3A_223 = arith.index_cast %scan3A_182 : i32 to index
          %swap3A_224 = arith.constant 80 : index
          %swap3A_225 = tpu.vector_load %arg14[%swap3A_223, %swap3A_224] {strides = array<i32>} : memref<80x128xf32, #tpu.memory_space<vmem>>, vector<16xf32>,
          tpu.vector_store %arg14[%swap3A_223, %swap3A_224], %mul3A_222 {strides = array<i32>} : memref<80x128xf32, #tpu.memory_space<vmem>>, vector<16xf32>,
          %get3A_226 = arith.index_cast %scan3A_182 : i32 to index
          %get3A_227 = arith.constant 96 : index
          %get3A_228 = tpu.vector_load %arg14[%get3A_226, %get3A_227] {strides = array<i32>} : memref<80x128xf32, #tpu.memory_space<vmem>>, vector<16xf32>,
          %mul3A_229 = arith.mulf %get3A_228, %gather3A : vector<16xf32>
          %swap3A_230 = arith.index_cast %scan3A_182 : i32 to index
          %swap3A_231 = arith.constant 96 : index
          %swap3A_232 = tpu.vector_load %arg14[%swap3A_230, %swap3A_231] {strides = array<i32>} : memref<80x128xf32, #tpu.memory_space<vmem>>, vector<16xf32>,
          tpu.vector_store %arg14[%swap3A_230, %swap3A_231], %mul3A_229 {strides = array<i32>} : memref<80x128xf32, #tpu.memory_space<vmem>>, vector<16xf32>,
          %get3A_233 = arith.index_cast %scan3A_182 : i32 to index
          %get3A_234 = arith.constant 112 : index
          %get3A_235 = tpu.vector_load %arg14[%get3A_233, %get3A_234] {strides = array<i32>} : memref<80x128xf32, #tpu.memory_space<vmem>>, vector<16xf32>,
          %mul3A_236 = arith.mulf %get3A_235, %gather3A : vector<16xf32>
          %swap3A_237 = arith.index_cast %scan3A_182 : i32 to index
          %swap3A_238 = arith.constant 112 : index
          %swap3A_239 = tpu.vector_load %arg14[%swap3A_237, %swap3A_238] {strides = array<i32>} : memref<80x128xf32, #tpu.memory_space<vmem>>, vector<16xf32>,
          tpu.vector_store %arg14[%swap3A_237, %swap3A_238], %mul3A_236 {strides = array<i32>} : memref<80x128xf32, #tpu.memory_space<vmem>>, vector<16xf32>,
          %scan3A_240 = arith.constant 0 : i32
          scf.yield %scan3A_240 : i32
        }
        %scan3A_154 = arith.constant 80 : i32
        "tpu.region"() ({
          %run_scoped3A_182 = tpu.sem_alloc : memref<!tpu.dma_semaphore, #tpu.memory_space<semaphore_mem>>
          %dma_start3A_183 = arith.constant 0 : i32
          %dma_start3A_184 = tpu.memref_slice %arg11[%mul3A_120, %dma_start3A_183] : memref<25x80xi32, #tpu.memory_space<vmem>> -> memref<1x80xi32, #tpu.memory_space<vmem>>
          %dma_start3A_185 = tpu.memref_squeeze %dma_start3A_184 : memref<1x80xi32, #tpu.memory_space<vmem>> -> memref<80xi32, #tpu.memory_space<vmem>>
          %dma_start3A_186 = arith.constant 0 : i32
          %dma_start3A_187 = arith.constant 0 : i32
          %dma_start3A_188 = tpu.memref_slice %arg8[%dma_start3A_186, %dma_start3A_187] : memref<10240x128xf32, #tpu.memory_space<vmem_shared>> -> memref<10240x128xf32, #tpu.memory_space<vmem_shared>>
          tpu.enqueue_indirect_dma source(%arg14 : memref<80x128xf32, #tpu.memory_space<vmem>>) target(%dma_start3A_188 : memref<10240x128xf32, #tpu.memory_space<vmem_shared>>) offsets(%dma_start3A_185 : memref<80xi32, #tpu.memory_space<vmem>>) semaphore(%run_scoped3A_182 : memref<!tpu.dma_semaphore, #tpu.memory_space<semaphore_mem>>) {add = true}
          %dma_wait3A_189 = arith.constant 0 : i32
          %dma_wait3A_190 = tpu.memref_slice %arg11[%mul3A_120, %dma_wait3A_189] : memref<25x80xi32, #tpu.memory_space<vmem>> -> memref<1x80xi32, #tpu.memory_space<vmem>>
          %dma_wait3A_191 = tpu.memref_squeeze %dma_wait3A_190 : memref<1x80xi32, #tpu.memory_space<vmem>> -> memref<80xi32, #tpu.memory_space<vmem>>
          %dma_wait3A_192 = arith.constant 0 : i32
          %dma_wait3A_193 = arith.constant 0 : i32
          %dma_wait3A_194 = tpu.memref_slice %arg8[%dma_wait3A_192, %dma_wait3A_193] : memref<10240x128xf32, #tpu.memory_space<vmem_shared>> -> memref<10240x128xf32, #tpu.memory_space<vmem_shared>>
          tpu.wait_indirect_dma semaphore(%run_scoped3A_182 : memref<!tpu.dma_semaphore, #tpu.memory_space<semaphore_mem>>) src(%arg14 : memref<80x128xf32, #tpu.memory_space<vmem>>) dst(%dma_wait3A_194 : memref<10240x128xf32, #tpu.memory_space<vmem_shared>>)
          tpu.yield
        }) : () -> ()
        %scan3A_155 = arith.constant 0 : i32
        %scan3A_156 = arith.constant 0 : i32
        %scan3A_157 = arith.constant 5 : i32
        %scan3A_158 = arith.addi %scan3A_156, %scan3A_157 : i32
        %scan3A_159 = arith.constant 1 : i32
        %scan3A_160 = scf.for %scan3A_182 = %scan3A_156 to %scan3A_158 step %scan3A_159 iter_args(%scan3A_183 = %scan3A_155) -> (i32)  : i32 {
          %mul3A_184 = arith.constant 16 : i32
          %mul3A_185 = arith.muli %scan3A_182, %mul3A_184 : i32
          %get3A = arith.index_cast %add3A_128 : i32 to index
          %get3A_186 = arith.index_cast %mul3A_185 : i32 to index
          %get3A_187 = tpu.vector_load %arg11[%get3A, %get3A_186] {strides = array<i32>} : memref<25x80xi32, #tpu.memory_space<vmem>>, vector<16xi32>,
          %mul3A_188 = arith.constant 16 : i32
          %mul3A_189 = arith.muli %scan3A_182, %mul3A_188 : i32
          %get3A_190 = arith.index_cast %add3A_128 : i32 to index
          %get3A_191 = arith.index_cast %mul3A_189 : i32 to index
          %get3A_192 = tpu.vector_load %arg12[%get3A_190, %get3A_191] {strides = array<i32>} : memref<25x80xf32, #tpu.memory_space<vmem>>, vector<16xf32>,
          %gather3A = tpu.vector_load_idx %arg9[%get3A_187] : memref<10240xf32, #tpu.memory_space<vmem>>[vector<16xi32>], vector<16xf32>,
          %mul3A_193 = arith.mulf %get3A_192, %gather3A : vector<16xf32>
          %mul3A_194 = arith.constant 16 : i32
          %mul3A_195 = arith.muli %scan3A_182, %mul3A_194 : i32
          %swap3A = arith.index_cast %add3A_128 : i32 to index
          %swap3A_196 = arith.index_cast %mul3A_195 : i32 to index
          %swap3A_197 = tpu.vector_load %arg12[%swap3A, %swap3A_196] {strides = array<i32>} : memref<25x80xf32, #tpu.memory_space<vmem>>, vector<16xf32>,
          tpu.vector_store %arg12[%swap3A, %swap3A_196], %mul3A_193 {strides = array<i32>} : memref<25x80xf32, #tpu.memory_space<vmem>>, vector<16xf32>,
          %mul3A_198 = arith.constant 16 : i32
          %mul3A_199 = arith.muli %scan3A_182, %mul3A_198 : i32
          %get3A_200 = arith.index_cast %add3A_128 : i32 to index
          %get3A_201 = arith.index_cast %mul3A_199 : i32 to index
          %get3A_202 = tpu.vector_load %arg10[%get3A_200, %get3A_201] {strides = array<i32>} : memref<25x80xi32, #tpu.memory_space<vmem>>, vector<16xi32>,
          %add3A_203 = vector.broadcast %mul3A_4 : i32 to vector<16xi32>
          %add3A_204 = arith.addi %get3A_202, %add3A_203 : vector<16xi32>
          %mul3A_205 = arith.constant 16 : i32
          %mul3A_206 = arith.muli %scan3A_182, %mul3A_205 : i32
          %swap3A_207 = arith.index_cast %add3A_128 : i32 to index
          %swap3A_208 = arith.index_cast %mul3A_206 : i32 to index
          %swap3A_209 = tpu.vector_load %arg13[%swap3A_207, %swap3A_208] {strides = array<i32>} : memref<25x80xi32, #tpu.memory_space<vmem>>, vector<16xi32>,
          tpu.vector_store %arg13[%swap3A_207, %swap3A_208], %add3A_204 {strides = array<i32>} : memref<25x80xi32, #tpu.memory_space<vmem>>, vector<16xi32>,
          %scan3A_210 = arith.constant 0 : i32
          scf.yield %scan3A_210 : i32
        }
        %scan3A_161 = arith.constant 5 : i32
        %dma_start3A_162 = arith.constant 0 : i32
        %dma_start3A_163 = tpu.memref_slice %arg13[%add3A_128, %dma_start3A_162] : memref<25x80xi32, #tpu.memory_space<vmem>> -> memref<1x80xi32, #tpu.memory_space<vmem>>
        %dma_start3A_164 = tpu.memref_squeeze %dma_start3A_163 : memref<1x80xi32, #tpu.memory_space<vmem>> -> memref<80xi32, #tpu.memory_space<vmem>>
        %dma_start3A_165 = arith.constant 0 : i32
        %dma_start3A_166 = arith.constant 0 : i32
        %dma_start3A_167 = tpu.memref_slice %arg6[%dma_start3A_165, %dma_start3A_166] : memref<40000x128xf32, #tpu.memory_space<hbm>> -> memref<40000x128xf32, #tpu.memory_space<hbm>>
        tpu.enqueue_indirect_dma source(%dma_start3A_167 : memref<40000x128xf32, #tpu.memory_space<hbm>>) target(%arg14 : memref<80x128xf32, #tpu.memory_space<vmem>>) offsets(%dma_start3A_164 : memref<80xi32, #tpu.memory_space<vmem>>) semaphore(%arg16 : memref<!tpu.dma_semaphore, #tpu.memory_space<semaphore_mem>>)
        %dma_wait3A_168 = arith.constant 0 : i32
        %dma_wait3A_169 = tpu.memref_slice %arg13[%add3A_124, %dma_wait3A_168] : memref<25x80xi32, #tpu.memory_space<vmem>> -> memref<1x80xi32, #tpu.memory_space<vmem>>
        %dma_wait3A_170 = tpu.memref_squeeze %dma_wait3A_169 : memref<1x80xi32, #tpu.memory_space<vmem>> -> memref<80xi32, #tpu.memory_space<vmem>>
        %dma_wait3A_171 = arith.constant 0 : i32
        %dma_wait3A_172 = arith.constant 0 : i32
        %dma_wait3A_173 = tpu.memref_slice %arg6[%dma_wait3A_171, %dma_wait3A_172] : memref<40000x128xf32, #tpu.memory_space<hbm>> -> memref<40000x128xf32, #tpu.memory_space<hbm>>
        tpu.wait_indirect_dma semaphore(%arg17 : memref<!tpu.dma_semaphore, #tpu.memory_space<semaphore_mem>>) src(%dma_wait3A_173 : memref<40000x128xf32, #tpu.memory_space<hbm>>) dst(%arg15 : memref<80x128xf32, #tpu.memory_space<vmem>>)
        %scan3A_174 = arith.constant 0 : i32
        %scan3A_175 = arith.constant 0 : i32
        %scan3A_176 = arith.constant 80 : i32
        %scan3A_177 = arith.addi %scan3A_175, %scan3A_176 : i32
        %scan3A_178 = arith.constant 1 : i32
        %scan3A_179 = scf.for %scan3A_182 = %scan3A_175 to %scan3A_177 step %scan3A_178 iter_args(%scan3A_183 = %scan3A_174) -> (i32)  : i32 {
          %broadcast_in_dim3A_184 = vector.broadcast %add3A_124 : i32 to vector<16xi32>
          %broadcast_in_dim3A_185 = vector.broadcast %scan3A_182 : i32 to vector<16xi32>
          %gather3A = tpu.vector_load_idx %arg12[%broadcast_in_dim3A_184, %broadcast_in_dim3A_185] : memref<25x80xf32, #tpu.memory_space<vmem>>[vector<16xi32>, vector<16xi32>], vector<16xf32>,
          %get3A = arith.index_cast %scan3A_182 : i32 to index
          %get3A_186 = arith.constant 0 : index
          %get3A_187 = tpu.vector_load %arg15[%get3A, %get3A_186] {strides = array<i32>} : memref<80x128xf32, #tpu.memory_space<vmem>>, vector<16xf32>,
          %mul3A_188 = arith.mulf %get3A_187, %gather3A : vector<16xf32>
          %swap3A = arith.index_cast %scan3A_182 : i32 to index
          %swap3A_189 = arith.constant 0 : index
          %swap3A_190 = tpu.vector_load %arg15[%swap3A, %swap3A_189] {strides = array<i32>} : memref<80x128xf32, #tpu.memory_space<vmem>>, vector<16xf32>,
          tpu.vector_store %arg15[%swap3A, %swap3A_189], %mul3A_188 {strides = array<i32>} : memref<80x128xf32, #tpu.memory_space<vmem>>, vector<16xf32>,
          %get3A_191 = arith.index_cast %scan3A_182 : i32 to index
          %get3A_192 = arith.constant 16 : index
          %get3A_193 = tpu.vector_load %arg15[%get3A_191, %get3A_192] {strides = array<i32>} : memref<80x128xf32, #tpu.memory_space<vmem>>, vector<16xf32>,
          %mul3A_194 = arith.mulf %get3A_193, %gather3A : vector<16xf32>
          %swap3A_195 = arith.index_cast %scan3A_182 : i32 to index
          %swap3A_196 = arith.constant 16 : index
          %swap3A_197 = tpu.vector_load %arg15[%swap3A_195, %swap3A_196] {strides = array<i32>} : memref<80x128xf32, #tpu.memory_space<vmem>>, vector<16xf32>,
          tpu.vector_store %arg15[%swap3A_195, %swap3A_196], %mul3A_194 {strides = array<i32>} : memref<80x128xf32, #tpu.memory_space<vmem>>, vector<16xf32>,
          %get3A_198 = arith.index_cast %scan3A_182 : i32 to index
          %get3A_199 = arith.constant 32 : index
          %get3A_200 = tpu.vector_load %arg15[%get3A_198, %get3A_199] {strides = array<i32>} : memref<80x128xf32, #tpu.memory_space<vmem>>, vector<16xf32>,
          %mul3A_201 = arith.mulf %get3A_200, %gather3A : vector<16xf32>
          %swap3A_202 = arith.index_cast %scan3A_182 : i32 to index
          %swap3A_203 = arith.constant 32 : index
          %swap3A_204 = tpu.vector_load %arg15[%swap3A_202, %swap3A_203] {strides = array<i32>} : memref<80x128xf32, #tpu.memory_space<vmem>>, vector<16xf32>,
          tpu.vector_store %arg15[%swap3A_202, %swap3A_203], %mul3A_201 {strides = array<i32>} : memref<80x128xf32, #tpu.memory_space<vmem>>, vector<16xf32>,
          %get3A_205 = arith.index_cast %scan3A_182 : i32 to index
          %get3A_206 = arith.constant 48 : index
          %get3A_207 = tpu.vector_load %arg15[%get3A_205, %get3A_206] {strides = array<i32>} : memref<80x128xf32, #tpu.memory_space<vmem>>, vector<16xf32>,
          %mul3A_208 = arith.mulf %get3A_207, %gather3A : vector<16xf32>
          %swap3A_209 = arith.index_cast %scan3A_182 : i32 to index
          %swap3A_210 = arith.constant 48 : index
          %swap3A_211 = tpu.vector_load %arg15[%swap3A_209, %swap3A_210] {strides = array<i32>} : memref<80x128xf32, #tpu.memory_space<vmem>>, vector<16xf32>,
          tpu.vector_store %arg15[%swap3A_209, %swap3A_210], %mul3A_208 {strides = array<i32>} : memref<80x128xf32, #tpu.memory_space<vmem>>, vector<16xf32>,
          %get3A_212 = arith.index_cast %scan3A_182 : i32 to index
          %get3A_213 = arith.constant 64 : index
          %get3A_214 = tpu.vector_load %arg15[%get3A_212, %get3A_213] {strides = array<i32>} : memref<80x128xf32, #tpu.memory_space<vmem>>, vector<16xf32>,
          %mul3A_215 = arith.mulf %get3A_214, %gather3A : vector<16xf32>
          %swap3A_216 = arith.index_cast %scan3A_182 : i32 to index
          %swap3A_217 = arith.constant 64 : index
          %swap3A_218 = tpu.vector_load %arg15[%swap3A_216, %swap3A_217] {strides = array<i32>} : memref<80x128xf32, #tpu.memory_space<vmem>>, vector<16xf32>,
          tpu.vector_store %arg15[%swap3A_216, %swap3A_217], %mul3A_215 {strides = array<i32>} : memref<80x128xf32, #tpu.memory_space<vmem>>, vector<16xf32>,
          %get3A_219 = arith.index_cast %scan3A_182 : i32 to index
          %get3A_220 = arith.constant 80 : index
          %get3A_221 = tpu.vector_load %arg15[%get3A_219, %get3A_220] {strides = array<i32>} : memref<80x128xf32, #tpu.memory_space<vmem>>, vector<16xf32>,
          %mul3A_222 = arith.mulf %get3A_221, %gather3A : vector<16xf32>
          %swap3A_223 = arith.index_cast %scan3A_182 : i32 to index
          %swap3A_224 = arith.constant 80 : index
          %swap3A_225 = tpu.vector_load %arg15[%swap3A_223, %swap3A_224] {strides = array<i32>} : memref<80x128xf32, #tpu.memory_space<vmem>>, vector<16xf32>,
          tpu.vector_store %arg15[%swap3A_223, %swap3A_224], %mul3A_222 {strides = array<i32>} : memref<80x128xf32, #tpu.memory_space<vmem>>, vector<16xf32>,
          %get3A_226 = arith.index_cast %scan3A_182 : i32 to index
          %get3A_227 = arith.constant 96 : index
          %get3A_228 = tpu.vector_load %arg15[%get3A_226, %get3A_227] {strides = array<i32>} : memref<80x128xf32, #tpu.memory_space<vmem>>, vector<16xf32>,
          %mul3A_229 = arith.mulf %get3A_228, %gather3A : vector<16xf32>
          %swap3A_230 = arith.index_cast %scan3A_182 : i32 to index
          %swap3A_231 = arith.constant 96 : index
          %swap3A_232 = tpu.vector_load %arg15[%swap3A_230, %swap3A_231] {strides = array<i32>} : memref<80x128xf32, #tpu.memory_space<vmem>>, vector<16xf32>,
          tpu.vector_store %arg15[%swap3A_230, %swap3A_231], %mul3A_229 {strides = array<i32>} : memref<80x128xf32, #tpu.memory_space<vmem>>, vector<16xf32>,
          %get3A_233 = arith.index_cast %scan3A_182 : i32 to index
          %get3A_234 = arith.constant 112 : index
          %get3A_235 = tpu.vector_load %arg15[%get3A_233, %get3A_234] {strides = array<i32>} : memref<80x128xf32, #tpu.memory_space<vmem>>, vector<16xf32>,
          %mul3A_236 = arith.mulf %get3A_235, %gather3A : vector<16xf32>
          %swap3A_237 = arith.index_cast %scan3A_182 : i32 to index
          %swap3A_238 = arith.constant 112 : index
          %swap3A_239 = tpu.vector_load %arg15[%swap3A_237, %swap3A_238] {strides = array<i32>} : memref<80x128xf32, #tpu.memory_space<vmem>>, vector<16xf32>,
          tpu.vector_store %arg15[%swap3A_237, %swap3A_238], %mul3A_236 {strides = array<i32>} : memref<80x128xf32, #tpu.memory_space<vmem>>, vector<16xf32>,
          %scan3A_240 = arith.constant 0 : i32
          scf.yield %scan3A_240 : i32
        }
        %scan3A_180 = arith.constant 80 : i32
        "tpu.region"() ({
          %run_scoped3A_182 = tpu.sem_alloc : memref<!tpu.dma_semaphore, #tpu.memory_space<semaphore_mem>>
          %dma_start3A_183 = arith.constant 0 : i32
          %dma_start3A_184 = tpu.memref_slice %arg11[%add3A_124, %dma_start3A_183] : memref<25x80xi32, #tpu.memory_space<vmem>> -> memref<1x80xi32, #tpu.memory_space<vmem>>
          %dma_start3A_185 = tpu.memref_squeeze %dma_start3A_184 : memref<1x80xi32, #tpu.memory_space<vmem>> -> memref<80xi32, #tpu.memory_space<vmem>>
          %dma_start3A_186 = arith.constant 0 : i32
          %dma_start3A_187 = arith.constant 0 : i32
          %dma_start3A_188 = tpu.memref_slice %arg8[%dma_start3A_186, %dma_start3A_187] : memref<10240x128xf32, #tpu.memory_space<vmem_shared>> -> memref<10240x128xf32, #tpu.memory_space<vmem_shared>>
          tpu.enqueue_indirect_dma source(%arg15 : memref<80x128xf32, #tpu.memory_space<vmem>>) target(%dma_start3A_188 : memref<10240x128xf32, #tpu.memory_space<vmem_shared>>) offsets(%dma_start3A_185 : memref<80xi32, #tpu.memory_space<vmem>>) semaphore(%run_scoped3A_182 : memref<!tpu.dma_semaphore, #tpu.memory_space<semaphore_mem>>) {add = true}
          %dma_wait3A_189 = arith.constant 0 : i32
          %dma_wait3A_190 = tpu.memref_slice %arg11[%add3A_124, %dma_wait3A_189] : memref<25x80xi32, #tpu.memory_space<vmem>> -> memref<1x80xi32, #tpu.memory_space<vmem>>
          %dma_wait3A_191 = tpu.memref_squeeze %dma_wait3A_190 : memref<1x80xi32, #tpu.memory_space<vmem>> -> memref<80xi32, #tpu.memory_space<vmem>>
          %dma_wait3A_192 = arith.constant 0 : i32
          %dma_wait3A_193 = arith.constant 0 : i32
          %dma_wait3A_194 = tpu.memref_slice %arg8[%dma_wait3A_192, %dma_wait3A_193] : memref<10240x128xf32, #tpu.memory_space<vmem_shared>> -> memref<10240x128xf32, #tpu.memory_space<vmem_shared>>
          tpu.wait_indirect_dma semaphore(%run_scoped3A_182 : memref<!tpu.dma_semaphore, #tpu.memory_space<semaphore_mem>>) src(%arg15 : memref<80x128xf32, #tpu.memory_space<vmem>>) dst(%dma_wait3A_194 : memref<10240x128xf32, #tpu.memory_space<vmem_shared>>)
          tpu.yield
        }) : () -> ()
        %scan3A_181 = arith.constant 0 : i32
        scf.yield %scan3A_181 : i32
      }
      %scan3A_102 = arith.constant 12 : i32
      %dma_wait3A = arith.constant 24 : i32
      %dma_wait3A_103 = arith.constant 0 : i32
      %dma_wait3A_104 = tpu.memref_slice %arg13[%dma_wait3A, %dma_wait3A_103] : memref<25x80xi32, #tpu.memory_space<vmem>> -> memref<1x80xi32, #tpu.memory_space<vmem>>
      %dma_wait3A_105 = tpu.memref_squeeze %dma_wait3A_104 : memref<1x80xi32, #tpu.memory_space<vmem>> -> memref<80xi32, #tpu.memory_space<vmem>>
      %dma_wait3A_106 = arith.constant 0 : i32
      %dma_wait3A_107 = arith.constant 0 : i32
      %dma_wait3A_108 = tpu.memref_slice %arg6[%dma_wait3A_106, %dma_wait3A_107] : memref<40000x128xf32, #tpu.memory_space<hbm>> -> memref<40000x128xf32, #tpu.memory_space<hbm>>
      tpu.wait_indirect_dma semaphore(%arg16 : memref<!tpu.dma_semaphore, #tpu.memory_space<semaphore_mem>>) src(%dma_wait3A_108 : memref<40000x128xf32, #tpu.memory_space<hbm>>) dst(%arg14 : memref<80x128xf32, #tpu.memory_space<vmem>>)
      %scan3A_109 = arith.constant 0 : i32
      %scan3A_110 = arith.constant 0 : i32
      %scan3A_111 = arith.constant 80 : i32
      %scan3A_112 = arith.addi %scan3A_110, %scan3A_111 : i32
      %scan3A_113 = arith.constant 1 : i32
      %scan3A_114 = scf.for %scan3A_117 = %scan3A_110 to %scan3A_112 step %scan3A_113 iter_args(%scan3A_118 = %scan3A_109) -> (i32)  : i32 {
        %broadcast_in_dim3A_119 = arith.constant 24 : i32
        %broadcast_in_dim3A_120 = vector.broadcast %broadcast_in_dim3A_119 : i32 to vector<16xi32>
        %broadcast_in_dim3A_121 = vector.broadcast %scan3A_117 : i32 to vector<16xi32>
        %gather3A = tpu.vector_load_idx %arg12[%broadcast_in_dim3A_120, %broadcast_in_dim3A_121] : memref<25x80xf32, #tpu.memory_space<vmem>>[vector<16xi32>, vector<16xi32>], vector<16xf32>,
        %get3A = arith.index_cast %scan3A_117 : i32 to index
        %get3A_122 = arith.constant 0 : index
        %get3A_123 = tpu.vector_load %arg14[%get3A, %get3A_122] {strides = array<i32>} : memref<80x128xf32, #tpu.memory_space<vmem>>, vector<16xf32>,
        %mul3A_124 = arith.mulf %get3A_123, %gather3A : vector<16xf32>
        %swap3A = arith.index_cast %scan3A_117 : i32 to index
        %swap3A_125 = arith.constant 0 : index
        %swap3A_126 = tpu.vector_load %arg14[%swap3A, %swap3A_125] {strides = array<i32>} : memref<80x128xf32, #tpu.memory_space<vmem>>, vector<16xf32>,
        tpu.vector_store %arg14[%swap3A, %swap3A_125], %mul3A_124 {strides = array<i32>} : memref<80x128xf32, #tpu.memory_space<vmem>>, vector<16xf32>,
        %get3A_127 = arith.index_cast %scan3A_117 : i32 to index
        %get3A_128 = arith.constant 16 : index
        %get3A_129 = tpu.vector_load %arg14[%get3A_127, %get3A_128] {strides = array<i32>} : memref<80x128xf32, #tpu.memory_space<vmem>>, vector<16xf32>,
        %mul3A_130 = arith.mulf %get3A_129, %gather3A : vector<16xf32>
        %swap3A_131 = arith.index_cast %scan3A_117 : i32 to index
        %swap3A_132 = arith.constant 16 : index
        %swap3A_133 = tpu.vector_load %arg14[%swap3A_131, %swap3A_132] {strides = array<i32>} : memref<80x128xf32, #tpu.memory_space<vmem>>, vector<16xf32>,
        tpu.vector_store %arg14[%swap3A_131, %swap3A_132], %mul3A_130 {strides = array<i32>} : memref<80x128xf32, #tpu.memory_space<vmem>>, vector<16xf32>,
        %get3A_134 = arith.index_cast %scan3A_117 : i32 to index
        %get3A_135 = arith.constant 32 : index
        %get3A_136 = tpu.vector_load %arg14[%get3A_134, %get3A_135] {strides = array<i32>} : memref<80x128xf32, #tpu.memory_space<vmem>>, vector<16xf32>,
        %mul3A_137 = arith.mulf %get3A_136, %gather3A : vector<16xf32>
        %swap3A_138 = arith.index_cast %scan3A_117 : i32 to index
        %swap3A_139 = arith.constant 32 : index
        %swap3A_140 = tpu.vector_load %arg14[%swap3A_138, %swap3A_139] {strides = array<i32>} : memref<80x128xf32, #tpu.memory_space<vmem>>, vector<16xf32>,
        tpu.vector_store %arg14[%swap3A_138, %swap3A_139], %mul3A_137 {strides = array<i32>} : memref<80x128xf32, #tpu.memory_space<vmem>>, vector<16xf32>,
        %get3A_141 = arith.index_cast %scan3A_117 : i32 to index
        %get3A_142 = arith.constant 48 : index
        %get3A_143 = tpu.vector_load %arg14[%get3A_141, %get3A_142] {strides = array<i32>} : memref<80x128xf32, #tpu.memory_space<vmem>>, vector<16xf32>,
        %mul3A_144 = arith.mulf %get3A_143, %gather3A : vector<16xf32>
        %swap3A_145 = arith.index_cast %scan3A_117 : i32 to index
        %swap3A_146 = arith.constant 48 : index
        %swap3A_147 = tpu.vector_load %arg14[%swap3A_145, %swap3A_146] {strides = array<i32>} : memref<80x128xf32, #tpu.memory_space<vmem>>, vector<16xf32>,
        tpu.vector_store %arg14[%swap3A_145, %swap3A_146], %mul3A_144 {strides = array<i32>} : memref<80x128xf32, #tpu.memory_space<vmem>>, vector<16xf32>,
        %get3A_148 = arith.index_cast %scan3A_117 : i32 to index
        %get3A_149 = arith.constant 64 : index
        %get3A_150 = tpu.vector_load %arg14[%get3A_148, %get3A_149] {strides = array<i32>} : memref<80x128xf32, #tpu.memory_space<vmem>>, vector<16xf32>,
        %mul3A_151 = arith.mulf %get3A_150, %gather3A : vector<16xf32>
        %swap3A_152 = arith.index_cast %scan3A_117 : i32 to index
        %swap3A_153 = arith.constant 64 : index
        %swap3A_154 = tpu.vector_load %arg14[%swap3A_152, %swap3A_153] {strides = array<i32>} : memref<80x128xf32, #tpu.memory_space<vmem>>, vector<16xf32>,
        tpu.vector_store %arg14[%swap3A_152, %swap3A_153], %mul3A_151 {strides = array<i32>} : memref<80x128xf32, #tpu.memory_space<vmem>>, vector<16xf32>,
        %get3A_155 = arith.index_cast %scan3A_117 : i32 to index
        %get3A_156 = arith.constant 80 : index
        %get3A_157 = tpu.vector_load %arg14[%get3A_155, %get3A_156] {strides = array<i32>} : memref<80x128xf32, #tpu.memory_space<vmem>>, vector<16xf32>,
        %mul3A_158 = arith.mulf %get3A_157, %gather3A : vector<16xf32>
        %swap3A_159 = arith.index_cast %scan3A_117 : i32 to index
        %swap3A_160 = arith.constant 80 : index
        %swap3A_161 = tpu.vector_load %arg14[%swap3A_159, %swap3A_160] {strides = array<i32>} : memref<80x128xf32, #tpu.memory_space<vmem>>, vector<16xf32>,
        tpu.vector_store %arg14[%swap3A_159, %swap3A_160], %mul3A_158 {strides = array<i32>} : memref<80x128xf32, #tpu.memory_space<vmem>>, vector<16xf32>,
        %get3A_162 = arith.index_cast %scan3A_117 : i32 to index
        %get3A_163 = arith.constant 96 : index
        %get3A_164 = tpu.vector_load %arg14[%get3A_162, %get3A_163] {strides = array<i32>} : memref<80x128xf32, #tpu.memory_space<vmem>>, vector<16xf32>,
        %mul3A_165 = arith.mulf %get3A_164, %gather3A : vector<16xf32>
        %swap3A_166 = arith.index_cast %scan3A_117 : i32 to index
        %swap3A_167 = arith.constant 96 : index
        %swap3A_168 = tpu.vector_load %arg14[%swap3A_166, %swap3A_167] {strides = array<i32>} : memref<80x128xf32, #tpu.memory_space<vmem>>, vector<16xf32>,
        tpu.vector_store %arg14[%swap3A_166, %swap3A_167], %mul3A_165 {strides = array<i32>} : memref<80x128xf32, #tpu.memory_space<vmem>>, vector<16xf32>,
        %get3A_169 = arith.index_cast %scan3A_117 : i32 to index
        %get3A_170 = arith.constant 112 : index
        %get3A_171 = tpu.vector_load %arg14[%get3A_169, %get3A_170] {strides = array<i32>} : memref<80x128xf32, #tpu.memory_space<vmem>>, vector<16xf32>,
        %mul3A_172 = arith.mulf %get3A_171, %gather3A : vector<16xf32>
        %swap3A_173 = arith.index_cast %scan3A_117 : i32 to index
        %swap3A_174 = arith.constant 112 : index
        %swap3A_175 = tpu.vector_load %arg14[%swap3A_173, %swap3A_174] {strides = array<i32>} : memref<80x128xf32, #tpu.memory_space<vmem>>, vector<16xf32>,
        tpu.vector_store %arg14[%swap3A_173, %swap3A_174], %mul3A_172 {strides = array<i32>} : memref<80x128xf32, #tpu.memory_space<vmem>>, vector<16xf32>,
        %scan3A_176 = arith.constant 0 : i32
        scf.yield %scan3A_176 : i32
      }
      %scan3A_115 = arith.constant 80 : i32
      %run_scoped3A = arith.constant 24 : i32
      "tpu.region"() ({
        %run_scoped3A_117 = tpu.sem_alloc : memref<!tpu.dma_semaphore, #tpu.memory_space<semaphore_mem>>
        %dma_start3A_118 = arith.constant 0 : i32
        %dma_start3A_119 = tpu.memref_slice %arg11[%run_scoped3A, %dma_start3A_118] : memref<25x80xi32, #tpu.memory_space<vmem>> -> memref<1x80xi32, #tpu.memory_space<vmem>>
        %dma_start3A_120 = tpu.memref_squeeze %dma_start3A_119 : memref<1x80xi32, #tpu.memory_space<vmem>> -> memref<80xi32, #tpu.memory_space<vmem>>
        %dma_start3A_121 = arith.constant 0 : i32
        %dma_start3A_122 = arith.constant 0 : i32
        %dma_start3A_123 = tpu.memref_slice %arg8[%dma_start3A_121, %dma_start3A_122] : memref<10240x128xf32, #tpu.memory_space<vmem_shared>> -> memref<10240x128xf32, #tpu.memory_space<vmem_shared>>
        tpu.enqueue_indirect_dma source(%arg14 : memref<80x128xf32, #tpu.memory_space<vmem>>) target(%dma_start3A_123 : memref<10240x128xf32, #tpu.memory_space<vmem_shared>>) offsets(%dma_start3A_120 : memref<80xi32, #tpu.memory_space<vmem>>) semaphore(%run_scoped3A_117 : memref<!tpu.dma_semaphore, #tpu.memory_space<semaphore_mem>>) {add = true}
        %dma_wait3A_124 = arith.constant 0 : i32
        %dma_wait3A_125 = tpu.memref_slice %arg11[%run_scoped3A, %dma_wait3A_124] : memref<25x80xi32, #tpu.memory_space<vmem>> -> memref<1x80xi32, #tpu.memory_space<vmem>>
        %dma_wait3A_126 = tpu.memref_squeeze %dma_wait3A_125 : memref<1x80xi32, #tpu.memory_space<vmem>> -> memref<80xi32, #tpu.memory_space<vmem>>
        %dma_wait3A_127 = arith.constant 0 : i32
        %dma_wait3A_128 = arith.constant 0 : i32
        %dma_wait3A_129 = tpu.memref_slice %arg8[%dma_wait3A_127, %dma_wait3A_128] : memref<10240x128xf32, #tpu.memory_space<vmem_shared>> -> memref<10240x128xf32, #tpu.memory_space<vmem_shared>>
        tpu.wait_indirect_dma semaphore(%run_scoped3A_117 : memref<!tpu.dma_semaphore, #tpu.memory_space<semaphore_mem>>) src(%arg14 : memref<80x128xf32, #tpu.memory_space<vmem>>) dst(%dma_wait3A_129 : memref<10240x128xf32, #tpu.memory_space<vmem_shared>>)
        tpu.yield
      }) : () -> ()
      %scan3A_116 = arith.constant 0 : i32
      scf.yield %scan3A_116 : i32
    }
    %scan3A_26 = arith.constant 10 : i32
    %barrier3A_27 = arith.constant 0 : index
    tpu.barrier barrier_id(%barrier3A_27)
    %scan3A_28 = arith.constant 0 : i32
    %scan3A_29 = arith.constant 0 : i32
    %scan3A_30 = arith.constant 8 : i32
    %scan3A_31 = arith.addi %scan3A_29, %scan3A_30 : i32
    %scan3A_32 = arith.constant 1 : i32
    %scan3A_33 = scf.for %scan3A_73 = %scan3A_29 to %scan3A_31 step %scan3A_32 iter_args(%scan3A_74 = %scan3A_28) -> (i32)  : i32 {
      %mul3A_75 = arith.constant 640 : i32
      %mul3A_76 = arith.muli %arg1, %mul3A_75 : i32
      %mul3A_77 = arith.constant 80 : i32
      %mul3A_78 = arith.muli %scan3A_73, %mul3A_77 : i32
      %add3A_79 = arith.addi %mul3A_76, %mul3A_78 : i32
      "tpu.region"() ({
        %run_scoped3A = tpu.sem_alloc : memref<!tpu.dma_semaphore, #tpu.memory_space<semaphore_mem>>
        %dma_start3A = arith.constant 0 : i32
        %dma_start3A_84 = tpu.memref_slice %arg8[%add3A_79, %dma_start3A] : memref<10240x128xf32, #tpu.memory_space<vmem_shared>> -> memref<80x128xf32, #tpu.memory_space<vmem_shared>>
        %dma_start3A_85 = arith.constant 0 : i32
        %dma_start3A_86 = tpu.memref_slice %arg8[%add3A_79, %dma_start3A_85] : memref<10240x128xf32, #tpu.memory_space<vmem_shared>> -> memref<80x128xf32, #tpu.memory_space<vmem_shared>>
        tpu.enqueue_dma source(%dma_start3A_86 : memref<80x128xf32, #tpu.memory_space<vmem_shared>>) target(%arg14 : memref<80x128xf32, #tpu.memory_space<vmem>>) target_semaphore(%run_scoped3A : memref<!tpu.dma_semaphore, #tpu.memory_space<semaphore_mem>>)
        %dma_wait3A = arith.constant 0 : i32
        %dma_wait3A_87 = tpu.memref_slice %arg8[%add3A_79, %dma_wait3A] : memref<10240x128xf32, #tpu.memory_space<vmem_shared>> -> memref<80x128xf32, #tpu.memory_space<vmem_shared>>
        %dma_wait3A_88 = arith.constant 0 : i32
        %dma_wait3A_89 = tpu.memref_slice %arg8[%add3A_79, %dma_wait3A_88] : memref<10240x128xf32, #tpu.memory_space<vmem_shared>> -> memref<80x128xf32, #tpu.memory_space<vmem_shared>>
        tpu.wait_dma2 semaphore(%run_scoped3A : memref<!tpu.dma_semaphore, #tpu.memory_space<semaphore_mem>>) src(%dma_wait3A_89 : memref<80x128xf32, #tpu.memory_space<vmem_shared>>) dst(%arg14 : memref<80x128xf32, #tpu.memory_space<vmem>>)
        tpu.yield
      }) : () -> ()
      %mul3A_80 = arith.constant 10240 : i32
      %mul3A_81 = arith.muli %add3A_2, %mul3A_80 : i32
      %add3A_82 = arith.addi %mul3A_81, %add3A_79 : i32
      "tpu.region"() ({
        %run_scoped3A = tpu.sem_alloc : memref<!tpu.dma_semaphore, #tpu.memory_space<semaphore_mem>>
        %dma_start3A = arith.constant 0 : i32
        %dma_start3A_84 = tpu.memref_slice %arg7[%add3A_82, %dma_start3A] : memref<40960x128xf32, #tpu.memory_space<hbm>> -> memref<80x128xf32, #tpu.memory_space<hbm>>
        %dma_start3A_85 = arith.constant 0 : i32
        %dma_start3A_86 = tpu.memref_slice %arg7[%add3A_82, %dma_start3A_85] : memref<40960x128xf32, #tpu.memory_space<hbm>> -> memref<80x128xf32, #tpu.memory_space<hbm>>
        tpu.enqueue_dma source(%arg14 : memref<80x128xf32, #tpu.memory_space<vmem>>) target(%dma_start3A_86 : memref<80x128xf32, #tpu.memory_space<hbm>>) target_semaphore(%run_scoped3A : memref<!tpu.dma_semaphore, #tpu.memory_space<semaphore_mem>>)
        %dma_wait3A = arith.constant 0 : i32
        %dma_wait3A_87 = tpu.memref_slice %arg7[%add3A_82, %dma_wait3A] : memref<40960x128xf32, #tpu.memory_space<hbm>> -> memref<80x128xf32, #tpu.memory_space<hbm>>
        %dma_wait3A_88 = arith.constant 0 : i32
        %dma_wait3A_89 = tpu.memref_slice %arg7[%add3A_82, %dma_wait3A_88] : memref<40960x128xf32, #tpu.memory_space<hbm>> -> memref<80x128xf32, #tpu.memory_space<hbm>>
        tpu.wait_dma2 semaphore(%run_scoped3A : memref<!tpu.dma_semaphore, #tpu.memory_space<semaphore_mem>>) src(%arg14 : memref<80x128xf32, #tpu.memory_space<vmem>>) dst(%dma_wait3A_89 : memref<80x128xf32, #tpu.memory_space<hbm>>)
        tpu.yield
      }) : () -> ()
      %scan3A_83 = arith.constant 0 : i32
      scf.yield %scan3A_83 : i32
    }
    %scan3A_34 = arith.constant 8 : i32
    %mul3A_35 = arith.constant 2 : i32
    %mul3A_36 = arith.muli %mul3A_35, %arg0 : i32
    %add3A_37 = arith.constant 1 : i32
    %add3A_38 = arith.addi %mul3A_36, %add3A_37 : i32
    %mul3A_39 = arith.constant 10000 : i32
    %mul3A_40 = arith.muli %add3A_38, %mul3A_39 : i32
    %mul3A_41 = arith.constant 10240 : i32
    %mul3A_42 = arith.muli %add3A_38, %mul3A_41 : i32
    "tpu.region"() ({
      %run_scoped3A = tpu.sem_alloc : memref<!tpu.dma_semaphore, #tpu.memory_space<semaphore_mem>>
      %dma_start3A = tpu.memref_slice %arg2[%mul3A_42] : memref<40960xf32, #tpu.memory_space<hbm>> -> memref<10240xf32, #tpu.memory_space<hbm>>
      %dma_start3A_73 = tpu.memref_slice %arg2[%mul3A_42] : memref<40960xf32, #tpu.memory_space<hbm>> -> memref<10240xf32, #tpu.memory_space<hbm>>
      tpu.enqueue_dma source(%dma_start3A_73 : memref<10240xf32, #tpu.memory_space<hbm>>) target(%arg9 : memref<10240xf32, #tpu.memory_space<vmem>>) target_semaphore(%run_scoped3A : memref<!tpu.dma_semaphore, #tpu.memory_space<semaphore_mem>>)
      %dma_wait3A = tpu.memref_slice %arg2[%mul3A_42] : memref<40960xf32, #tpu.memory_space<hbm>> -> memref<10240xf32, #tpu.memory_space<hbm>>
      %dma_wait3A_74 = tpu.memref_slice %arg2[%mul3A_42] : memref<40960xf32, #tpu.memory_space<hbm>> -> memref<10240xf32, #tpu.memory_space<hbm>>
      tpu.wait_dma2 semaphore(%run_scoped3A : memref<!tpu.dma_semaphore, #tpu.memory_space<semaphore_mem>>) src(%dma_wait3A_74 : memref<10240xf32, #tpu.memory_space<hbm>>) dst(%arg9 : memref<10240xf32, #tpu.memory_space<vmem>>)
      tpu.yield
    }) : () -> ()
    %scan3A_43 = arith.constant 0 : i32
    %scan3A_44 = arith.constant 0 : i32
    %scan3A_45 = arith.constant 80 : i32
    %scan3A_46 = arith.addi %scan3A_44, %scan3A_45 : i32
    %scan3A_47 = arith.constant 1 : i32
    %scan3A_48 = scf.for %scan3A_73 = %scan3A_44 to %scan3A_46 step %scan3A_47 iter_args(%scan3A_74 = %scan3A_43) -> (i32)  : i32 {
      %swap3A = arith.index_cast %scan3A_73 : i32 to index
      %swap3A_75 = arith.constant 0 : index
      %swap3A_76 = tpu.vector_load %arg14[%swap3A, %swap3A_75] {strides = array<i32>} : memref<80x128xf32, #tpu.memory_space<vmem>>, vector<16xf32>,
      tpu.vector_store %arg14[%swap3A, %swap3A_75], %broadcast_in_dim3A_0 {strides = array<i32>} : memref<80x128xf32, #tpu.memory_space<vmem>>, vector<16xf32>,
      %swap3A_77 = arith.index_cast %scan3A_73 : i32 to index
      %swap3A_78 = arith.constant 16 : index
      %swap3A_79 = tpu.vector_load %arg14[%swap3A_77, %swap3A_78] {strides = array<i32>} : memref<80x128xf32, #tpu.memory_space<vmem>>, vector<16xf32>,
      tpu.vector_store %arg14[%swap3A_77, %swap3A_78], %broadcast_in_dim3A_0 {strides = array<i32>} : memref<80x128xf32, #tpu.memory_space<vmem>>, vector<16xf32>,
      %swap3A_80 = arith.index_cast %scan3A_73 : i32 to index
      %swap3A_81 = arith.constant 32 : index
      %swap3A_82 = tpu.vector_load %arg14[%swap3A_80, %swap3A_81] {strides = array<i32>} : memref<80x128xf32, #tpu.memory_space<vmem>>, vector<16xf32>,
      tpu.vector_store %arg14[%swap3A_80, %swap3A_81], %broadcast_in_dim3A_0 {strides = array<i32>} : memref<80x128xf32, #tpu.memory_space<vmem>>, vector<16xf32>,
      %swap3A_83 = arith.index_cast %scan3A_73 : i32 to index
      %swap3A_84 = arith.constant 48 : index
      %swap3A_85 = tpu.vector_load %arg14[%swap3A_83, %swap3A_84] {strides = array<i32>} : memref<80x128xf32, #tpu.memory_space<vmem>>, vector<16xf32>,
      tpu.vector_store %arg14[%swap3A_83, %swap3A_84], %broadcast_in_dim3A_0 {strides = array<i32>} : memref<80x128xf32, #tpu.memory_space<vmem>>, vector<16xf32>,
      %swap3A_86 = arith.index_cast %scan3A_73 : i32 to index
      %swap3A_87 = arith.constant 64 : index
      %swap3A_88 = tpu.vector_load %arg14[%swap3A_86, %swap3A_87] {strides = array<i32>} : memref<80x128xf32, #tpu.memory_space<vmem>>, vector<16xf32>,
      tpu.vector_store %arg14[%swap3A_86, %swap3A_87], %broadcast_in_dim3A_0 {strides = array<i32>} : memref<80x128xf32, #tpu.memory_space<vmem>>, vector<16xf32>,
      %swap3A_89 = arith.index_cast %scan3A_73 : i32 to index
      %swap3A_90 = arith.constant 80 : index
      %swap3A_91 = tpu.vector_load %arg14[%swap3A_89, %swap3A_90] {strides = array<i32>} : memref<80x128xf32, #tpu.memory_space<vmem>>, vector<16xf32>,
      tpu.vector_store %arg14[%swap3A_89, %swap3A_90], %broadcast_in_dim3A_0 {strides = array<i32>} : memref<80x128xf32, #tpu.memory_space<vmem>>, vector<16xf32>,
      %swap3A_92 = arith.index_cast %scan3A_73 : i32 to index
      %swap3A_93 = arith.constant 96 : index
      %swap3A_94 = tpu.vector_load %arg14[%swap3A_92, %swap3A_93] {strides = array<i32>} : memref<80x128xf32, #tpu.memory_space<vmem>>, vector<16xf32>,
      tpu.vector_store %arg14[%swap3A_92, %swap3A_93], %broadcast_in_dim3A_0 {strides = array<i32>} : memref<80x128xf32, #tpu.memory_space<vmem>>, vector<16xf32>,
      %swap3A_95 = arith.index_cast %scan3A_73 : i32 to index
      %swap3A_96 = arith.constant 112 : index
      %swap3A_97 = tpu.vector_load %arg14[%swap3A_95, %swap3A_96] {strides = array<i32>} : memref<80x128xf32, #tpu.memory_space<vmem>>, vector<16xf32>,
      tpu.vector_store %arg14[%swap3A_95, %swap3A_96], %broadcast_in_dim3A_0 {strides = array<i32>} : memref<80x128xf32, #tpu.memory_space<vmem>>, vector<16xf32>,
      %scan3A_98 = arith.constant 0 : i32
      scf.yield %scan3A_98 : i32
    }
    %scan3A_49 = arith.constant 80 : i32
    %scan3A_50 = arith.constant 0 : i32
    %scan3A_51 = arith.constant 0 : i32
    %scan3A_52 = arith.constant 8 : i32
    %scan3A_53 = arith.addi %scan3A_51, %scan3A_52 : i32
    %scan3A_54 = arith.constant 1 : i32
    %scan3A_55 = scf.for %scan3A_73 = %scan3A_51 to %scan3A_53 step %scan3A_54 iter_args(%scan3A_74 = %scan3A_50) -> (i32)  : i32 {
      %mul3A_75 = arith.constant 640 : i32
      %mul3A_76 = arith.muli %arg1, %mul3A_75 : i32
      %mul3A_77 = arith.constant 80 : i32
      %mul3A_78 = arith.muli %scan3A_73, %mul3A_77 : i32
      %add3A_79 = arith.addi %mul3A_76, %mul3A_78 : i32
      "tpu.region"() ({
        %run_scoped3A = tpu.sem_alloc : memref<!tpu.dma_semaphore, #tpu.memory_space<semaphore_mem>>
        %dma_start3A = arith.constant 0 : i32
        %dma_start3A_81 = tpu.memref_slice %arg8[%add3A_79, %dma_start3A] : memref<10240x128xf32, #tpu.memory_space<vmem_shared>> -> memref<80x128xf32, #tpu.memory_space<vmem_shared>>
        %dma_start3A_82 = arith.constant 0 : i32
        %dma_start3A_83 = tpu.memref_slice %arg8[%add3A_79, %dma_start3A_82] : memref<10240x128xf32, #tpu.memory_space<vmem_shared>> -> memref<80x128xf32, #tpu.memory_space<vmem_shared>>
        tpu.enqueue_dma source(%arg14 : memref<80x128xf32, #tpu.memory_space<vmem>>) target(%dma_start3A_83 : memref<80x128xf32, #tpu.memory_space<vmem_shared>>) target_semaphore(%run_scoped3A : memref<!tpu.dma_semaphore, #tpu.memory_space<semaphore_mem>>)
        %dma_wait3A = arith.constant 0 : i32
        %dma_wait3A_84 = tpu.memref_slice %arg8[%add3A_79, %dma_wait3A] : memref<10240x128xf32, #tpu.memory_space<vmem_shared>> -> memref<80x128xf32, #tpu.memory_space<vmem_shared>>
        %dma_wait3A_85 = arith.constant 0 : i32
        %dma_wait3A_86 = tpu.memref_slice %arg8[%add3A_79, %dma_wait3A_85] : memref<10240x128xf32, #tpu.memory_space<vmem_shared>> -> memref<80x128xf32, #tpu.memory_space<vmem_shared>>
        tpu.wait_dma2 semaphore(%run_scoped3A : memref<!tpu.dma_semaphore, #tpu.memory_space<semaphore_mem>>) src(%arg14 : memref<80x128xf32, #tpu.memory_space<vmem>>) dst(%dma_wait3A_86 : memref<80x128xf32, #tpu.memory_space<vmem_shared>>)
        tpu.yield
      }) : () -> ()
      %scan3A_80 = arith.constant 0 : i32
      scf.yield %scan3A_80 : i32
    }
    %scan3A_56 = arith.constant 8 : i32
    %barrier3A_57 = arith.constant 0 : index
    tpu.barrier barrier_id(%barrier3A_57)
    %scan3A_58 = arith.constant 0 : i32
    %scan3A_59 = arith.constant 0 : i32
    %scan3A_60 = arith.constant 10 : i32
    %scan3A_61 = arith.addi %scan3A_59, %scan3A_60 : i32
    %scan3A_62 = arith.constant 1 : i32
    %scan3A_63 = scf.for %scan3A_73 = %scan3A_59 to %scan3A_61 step %scan3A_62 iter_args(%scan3A_74 = %scan3A_58) -> (i32)  : i32 {
      %mul3A_75 = arith.constant 250 : i32
      %mul3A_76 = arith.muli %arg1, %mul3A_75 : i32
      %mul3A_77 = arith.constant 25 : i32
      %mul3A_78 = arith.muli %scan3A_73, %mul3A_77 : i32
      %add3A_79 = arith.addi %mul3A_76, %mul3A_78 : i32
      "tpu.region"() ({
        %run_scoped3A_117 = tpu.sem_alloc : memref<!tpu.dma_semaphore, #tpu.memory_space<semaphore_mem>>
        %dma_start3A_118 = arith.constant 0 : i32
        %dma_start3A_119 = tpu.memref_slice %arg3[%add3A_79, %dma_start3A_118] : memref<4000x80xi32, #tpu.memory_space<hbm>> -> memref<25x80xi32, #tpu.memory_space<hbm>>
        %dma_start3A_120 = arith.constant 0 : i32
        %dma_start3A_121 = tpu.memref_slice %arg3[%add3A_79, %dma_start3A_120] : memref<4000x80xi32, #tpu.memory_space<hbm>> -> memref<25x80xi32, #tpu.memory_space<hbm>>
        tpu.enqueue_dma source(%dma_start3A_121 : memref<25x80xi32, #tpu.memory_space<hbm>>) target(%arg10 : memref<25x80xi32, #tpu.memory_space<vmem>>) target_semaphore(%run_scoped3A_117 : memref<!tpu.dma_semaphore, #tpu.memory_space<semaphore_mem>>)
        %dma_wait3A_122 = arith.constant 0 : i32
        %dma_wait3A_123 = tpu.memref_slice %arg3[%add3A_79, %dma_wait3A_122] : memref<4000x80xi32, #tpu.memory_space<hbm>> -> memref<25x80xi32, #tpu.memory_space<hbm>>
        %dma_wait3A_124 = arith.constant 0 : i32
        %dma_wait3A_125 = tpu.memref_slice %arg3[%add3A_79, %dma_wait3A_124] : memref<4000x80xi32, #tpu.memory_space<hbm>> -> memref<25x80xi32, #tpu.memory_space<hbm>>
        tpu.wait_dma2 semaphore(%run_scoped3A_117 : memref<!tpu.dma_semaphore, #tpu.memory_space<semaphore_mem>>) src(%dma_wait3A_125 : memref<25x80xi32, #tpu.memory_space<hbm>>) dst(%arg10 : memref<25x80xi32, #tpu.memory_space<vmem>>)
        tpu.yield
      }) : () -> ()
      "tpu.region"() ({
        %run_scoped3A_117 = tpu.sem_alloc : memref<!tpu.dma_semaphore, #tpu.memory_space<semaphore_mem>>
        %dma_start3A_118 = arith.constant 0 : i32
        %dma_start3A_119 = tpu.memref_slice %arg4[%add3A_79, %dma_start3A_118] : memref<4000x80xi32, #tpu.memory_space<hbm>> -> memref<25x80xi32, #tpu.memory_space<hbm>>
        %dma_start3A_120 = arith.constant 0 : i32
        %dma_start3A_121 = tpu.memref_slice %arg4[%add3A_79, %dma_start3A_120] : memref<4000x80xi32, #tpu.memory_space<hbm>> -> memref<25x80xi32, #tpu.memory_space<hbm>>
        tpu.enqueue_dma source(%dma_start3A_121 : memref<25x80xi32, #tpu.memory_space<hbm>>) target(%arg11 : memref<25x80xi32, #tpu.memory_space<vmem>>) target_semaphore(%run_scoped3A_117 : memref<!tpu.dma_semaphore, #tpu.memory_space<semaphore_mem>>)
        %dma_wait3A_122 = arith.constant 0 : i32
        %dma_wait3A_123 = tpu.memref_slice %arg4[%add3A_79, %dma_wait3A_122] : memref<4000x80xi32, #tpu.memory_space<hbm>> -> memref<25x80xi32, #tpu.memory_space<hbm>>
        %dma_wait3A_124 = arith.constant 0 : i32
        %dma_wait3A_125 = tpu.memref_slice %arg4[%add3A_79, %dma_wait3A_124] : memref<4000x80xi32, #tpu.memory_space<hbm>> -> memref<25x80xi32, #tpu.memory_space<hbm>>
        tpu.wait_dma2 semaphore(%run_scoped3A_117 : memref<!tpu.dma_semaphore, #tpu.memory_space<semaphore_mem>>) src(%dma_wait3A_125 : memref<25x80xi32, #tpu.memory_space<hbm>>) dst(%arg11 : memref<25x80xi32, #tpu.memory_space<vmem>>)
        tpu.yield
      }) : () -> ()
      %mul3A_80 = arith.constant 4000 : i32
      %mul3A_81 = arith.muli %add3A_38, %mul3A_80 : i32
      %add3A_82 = arith.addi %mul3A_81, %add3A_79 : i32
      "tpu.region"() ({
        %run_scoped3A_117 = tpu.sem_alloc : memref<!tpu.dma_semaphore, #tpu.memory_space<semaphore_mem>>
        %dma_start3A_118 = arith.constant 0 : i32
        %dma_start3A_119 = tpu.memref_slice %arg5[%add3A_82, %dma_start3A_118] : memref<16000x80xf32, #tpu.memory_space<hbm>> -> memref<25x80xf32, #tpu.memory_space<hbm>>
        %dma_start3A_120 = arith.constant 0 : i32
        %dma_start3A_121 = tpu.memref_slice %arg5[%add3A_82, %dma_start3A_120] : memref<16000x80xf32, #tpu.memory_space<hbm>> -> memref<25x80xf32, #tpu.memory_space<hbm>>
        tpu.enqueue_dma source(%dma_start3A_121 : memref<25x80xf32, #tpu.memory_space<hbm>>) target(%arg12 : memref<25x80xf32, #tpu.memory_space<vmem>>) target_semaphore(%run_scoped3A_117 : memref<!tpu.dma_semaphore, #tpu.memory_space<semaphore_mem>>)
        %dma_wait3A_122 = arith.constant 0 : i32
        %dma_wait3A_123 = tpu.memref_slice %arg5[%add3A_82, %dma_wait3A_122] : memref<16000x80xf32, #tpu.memory_space<hbm>> -> memref<25x80xf32, #tpu.memory_space<hbm>>
        %dma_wait3A_124 = arith.constant 0 : i32
        %dma_wait3A_125 = tpu.memref_slice %arg5[%add3A_82, %dma_wait3A_124] : memref<16000x80xf32, #tpu.memory_space<hbm>> -> memref<25x80xf32, #tpu.memory_space<hbm>>
        tpu.wait_dma2 semaphore(%run_scoped3A_117 : memref<!tpu.dma_semaphore, #tpu.memory_space<semaphore_mem>>) src(%dma_wait3A_125 : memref<25x80xf32, #tpu.memory_space<hbm>>) dst(%arg12 : memref<25x80xf32, #tpu.memory_space<vmem>>)
        tpu.yield
      }) : () -> ()
      %scan3A_83 = arith.constant 0 : i32
      %scan3A_84 = arith.constant 0 : i32
      %scan3A_85 = arith.constant 5 : i32
      %scan3A_86 = arith.addi %scan3A_84, %scan3A_85 : i32
      %scan3A_87 = arith.constant 1 : i32
      %scan3A_88 = scf.for %scan3A_117 = %scan3A_84 to %scan3A_86 step %scan3A_87 iter_args(%scan3A_118 = %scan3A_83) -> (i32)  : i32 {
        %mul3A_119 = arith.constant 16 : i32
        %mul3A_120 = arith.muli %scan3A_117, %mul3A_119 : i32
        %get3A = arith.constant 0 : i32
        %get3A_121 = arith.index_cast %get3A : i32 to index
        %get3A_122 = arith.index_cast %mul3A_120 : i32 to index
        %get3A_123 = tpu.vector_load %arg11[%get3A_121, %get3A_122] {strides = array<i32>} : memref<25x80xi32, #tpu.memory_space<vmem>>, vector<16xi32>,
        %mul3A_124 = arith.constant 16 : i32
        %mul3A_125 = arith.muli %scan3A_117, %mul3A_124 : i32
        %get3A_126 = arith.constant 0 : i32
        %get3A_127 = arith.index_cast %get3A_126 : i32 to index
        %get3A_128 = arith.index_cast %mul3A_125 : i32 to index
        %get3A_129 = tpu.vector_load %arg12[%get3A_127, %get3A_128] {strides = array<i32>} : memref<25x80xf32, #tpu.memory_space<vmem>>, vector<16xf32>,
        %gather3A = tpu.vector_load_idx %arg9[%get3A_123] : memref<10240xf32, #tpu.memory_space<vmem>>[vector<16xi32>], vector<16xf32>,
        %mul3A_130 = arith.mulf %get3A_129, %gather3A : vector<16xf32>
        %mul3A_131 = arith.constant 16 : i32
        %mul3A_132 = arith.muli %scan3A_117, %mul3A_131 : i32
        %swap3A = arith.constant 0 : i32
        %swap3A_133 = arith.index_cast %swap3A : i32 to index
        %swap3A_134 = arith.index_cast %mul3A_132 : i32 to index
        %swap3A_135 = tpu.vector_load %arg12[%swap3A_133, %swap3A_134] {strides = array<i32>} : memref<25x80xf32, #tpu.memory_space<vmem>>, vector<16xf32>,
        tpu.vector_store %arg12[%swap3A_133, %swap3A_134], %mul3A_130 {strides = array<i32>} : memref<25x80xf32, #tpu.memory_space<vmem>>, vector<16xf32>,
        %mul3A_136 = arith.constant 16 : i32
        %mul3A_137 = arith.muli %scan3A_117, %mul3A_136 : i32
        %get3A_138 = arith.constant 0 : i32
        %get3A_139 = arith.index_cast %get3A_138 : i32 to index
        %get3A_140 = arith.index_cast %mul3A_137 : i32 to index
        %get3A_141 = tpu.vector_load %arg10[%get3A_139, %get3A_140] {strides = array<i32>} : memref<25x80xi32, #tpu.memory_space<vmem>>, vector<16xi32>,
        %add3A_142 = vector.broadcast %mul3A_40 : i32 to vector<16xi32>
        %add3A_143 = arith.addi %get3A_141, %add3A_142 : vector<16xi32>
        %mul3A_144 = arith.constant 16 : i32
        %mul3A_145 = arith.muli %scan3A_117, %mul3A_144 : i32
        %swap3A_146 = arith.constant 0 : i32
        %swap3A_147 = arith.index_cast %swap3A_146 : i32 to index
        %swap3A_148 = arith.index_cast %mul3A_145 : i32 to index
        %swap3A_149 = tpu.vector_load %arg13[%swap3A_147, %swap3A_148] {strides = array<i32>} : memref<25x80xi32, #tpu.memory_space<vmem>>, vector<16xi32>,
        tpu.vector_store %arg13[%swap3A_147, %swap3A_148], %add3A_143 {strides = array<i32>} : memref<25x80xi32, #tpu.memory_space<vmem>>, vector<16xi32>,
        %scan3A_150 = arith.constant 0 : i32
        scf.yield %scan3A_150 : i32
      }
      %scan3A_89 = arith.constant 5 : i32
      %dma_start3A = arith.constant 0 : i32
      %dma_start3A_90 = arith.constant 0 : i32
      %dma_start3A_91 = tpu.memref_slice %arg13[%dma_start3A, %dma_start3A_90] : memref<25x80xi32, #tpu.memory_space<vmem>> -> memref<1x80xi32, #tpu.memory_space<vmem>>
      %dma_start3A_92 = tpu.memref_squeeze %dma_start3A_91 : memref<1x80xi32, #tpu.memory_space<vmem>> -> memref<80xi32, #tpu.memory_space<vmem>>
      %dma_start3A_93 = arith.constant 0 : i32
      %dma_start3A_94 = arith.constant 0 : i32
      %dma_start3A_95 = tpu.memref_slice %arg6[%dma_start3A_93, %dma_start3A_94] : memref<40000x128xf32, #tpu.memory_space<hbm>> -> memref<40000x128xf32, #tpu.memory_space<hbm>>
      tpu.enqueue_indirect_dma source(%dma_start3A_95 : memref<40000x128xf32, #tpu.memory_space<hbm>>) target(%arg14 : memref<80x128xf32, #tpu.memory_space<vmem>>) offsets(%dma_start3A_92 : memref<80xi32, #tpu.memory_space<vmem>>) semaphore(%arg16 : memref<!tpu.dma_semaphore, #tpu.memory_space<semaphore_mem>>)
      %scan3A_96 = arith.constant 0 : i32
      %scan3A_97 = arith.constant 0 : i32
      %scan3A_98 = arith.constant 12 : i32
      %scan3A_99 = arith.addi %scan3A_97, %scan3A_98 : i32
      %scan3A_100 = arith.constant 1 : i32
      %scan3A_101 = scf.for %scan3A_117 = %scan3A_97 to %scan3A_99 step %scan3A_100 iter_args(%scan3A_118 = %scan3A_96) -> (i32)  : i32 {
        %mul3A_119 = arith.constant 2 : i32
        %mul3A_120 = arith.muli %mul3A_119, %scan3A_117 : i32
        %mul3A_121 = arith.constant 2 : i32
        %mul3A_122 = arith.muli %mul3A_121, %scan3A_117 : i32
        %add3A_123 = arith.constant 1 : i32
        %add3A_124 = arith.addi %mul3A_122, %add3A_123 : i32
        %mul3A_125 = arith.constant 2 : i32
        %mul3A_126 = arith.muli %mul3A_125, %scan3A_117 : i32
        %add3A_127 = arith.constant 2 : i32
        %add3A_128 = arith.addi %mul3A_126, %add3A_127 : i32
        %scan3A_129 = arith.constant 0 : i32
        %scan3A_130 = arith.constant 0 : i32
        %scan3A_131 = arith.constant 5 : i32
        %scan3A_132 = arith.addi %scan3A_130, %scan3A_131 : i32
        %scan3A_133 = arith.constant 1 : i32
        %scan3A_134 = scf.for %scan3A_182 = %scan3A_130 to %scan3A_132 step %scan3A_133 iter_args(%scan3A_183 = %scan3A_129) -> (i32)  : i32 {
          %mul3A_184 = arith.constant 16 : i32
          %mul3A_185 = arith.muli %scan3A_182, %mul3A_184 : i32
          %get3A = arith.index_cast %add3A_124 : i32 to index
          %get3A_186 = arith.index_cast %mul3A_185 : i32 to index
          %get3A_187 = tpu.vector_load %arg11[%get3A, %get3A_186] {strides = array<i32>} : memref<25x80xi32, #tpu.memory_space<vmem>>, vector<16xi32>,
          %mul3A_188 = arith.constant 16 : i32
          %mul3A_189 = arith.muli %scan3A_182, %mul3A_188 : i32
          %get3A_190 = arith.index_cast %add3A_124 : i32 to index
          %get3A_191 = arith.index_cast %mul3A_189 : i32 to index
          %get3A_192 = tpu.vector_load %arg12[%get3A_190, %get3A_191] {strides = array<i32>} : memref<25x80xf32, #tpu.memory_space<vmem>>, vector<16xf32>,
          %gather3A = tpu.vector_load_idx %arg9[%get3A_187] : memref<10240xf32, #tpu.memory_space<vmem>>[vector<16xi32>], vector<16xf32>,
          %mul3A_193 = arith.mulf %get3A_192, %gather3A : vector<16xf32>
          %mul3A_194 = arith.constant 16 : i32
          %mul3A_195 = arith.muli %scan3A_182, %mul3A_194 : i32
          %swap3A = arith.index_cast %add3A_124 : i32 to index
          %swap3A_196 = arith.index_cast %mul3A_195 : i32 to index
          %swap3A_197 = tpu.vector_load %arg12[%swap3A, %swap3A_196] {strides = array<i32>} : memref<25x80xf32, #tpu.memory_space<vmem>>, vector<16xf32>,
          tpu.vector_store %arg12[%swap3A, %swap3A_196], %mul3A_193 {strides = array<i32>} : memref<25x80xf32, #tpu.memory_space<vmem>>, vector<16xf32>,
          %mul3A_198 = arith.constant 16 : i32
          %mul3A_199 = arith.muli %scan3A_182, %mul3A_198 : i32
          %get3A_200 = arith.index_cast %add3A_124 : i32 to index
          %get3A_201 = arith.index_cast %mul3A_199 : i32 to index
          %get3A_202 = tpu.vector_load %arg10[%get3A_200, %get3A_201] {strides = array<i32>} : memref<25x80xi32, #tpu.memory_space<vmem>>, vector<16xi32>,
          %add3A_203 = vector.broadcast %mul3A_40 : i32 to vector<16xi32>
          %add3A_204 = arith.addi %get3A_202, %add3A_203 : vector<16xi32>
          %mul3A_205 = arith.constant 16 : i32
          %mul3A_206 = arith.muli %scan3A_182, %mul3A_205 : i32
          %swap3A_207 = arith.index_cast %add3A_124 : i32 to index
          %swap3A_208 = arith.index_cast %mul3A_206 : i32 to index
          %swap3A_209 = tpu.vector_load %arg13[%swap3A_207, %swap3A_208] {strides = array<i32>} : memref<25x80xi32, #tpu.memory_space<vmem>>, vector<16xi32>,
          tpu.vector_store %arg13[%swap3A_207, %swap3A_208], %add3A_204 {strides = array<i32>} : memref<25x80xi32, #tpu.memory_space<vmem>>, vector<16xi32>,
          %scan3A_210 = arith.constant 0 : i32
          scf.yield %scan3A_210 : i32
        }
        %scan3A_135 = arith.constant 5 : i32
        %dma_start3A_136 = arith.constant 0 : i32
        %dma_start3A_137 = tpu.memref_slice %arg13[%add3A_124, %dma_start3A_136] : memref<25x80xi32, #tpu.memory_space<vmem>> -> memref<1x80xi32, #tpu.memory_space<vmem>>
        %dma_start3A_138 = tpu.memref_squeeze %dma_start3A_137 : memref<1x80xi32, #tpu.memory_space<vmem>> -> memref<80xi32, #tpu.memory_space<vmem>>
        %dma_start3A_139 = arith.constant 0 : i32
        %dma_start3A_140 = arith.constant 0 : i32
        %dma_start3A_141 = tpu.memref_slice %arg6[%dma_start3A_139, %dma_start3A_140] : memref<40000x128xf32, #tpu.memory_space<hbm>> -> memref<40000x128xf32, #tpu.memory_space<hbm>>
        tpu.enqueue_indirect_dma source(%dma_start3A_141 : memref<40000x128xf32, #tpu.memory_space<hbm>>) target(%arg15 : memref<80x128xf32, #tpu.memory_space<vmem>>) offsets(%dma_start3A_138 : memref<80xi32, #tpu.memory_space<vmem>>) semaphore(%arg17 : memref<!tpu.dma_semaphore, #tpu.memory_space<semaphore_mem>>)
        %dma_wait3A_142 = arith.constant 0 : i32
        %dma_wait3A_143 = tpu.memref_slice %arg13[%mul3A_120, %dma_wait3A_142] : memref<25x80xi32, #tpu.memory_space<vmem>> -> memref<1x80xi32, #tpu.memory_space<vmem>>
        %dma_wait3A_144 = tpu.memref_squeeze %dma_wait3A_143 : memref<1x80xi32, #tpu.memory_space<vmem>> -> memref<80xi32, #tpu.memory_space<vmem>>
        %dma_wait3A_145 = arith.constant 0 : i32
        %dma_wait3A_146 = arith.constant 0 : i32
        %dma_wait3A_147 = tpu.memref_slice %arg6[%dma_wait3A_145, %dma_wait3A_146] : memref<40000x128xf32, #tpu.memory_space<hbm>> -> memref<40000x128xf32, #tpu.memory_space<hbm>>
        tpu.wait_indirect_dma semaphore(%arg16 : memref<!tpu.dma_semaphore, #tpu.memory_space<semaphore_mem>>) src(%dma_wait3A_147 : memref<40000x128xf32, #tpu.memory_space<hbm>>) dst(%arg14 : memref<80x128xf32, #tpu.memory_space<vmem>>)
        %scan3A_148 = arith.constant 0 : i32
        %scan3A_149 = arith.constant 0 : i32
        %scan3A_150 = arith.constant 80 : i32
        %scan3A_151 = arith.addi %scan3A_149, %scan3A_150 : i32
        %scan3A_152 = arith.constant 1 : i32
        %scan3A_153 = scf.for %scan3A_182 = %scan3A_149 to %scan3A_151 step %scan3A_152 iter_args(%scan3A_183 = %scan3A_148) -> (i32)  : i32 {
          %broadcast_in_dim3A_184 = vector.broadcast %mul3A_120 : i32 to vector<16xi32>
          %broadcast_in_dim3A_185 = vector.broadcast %scan3A_182 : i32 to vector<16xi32>
          %gather3A = tpu.vector_load_idx %arg12[%broadcast_in_dim3A_184, %broadcast_in_dim3A_185] : memref<25x80xf32, #tpu.memory_space<vmem>>[vector<16xi32>, vector<16xi32>], vector<16xf32>,
          %get3A = arith.index_cast %scan3A_182 : i32 to index
          %get3A_186 = arith.constant 0 : index
          %get3A_187 = tpu.vector_load %arg14[%get3A, %get3A_186] {strides = array<i32>} : memref<80x128xf32, #tpu.memory_space<vmem>>, vector<16xf32>,
          %mul3A_188 = arith.mulf %get3A_187, %gather3A : vector<16xf32>
          %swap3A = arith.index_cast %scan3A_182 : i32 to index
          %swap3A_189 = arith.constant 0 : index
          %swap3A_190 = tpu.vector_load %arg14[%swap3A, %swap3A_189] {strides = array<i32>} : memref<80x128xf32, #tpu.memory_space<vmem>>, vector<16xf32>,
          tpu.vector_store %arg14[%swap3A, %swap3A_189], %mul3A_188 {strides = array<i32>} : memref<80x128xf32, #tpu.memory_space<vmem>>, vector<16xf32>,
          %get3A_191 = arith.index_cast %scan3A_182 : i32 to index
          %get3A_192 = arith.constant 16 : index
          %get3A_193 = tpu.vector_load %arg14[%get3A_191, %get3A_192] {strides = array<i32>} : memref<80x128xf32, #tpu.memory_space<vmem>>, vector<16xf32>,
          %mul3A_194 = arith.mulf %get3A_193, %gather3A : vector<16xf32>
          %swap3A_195 = arith.index_cast %scan3A_182 : i32 to index
          %swap3A_196 = arith.constant 16 : index
          %swap3A_197 = tpu.vector_load %arg14[%swap3A_195, %swap3A_196] {strides = array<i32>} : memref<80x128xf32, #tpu.memory_space<vmem>>, vector<16xf32>,
          tpu.vector_store %arg14[%swap3A_195, %swap3A_196], %mul3A_194 {strides = array<i32>} : memref<80x128xf32, #tpu.memory_space<vmem>>, vector<16xf32>,
          %get3A_198 = arith.index_cast %scan3A_182 : i32 to index
          %get3A_199 = arith.constant 32 : index
          %get3A_200 = tpu.vector_load %arg14[%get3A_198, %get3A_199] {strides = array<i32>} : memref<80x128xf32, #tpu.memory_space<vmem>>, vector<16xf32>,
          %mul3A_201 = arith.mulf %get3A_200, %gather3A : vector<16xf32>
          %swap3A_202 = arith.index_cast %scan3A_182 : i32 to index
          %swap3A_203 = arith.constant 32 : index
          %swap3A_204 = tpu.vector_load %arg14[%swap3A_202, %swap3A_203] {strides = array<i32>} : memref<80x128xf32, #tpu.memory_space<vmem>>, vector<16xf32>,
          tpu.vector_store %arg14[%swap3A_202, %swap3A_203], %mul3A_201 {strides = array<i32>} : memref<80x128xf32, #tpu.memory_space<vmem>>, vector<16xf32>,
          %get3A_205 = arith.index_cast %scan3A_182 : i32 to index
          %get3A_206 = arith.constant 48 : index
          %get3A_207 = tpu.vector_load %arg14[%get3A_205, %get3A_206] {strides = array<i32>} : memref<80x128xf32, #tpu.memory_space<vmem>>, vector<16xf32>,
          %mul3A_208 = arith.mulf %get3A_207, %gather3A : vector<16xf32>
          %swap3A_209 = arith.index_cast %scan3A_182 : i32 to index
          %swap3A_210 = arith.constant 48 : index
          %swap3A_211 = tpu.vector_load %arg14[%swap3A_209, %swap3A_210] {strides = array<i32>} : memref<80x128xf32, #tpu.memory_space<vmem>>, vector<16xf32>,
          tpu.vector_store %arg14[%swap3A_209, %swap3A_210], %mul3A_208 {strides = array<i32>} : memref<80x128xf32, #tpu.memory_space<vmem>>, vector<16xf32>,
          %get3A_212 = arith.index_cast %scan3A_182 : i32 to index
          %get3A_213 = arith.constant 64 : index
          %get3A_214 = tpu.vector_load %arg14[%get3A_212, %get3A_213] {strides = array<i32>} : memref<80x128xf32, #tpu.memory_space<vmem>>, vector<16xf32>,
          %mul3A_215 = arith.mulf %get3A_214, %gather3A : vector<16xf32>
          %swap3A_216 = arith.index_cast %scan3A_182 : i32 to index
          %swap3A_217 = arith.constant 64 : index
          %swap3A_218 = tpu.vector_load %arg14[%swap3A_216, %swap3A_217] {strides = array<i32>} : memref<80x128xf32, #tpu.memory_space<vmem>>, vector<16xf32>,
          tpu.vector_store %arg14[%swap3A_216, %swap3A_217], %mul3A_215 {strides = array<i32>} : memref<80x128xf32, #tpu.memory_space<vmem>>, vector<16xf32>,
          %get3A_219 = arith.index_cast %scan3A_182 : i32 to index
          %get3A_220 = arith.constant 80 : index
          %get3A_221 = tpu.vector_load %arg14[%get3A_219, %get3A_220] {strides = array<i32>} : memref<80x128xf32, #tpu.memory_space<vmem>>, vector<16xf32>,
          %mul3A_222 = arith.mulf %get3A_221, %gather3A : vector<16xf32>
          %swap3A_223 = arith.index_cast %scan3A_182 : i32 to index
          %swap3A_224 = arith.constant 80 : index
          %swap3A_225 = tpu.vector_load %arg14[%swap3A_223, %swap3A_224] {strides = array<i32>} : memref<80x128xf32, #tpu.memory_space<vmem>>, vector<16xf32>,
          tpu.vector_store %arg14[%swap3A_223, %swap3A_224], %mul3A_222 {strides = array<i32>} : memref<80x128xf32, #tpu.memory_space<vmem>>, vector<16xf32>,
          %get3A_226 = arith.index_cast %scan3A_182 : i32 to index
          %get3A_227 = arith.constant 96 : index
          %get3A_228 = tpu.vector_load %arg14[%get3A_226, %get3A_227] {strides = array<i32>} : memref<80x128xf32, #tpu.memory_space<vmem>>, vector<16xf32>,
          %mul3A_229 = arith.mulf %get3A_228, %gather3A : vector<16xf32>
          %swap3A_230 = arith.index_cast %scan3A_182 : i32 to index
          %swap3A_231 = arith.constant 96 : index
          %swap3A_232 = tpu.vector_load %arg14[%swap3A_230, %swap3A_231] {strides = array<i32>} : memref<80x128xf32, #tpu.memory_space<vmem>>, vector<16xf32>,
          tpu.vector_store %arg14[%swap3A_230, %swap3A_231], %mul3A_229 {strides = array<i32>} : memref<80x128xf32, #tpu.memory_space<vmem>>, vector<16xf32>,
          %get3A_233 = arith.index_cast %scan3A_182 : i32 to index
          %get3A_234 = arith.constant 112 : index
          %get3A_235 = tpu.vector_load %arg14[%get3A_233, %get3A_234] {strides = array<i32>} : memref<80x128xf32, #tpu.memory_space<vmem>>, vector<16xf32>,
          %mul3A_236 = arith.mulf %get3A_235, %gather3A : vector<16xf32>
          %swap3A_237 = arith.index_cast %scan3A_182 : i32 to index
          %swap3A_238 = arith.constant 112 : index
          %swap3A_239 = tpu.vector_load %arg14[%swap3A_237, %swap3A_238] {strides = array<i32>} : memref<80x128xf32, #tpu.memory_space<vmem>>, vector<16xf32>,
          tpu.vector_store %arg14[%swap3A_237, %swap3A_238], %mul3A_236 {strides = array<i32>} : memref<80x128xf32, #tpu.memory_space<vmem>>, vector<16xf32>,
          %scan3A_240 = arith.constant 0 : i32
          scf.yield %scan3A_240 : i32
        }
        %scan3A_154 = arith.constant 80 : i32
        "tpu.region"() ({
          %run_scoped3A_182 = tpu.sem_alloc : memref<!tpu.dma_semaphore, #tpu.memory_space<semaphore_mem>>
          %dma_start3A_183 = arith.constant 0 : i32
          %dma_start3A_184 = tpu.memref_slice %arg11[%mul3A_120, %dma_start3A_183] : memref<25x80xi32, #tpu.memory_space<vmem>> -> memref<1x80xi32, #tpu.memory_space<vmem>>
          %dma_start3A_185 = tpu.memref_squeeze %dma_start3A_184 : memref<1x80xi32, #tpu.memory_space<vmem>> -> memref<80xi32, #tpu.memory_space<vmem>>
          %dma_start3A_186 = arith.constant 0 : i32
          %dma_start3A_187 = arith.constant 0 : i32
          %dma_start3A_188 = tpu.memref_slice %arg8[%dma_start3A_186, %dma_start3A_187] : memref<10240x128xf32, #tpu.memory_space<vmem_shared>> -> memref<10240x128xf32, #tpu.memory_space<vmem_shared>>
          tpu.enqueue_indirect_dma source(%arg14 : memref<80x128xf32, #tpu.memory_space<vmem>>) target(%dma_start3A_188 : memref<10240x128xf32, #tpu.memory_space<vmem_shared>>) offsets(%dma_start3A_185 : memref<80xi32, #tpu.memory_space<vmem>>) semaphore(%run_scoped3A_182 : memref<!tpu.dma_semaphore, #tpu.memory_space<semaphore_mem>>) {add = true}
          %dma_wait3A_189 = arith.constant 0 : i32
          %dma_wait3A_190 = tpu.memref_slice %arg11[%mul3A_120, %dma_wait3A_189] : memref<25x80xi32, #tpu.memory_space<vmem>> -> memref<1x80xi32, #tpu.memory_space<vmem>>
          %dma_wait3A_191 = tpu.memref_squeeze %dma_wait3A_190 : memref<1x80xi32, #tpu.memory_space<vmem>> -> memref<80xi32, #tpu.memory_space<vmem>>
          %dma_wait3A_192 = arith.constant 0 : i32
          %dma_wait3A_193 = arith.constant 0 : i32
          %dma_wait3A_194 = tpu.memref_slice %arg8[%dma_wait3A_192, %dma_wait3A_193] : memref<10240x128xf32, #tpu.memory_space<vmem_shared>> -> memref<10240x128xf32, #tpu.memory_space<vmem_shared>>
          tpu.wait_indirect_dma semaphore(%run_scoped3A_182 : memref<!tpu.dma_semaphore, #tpu.memory_space<semaphore_mem>>) src(%arg14 : memref<80x128xf32, #tpu.memory_space<vmem>>) dst(%dma_wait3A_194 : memref<10240x128xf32, #tpu.memory_space<vmem_shared>>)
          tpu.yield
        }) : () -> ()
        %scan3A_155 = arith.constant 0 : i32
        %scan3A_156 = arith.constant 0 : i32
        %scan3A_157 = arith.constant 5 : i32
        %scan3A_158 = arith.addi %scan3A_156, %scan3A_157 : i32
        %scan3A_159 = arith.constant 1 : i32
        %scan3A_160 = scf.for %scan3A_182 = %scan3A_156 to %scan3A_158 step %scan3A_159 iter_args(%scan3A_183 = %scan3A_155) -> (i32)  : i32 {
          %mul3A_184 = arith.constant 16 : i32
          %mul3A_185 = arith.muli %scan3A_182, %mul3A_184 : i32
          %get3A = arith.index_cast %add3A_128 : i32 to index
          %get3A_186 = arith.index_cast %mul3A_185 : i32 to index
          %get3A_187 = tpu.vector_load %arg11[%get3A, %get3A_186] {strides = array<i32>} : memref<25x80xi32, #tpu.memory_space<vmem>>, vector<16xi32>,
          %mul3A_188 = arith.constant 16 : i32
          %mul3A_189 = arith.muli %scan3A_182, %mul3A_188 : i32
          %get3A_190 = arith.index_cast %add3A_128 : i32 to index
          %get3A_191 = arith.index_cast %mul3A_189 : i32 to index
          %get3A_192 = tpu.vector_load %arg12[%get3A_190, %get3A_191] {strides = array<i32>} : memref<25x80xf32, #tpu.memory_space<vmem>>, vector<16xf32>,
          %gather3A = tpu.vector_load_idx %arg9[%get3A_187] : memref<10240xf32, #tpu.memory_space<vmem>>[vector<16xi32>], vector<16xf32>,
          %mul3A_193 = arith.mulf %get3A_192, %gather3A : vector<16xf32>
          %mul3A_194 = arith.constant 16 : i32
          %mul3A_195 = arith.muli %scan3A_182, %mul3A_194 : i32
          %swap3A = arith.index_cast %add3A_128 : i32 to index
          %swap3A_196 = arith.index_cast %mul3A_195 : i32 to index
          %swap3A_197 = tpu.vector_load %arg12[%swap3A, %swap3A_196] {strides = array<i32>} : memref<25x80xf32, #tpu.memory_space<vmem>>, vector<16xf32>,
          tpu.vector_store %arg12[%swap3A, %swap3A_196], %mul3A_193 {strides = array<i32>} : memref<25x80xf32, #tpu.memory_space<vmem>>, vector<16xf32>,
          %mul3A_198 = arith.constant 16 : i32
          %mul3A_199 = arith.muli %scan3A_182, %mul3A_198 : i32
          %get3A_200 = arith.index_cast %add3A_128 : i32 to index
          %get3A_201 = arith.index_cast %mul3A_199 : i32 to index
          %get3A_202 = tpu.vector_load %arg10[%get3A_200, %get3A_201] {strides = array<i32>} : memref<25x80xi32, #tpu.memory_space<vmem>>, vector<16xi32>,
          %add3A_203 = vector.broadcast %mul3A_40 : i32 to vector<16xi32>
          %add3A_204 = arith.addi %get3A_202, %add3A_203 : vector<16xi32>
          %mul3A_205 = arith.constant 16 : i32
          %mul3A_206 = arith.muli %scan3A_182, %mul3A_205 : i32
          %swap3A_207 = arith.index_cast %add3A_128 : i32 to index
          %swap3A_208 = arith.index_cast %mul3A_206 : i32 to index
          %swap3A_209 = tpu.vector_load %arg13[%swap3A_207, %swap3A_208] {strides = array<i32>} : memref<25x80xi32, #tpu.memory_space<vmem>>, vector<16xi32>,
          tpu.vector_store %arg13[%swap3A_207, %swap3A_208], %add3A_204 {strides = array<i32>} : memref<25x80xi32, #tpu.memory_space<vmem>>, vector<16xi32>,
          %scan3A_210 = arith.constant 0 : i32
          scf.yield %scan3A_210 : i32
        }
        %scan3A_161 = arith.constant 5 : i32
        %dma_start3A_162 = arith.constant 0 : i32
        %dma_start3A_163 = tpu.memref_slice %arg13[%add3A_128, %dma_start3A_162] : memref<25x80xi32, #tpu.memory_space<vmem>> -> memref<1x80xi32, #tpu.memory_space<vmem>>
        %dma_start3A_164 = tpu.memref_squeeze %dma_start3A_163 : memref<1x80xi32, #tpu.memory_space<vmem>> -> memref<80xi32, #tpu.memory_space<vmem>>
        %dma_start3A_165 = arith.constant 0 : i32
        %dma_start3A_166 = arith.constant 0 : i32
        %dma_start3A_167 = tpu.memref_slice %arg6[%dma_start3A_165, %dma_start3A_166] : memref<40000x128xf32, #tpu.memory_space<hbm>> -> memref<40000x128xf32, #tpu.memory_space<hbm>>
        tpu.enqueue_indirect_dma source(%dma_start3A_167 : memref<40000x128xf32, #tpu.memory_space<hbm>>) target(%arg14 : memref<80x128xf32, #tpu.memory_space<vmem>>) offsets(%dma_start3A_164 : memref<80xi32, #tpu.memory_space<vmem>>) semaphore(%arg16 : memref<!tpu.dma_semaphore, #tpu.memory_space<semaphore_mem>>)
        %dma_wait3A_168 = arith.constant 0 : i32
        %dma_wait3A_169 = tpu.memref_slice %arg13[%add3A_124, %dma_wait3A_168] : memref<25x80xi32, #tpu.memory_space<vmem>> -> memref<1x80xi32, #tpu.memory_space<vmem>>
        %dma_wait3A_170 = tpu.memref_squeeze %dma_wait3A_169 : memref<1x80xi32, #tpu.memory_space<vmem>> -> memref<80xi32, #tpu.memory_space<vmem>>
        %dma_wait3A_171 = arith.constant 0 : i32
        %dma_wait3A_172 = arith.constant 0 : i32
        %dma_wait3A_173 = tpu.memref_slice %arg6[%dma_wait3A_171, %dma_wait3A_172] : memref<40000x128xf32, #tpu.memory_space<hbm>> -> memref<40000x128xf32, #tpu.memory_space<hbm>>
        tpu.wait_indirect_dma semaphore(%arg17 : memref<!tpu.dma_semaphore, #tpu.memory_space<semaphore_mem>>) src(%dma_wait3A_173 : memref<40000x128xf32, #tpu.memory_space<hbm>>) dst(%arg15 : memref<80x128xf32, #tpu.memory_space<vmem>>)
        %scan3A_174 = arith.constant 0 : i32
        %scan3A_175 = arith.constant 0 : i32
        %scan3A_176 = arith.constant 80 : i32
        %scan3A_177 = arith.addi %scan3A_175, %scan3A_176 : i32
        %scan3A_178 = arith.constant 1 : i32
        %scan3A_179 = scf.for %scan3A_182 = %scan3A_175 to %scan3A_177 step %scan3A_178 iter_args(%scan3A_183 = %scan3A_174) -> (i32)  : i32 {
          %broadcast_in_dim3A_184 = vector.broadcast %add3A_124 : i32 to vector<16xi32>
          %broadcast_in_dim3A_185 = vector.broadcast %scan3A_182 : i32 to vector<16xi32>
          %gather3A = tpu.vector_load_idx %arg12[%broadcast_in_dim3A_184, %broadcast_in_dim3A_185] : memref<25x80xf32, #tpu.memory_space<vmem>>[vector<16xi32>, vector<16xi32>], vector<16xf32>,
          %get3A = arith.index_cast %scan3A_182 : i32 to index
          %get3A_186 = arith.constant 0 : index
          %get3A_187 = tpu.vector_load %arg15[%get3A, %get3A_186] {strides = array<i32>} : memref<80x128xf32, #tpu.memory_space<vmem>>, vector<16xf32>,
          %mul3A_188 = arith.mulf %get3A_187, %gather3A : vector<16xf32>
          %swap3A = arith.index_cast %scan3A_182 : i32 to index
          %swap3A_189 = arith.constant 0 : index
          %swap3A_190 = tpu.vector_load %arg15[%swap3A, %swap3A_189] {strides = array<i32>} : memref<80x128xf32, #tpu.memory_space<vmem>>, vector<16xf32>,
          tpu.vector_store %arg15[%swap3A, %swap3A_189], %mul3A_188 {strides = array<i32>} : memref<80x128xf32, #tpu.memory_space<vmem>>, vector<16xf32>,
          %get3A_191 = arith.index_cast %scan3A_182 : i32 to index
          %get3A_192 = arith.constant 16 : index
          %get3A_193 = tpu.vector_load %arg15[%get3A_191, %get3A_192] {strides = array<i32>} : memref<80x128xf32, #tpu.memory_space<vmem>>, vector<16xf32>,
          %mul3A_194 = arith.mulf %get3A_193, %gather3A : vector<16xf32>
          %swap3A_195 = arith.index_cast %scan3A_182 : i32 to index
          %swap3A_196 = arith.constant 16 : index
          %swap3A_197 = tpu.vector_load %arg15[%swap3A_195, %swap3A_196] {strides = array<i32>} : memref<80x128xf32, #tpu.memory_space<vmem>>, vector<16xf32>,
          tpu.vector_store %arg15[%swap3A_195, %swap3A_196], %mul3A_194 {strides = array<i32>} : memref<80x128xf32, #tpu.memory_space<vmem>>, vector<16xf32>,
          %get3A_198 = arith.index_cast %scan3A_182 : i32 to index
          %get3A_199 = arith.constant 32 : index
          %get3A_200 = tpu.vector_load %arg15[%get3A_198, %get3A_199] {strides = array<i32>} : memref<80x128xf32, #tpu.memory_space<vmem>>, vector<16xf32>,
          %mul3A_201 = arith.mulf %get3A_200, %gather3A : vector<16xf32>
          %swap3A_202 = arith.index_cast %scan3A_182 : i32 to index
          %swap3A_203 = arith.constant 32 : index
          %swap3A_204 = tpu.vector_load %arg15[%swap3A_202, %swap3A_203] {strides = array<i32>} : memref<80x128xf32, #tpu.memory_space<vmem>>, vector<16xf32>,
          tpu.vector_store %arg15[%swap3A_202, %swap3A_203], %mul3A_201 {strides = array<i32>} : memref<80x128xf32, #tpu.memory_space<vmem>>, vector<16xf32>,
          %get3A_205 = arith.index_cast %scan3A_182 : i32 to index
          %get3A_206 = arith.constant 48 : index
          %get3A_207 = tpu.vector_load %arg15[%get3A_205, %get3A_206] {strides = array<i32>} : memref<80x128xf32, #tpu.memory_space<vmem>>, vector<16xf32>,
          %mul3A_208 = arith.mulf %get3A_207, %gather3A : vector<16xf32>
          %swap3A_209 = arith.index_cast %scan3A_182 : i32 to index
          %swap3A_210 = arith.constant 48 : index
          %swap3A_211 = tpu.vector_load %arg15[%swap3A_209, %swap3A_210] {strides = array<i32>} : memref<80x128xf32, #tpu.memory_space<vmem>>, vector<16xf32>,
          tpu.vector_store %arg15[%swap3A_209, %swap3A_210], %mul3A_208 {strides = array<i32>} : memref<80x128xf32, #tpu.memory_space<vmem>>, vector<16xf32>,
          %get3A_212 = arith.index_cast %scan3A_182 : i32 to index
          %get3A_213 = arith.constant 64 : index
          %get3A_214 = tpu.vector_load %arg15[%get3A_212, %get3A_213] {strides = array<i32>} : memref<80x128xf32, #tpu.memory_space<vmem>>, vector<16xf32>,
          %mul3A_215 = arith.mulf %get3A_214, %gather3A : vector<16xf32>
          %swap3A_216 = arith.index_cast %scan3A_182 : i32 to index
          %swap3A_217 = arith.constant 64 : index
          %swap3A_218 = tpu.vector_load %arg15[%swap3A_216, %swap3A_217] {strides = array<i32>} : memref<80x128xf32, #tpu.memory_space<vmem>>, vector<16xf32>,
          tpu.vector_store %arg15[%swap3A_216, %swap3A_217], %mul3A_215 {strides = array<i32>} : memref<80x128xf32, #tpu.memory_space<vmem>>, vector<16xf32>,
          %get3A_219 = arith.index_cast %scan3A_182 : i32 to index
          %get3A_220 = arith.constant 80 : index
          %get3A_221 = tpu.vector_load %arg15[%get3A_219, %get3A_220] {strides = array<i32>} : memref<80x128xf32, #tpu.memory_space<vmem>>, vector<16xf32>,
          %mul3A_222 = arith.mulf %get3A_221, %gather3A : vector<16xf32>
          %swap3A_223 = arith.index_cast %scan3A_182 : i32 to index
          %swap3A_224 = arith.constant 80 : index
          %swap3A_225 = tpu.vector_load %arg15[%swap3A_223, %swap3A_224] {strides = array<i32>} : memref<80x128xf32, #tpu.memory_space<vmem>>, vector<16xf32>,
          tpu.vector_store %arg15[%swap3A_223, %swap3A_224], %mul3A_222 {strides = array<i32>} : memref<80x128xf32, #tpu.memory_space<vmem>>, vector<16xf32>,
          %get3A_226 = arith.index_cast %scan3A_182 : i32 to index
          %get3A_227 = arith.constant 96 : index
          %get3A_228 = tpu.vector_load %arg15[%get3A_226, %get3A_227] {strides = array<i32>} : memref<80x128xf32, #tpu.memory_space<vmem>>, vector<16xf32>,
          %mul3A_229 = arith.mulf %get3A_228, %gather3A : vector<16xf32>
          %swap3A_230 = arith.index_cast %scan3A_182 : i32 to index
          %swap3A_231 = arith.constant 96 : index
          %swap3A_232 = tpu.vector_load %arg15[%swap3A_230, %swap3A_231] {strides = array<i32>} : memref<80x128xf32, #tpu.memory_space<vmem>>, vector<16xf32>,
          tpu.vector_store %arg15[%swap3A_230, %swap3A_231], %mul3A_229 {strides = array<i32>} : memref<80x128xf32, #tpu.memory_space<vmem>>, vector<16xf32>,
          %get3A_233 = arith.index_cast %scan3A_182 : i32 to index
          %get3A_234 = arith.constant 112 : index
          %get3A_235 = tpu.vector_load %arg15[%get3A_233, %get3A_234] {strides = array<i32>} : memref<80x128xf32, #tpu.memory_space<vmem>>, vector<16xf32>,
          %mul3A_236 = arith.mulf %get3A_235, %gather3A : vector<16xf32>
          %swap3A_237 = arith.index_cast %scan3A_182 : i32 to index
          %swap3A_238 = arith.constant 112 : index
          %swap3A_239 = tpu.vector_load %arg15[%swap3A_237, %swap3A_238] {strides = array<i32>} : memref<80x128xf32, #tpu.memory_space<vmem>>, vector<16xf32>,
          tpu.vector_store %arg15[%swap3A_237, %swap3A_238], %mul3A_236 {strides = array<i32>} : memref<80x128xf32, #tpu.memory_space<vmem>>, vector<16xf32>,
          %scan3A_240 = arith.constant 0 : i32
          scf.yield %scan3A_240 : i32
        }
        %scan3A_180 = arith.constant 80 : i32
        "tpu.region"() ({
          %run_scoped3A_182 = tpu.sem_alloc : memref<!tpu.dma_semaphore, #tpu.memory_space<semaphore_mem>>
          %dma_start3A_183 = arith.constant 0 : i32
          %dma_start3A_184 = tpu.memref_slice %arg11[%add3A_124, %dma_start3A_183] : memref<25x80xi32, #tpu.memory_space<vmem>> -> memref<1x80xi32, #tpu.memory_space<vmem>>
          %dma_start3A_185 = tpu.memref_squeeze %dma_start3A_184 : memref<1x80xi32, #tpu.memory_space<vmem>> -> memref<80xi32, #tpu.memory_space<vmem>>
          %dma_start3A_186 = arith.constant 0 : i32
          %dma_start3A_187 = arith.constant 0 : i32
          %dma_start3A_188 = tpu.memref_slice %arg8[%dma_start3A_186, %dma_start3A_187] : memref<10240x128xf32, #tpu.memory_space<vmem_shared>> -> memref<10240x128xf32, #tpu.memory_space<vmem_shared>>
          tpu.enqueue_indirect_dma source(%arg15 : memref<80x128xf32, #tpu.memory_space<vmem>>) target(%dma_start3A_188 : memref<10240x128xf32, #tpu.memory_space<vmem_shared>>) offsets(%dma_start3A_185 : memref<80xi32, #tpu.memory_space<vmem>>) semaphore(%run_scoped3A_182 : memref<!tpu.dma_semaphore, #tpu.memory_space<semaphore_mem>>) {add = true}
          %dma_wait3A_189 = arith.constant 0 : i32
          %dma_wait3A_190 = tpu.memref_slice %arg11[%add3A_124, %dma_wait3A_189] : memref<25x80xi32, #tpu.memory_space<vmem>> -> memref<1x80xi32, #tpu.memory_space<vmem>>
          %dma_wait3A_191 = tpu.memref_squeeze %dma_wait3A_190 : memref<1x80xi32, #tpu.memory_space<vmem>> -> memref<80xi32, #tpu.memory_space<vmem>>
          %dma_wait3A_192 = arith.constant 0 : i32
          %dma_wait3A_193 = arith.constant 0 : i32
          %dma_wait3A_194 = tpu.memref_slice %arg8[%dma_wait3A_192, %dma_wait3A_193] : memref<10240x128xf32, #tpu.memory_space<vmem_shared>> -> memref<10240x128xf32, #tpu.memory_space<vmem_shared>>
          tpu.wait_indirect_dma semaphore(%run_scoped3A_182 : memref<!tpu.dma_semaphore, #tpu.memory_space<semaphore_mem>>) src(%arg15 : memref<80x128xf32, #tpu.memory_space<vmem>>) dst(%dma_wait3A_194 : memref<10240x128xf32, #tpu.memory_space<vmem_shared>>)
          tpu.yield
        }) : () -> ()
        %scan3A_181 = arith.constant 0 : i32
        scf.yield %scan3A_181 : i32
      }
      %scan3A_102 = arith.constant 12 : i32
      %dma_wait3A = arith.constant 24 : i32
      %dma_wait3A_103 = arith.constant 0 : i32
      %dma_wait3A_104 = tpu.memref_slice %arg13[%dma_wait3A, %dma_wait3A_103] : memref<25x80xi32, #tpu.memory_space<vmem>> -> memref<1x80xi32, #tpu.memory_space<vmem>>
      %dma_wait3A_105 = tpu.memref_squeeze %dma_wait3A_104 : memref<1x80xi32, #tpu.memory_space<vmem>> -> memref<80xi32, #tpu.memory_space<vmem>>
      %dma_wait3A_106 = arith.constant 0 : i32
      %dma_wait3A_107 = arith.constant 0 : i32
      %dma_wait3A_108 = tpu.memref_slice %arg6[%dma_wait3A_106, %dma_wait3A_107] : memref<40000x128xf32, #tpu.memory_space<hbm>> -> memref<40000x128xf32, #tpu.memory_space<hbm>>
      tpu.wait_indirect_dma semaphore(%arg16 : memref<!tpu.dma_semaphore, #tpu.memory_space<semaphore_mem>>) src(%dma_wait3A_108 : memref<40000x128xf32, #tpu.memory_space<hbm>>) dst(%arg14 : memref<80x128xf32, #tpu.memory_space<vmem>>)
      %scan3A_109 = arith.constant 0 : i32
      %scan3A_110 = arith.constant 0 : i32
      %scan3A_111 = arith.constant 80 : i32
      %scan3A_112 = arith.addi %scan3A_110, %scan3A_111 : i32
      %scan3A_113 = arith.constant 1 : i32
      %scan3A_114 = scf.for %scan3A_117 = %scan3A_110 to %scan3A_112 step %scan3A_113 iter_args(%scan3A_118 = %scan3A_109) -> (i32)  : i32 {
        %broadcast_in_dim3A_119 = arith.constant 24 : i32
        %broadcast_in_dim3A_120 = vector.broadcast %broadcast_in_dim3A_119 : i32 to vector<16xi32>
        %broadcast_in_dim3A_121 = vector.broadcast %scan3A_117 : i32 to vector<16xi32>
        %gather3A = tpu.vector_load_idx %arg12[%broadcast_in_dim3A_120, %broadcast_in_dim3A_121] : memref<25x80xf32, #tpu.memory_space<vmem>>[vector<16xi32>, vector<16xi32>], vector<16xf32>,
        %get3A = arith.index_cast %scan3A_117 : i32 to index
        %get3A_122 = arith.constant 0 : index
        %get3A_123 = tpu.vector_load %arg14[%get3A, %get3A_122] {strides = array<i32>} : memref<80x128xf32, #tpu.memory_space<vmem>>, vector<16xf32>,
        %mul3A_124 = arith.mulf %get3A_123, %gather3A : vector<16xf32>
        %swap3A = arith.index_cast %scan3A_117 : i32 to index
        %swap3A_125 = arith.constant 0 : index
        %swap3A_126 = tpu.vector_load %arg14[%swap3A, %swap3A_125] {strides = array<i32>} : memref<80x128xf32, #tpu.memory_space<vmem>>, vector<16xf32>,
        tpu.vector_store %arg14[%swap3A, %swap3A_125], %mul3A_124 {strides = array<i32>} : memref<80x128xf32, #tpu.memory_space<vmem>>, vector<16xf32>,
        %get3A_127 = arith.index_cast %scan3A_117 : i32 to index
        %get3A_128 = arith.constant 16 : index
        %get3A_129 = tpu.vector_load %arg14[%get3A_127, %get3A_128] {strides = array<i32>} : memref<80x128xf32, #tpu.memory_space<vmem>>, vector<16xf32>,
        %mul3A_130 = arith.mulf %get3A_129, %gather3A : vector<16xf32>
        %swap3A_131 = arith.index_cast %scan3A_117 : i32 to index
        %swap3A_132 = arith.constant 16 : index
        %swap3A_133 = tpu.vector_load %arg14[%swap3A_131, %swap3A_132] {strides = array<i32>} : memref<80x128xf32, #tpu.memory_space<vmem>>, vector<16xf32>,
        tpu.vector_store %arg14[%swap3A_131, %swap3A_132], %mul3A_130 {strides = array<i32>} : memref<80x128xf32, #tpu.memory_space<vmem>>, vector<16xf32>,
        %get3A_134 = arith.index_cast %scan3A_117 : i32 to index
        %get3A_135 = arith.constant 32 : index
        %get3A_136 = tpu.vector_load %arg14[%get3A_134, %get3A_135] {strides = array<i32>} : memref<80x128xf32, #tpu.memory_space<vmem>>, vector<16xf32>,
        %mul3A_137 = arith.mulf %get3A_136, %gather3A : vector<16xf32>
        %swap3A_138 = arith.index_cast %scan3A_117 : i32 to index
        %swap3A_139 = arith.constant 32 : index
        %swap3A_140 = tpu.vector_load %arg14[%swap3A_138, %swap3A_139] {strides = array<i32>} : memref<80x128xf32, #tpu.memory_space<vmem>>, vector<16xf32>,
        tpu.vector_store %arg14[%swap3A_138, %swap3A_139], %mul3A_137 {strides = array<i32>} : memref<80x128xf32, #tpu.memory_space<vmem>>, vector<16xf32>,
        %get3A_141 = arith.index_cast %scan3A_117 : i32 to index
        %get3A_142 = arith.constant 48 : index
        %get3A_143 = tpu.vector_load %arg14[%get3A_141, %get3A_142] {strides = array<i32>} : memref<80x128xf32, #tpu.memory_space<vmem>>, vector<16xf32>,
        %mul3A_144 = arith.mulf %get3A_143, %gather3A : vector<16xf32>
        %swap3A_145 = arith.index_cast %scan3A_117 : i32 to index
        %swap3A_146 = arith.constant 48 : index
        %swap3A_147 = tpu.vector_load %arg14[%swap3A_145, %swap3A_146] {strides = array<i32>} : memref<80x128xf32, #tpu.memory_space<vmem>>, vector<16xf32>,
        tpu.vector_store %arg14[%swap3A_145, %swap3A_146], %mul3A_144 {strides = array<i32>} : memref<80x128xf32, #tpu.memory_space<vmem>>, vector<16xf32>,
        %get3A_148 = arith.index_cast %scan3A_117 : i32 to index
        %get3A_149 = arith.constant 64 : index
        %get3A_150 = tpu.vector_load %arg14[%get3A_148, %get3A_149] {strides = array<i32>} : memref<80x128xf32, #tpu.memory_space<vmem>>, vector<16xf32>,
        %mul3A_151 = arith.mulf %get3A_150, %gather3A : vector<16xf32>
        %swap3A_152 = arith.index_cast %scan3A_117 : i32 to index
        %swap3A_153 = arith.constant 64 : index
        %swap3A_154 = tpu.vector_load %arg14[%swap3A_152, %swap3A_153] {strides = array<i32>} : memref<80x128xf32, #tpu.memory_space<vmem>>, vector<16xf32>,
        tpu.vector_store %arg14[%swap3A_152, %swap3A_153], %mul3A_151 {strides = array<i32>} : memref<80x128xf32, #tpu.memory_space<vmem>>, vector<16xf32>,
        %get3A_155 = arith.index_cast %scan3A_117 : i32 to index
        %get3A_156 = arith.constant 80 : index
        %get3A_157 = tpu.vector_load %arg14[%get3A_155, %get3A_156] {strides = array<i32>} : memref<80x128xf32, #tpu.memory_space<vmem>>, vector<16xf32>,
        %mul3A_158 = arith.mulf %get3A_157, %gather3A : vector<16xf32>
        %swap3A_159 = arith.index_cast %scan3A_117 : i32 to index
        %swap3A_160 = arith.constant 80 : index
        %swap3A_161 = tpu.vector_load %arg14[%swap3A_159, %swap3A_160] {strides = array<i32>} : memref<80x128xf32, #tpu.memory_space<vmem>>, vector<16xf32>,
        tpu.vector_store %arg14[%swap3A_159, %swap3A_160], %mul3A_158 {strides = array<i32>} : memref<80x128xf32, #tpu.memory_space<vmem>>, vector<16xf32>,
        %get3A_162 = arith.index_cast %scan3A_117 : i32 to index
        %get3A_163 = arith.constant 96 : index
        %get3A_164 = tpu.vector_load %arg14[%get3A_162, %get3A_163] {strides = array<i32>} : memref<80x128xf32, #tpu.memory_space<vmem>>, vector<16xf32>,
        %mul3A_165 = arith.mulf %get3A_164, %gather3A : vector<16xf32>
        %swap3A_166 = arith.index_cast %scan3A_117 : i32 to index
        %swap3A_167 = arith.constant 96 : index
        %swap3A_168 = tpu.vector_load %arg14[%swap3A_166, %swap3A_167] {strides = array<i32>} : memref<80x128xf32, #tpu.memory_space<vmem>>, vector<16xf32>,
        tpu.vector_store %arg14[%swap3A_166, %swap3A_167], %mul3A_165 {strides = array<i32>} : memref<80x128xf32, #tpu.memory_space<vmem>>, vector<16xf32>,
        %get3A_169 = arith.index_cast %scan3A_117 : i32 to index
        %get3A_170 = arith.constant 112 : index
        %get3A_171 = tpu.vector_load %arg14[%get3A_169, %get3A_170] {strides = array<i32>} : memref<80x128xf32, #tpu.memory_space<vmem>>, vector<16xf32>,
        %mul3A_172 = arith.mulf %get3A_171, %gather3A : vector<16xf32>
        %swap3A_173 = arith.index_cast %scan3A_117 : i32 to index
        %swap3A_174 = arith.constant 112 : index
        %swap3A_175 = tpu.vector_load %arg14[%swap3A_173, %swap3A_174] {strides = array<i32>} : memref<80x128xf32, #tpu.memory_space<vmem>>, vector<16xf32>,
        tpu.vector_store %arg14[%swap3A_173, %swap3A_174], %mul3A_172 {strides = array<i32>} : memref<80x128xf32, #tpu.memory_space<vmem>>, vector<16xf32>,
        %scan3A_176 = arith.constant 0 : i32
        scf.yield %scan3A_176 : i32
      }
      %scan3A_115 = arith.constant 80 : i32
      %run_scoped3A = arith.constant 24 : i32
      "tpu.region"() ({
        %run_scoped3A_117 = tpu.sem_alloc : memref<!tpu.dma_semaphore, #tpu.memory_space<semaphore_mem>>
        %dma_start3A_118 = arith.constant 0 : i32
        %dma_start3A_119 = tpu.memref_slice %arg11[%run_scoped3A, %dma_start3A_118] : memref<25x80xi32, #tpu.memory_space<vmem>> -> memref<1x80xi32, #tpu.memory_space<vmem>>
        %dma_start3A_120 = tpu.memref_squeeze %dma_start3A_119 : memref<1x80xi32, #tpu.memory_space<vmem>> -> memref<80xi32, #tpu.memory_space<vmem>>
        %dma_start3A_121 = arith.constant 0 : i32
        %dma_start3A_122 = arith.constant 0 : i32
        %dma_start3A_123 = tpu.memref_slice %arg8[%dma_start3A_121, %dma_start3A_122] : memref<10240x128xf32, #tpu.memory_space<vmem_shared>> -> memref<10240x128xf32, #tpu.memory_space<vmem_shared>>
        tpu.enqueue_indirect_dma source(%arg14 : memref<80x128xf32, #tpu.memory_space<vmem>>) target(%dma_start3A_123 : memref<10240x128xf32, #tpu.memory_space<vmem_shared>>) offsets(%dma_start3A_120 : memref<80xi32, #tpu.memory_space<vmem>>) semaphore(%run_scoped3A_117 : memref<!tpu.dma_semaphore, #tpu.memory_space<semaphore_mem>>) {add = true}
        %dma_wait3A_124 = arith.constant 0 : i32
        %dma_wait3A_125 = tpu.memref_slice %arg11[%run_scoped3A, %dma_wait3A_124] : memref<25x80xi32, #tpu.memory_space<vmem>> -> memref<1x80xi32, #tpu.memory_space<vmem>>
        %dma_wait3A_126 = tpu.memref_squeeze %dma_wait3A_125 : memref<1x80xi32, #tpu.memory_space<vmem>> -> memref<80xi32, #tpu.memory_space<vmem>>
        %dma_wait3A_127 = arith.constant 0 : i32
        %dma_wait3A_128 = arith.constant 0 : i32
        %dma_wait3A_129 = tpu.memref_slice %arg8[%dma_wait3A_127, %dma_wait3A_128] : memref<10240x128xf32, #tpu.memory_space<vmem_shared>> -> memref<10240x128xf32, #tpu.memory_space<vmem_shared>>
        tpu.wait_indirect_dma semaphore(%run_scoped3A_117 : memref<!tpu.dma_semaphore, #tpu.memory_space<semaphore_mem>>) src(%arg14 : memref<80x128xf32, #tpu.memory_space<vmem>>) dst(%dma_wait3A_129 : memref<10240x128xf32, #tpu.memory_space<vmem_shared>>)
        tpu.yield
      }) : () -> ()
      %scan3A_116 = arith.constant 0 : i32
      scf.yield %scan3A_116 : i32
    }
    %scan3A_64 = arith.constant 10 : i32
    %barrier3A_65 = arith.constant 0 : index
    tpu.barrier barrier_id(%barrier3A_65)
    %scan3A_66 = arith.constant 0 : i32
    %scan3A_67 = arith.constant 0 : i32
    %scan3A_68 = arith.constant 8 : i32
    %scan3A_69 = arith.addi %scan3A_67, %scan3A_68 : i32
    %scan3A_70 = arith.constant 1 : i32
    %scan3A_71 = scf.for %scan3A_73 = %scan3A_67 to %scan3A_69 step %scan3A_70 iter_args(%scan3A_74 = %scan3A_66) -> (i32)  : i32 {
      %mul3A_75 = arith.constant 640 : i32
      %mul3A_76 = arith.muli %arg1, %mul3A_75 : i32
      %mul3A_77 = arith.constant 80 : i32
      %mul3A_78 = arith.muli %scan3A_73, %mul3A_77 : i32
      %add3A_79 = arith.addi %mul3A_76, %mul3A_78 : i32
      "tpu.region"() ({
        %run_scoped3A = tpu.sem_alloc : memref<!tpu.dma_semaphore, #tpu.memory_space<semaphore_mem>>
        %dma_start3A = arith.constant 0 : i32
        %dma_start3A_84 = tpu.memref_slice %arg8[%add3A_79, %dma_start3A] : memref<10240x128xf32, #tpu.memory_space<vmem_shared>> -> memref<80x128xf32, #tpu.memory_space<vmem_shared>>
        %dma_start3A_85 = arith.constant 0 : i32
        %dma_start3A_86 = tpu.memref_slice %arg8[%add3A_79, %dma_start3A_85] : memref<10240x128xf32, #tpu.memory_space<vmem_shared>> -> memref<80x128xf32, #tpu.memory_space<vmem_shared>>
        tpu.enqueue_dma source(%dma_start3A_86 : memref<80x128xf32, #tpu.memory_space<vmem_shared>>) target(%arg14 : memref<80x128xf32, #tpu.memory_space<vmem>>) target_semaphore(%run_scoped3A : memref<!tpu.dma_semaphore, #tpu.memory_space<semaphore_mem>>)
        %dma_wait3A = arith.constant 0 : i32
        %dma_wait3A_87 = tpu.memref_slice %arg8[%add3A_79, %dma_wait3A] : memref<10240x128xf32, #tpu.memory_space<vmem_shared>> -> memref<80x128xf32, #tpu.memory_space<vmem_shared>>
        %dma_wait3A_88 = arith.constant 0 : i32
        %dma_wait3A_89 = tpu.memref_slice %arg8[%add3A_79, %dma_wait3A_88] : memref<10240x128xf32, #tpu.memory_space<vmem_shared>> -> memref<80x128xf32, #tpu.memory_space<vmem_shared>>
        tpu.wait_dma2 semaphore(%run_scoped3A : memref<!tpu.dma_semaphore, #tpu.memory_space<semaphore_mem>>) src(%dma_wait3A_89 : memref<80x128xf32, #tpu.memory_space<vmem_shared>>) dst(%arg14 : memref<80x128xf32, #tpu.memory_space<vmem>>)
        tpu.yield
      }) : () -> ()
      %mul3A_80 = arith.constant 10240 : i32
      %mul3A_81 = arith.muli %add3A_38, %mul3A_80 : i32
      %add3A_82 = arith.addi %mul3A_81, %add3A_79 : i32
      "tpu.region"() ({
        %run_scoped3A = tpu.sem_alloc : memref<!tpu.dma_semaphore, #tpu.memory_space<semaphore_mem>>
        %dma_start3A = arith.constant 0 : i32
        %dma_start3A_84 = tpu.memref_slice %arg7[%add3A_82, %dma_start3A] : memref<40960x128xf32, #tpu.memory_space<hbm>> -> memref<80x128xf32, #tpu.memory_space<hbm>>
        %dma_start3A_85 = arith.constant 0 : i32
        %dma_start3A_86 = tpu.memref_slice %arg7[%add3A_82, %dma_start3A_85] : memref<40960x128xf32, #tpu.memory_space<hbm>> -> memref<80x128xf32, #tpu.memory_space<hbm>>
        tpu.enqueue_dma source(%arg14 : memref<80x128xf32, #tpu.memory_space<vmem>>) target(%dma_start3A_86 : memref<80x128xf32, #tpu.memory_space<hbm>>) target_semaphore(%run_scoped3A : memref<!tpu.dma_semaphore, #tpu.memory_space<semaphore_mem>>)
        %dma_wait3A = arith.constant 0 : i32
        %dma_wait3A_87 = tpu.memref_slice %arg7[%add3A_82, %dma_wait3A] : memref<40960x128xf32, #tpu.memory_space<hbm>> -> memref<80x128xf32, #tpu.memory_space<hbm>>
        %dma_wait3A_88 = arith.constant 0 : i32
        %dma_wait3A_89 = tpu.memref_slice %arg7[%add3A_82, %dma_wait3A_88] : memref<40960x128xf32, #tpu.memory_space<hbm>> -> memref<80x128xf32, #tpu.memory_space<hbm>>
        tpu.wait_dma2 semaphore(%run_scoped3A : memref<!tpu.dma_semaphore, #tpu.memory_space<semaphore_mem>>) src(%arg14 : memref<80x128xf32, #tpu.memory_space<vmem>>) dst(%dma_wait3A_89 : memref<80x128xf32, #tpu.memory_space<hbm>>)
        tpu.yield
      }) : () -> ()
      %scan3A_83 = arith.constant 0 : i32
      scf.yield %scan3A_83 : i32
    }
    %scan3A_72 = arith.constant 8 : i32
    return
  }
}

module attributes {stable_mosaic.version = 14 : i64} {
  func.func @_tc_body(%arg0: i32, %arg1: memref<1024x128xf32, #tpu.memory_space<vmem>>, %arg2: memref<4x128x128xf32, #tpu.memory_space<vmem>>, %arg3: memref<4x128x1xf32, #tpu.memory_space<vmem>>, %arg4: memref<4x128x1xf32, #tpu.memory_space<vmem>>, %arg5: memref<4x1024x128xf32, #tpu.memory_space<vmem>>, %arg6: memref<4x1024xf32, #tpu.memory_space<vmem>>, %arg7: memref<4x1024xf32, #tpu.memory_space<vmem>>) attributes {dimension_semantics = [#tpu.dimension_semantics<arbitrary>], iteration_bounds = array<i64: 10>, scalar_prefetch = 0 : i64, scratch_operands = 0 : i64, tpu.core_type = #tpu.core_type<tc>, window_params = [{transform_indices = @transform_0, window_bounds = array<i64: 1024, 128>}, {pipeline_mode = #tpu.pipeline_mode<synchronous>, transform_indices = @transform_1, window_bounds = array<i64: 4, 128, 128>}, {pipeline_mode = #tpu.pipeline_mode<synchronous>, transform_indices = @transform_2, window_bounds = array<i64: 4, 128, 1>}, {pipeline_mode = #tpu.pipeline_mode<synchronous>, transform_indices = @transform_3, window_bounds = array<i64: 4, 128, 1>}, {transform_indices = @transform_4, window_bounds = array<i64: 4, 1024, 128>}, {transform_indices = @transform_5, window_bounds = array<i64: 4, 1024>}, {transform_indices = @transform_6, window_bounds = array<i64: 4, 1024>}]} {
    %get3A = arith.constant 0 : index
    %get3A_0 = arith.constant 0 : index
    %get3A_1 = vector.load %arg1[%get3A, %get3A_0] : memref<1024x128xf32, #tpu.memory_space<vmem>>, vector<1024x128xf32>
    %get3A_2 = arith.constant 0 : index
    %get3A_3 = arith.constant 0 : index
    %get3A_4 = arith.constant 0 : index
    %get3A_5 = vector.load %arg2[%get3A_2, %get3A_3, %get3A_4] : memref<4x128x128xf32, #tpu.memory_space<vmem>>, vector<1x128x128xf32>
    %get3A_6 = vector.shape_cast %get3A_5 : vector<1x128x128xf32> to vector<128x128xf32>
    %dot_general3A = arith.constant dense<0.000000e+00> : vector<1024x128xf32>
    %dot_general3A_7 = tpu.matmul %get3A_1, %get3A_6, %dot_general3A {dimension_numbers = #tpu.dot_dimension_numbers<[1], [0], [0], [1], [0, 0, 1, 1], [], []>, transpose_lhs_hint = false} : vector<1024x128xf32>, vector<128x128xf32>, vector<1024x128xf32> -> vector<1024x128xf32>
    %swap3A = arith.constant 0 : index
    %swap3A_8 = arith.constant 0 : index
    %swap3A_9 = arith.constant 0 : index
    %swap3A_10 = vector.load %arg5[%swap3A, %swap3A_8, %swap3A_9] : memref<4x1024x128xf32, #tpu.memory_space<vmem>>, vector<1x1024x128xf32>
    %swap3A_11 = vector.shape_cast %swap3A_10 : vector<1x1024x128xf32> to vector<1024x128xf32>
    %swap3A_12 = vector.shape_cast %dot_general3A_7 : vector<1024x128xf32> to vector<1x1024x128xf32>
    tpu.vector_store %arg5[%swap3A, %swap3A_8, %swap3A_9], %swap3A_12 {strides = array<i32>} : memref<4x1024x128xf32, #tpu.memory_space<vmem>>, vector<1x1024x128xf32>,
    %get3A_13 = arith.constant 0 : index
    %get3A_14 = arith.constant 0 : index
    %get3A_15 = arith.constant 0 : index
    %get3A_16 = vector.load %arg3[%get3A_13, %get3A_14, %get3A_15] : memref<4x128x1xf32, #tpu.memory_space<vmem>>, vector<1x128x1xf32>
    %get3A_17 = vector.shape_cast %get3A_16 : vector<1x128x1xf32> to vector<128xf32>
    %broadcast_in_dim3A = vector.shape_cast %get3A_17 : vector<128xf32> to vector<1x128xf32>
    %get3A_18 = arith.constant 0 : index
    %get3A_19 = arith.constant 0 : index
    %get3A_20 = arith.constant 0 : index
    %get3A_21 = vector.load %arg4[%get3A_18, %get3A_19, %get3A_20] : memref<4x128x1xf32, #tpu.memory_space<vmem>>, vector<1x128x1xf32>
    %get3A_22 = vector.shape_cast %get3A_21 : vector<1x128x1xf32> to vector<128xf32>
    %broadcast_in_dim3A_23 = vector.shape_cast %get3A_22 : vector<128xf32> to vector<1x128xf32>
    %mul3A = vector.broadcast %broadcast_in_dim3A : vector<1x128xf32> to vector<1024x128xf32>
    %mul3A_24 = arith.mulf %dot_general3A_7, %mul3A : vector<1024x128xf32>
    %reduce_sum3A = arith.constant dense<0.000000e+00> : vector<1024xf32>
    %reduce_sum3A_25 = vector.multi_reduction <add>, %mul3A_24, %reduce_sum3A [1] : vector<1024x128xf32> to vector<1024xf32>
    %swap3A_26 = arith.constant 0 : index
    %swap3A_27 = arith.constant 0 : index
    %swap3A_28 = vector.load %arg6[%swap3A_26, %swap3A_27] : memref<4x1024xf32, #tpu.memory_space<vmem>>, vector<1x1024xf32>
    %swap3A_29 = vector.shape_cast %swap3A_28 : vector<1x1024xf32> to vector<1024xf32>
    %swap3A_30 = vector.shape_cast %reduce_sum3A_25 : vector<1024xf32> to vector<1x1024xf32>
    tpu.vector_store %arg6[%swap3A_26, %swap3A_27], %swap3A_30 {strides = array<i32>} : memref<4x1024xf32, #tpu.memory_space<vmem>>, vector<1x1024xf32>,
    %mul3A_31 = vector.broadcast %broadcast_in_dim3A_23 : vector<1x128xf32> to vector<1024x128xf32>
    %mul3A_32 = arith.mulf %dot_general3A_7, %mul3A_31 : vector<1024x128xf32>
    %reduce_sum3A_33 = arith.constant dense<0.000000e+00> : vector<1024xf32>
    %reduce_sum3A_34 = vector.multi_reduction <add>, %mul3A_32, %reduce_sum3A_33 [1] : vector<1024x128xf32> to vector<1024xf32>
    %swap3A_35 = arith.constant 0 : index
    %swap3A_36 = arith.constant 0 : index
    %swap3A_37 = vector.load %arg7[%swap3A_35, %swap3A_36] : memref<4x1024xf32, #tpu.memory_space<vmem>>, vector<1x1024xf32>
    %swap3A_38 = vector.shape_cast %swap3A_37 : vector<1x1024xf32> to vector<1024xf32>
    %swap3A_39 = vector.shape_cast %reduce_sum3A_34 : vector<1024xf32> to vector<1x1024xf32>
    tpu.vector_store %arg7[%swap3A_35, %swap3A_36], %swap3A_39 {strides = array<i32>} : memref<4x1024xf32, #tpu.memory_space<vmem>>, vector<1x1024xf32>,
    %get3A_40 = arith.constant 1 : index
    %get3A_41 = arith.constant 0 : index
    %get3A_42 = arith.constant 0 : index
    %get3A_43 = vector.load %arg2[%get3A_40, %get3A_41, %get3A_42] : memref<4x128x128xf32, #tpu.memory_space<vmem>>, vector<1x128x128xf32>
    %get3A_44 = vector.shape_cast %get3A_43 : vector<1x128x128xf32> to vector<128x128xf32>
    %dot_general3A_45 = arith.constant dense<0.000000e+00> : vector<1024x128xf32>
    %dot_general3A_46 = tpu.matmul %get3A_1, %get3A_44, %dot_general3A_45 {dimension_numbers = #tpu.dot_dimension_numbers<[1], [0], [0], [1], [0, 0, 1, 1], [], []>, transpose_lhs_hint = false} : vector<1024x128xf32>, vector<128x128xf32>, vector<1024x128xf32> -> vector<1024x128xf32>
    %swap3A_47 = arith.constant 1 : index
    %swap3A_48 = arith.constant 0 : index
    %swap3A_49 = arith.constant 0 : index
    %swap3A_50 = vector.load %arg5[%swap3A_47, %swap3A_48, %swap3A_49] : memref<4x1024x128xf32, #tpu.memory_space<vmem>>, vector<1x1024x128xf32>
    %swap3A_51 = vector.shape_cast %swap3A_50 : vector<1x1024x128xf32> to vector<1024x128xf32>
    %swap3A_52 = vector.shape_cast %dot_general3A_46 : vector<1024x128xf32> to vector<1x1024x128xf32>
    tpu.vector_store %arg5[%swap3A_47, %swap3A_48, %swap3A_49], %swap3A_52 {strides = array<i32>} : memref<4x1024x128xf32, #tpu.memory_space<vmem>>, vector<1x1024x128xf32>,
    %get3A_53 = arith.constant 1 : index
    %get3A_54 = arith.constant 0 : index
    %get3A_55 = arith.constant 0 : index
    %get3A_56 = vector.load %arg3[%get3A_53, %get3A_54, %get3A_55] : memref<4x128x1xf32, #tpu.memory_space<vmem>>, vector<1x128x1xf32>
    %get3A_57 = vector.shape_cast %get3A_56 : vector<1x128x1xf32> to vector<128xf32>
    %broadcast_in_dim3A_58 = vector.shape_cast %get3A_57 : vector<128xf32> to vector<1x128xf32>
    %get3A_59 = arith.constant 1 : index
    %get3A_60 = arith.constant 0 : index
    %get3A_61 = arith.constant 0 : index
    %get3A_62 = vector.load %arg4[%get3A_59, %get3A_60, %get3A_61] : memref<4x128x1xf32, #tpu.memory_space<vmem>>, vector<1x128x1xf32>
    %get3A_63 = vector.shape_cast %get3A_62 : vector<1x128x1xf32> to vector<128xf32>
    %broadcast_in_dim3A_64 = vector.shape_cast %get3A_63 : vector<128xf32> to vector<1x128xf32>
    %mul3A_65 = vector.broadcast %broadcast_in_dim3A_58 : vector<1x128xf32> to vector<1024x128xf32>
    %mul3A_66 = arith.mulf %dot_general3A_46, %mul3A_65 : vector<1024x128xf32>
    %reduce_sum3A_67 = arith.constant dense<0.000000e+00> : vector<1024xf32>
    %reduce_sum3A_68 = vector.multi_reduction <add>, %mul3A_66, %reduce_sum3A_67 [1] : vector<1024x128xf32> to vector<1024xf32>
    %swap3A_69 = arith.constant 1 : index
    %swap3A_70 = arith.constant 0 : index
    %swap3A_71 = vector.load %arg6[%swap3A_69, %swap3A_70] : memref<4x1024xf32, #tpu.memory_space<vmem>>, vector<1x1024xf32>
    %swap3A_72 = vector.shape_cast %swap3A_71 : vector<1x1024xf32> to vector<1024xf32>
    %swap3A_73 = vector.shape_cast %reduce_sum3A_68 : vector<1024xf32> to vector<1x1024xf32>
    tpu.vector_store %arg6[%swap3A_69, %swap3A_70], %swap3A_73 {strides = array<i32>} : memref<4x1024xf32, #tpu.memory_space<vmem>>, vector<1x1024xf32>,
    %mul3A_74 = vector.broadcast %broadcast_in_dim3A_64 : vector<1x128xf32> to vector<1024x128xf32>
    %mul3A_75 = arith.mulf %dot_general3A_46, %mul3A_74 : vector<1024x128xf32>
    %reduce_sum3A_76 = arith.constant dense<0.000000e+00> : vector<1024xf32>
    %reduce_sum3A_77 = vector.multi_reduction <add>, %mul3A_75, %reduce_sum3A_76 [1] : vector<1024x128xf32> to vector<1024xf32>
    %swap3A_78 = arith.constant 1 : index
    %swap3A_79 = arith.constant 0 : index
    %swap3A_80 = vector.load %arg7[%swap3A_78, %swap3A_79] : memref<4x1024xf32, #tpu.memory_space<vmem>>, vector<1x1024xf32>
    %swap3A_81 = vector.shape_cast %swap3A_80 : vector<1x1024xf32> to vector<1024xf32>
    %swap3A_82 = vector.shape_cast %reduce_sum3A_77 : vector<1024xf32> to vector<1x1024xf32>
    tpu.vector_store %arg7[%swap3A_78, %swap3A_79], %swap3A_82 {strides = array<i32>} : memref<4x1024xf32, #tpu.memory_space<vmem>>, vector<1x1024xf32>,
    %get3A_83 = arith.constant 2 : index
    %get3A_84 = arith.constant 0 : index
    %get3A_85 = arith.constant 0 : index
    %get3A_86 = vector.load %arg2[%get3A_83, %get3A_84, %get3A_85] : memref<4x128x128xf32, #tpu.memory_space<vmem>>, vector<1x128x128xf32>
    %get3A_87 = vector.shape_cast %get3A_86 : vector<1x128x128xf32> to vector<128x128xf32>
    %dot_general3A_88 = arith.constant dense<0.000000e+00> : vector<1024x128xf32>
    %dot_general3A_89 = tpu.matmul %get3A_1, %get3A_87, %dot_general3A_88 {dimension_numbers = #tpu.dot_dimension_numbers<[1], [0], [0], [1], [0, 0, 1, 1], [], []>, transpose_lhs_hint = false} : vector<1024x128xf32>, vector<128x128xf32>, vector<1024x128xf32> -> vector<1024x128xf32>
    %swap3A_90 = arith.constant 2 : index
    %swap3A_91 = arith.constant 0 : index
    %swap3A_92 = arith.constant 0 : index
    %swap3A_93 = vector.load %arg5[%swap3A_90, %swap3A_91, %swap3A_92] : memref<4x1024x128xf32, #tpu.memory_space<vmem>>, vector<1x1024x128xf32>
    %swap3A_94 = vector.shape_cast %swap3A_93 : vector<1x1024x128xf32> to vector<1024x128xf32>
    %swap3A_95 = vector.shape_cast %dot_general3A_89 : vector<1024x128xf32> to vector<1x1024x128xf32>
    tpu.vector_store %arg5[%swap3A_90, %swap3A_91, %swap3A_92], %swap3A_95 {strides = array<i32>} : memref<4x1024x128xf32, #tpu.memory_space<vmem>>, vector<1x1024x128xf32>,
    %get3A_96 = arith.constant 2 : index
    %get3A_97 = arith.constant 0 : index
    %get3A_98 = arith.constant 0 : index
    %get3A_99 = vector.load %arg3[%get3A_96, %get3A_97, %get3A_98] : memref<4x128x1xf32, #tpu.memory_space<vmem>>, vector<1x128x1xf32>
    %get3A_100 = vector.shape_cast %get3A_99 : vector<1x128x1xf32> to vector<128xf32>
    %broadcast_in_dim3A_101 = vector.shape_cast %get3A_100 : vector<128xf32> to vector<1x128xf32>
    %get3A_102 = arith.constant 2 : index
    %get3A_103 = arith.constant 0 : index
    %get3A_104 = arith.constant 0 : index
    %get3A_105 = vector.load %arg4[%get3A_102, %get3A_103, %get3A_104] : memref<4x128x1xf32, #tpu.memory_space<vmem>>, vector<1x128x1xf32>
    %get3A_106 = vector.shape_cast %get3A_105 : vector<1x128x1xf32> to vector<128xf32>
    %broadcast_in_dim3A_107 = vector.shape_cast %get3A_106 : vector<128xf32> to vector<1x128xf32>
    %mul3A_108 = vector.broadcast %broadcast_in_dim3A_101 : vector<1x128xf32> to vector<1024x128xf32>
    %mul3A_109 = arith.mulf %dot_general3A_89, %mul3A_108 : vector<1024x128xf32>
    %reduce_sum3A_110 = arith.constant dense<0.000000e+00> : vector<1024xf32>
    %reduce_sum3A_111 = vector.multi_reduction <add>, %mul3A_109, %reduce_sum3A_110 [1] : vector<1024x128xf32> to vector<1024xf32>
    %swap3A_112 = arith.constant 2 : index
    %swap3A_113 = arith.constant 0 : index
    %swap3A_114 = vector.load %arg6[%swap3A_112, %swap3A_113] : memref<4x1024xf32, #tpu.memory_space<vmem>>, vector<1x1024xf32>
    %swap3A_115 = vector.shape_cast %swap3A_114 : vector<1x1024xf32> to vector<1024xf32>
    %swap3A_116 = vector.shape_cast %reduce_sum3A_111 : vector<1024xf32> to vector<1x1024xf32>
    tpu.vector_store %arg6[%swap3A_112, %swap3A_113], %swap3A_116 {strides = array<i32>} : memref<4x1024xf32, #tpu.memory_space<vmem>>, vector<1x1024xf32>,
    %mul3A_117 = vector.broadcast %broadcast_in_dim3A_107 : vector<1x128xf32> to vector<1024x128xf32>
    %mul3A_118 = arith.mulf %dot_general3A_89, %mul3A_117 : vector<1024x128xf32>
    %reduce_sum3A_119 = arith.constant dense<0.000000e+00> : vector<1024xf32>
    %reduce_sum3A_120 = vector.multi_reduction <add>, %mul3A_118, %reduce_sum3A_119 [1] : vector<1024x128xf32> to vector<1024xf32>
    %swap3A_121 = arith.constant 2 : index
    %swap3A_122 = arith.constant 0 : index
    %swap3A_123 = vector.load %arg7[%swap3A_121, %swap3A_122] : memref<4x1024xf32, #tpu.memory_space<vmem>>, vector<1x1024xf32>
    %swap3A_124 = vector.shape_cast %swap3A_123 : vector<1x1024xf32> to vector<1024xf32>
    %swap3A_125 = vector.shape_cast %reduce_sum3A_120 : vector<1024xf32> to vector<1x1024xf32>
    tpu.vector_store %arg7[%swap3A_121, %swap3A_122], %swap3A_125 {strides = array<i32>} : memref<4x1024xf32, #tpu.memory_space<vmem>>, vector<1x1024xf32>,
    %get3A_126 = arith.constant 3 : index
    %get3A_127 = arith.constant 0 : index
    %get3A_128 = arith.constant 0 : index
    %get3A_129 = vector.load %arg2[%get3A_126, %get3A_127, %get3A_128] : memref<4x128x128xf32, #tpu.memory_space<vmem>>, vector<1x128x128xf32>
    %get3A_130 = vector.shape_cast %get3A_129 : vector<1x128x128xf32> to vector<128x128xf32>
    %dot_general3A_131 = arith.constant dense<0.000000e+00> : vector<1024x128xf32>
    %dot_general3A_132 = tpu.matmul %get3A_1, %get3A_130, %dot_general3A_131 {dimension_numbers = #tpu.dot_dimension_numbers<[1], [0], [0], [1], [0, 0, 1, 1], [], []>, transpose_lhs_hint = false} : vector<1024x128xf32>, vector<128x128xf32>, vector<1024x128xf32> -> vector<1024x128xf32>
    %swap3A_133 = arith.constant 3 : index
    %swap3A_134 = arith.constant 0 : index
    %swap3A_135 = arith.constant 0 : index
    %swap3A_136 = vector.load %arg5[%swap3A_133, %swap3A_134, %swap3A_135] : memref<4x1024x128xf32, #tpu.memory_space<vmem>>, vector<1x1024x128xf32>
    %swap3A_137 = vector.shape_cast %swap3A_136 : vector<1x1024x128xf32> to vector<1024x128xf32>
    %swap3A_138 = vector.shape_cast %dot_general3A_132 : vector<1024x128xf32> to vector<1x1024x128xf32>
    tpu.vector_store %arg5[%swap3A_133, %swap3A_134, %swap3A_135], %swap3A_138 {strides = array<i32>} : memref<4x1024x128xf32, #tpu.memory_space<vmem>>, vector<1x1024x128xf32>,
    %get3A_139 = arith.constant 3 : index
    %get3A_140 = arith.constant 0 : index
    %get3A_141 = arith.constant 0 : index
    %get3A_142 = vector.load %arg3[%get3A_139, %get3A_140, %get3A_141] : memref<4x128x1xf32, #tpu.memory_space<vmem>>, vector<1x128x1xf32>
    %get3A_143 = vector.shape_cast %get3A_142 : vector<1x128x1xf32> to vector<128xf32>
    %broadcast_in_dim3A_144 = vector.shape_cast %get3A_143 : vector<128xf32> to vector<1x128xf32>
    %get3A_145 = arith.constant 3 : index
    %get3A_146 = arith.constant 0 : index
    %get3A_147 = arith.constant 0 : index
    %get3A_148 = vector.load %arg4[%get3A_145, %get3A_146, %get3A_147] : memref<4x128x1xf32, #tpu.memory_space<vmem>>, vector<1x128x1xf32>
    %get3A_149 = vector.shape_cast %get3A_148 : vector<1x128x1xf32> to vector<128xf32>
    %broadcast_in_dim3A_150 = vector.shape_cast %get3A_149 : vector<128xf32> to vector<1x128xf32>
    %mul3A_151 = vector.broadcast %broadcast_in_dim3A_144 : vector<1x128xf32> to vector<1024x128xf32>
    %mul3A_152 = arith.mulf %dot_general3A_132, %mul3A_151 : vector<1024x128xf32>
    %reduce_sum3A_153 = arith.constant dense<0.000000e+00> : vector<1024xf32>
    %reduce_sum3A_154 = vector.multi_reduction <add>, %mul3A_152, %reduce_sum3A_153 [1] : vector<1024x128xf32> to vector<1024xf32>
    %swap3A_155 = arith.constant 3 : index
    %swap3A_156 = arith.constant 0 : index
    %swap3A_157 = vector.load %arg6[%swap3A_155, %swap3A_156] : memref<4x1024xf32, #tpu.memory_space<vmem>>, vector<1x1024xf32>
    %swap3A_158 = vector.shape_cast %swap3A_157 : vector<1x1024xf32> to vector<1024xf32>
    %swap3A_159 = vector.shape_cast %reduce_sum3A_154 : vector<1024xf32> to vector<1x1024xf32>
    tpu.vector_store %arg6[%swap3A_155, %swap3A_156], %swap3A_159 {strides = array<i32>} : memref<4x1024xf32, #tpu.memory_space<vmem>>, vector<1x1024xf32>,
    %mul3A_160 = vector.broadcast %broadcast_in_dim3A_150 : vector<1x128xf32> to vector<1024x128xf32>
    %mul3A_161 = arith.mulf %dot_general3A_132, %mul3A_160 : vector<1024x128xf32>
    %reduce_sum3A_162 = arith.constant dense<0.000000e+00> : vector<1024xf32>
    %reduce_sum3A_163 = vector.multi_reduction <add>, %mul3A_161, %reduce_sum3A_162 [1] : vector<1024x128xf32> to vector<1024xf32>
    %swap3A_164 = arith.constant 3 : index
    %swap3A_165 = arith.constant 0 : index
    %swap3A_166 = vector.load %arg7[%swap3A_164, %swap3A_165] : memref<4x1024xf32, #tpu.memory_space<vmem>>, vector<1x1024xf32>
    %swap3A_167 = vector.shape_cast %swap3A_166 : vector<1x1024xf32> to vector<1024xf32>
    %swap3A_168 = vector.shape_cast %reduce_sum3A_163 : vector<1024xf32> to vector<1x1024xf32>
    tpu.vector_store %arg7[%swap3A_164, %swap3A_165], %swap3A_168 {strides = array<i32>} : memref<4x1024xf32, #tpu.memory_space<vmem>>, vector<1x1024xf32>,
    return
  }
  func.func @transform_0(%arg0: i32) -> (i32, i32) {
    %c0_i32 = arith.constant 0 : i32
    %c0_i32_0 = arith.constant 0 : i32
    return %arg0, %c0_i32 : i32, i32
  }
  func.func @transform_1(%arg0: i32) -> (i32, i32, i32) {
    %c0_i32 = arith.constant 0 : i32
    %c0_i32_0 = arith.constant 0 : i32
    %c0_i32_1 = arith.constant 0 : i32
    %c0_i32_2 = arith.constant 0 : i32
    return %c0_i32, %c0_i32_0, %c0_i32_1 : i32, i32, i32
  }
  func.func @transform_2(%arg0: i32) -> (i32, i32, i32) {
    %c0_i32 = arith.constant 0 : i32
    %c0_i32_0 = arith.constant 0 : i32
    %c0_i32_1 = arith.constant 0 : i32
    %c0_i32_2 = arith.constant 0 : i32
    return %c0_i32, %c0_i32_0, %c0_i32_1 : i32, i32, i32
  }
  func.func @transform_3(%arg0: i32) -> (i32, i32, i32) {
    %c0_i32 = arith.constant 0 : i32
    %c0_i32_0 = arith.constant 0 : i32
    %c0_i32_1 = arith.constant 0 : i32
    %c0_i32_2 = arith.constant 0 : i32
    return %c0_i32, %c0_i32_0, %c0_i32_1 : i32, i32, i32
  }
  func.func @transform_4(%arg0: i32) -> (i32, i32, i32) {
    %c0_i32 = arith.constant 0 : i32
    %c0_i32_0 = arith.constant 0 : i32
    %c0_i32_1 = arith.constant 0 : i32
    return %c0_i32, %arg0, %c0_i32_0 : i32, i32, i32
  }
  func.func @transform_5(%arg0: i32) -> (i32, i32) {
    %c0_i32 = arith.constant 0 : i32
    %c0_i32_0 = arith.constant 0 : i32
    return %c0_i32, %arg0 : i32, i32
  }
  func.func @transform_6(%arg0: i32) -> (i32, i32) {
    %c0_i32 = arith.constant 0 : i32
    %c0_i32_0 = arith.constant 0 : i32
    return %c0_i32, %arg0 : i32, i32
  }
}

</mosaic_0001>

<sc_bundles>
// kernel: kernel.5.cloned.1.call-start
scs
__scs_entry_jumppad:
0x0: {  	(pc) =	sbr.rel $0x88, $3  }
0x1: {  	(tag) =	ssettag $0x0;
	lr =	simm.s32 $0x1  }
0x2: {  	[smem:$0x3F9B] =	sst lr;
	_ =	strace $0xD0000000  }
0x3: {  	_ = 	snop  }
0x4: {  	_ = 	snop  }
0x5: {  	_ = 	snop  }
0x6: {  	_ = 	snop  }
0x7: {  	_ = 	snop  }
__scs_overlays_trampoline_lowered:
0x8: {  	[smem:$0x3FAA] =	sst s0  }
0x9: {  	[smem:$0x3FAB] =	sst s1  }
0xa: {  	[smem:$0x3FAC] =	sst s2  }
0xb: {  	[smem:$0x3FAD] =	sst s3  }
0xc: {  	[smem:$0x3FAE] =	sst s4  }
0xd: {  	[smem:$0x3FAF] =	sst s5  }
0xe: {  	[smem:$0x3FB0] =	sst s6  }
0xf: {  	[smem:$0x3FB1] =	sst s7  }
0x10: {  	[smem:$0x3FB2] =	sst s8  }
0x11: {  	[smem:$0x3FB3] =	sst s9;
	s0 =	simm.s32 @!p0 $0x0  }
0x12: {  	s1 =	sld [smem:$0x3F99];
	s0 =	simm.s32 @p0 $0x1  }
0x13: {  	[smem:$0x3FB4] =	sst s0;
	s0 =	simm.s32 @!p1 $0x0  }
0x14: {  	s2 =	sld [smem:$0x3F98];
	s0 =	simm.s32 @p1 $0x1  }
0x15: {  	[smem:$0x3FB5] =	sst s0;
	s0 =	simm.s32 @!p2 $0x0  }
0x16: {  	s3 =	sld [smem:$0x3FDB];
	s0 =	simm.s32 @p2 $0x1  }
0x17: {  	s4 =	simm.s32 $0x1BF5;
	[smem:$0x3FB7] =	sst s0  }
0x18: {  	s0 =	sld [smem:$0x3F9A];
	_ =	swait.ge [sflag:s4], $0x0  }
0x19: {  	s7 =	sld [smem:$0x3F9B]  }
0x1a: {  	s8 =	sadd.s32 $0xFFFFE003, lr  }
0x1b: {  	s9 =	sadd.s32 $0xFFFFFEF7, lr;
	s5 =	simm.s32 $0xFFFFFFFF;
	p2 =	slt.u32 s8, $0xFFFFF086  }
0x1c: {  	p1 =	slt.u32 s9, $0xF7A;
	s5 =	simm.s32 @!p2 $0x0  }
0x1d: {  	s5 =	simm.s32 @p1 $0x1;
	p0 =	seq.s32 s7, s2  }
0x1e: {  	s7 =	smul.u32 @!p0 $0xF7A, s2;
	p2 =	seq.s32 @!p0 s5, $0x0  }
0x1f: {  	s9 =	smul.u32 $0xF7A, s1;
	s8 =	simm.s32 @!p0 $0x1BF5;
	p2 =	por !p2, p0  }
0x20: {  	[sflag:s8] =	ssyncset.s32 @!p0 $0xFFFFF086;
	s6 =	sadd.s32 @!p0 s3, s7;
	s7 =	simm.s32 @!p0 $0x108  }
0x21: {  	s3 =	sadd.s32 s3, s9;
	s6 =	sadd.s32 @!p0 $0x88, s6;
	s7 =	simm.s32 @p2 $0x1082  }
0x22: {  	[simem:s7], [sflag:s8] =	dma.local @!p0 [hbm:s6], $0xF7A  }
0x23: {  	s9 =	sor.u32 $0xD0000000, s2;
	s6 =	simm.s32 $0x108;
	_ =	swait.ge @!p0 [sflag:s8], $0x0  }
0x24: {  	s3 =	sadd.s32 $0x88, s3;
	s6 =	simm.s32 @!p1 $0x1082;
	[sflag:s4] =	ssyncset.s32 $0xFFFFF086  }
0x25: {  	[simem:s6], [sflag:s4] =	dma.local [hbm:s3], $0xF7A  }
0x26: {  	[smem:$0x3F9B] =	sst s1;
	(tag) =	ssettag s2;
	_ =	strace s9  }
0x27: {  	s1 =	sld [smem:$0x3FAB]  }
0x28: {  	s2 =	sld [smem:$0x3FAC]  }
0x29: {  	s4 =	sld [smem:$0x3FAE]  }
0x2a: {  	p0 =	seq.s32 s5, $0x0;
	s5 =	sld [smem:$0x3FAF]  }
0x2b: {  	s6 =	sld [smem:$0x3FB0]  }
0x2c: {  	s7 =	sld [smem:$0x3FB1]  }
0x2d: {  	s3 =	simm.s32 $0x108;
	s8 =	sld [smem:$0x3FB2]  }
0x2e: {  	s3 =	simm.s32 @!p0 $0x1082;
	s9 =	sld [smem:$0x3FB3]  }
0x2f: {  	lr =	sadd.s32 s0, s3;
	s0 =	sld [smem:$0x3FAA]  }
0x30: {  	s3 =	sld [smem:$0x3FAD]  }
0x31: {  	[smem:$0x3FB6] =	sst s10  }
0x32: {  	s10 =	sld [smem:$0x3FB4];
	_ =	sdelay $0x3  }
0x33: {  	p0 =	seq.s32 s10, $0x1;
	s10 =	sld [smem:$0x3FB6];
	_ =	sdelay $0x3  }
0x34: {  	[smem:$0x3FB6] =	sst s10  }
0x35: {  	s10 =	sld [smem:$0x3FB5];
	_ =	sdelay $0x3  }
0x36: {  	p1 =	seq.s32 s10, $0x1;
	s10 =	sld [smem:$0x3FB6];
	_ =	sdelay $0x3  }
0x37: {  	[smem:$0x3FB6] =	sst s10  }
0x38: {  	s10 =	sld [smem:$0x3FB7]  }
0x39: {  	_ = 	snop;
	(pc) =	sbr.ind lr, $3  }
0x3a: {  	_ = 	snop  }
0x3b: {  	_ = 	snop  }
0x3c: {  	p2 =	seq.s32 s10, $0x1;
	s10 =	sld [smem:$0x3FB6]  }
0x3d: {  	_ =	shalt  }
0x3e: {  	_ =	shalt  }
0x3f: {  	_ =	shalt  }
0x40: {  	_ =	shalt  }
0x41: {  	_ =	shalt  }
0x42: {  	_ =	shalt  }
0x43: {  	_ =	shalt  }
0x44: {  	_ =	shalt  }
0x45: {  	_ =	shalt  }
0x46: {  	_ =	shalt  }
0x47: {  	_ =	shalt  }
0x48: {  	_ =	shalt  }
0x49: {  	_ =	shalt  }
0x4a: {  	_ =	shalt  }
0x4b: {  	_ =	shalt  }
0x4c: {  	_ =	shalt  }
0x4d: {  	_ =	shalt  }
0x4e: {  	_ =	shalt  }
0x4f: {  	_ =	shalt  }
0x50: {  	_ =	shalt  }
0x51: {  	_ =	shalt  }
0x52: {  	_ =	shalt  }
0x53: {  	_ =	shalt  }
0x54: {  	_ =	shalt  }
0x55: {  	_ =	shalt  }
0x56: {  	_ =	shalt  }
0x57: {  	_ =	shalt  }
0x58: {  	_ =	shalt  }
0x59: {  	_ =	shalt  }
0x5a: {  	_ =	shalt  }
0x5b: {  	_ =	shalt  }
0x5c: {  	_ =	shalt  }
0x5d: {  	_ =	shalt  }
0x5e: {  	_ =	shalt  }
0x5f: {  	_ =	shalt  }
0x60: {  	_ =	shalt  }
0x61: {  	_ =	shalt  }
0x62: {  	_ =	shalt  }
0x63: {  	_ =	shalt  }
0x64: {  	_ =	shalt  }
0x65: {  	_ =	shalt  }
0x66: {  	_ =	shalt  }
0x67: {  	_ =	shalt  }
0x68: {  	_ =	shalt  }
0x69: {  	_ =	shalt  }
0x6a: {  	_ =	shalt  }
0x6b: {  	_ =	shalt  }
0x6c: {  	_ =	shalt  }
0x6d: {  	_ =	shalt  }
0x6e: {  	_ =	shalt  }
0x6f: {  	_ =	shalt  }
0x70: {  	_ =	shalt  }
0x71: {  	_ =	shalt  }
0x72: {  	_ =	shalt  }
0x73: {  	_ =	shalt  }
0x74: {  	_ =	shalt  }
0x75: {  	_ =	shalt  }
0x76: {  	_ =	shalt  }
0x77: {  	_ =	shalt  }
0x78: {  	_ =	shalt  }
0x79: {  	_ =	shalt  }
0x7a: {  	_ =	shalt  }
0x7b: {  	_ =	shalt  }
0x7c: {  	_ =	shalt  }
0x7d: {  	_ =	shalt  }
0x7e: {  	_ =	shalt  }
0x7f: {  	_ =	shalt  }
0x80: {  	_ =	shalt  }
0x81: {  	_ =	shalt  }
0x82: {  	_ =	shalt  }
0x83: {  	_ =	shalt  }
0x84: {  	_ =	shalt  }
0x85: {  	_ =	shalt  }
0x86: {  	_ =	shalt  }
0x87: {  	_ =	shalt  }
.Lfunc_end0:
.L_simem_size_0:
called_computation_lowered:
.L_overlay_start_0:
0x88: {  	s2 =	sld [smem:$0x3FD9]  }
0x89: {  	s3 =	sld [smem:$0x3FFE];
	_ =	sdelay $0x1  }
0x8a: {  	s1 =	srdreg.scid  }
0x8b: {  	s0 =	sand.u32 $0x1, s1  }
0x8c: {  	s17 =	sshll.u32 s0, $0xA;
	s2 =	sadd.s32 s3, s2  }
0x8d: {  	s2 =	sadd.s32 s2, s17  }
0x8e: {  	[smem:$0x3FC2] =	sst s2  }
0x8f: {  	_ = 	snop  }
0x90: {  	s2 =	sld [smem:$0x3FC7];
	(tm) =	ssettm $0x1  }
0x91: {  	s18 =	sld [smem:$0x3FFB];
	_ =	sdelay $0x3  }
0x92: {  	_ =	strace s18  }
0x93: {  	s3 =	sld [smem:$0x3FFC];
	_ =	sdelay $0x3  }
0x94: {  	_ =	strace s3  }
0x95: {  	s3 =	sld [smem:$0x3FFD];
	_ =	sdelay $0x3  }
0x96: {  	_ =	strace s3  }
0x97: {  	_ =	strace $0x8FFFFFFF  }
0x98: {  	s19 =	sld [smem:$0x3FDB];
	_ =	sdelay $0x1  }
0x99: {  	s4 =	simm.s32 $_scs_section_size  }
0x9a: {  	s5 =	simm.s32 $_size__tile_overlayer_lowered;
	s6 =	simm.s32 $_tile_overlayer_lowered  }
0x9b: {  	s22 =	simm.s32 $0x1BFF;
	s21 =	sshll.u32 s6, $0x1;
	s3 =	sadd.s32 s4, s19  }
0x9c: {  	s7 =	simm.s32 $0x0;
	s20 =	sshll.u32 s5, $0x1;
	s5 =	sadd.s32 s21, s3  }
0x9d: {  	[timem:s7], [sflag:s22] =	dma.local [hbm:s5], s20  }
0x9e: {  	_ =	swait.ge [sflag:s22], s20  }
0x9f: {  	s4 =	ssub.s32 $0x0, s20;
	[sflag:s22] =	ssyncset.done $0x0  }
0xa0: {  	[sflag:s22] =	ssyncadd.s32 s4;
	_ =	sdelay $0x1  }
0xa1: {  	s23 =	simm.s32 $0x1B8B  }
0xa2: {  	_ =	swait.ge [sflag:s23], $0x1  }
0xa3: {  	[sflag:s23] =	ssyncset.done $0x0  }
0xa4: {  	s25 =	simm.s32 $0x1B8E;
	s24 =	sld [smem:$0x3FFE];
	[sflag:s23] =	ssyncadd.s32 $0xFFFFFFFF  }
0xa5: {  	s26 =	simm.s32 $execute0_lowered;
	[smem:$0x3FD2] =	sst s25  }
0xa6: {  	s5 =	sshll.u32 s26, $0x1;
	_ =	strace $0x80000046;
	[dreg:$0x1] =	wrdreg $0xFFFFFFFF  }
0xa7: {  	s28 =	simm.s32 $_size_execute0_lowered;
	s3 =	sadd.s32 s3, s5;
	[dreg:$0x0] =	wrdreg $0x0  }
0xa8: {  	s5 =	sshll.u32 s28, $0x1;
	[dreg:$0x2] =	wrdreg s3  }
0xa9: {  	[dreg:$0x3] =	wrdreg s5  }
0xaa: {  	[dreg:$0x4] =	wrdreg $0xC0  }
0xab: {  	_ =	task [dreg:s7], $0x5FFFF  }
0xac: {  	[dreg:$0x1] =	wrdreg $0xFFFFFFFF  }
0xad: {  	[dreg:$0x0] =	wrdreg $0x60  }
0xae: {  	[dreg:$0x2] =	wrdreg s24  }
0xaf: {  	[dreg:$0x3] =	wrdreg s2  }
0xb0: {  	[dreg:$0x4] =	wrdreg $0x0  }
0xb1: {  	[dreg:$0x5] =	wrdreg $0x9  }
0xb2: {  	_ =	task.clear_ibuf [dreg:s7], $0x6FFFF;
	_ =	strace $0x90000046  }
0xb3: {  	s29 =	simm.s32 $0x9;
	_ =	strace $0x80000048  }
0xb4: {  	_ =	swait.ge [sflag:s29], $0x1  }
0xb5: {  	[sflag:s29] =	ssyncadd.s32 $0xFFFFFFFF  }
0xb6: {  	_ =	strace $0x90000048  }
0xb7: {  	_ =	sfence  }
0xb8: {  	s30 =	sld [smem:$0x0];
	_ =	sdelay $0x2  }
0xb9: {  	s31 =	sshll.u32 s1, $0xD;
	s1 =	sshrl.u32 s1, $0x2  }
0xba: {  	s3 =	sand.u32 $0x4000, s31;
	s1 =	sadd.s32 s1, s30  }
0xbb: {  	s0 =	sor.u32 s3, s0;
	s1 =	sshll.u32 s1, $0x11  }
0xbc: {  	s0 =	sor.u32 s1, s0  }
0xbd: {  	s0 =	sadd.s32 $0x8F2B, s0  }
0xbe: {  	[sflag:s0] =	ssyncadd.remote.s32 $0x1  }
0xbf: {  	_ =	sfence.sel $0xFFFF  }
0xc0: {  	[dreg:$0x0] =	wrdreg $0xFFFFFFFF;
	(pc) =	sbr.abs _section_cstart, $3  }
0xc1: {  	[dreg:$0x1] =	wrdreg $0xFFFFFFFF  }
0xc2: {  	_ =	task.clear_ibuf [dreg:s7], $0x2FFFF;
	_ =	strace $0x9FFFFFFF  }
0xc3: {  	(tm) =	ssettm $0x7FFFFFFF  }
tec
execute0_lowered:
.L_overlay_start_1:
0x0: {  	(tag) =	ssettag $0x1  }
0x1: {  	s0 =	rddreg [dreg:$0x0]  }
0x2: {  	s1 =	rddreg [dreg:$0x1]  }
0x3: {  	s2 =	rddreg [dreg:$0x2]  }
0x4: {  	s3 =	simm.s32 $0x0;
	s7 =	srdreg.scid;
	s16 =	stileid.u32  }
0x5: {  	[smem:$0x7FF] =	sst s3;
	s15 =	smul.u32 $0xA00, s16  }
0x6: {  	s6 =	sadd.s32 $0x14600, s0;
	s10 =	sand.u32 $0x1, s7;
	s30 =	smul.u32 $0x280, s16  }
0x7: {  	s8 =	sadd.s32 $0x15A00, s0;
	s11 =	smul.u32 $0x9C4, s10;
	s12 =	sshllo.u32 s10, $0x1  }
0x8: {  	_ =	strace $0x80000047;
	s9 =	ssub.s32 $0x2, s10;
	s14 =	smul.u32 $0x4E2, s12  }
0x9: {  	s13 =	sshrl.u32 s9, $0x1;
	s29 =	sshrl.u32 s15, $0x2;
	s28 =	sadd.s32 s6, s11  }
0xa: {  	s17 =	ssub.s32 s9, s13;
	s11 =	sadd.s32 s8, s11;
	[dreg:$0x4] =	wrdreg s28  }
0xb: {  	s9 =	smul.u32 $0xFA, s16;
	[dreg:$0x5] =	wrdreg s11;
	s6 =	sadd.s32 s6, s14  }
0xc: {  	s13 =	sadd.s32 s29, s2;
	s8 =	sadd.s32 s8, s14;
	[dreg:$0x6] =	wrdreg s6  }
0xd: {  	s16 =	smul.u32 $0xFA0, s12;
	s12 =	smax.u32 s17, $0x1;
	[dreg:$0x7] =	wrdreg s8  }
0xe: {  	s14 =	sadd.s32 $0x50, s13;
	[dreg:$0x8] =	wrdreg s12  }
0xf: {  	s17 =	sadd.s32 $0xA0, s13;
	[dreg:$0x9] =	wrdreg s14  }
0x10: {  	s4 =	sadd.s32 $0xA800, s0;
	s18 =	sadd.s32 $0xF0, s13;
	[dreg:$0xa] =	wrdreg s17  }
0x11: {  	s5 =	sadd.s32 $0xA00, s0;
	s19 =	sadd.s32 $0x140, s13;
	[dreg:$0xb] =	wrdreg s18  }
0x12: {  	s7 =	sadd.s32 $0x16E00, s0;
	s21 =	sadd.s32 $0x190, s13;
	[dreg:$0xc] =	wrdreg s19  }
0x13: {  	s0 =	sadd.s32 $0x3E000, s0;
	s22 =	sadd.s32 $0x1E0, s13;
	[dreg:$0xd] =	wrdreg s21  }
0x14: {  	s31 =	smul.u32 $0x5000, s10;
	s25 =	sadd.s32 $0x230, s13;
	[dreg:$0xe] =	wrdreg s22  }
0x15: {  	s11 =	smul.u32 $0x1F40, s10;
	s26 =	sadd.s32 $0x2850, s13;
	[dreg:$0xf] =	wrdreg s25  }
0x16: {  	s15 =	sadd.s32 $0x2800, s13;
	s28 =	sadd.s32 $0x28A0, s13;
	[dreg:$0x10] =	wrdreg s26  }
0x17: {  	s29 =	sadd.s32 $0x28F0, s13;
	s10 =	simm.s32 $0x500;
	[dreg:$0x11] =	wrdreg s28  }
0x18: {  	s6 =	sadd.s32 s30, s31;
	[dreg:$0x12] =	wrdreg s29;
	s30 =	sadd.s32 $0x2940, s13  }
0x19: {  	s31 =	sadd.s32 $0x2990, s13;
	s8 =	sadd.s32 $0x2A30, s13;
	s12 =	simm.s32 $0x1  }
0x1a: {  	s14 =	simm.s32 $0x5320;
	s17 =	simm.s32 $0xB0E0;
	s18 =	simm.s32 $0xA140  }
0x1b: {  	s19 =	simm.s32 $0xA910;
	s21 =	simm.s32 $0xB8B0;
	s22 =	simm.s32 $0x0  }
0x1c: {  	s20 =	sshrl.u32 s6, $0x3;
	s6 =	sadd.s32 $0x2800, s6;
	[dreg:$0x13] =	wrdreg s30  }
0x1d: {  	[dreg:$0x14] =	wrdreg s31;
	s23 =	sadd.s32 s20, s0;
	s6 =	sshrl.u32 s6, $0x3  }
0x1e: {  	v0 =	vimm.f32 $0.0e+00;
	s20 =	simm.s32 $0x50;
	s24 =	sadd.s32 s6, s0;
	s6 =	sadd.s32 $0x29E0, s13  }
.LBB2_1:
0x1f: {  	s0 =	rddreg [dreg:$0x4]  }
0x20: {  	[tilespmem:s10], [sflag:$0x1] =	stream.linear.gather [hbm4b:s0+s3], $0x2710, $0x38;
	[tilespmem:$0xC850] =	vst v63  }
0x21: {  	_ =	swait.ge [sflag:s12], $0x2710  }
0x22: {  	[sflag:s12] =	ssyncset.done $0x0  }
0x23: {  	s28 =	rddreg [dreg:$0x5];
	[sflag:s12] =	ssyncadd.s32 $0xFFFFD8F0  }
0x24: {  	[tilespmem:s14], [sflag:$0x1] =	stream.linear.gather [hbm4b:s28+s3], $0x2710, $0x38;
	[tilespmem:$0xC850] =	vst v63  }
0x25: {  	_ =	swait.ge [sflag:s12], $0x2710  }
0x26: {  	[sflag:s12] =	ssyncset.done $0x0  }
0x27: {  	s25 =	simm.s32 $0x2C10;
	s29 =	rddreg [dreg:$0x6];
	[sflag:s12] =	ssyncadd.s32 $0xFFFFD8F0  }
0x28: {  	[tilespmem:s25], [sflag:$0x1] =	stream.linear.gather [hbm4b:s29+s3], $0x2710, $0x38;
	[tilespmem:$0xC850] =	vst v63  }
0x29: {  	_ =	swait.ge [sflag:s12], $0x2710  }
0x2a: {  	[sflag:s12] =	ssyncset.done $0x0  }
0x2b: {  	s31 =	simm.s32 $0x7A30;
	s30 =	rddreg [dreg:$0x7];
	[sflag:s12] =	ssyncadd.s32 $0xFFFFD8F0  }
0x2c: {  	[tilespmem:s31], [sflag:$0x1] =	stream.linear.gather [hbm4b:s30+s3], $0x2710, $0x38;
	[tilespmem:$0xC850] =	vst v63  }
0x2d: {  	_ =	swait.ge [sflag:s12], $0x2710  }
0x2e: {  	[sflag:s12] =	ssyncset.done $0x0  }
0x2f: {  	[sflag:s12] =	ssyncadd.s32 $0xFFFFD8F0  }
0x30: {  	[tilespmem:$0xB0E0] =	vst v0  }
0x31: {  	[tilespmem:$0xB0F0] =	vst v0  }
0x32: {  	[tilespmem:$0xB100] =	vst v0  }
0x33: {  	[tilespmem:$0xB110] =	vst v0  }
0x34: {  	[tilespmem:$0xB120] =	vst v0  }
0x35: {  	[spmem:s13] =	stream.linear.scatter [tilespmem:s17], [sflag:$0x1], $0x50, $0x38;
	[tilespmem:$0xC850] =	vst v63  }
0x36: {  	_ =	swait.ge [sflag:s12], $0x50  }
0x37: {  	[sflag:s12] =	ssyncset.done $0x0  }
0x38: {  	s25 =	rddreg [dreg:$0x9];
	[sflag:s12] =	ssyncadd.s32 $0xFFFFFFB0  }
0x39: {  	[spmem:s25] =	stream.linear.scatter [tilespmem:s17], [sflag:$0x1], $0x50, $0x38;
	[tilespmem:$0xC850] =	vst v63  }
0x3a: {  	_ =	swait.ge [sflag:s12], $0x50  }
0x3b: {  	[sflag:s12] =	ssyncset.done $0x0  }
0x3c: {  	s26 =	rddreg [dreg:$0xa];
	[sflag:s12] =	ssyncadd.s32 $0xFFFFFFB0  }
0x3d: {  	[spmem:s26] =	stream.linear.scatter [tilespmem:s17], [sflag:$0x1], $0x50, $0x38;
	[tilespmem:$0xC850] =	vst v63  }
0x3e: {  	_ =	swait.ge [sflag:s12], $0x50  }
0x3f: {  	[sflag:s12] =	ssyncset.done $0x0  }
0x40: {  	s28 =	rddreg [dreg:$0xb];
	[sflag:s12] =	ssyncadd.s32 $0xFFFFFFB0  }
0x41: {  	[spmem:s28] =	stream.linear.scatter [tilespmem:s17], [sflag:$0x1], $0x50, $0x38;
	[tilespmem:$0xC850] =	vst v63  }
0x42: {  	_ =	swait.ge [sflag:s12], $0x50  }
0x43: {  	[sflag:s12] =	ssyncset.done $0x0  }
0x44: {  	s29 =	rddreg [dreg:$0xc];
	[sflag:s12] =	ssyncadd.s32 $0xFFFFFFB0  }
0x45: {  	[spmem:s29] =	stream.linear.scatter [tilespmem:s17], [sflag:$0x1], $0x50, $0x38;
	[tilespmem:$0xC850] =	vst v63  }
0x46: {  	_ =	swait.ge [sflag:s12], $0x50  }
0x47: {  	[sflag:s12] =	ssyncset.done $0x0  }
0x48: {  	s30 =	rddreg [dreg:$0xd];
	[sflag:s12] =	ssyncadd.s32 $0xFFFFFFB0  }
0x49: {  	[spmem:s30] =	stream.linear.scatter [tilespmem:s17], [sflag:$0x1], $0x50, $0x38;
	[tilespmem:$0xC850] =	vst v63  }
0x4a: {  	_ =	swait.ge [sflag:s12], $0x50  }
0x4b: {  	[sflag:s12] =	ssyncset.done $0x0  }
0x4c: {  	s31 =	rddreg [dreg:$0xe];
	[sflag:s12] =	ssyncadd.s32 $0xFFFFFFB0  }
0x4d: {  	[spmem:s31] =	stream.linear.scatter [tilespmem:s17], [sflag:$0x1], $0x50, $0x38;
	[tilespmem:$0xC850] =	vst v63  }
0x4e: {  	_ =	swait.ge [sflag:s12], $0x50  }
0x4f: {  	[sflag:s12] =	ssyncset.done $0x0  }
0x50: {  	s25 =	rddreg [dreg:$0xf];
	[sflag:s12] =	ssyncadd.s32 $0xFFFFFFB0  }
0x51: {  	[spmem:s25] =	stream.linear.scatter [tilespmem:s17], [sflag:$0x1], $0x50, $0x38;
	[tilespmem:$0xC850] =	vst v63  }
0x52: {  	_ =	swait.ge [sflag:s12], $0x50  }
0x53: {  	[sflag:s12] =	ssyncset.done $0x0  }
0x54: {  	[sflag:s12] =	ssyncadd.s32 $0xFFFFFFB0  }
0x55: {  	[spmem:s15] =	stream.linear.scatter [tilespmem:s17], [sflag:$0x1], $0x50, $0x38;
	[tilespmem:$0xC850] =	vst v63  }
0x56: {  	_ =	swait.ge [sflag:s12], $0x50  }
0x57: {  	[sflag:s12] =	ssyncset.done $0x0  }
0x58: {  	s26 =	rddreg [dreg:$0x10];
	[sflag:s12] =	ssyncadd.s32 $0xFFFFFFB0  }
0x59: {  	[spmem:s26] =	stream.linear.scatter [tilespmem:s17], [sflag:$0x1], $0x50, $0x38;
	[tilespmem:$0xC850] =	vst v63  }
0x5a: {  	_ =	swait.ge [sflag:s12], $0x50  }
0x5b: {  	[sflag:s12] =	ssyncset.done $0x0  }
0x5c: {  	s28 =	rddreg [dreg:$0x11];
	[sflag:s12] =	ssyncadd.s32 $0xFFFFFFB0  }
0x5d: {  	[spmem:s28] =	stream.linear.scatter [tilespmem:s17], [sflag:$0x1], $0x50, $0x38;
	[tilespmem:$0xC850] =	vst v63  }
0x5e: {  	_ =	swait.ge [sflag:s12], $0x50  }
0x5f: {  	[sflag:s12] =	ssyncset.done $0x0  }
0x60: {  	s29 =	rddreg [dreg:$0x12];
	[sflag:s12] =	ssyncadd.s32 $0xFFFFFFB0  }
0x61: {  	[spmem:s29] =	stream.linear.scatter [tilespmem:s17], [sflag:$0x1], $0x50, $0x38;
	[tilespmem:$0xC850] =	vst v63  }
0x62: {  	_ =	swait.ge [sflag:s12], $0x50  }
0x63: {  	[sflag:s12] =	ssyncset.done $0x0  }
0x64: {  	s30 =	rddreg [dreg:$0x13];
	[sflag:s12] =	ssyncadd.s32 $0xFFFFFFB0  }
0x65: {  	[spmem:s30] =	stream.linear.scatter [tilespmem:s17], [sflag:$0x1], $0x50, $0x38;
	[tilespmem:$0xC850] =	vst v63  }
0x66: {  	_ =	swait.ge [sflag:s12], $0x50  }
0x67: {  	[sflag:s12] =	ssyncset.done $0x0  }
0x68: {  	s31 =	rddreg [dreg:$0x14];
	[sflag:s12] =	ssyncadd.s32 $0xFFFFFFB0  }
0x69: {  	[spmem:s31] =	stream.linear.scatter [tilespmem:s17], [sflag:$0x1], $0x50, $0x38;
	[tilespmem:$0xC850] =	vst v63  }
0x6a: {  	_ =	swait.ge [sflag:s12], $0x50  }
0x6b: {  	[sflag:s12] =	ssyncset.done $0x0  }
0x6c: {  	[sflag:s12] =	ssyncadd.s32 $0xFFFFFFB0  }
0x6d: {  	[spmem:s6] =	stream.linear.scatter [tilespmem:s17], [sflag:$0x1], $0x50, $0x38;
	[tilespmem:$0xC850] =	vst v63  }
0x6e: {  	_ =	swait.ge [sflag:s12], $0x50  }
0x6f: {  	[sflag:s12] =	ssyncset.done $0x0  }
0x70: {  	[sflag:s12] =	ssyncadd.s32 $0xFFFFFFB0  }
0x71: {  	[spmem:s8] =	stream.linear.scatter [tilespmem:s17], [sflag:$0x1], $0x50, $0x38;
	[tilespmem:$0xC850] =	vst v63  }
0x72: {  	_ =	swait.ge [sflag:s12], $0x50  }
0x73: {  	[sflag:s12] =	ssyncset.done $0x0  }
0x74: {  	[sflag:s12] =	ssyncadd.s32 $0xFFFFFFB0  }
0x75: {  	s25 =	simm.s32 $0x0;
	[bflag:$0x0] =	sbarrier.arrive $0xFFFF  }
.LBB2_2:
0x76: {  	s26 =	smul.u32 $0x19, s25;
	_ =	sdelay $0x1  }
0x77: {  	s26 =	sadd.s32 s9, s26  }
0x78: {  	s28 =	smul.u32 $0xA, s26;
	_ =	sdelay $0x1  }
0x79: {  	s30 =	simm.s32 $0x0;
	s29 =	sadd.s32 s4, s28  }
0x7a: {  	[tilespmem:s18], [sflag:$0x1] =	stream.linear.gather [hbm4b:s29+s30], $0x7D0, $0x38;
	[tilespmem:$0xC850] =	vst v63  }
0x7b: {  	_ =	swait.ge [sflag:s12], $0x7D0  }
0x7c: {  	[sflag:s12] =	ssyncset.done $0x0  }
0x7d: {  	s29 =	sadd.s32 s5, s28;
	[sflag:s12] =	ssyncadd.s32 $0xFFFFF830  }
0x7e: {  	[tilespmem:s19], [sflag:$0x1] =	stream.linear.gather [hbm4b:s29+s30], $0x7D0, $0x38;
	[tilespmem:$0xC850] =	vst v63  }
0x7f: {  	_ =	swait.ge [sflag:s12], $0x7D0  }
0x80: {  	[sflag:s12] =	ssyncset.done $0x0  }
0x81: {  	s28 =	sadd.s32 s1, s28;
	[sflag:s12] =	ssyncadd.s32 $0xFFFFF830  }
0x82: {  	[tilespmem:s17], [sflag:$0x1] =	stream.linear.gather [hbm4b:s28+s30], $0x7D0, $0x38;
	[tilespmem:$0xC850] =	vst v63  }
0x83: {  	_ =	swait.ge [sflag:s12], $0x7D0  }
0x84: {  	[sflag:s12] =	ssyncset.done $0x0  }
0x85: {  	s28 =	simm.s32 $0x0;
	[sflag:s12] =	ssyncadd.s32 $0xFFFFF830  }
0x86: {  	v1 =	vld [tilespmem:s28+$0xA140]  }
0x87: {  	v2 =	vld [tilespmem:s28+$0xA910];
	_ =	sdelay $0x6  }
0x88: {  	v1 =	vld.idx.msk [tilespmem:v1+s10+$0x0], $0xffff  }
0x89: {  	v3 =	vld.idx.msk [tilespmem:v2+s14+$0x0], $0xffff;
	_ =	sdelay $0x4  }
0x8a: {  	v4 =	vld [tilespmem:s28+$0xB0E0];
	v1 =	vadd.f32 v3, v1;
	_ =	sdelay $0x1  }
0x8b: {  	v3 =	vmul.f32 $2.000000030e-01, v1  }
0x8c: {  	vm0 =	vge.f32 v1, $0.0e+00  }
0x8d: {  	v1 =	vsel vm0, v1, v3  }
0x8e: {  	v1 =	vmul.f32 v1, v4;
	_ =	sdelay $0x1  }
0x8f: {  	v1 =	vmul.f32 $1.442695020e+00, v1;
	_ =	sdelay $0x1  }
0x90: {  	(erf) = vpow2.f32 v1;
	_ =	sdelay $0x2  }
0x91: {  	v1 =	vld [tilespmem:s28+$0xA150]  }
0x92: {  	v3 =	vld [tilespmem:s28+$0xA920];
	_ =	sdelay $0x4  }
0x93: {  	[tilespmem:s28+$0xC080] =	vst v2;
	v2 =	vpop (erf)  }
0x94: {  	[tilespmem:s28+$0xB8B0] =	vst v2  }
0x95: {  	v1 =	vld.idx.msk [tilespmem:v1+s10+$0x0], $0xffff  }
0x96: {  	v2 =	vld.idx.msk [tilespmem:v3+s14+$0x0], $0xffff;
	_ =	sdelay $0x4  }
0x97: {  	v62 =	vld [tilespmem:s28+$0xB0F0];
	v1 =	vadd.f32 v2, v1;
	_ =	sdelay $0x1  }
0x98: {  	v2 =	vmul.f32 $2.000000030e-01, v1  }
0x99: {  	vm12 =	vge.f32 v1, $0.0e+00  }
0x9a: {  	v1 =	vsel vm12, v1, v2  }
0x9b: {  	v1 =	vmul.f32 v1, v62;
	_ =	sdelay $0x1  }
0x9c: {  	v1 =	vmul.f32 $1.442695020e+00, v1;
	_ =	sdelay $0x1  }
0x9d: {  	(erf) = vpow2.f32 v1;
	_ =	sdelay $0x2  }
0x9e: {  	v1 =	vld [tilespmem:s28+$0xA160]  }
0x9f: {  	v2 =	vld [tilespmem:s28+$0xA930];
	_ =	sdelay $0x4  }
0xa0: {  	[tilespmem:s28+$0xC090] =	vst v3;
	v3 =	vpop (erf)  }
0xa1: {  	[tilespmem:s28+$0xB8C0] =	vst v3  }
0xa2: {  	v1 =	vld.idx.msk [tilespmem:v1+s10+$0x0], $0xffff  }
0xa3: {  	v3 =	vld.idx.msk [tilespmem:v2+s14+$0x0], $0xffff;
	_ =	sdelay $0x4  }
0xa4: {  	[tilespmem:s28+$0xC0A0] =	vst v2;
	v2 =	vld [tilespmem:s28+$0xB100];
	v1 =	vadd.f32 v3, v1;
	_ =	sdelay $0x1  }
0xa5: {  	v3 =	vmul.f32 $2.000000030e-01, v1  }
0xa6: {  	vm13 =	vge.f32 v1, $0.0e+00  }
0xa7: {  	v1 =	vsel vm13, v1, v3  }
0xa8: {  	v1 =	vmul.f32 v1, v2;
	_ =	sdelay $0x1  }
0xa9: {  	v1 =	vmul.f32 $1.442695020e+00, v1;
	_ =	sdelay $0x1  }
0xaa: {  	(erf) = vpow2.f32 v1;
	_ =	sdelay $0x2  }
0xab: {  	v1 =	vld [tilespmem:s28+$0xA170]  }
0xac: {  	v2 =	vld [tilespmem:s28+$0xA940];
	_ =	sdelay $0x4  }
0xad: {  	v3 =	vpop (erf)  }
0xae: {  	[tilespmem:s28+$0xB8D0] =	vst v3  }
0xaf: {  	v1 =	vld.idx.msk [tilespmem:v1+s10+$0x0], $0xffff  }
0xb0: {  	v3 =	vld.idx.msk [tilespmem:v2+s14+$0x0], $0xffff;
	_ =	sdelay $0x4  }
0xb1: {  	[tilespmem:s28+$0xC0B0] =	vst v2;
	v2 =	vld [tilespmem:s28+$0xB110];
	v1 =	vadd.f32 v3, v1;
	_ =	sdelay $0x1  }
0xb2: {  	v3 =	vmul.f32 $2.000000030e-01, v1  }
0xb3: {  	vm14 =	vge.f32 v1, $0.0e+00  }
0xb4: {  	v1 =	vsel vm14, v1, v3  }
0xb5: {  	v1 =	vmul.f32 v1, v2;
	_ =	sdelay $0x1  }
0xb6: {  	v1 =	vmul.f32 $1.442695020e+00, v1;
	_ =	sdelay $0x1  }
0xb7: {  	(erf) = vpow2.f32 v1;
	_ =	sdelay $0x2  }
0xb8: {  	v1 =	vld [tilespmem:s28+$0xA180]  }
0xb9: {  	v2 =	vld [tilespmem:s28+$0xA950];
	_ =	sdelay $0x4  }
0xba: {  	v3 =	vpop (erf)  }
0xbb: {  	[tilespmem:s28+$0xB8E0] =	vst v3  }
0xbc: {  	v1 =	vld.idx.msk [tilespmem:v1+s10+$0x0], $0xffff  }
0xbd: {  	v3 =	vld.idx.msk [tilespmem:v2+s14+$0x0], $0xffff;
	_ =	sdelay $0x4  }
0xbe: {  	v63 =	vld [tilespmem:s28+$0xB120];
	v1 =	vadd.f32 v3, v1;
	_ =	sdelay $0x1  }
0xbf: {  	v3 =	vmul.f32 $2.000000030e-01, v1  }
0xc0: {  	vm15 =	vge.f32 v1, $0.0e+00  }
0xc1: {  	v1 =	vsel vm15, v1, v3  }
0xc2: {  	v1 =	vmul.f32 v1, v63;
	_ =	sdelay $0x1  }
0xc3: {  	v1 =	vmul.f32 $1.442695020e+00, v1;
	_ =	sdelay $0x1  }
0xc4: {  	(erf) = vpow2.f32 v1;
	_ =	sdelay $0x4  }
0xc5: {  	s31 =	simm.s32 $0xC080;
	s29 =	simm.s32 $0x140;
	s30 =	simm.s32 $0xB8B0;
	[tilespmem:s28+$0xC0C0] =	vst v2  }
.LBB2_3:
0xc6: {  	_ =	sdelay $0x2  }
0xc7: {  	p0 =	sne.s32 s29, $0x1E00;
	s0 =	smov.u32 s29;
	s29 =	sadd.s32 $0x140, s29;
	v1 =	vpop (erf)  }
0xc8: {  	[tilespmem:s28+$0xB8F0] =	vst v1  }
0xc9: {  	[spmem:s2] =	stream.indirect.scatter.add.f32 [tilespmem:s30], [sflag:$0x1], $0x1, s31, s20, $0xb8;
	[tilespmem:$0xC850] =	vst v63  }
0xca: {  	_ =	swait.ge [sflag:s12], $0x50  }
0xcb: {  	[sflag:s12] =	ssyncset.done $0x0  }
0xcc: {  	s28 =	sshra.s32 s0, $0x2;
	[sflag:s12] =	ssyncadd.s32 $0xFFFFFFB0  }
0xcd: {  	v1 =	vld [tilespmem:s28+$0xA140]  }
0xce: {  	v2 =	vld [tilespmem:s28+$0xA910];
	_ =	sdelay $0x6  }
0xcf: {  	v1 =	vld.idx.msk [tilespmem:v1+s10+$0x0], $0xffff  }
0xd0: {  	v3 =	vld.idx.msk [tilespmem:v2+s14+$0x0], $0xffff;
	_ =	sdelay $0x4  }
0xd1: {  	v4 =	vld [tilespmem:s28+$0xB0E0]  }
0xd2: {  	v1 =	vadd.f32 v3, v1;
	_ =	sdelay $0x1  }
0xd3: {  	vm0 =	vge.f32 v1, $0.0e+00;
	v3 =	vmul.f32 $2.000000030e-01, v1;
	_ =	sdelay $0x1  }
0xd4: {  	v1 =	vsel vm0, v1, v3  }
0xd5: {  	v1 =	vmul.f32 v1, v4;
	_ =	sdelay $0x1  }
0xd6: {  	v1 =	vmul.f32 $1.442695020e+00, v1;
	_ =	sdelay $0x1  }
0xd7: {  	(erf) = vpow2.f32 v1;
	_ =	sdelay $0x2  }
0xd8: {  	v1 =	vld [tilespmem:s28+$0xA150]  }
0xd9: {  	v3 =	vld [tilespmem:s28+$0xA920];
	_ =	sdelay $0x4  }
0xda: {  	[tilespmem:s28+$0xC080] =	vst v2;
	v2 =	vpop (erf)  }
0xdb: {  	[tilespmem:s28+$0xB8B0] =	vst v2  }
0xdc: {  	v1 =	vld.idx.msk [tilespmem:v1+s10+$0x0], $0xffff  }
0xdd: {  	v2 =	vld.idx.msk [tilespmem:v3+s14+$0x0], $0xffff;
	_ =	sdelay $0x3  }
0xde: {  	v4 =	vld [tilespmem:s28+$0xB0F0];
	_ =	sdelay $0x1  }
0xdf: {  	v1 =	vadd.f32 v2, v1;
	_ =	sdelay $0x1  }
0xe0: {  	vm0 =	vge.f32 v1, $0.0e+00;
	v2 =	vmul.f32 $2.000000030e-01, v1;
	_ =	sdelay $0x1  }
0xe1: {  	v1 =	vsel vm0, v1, v2  }
0xe2: {  	v1 =	vmul.f32 v1, v4;
	_ =	sdelay $0x1  }
0xe3: {  	v1 =	vmul.f32 $1.442695020e+00, v1;
	_ =	sdelay $0x1  }
0xe4: {  	(erf) = vpow2.f32 v1;
	_ =	sdelay $0x2  }
0xe5: {  	v1 =	vld [tilespmem:s28+$0xA160]  }
0xe6: {  	v2 =	vld [tilespmem:s28+$0xA930];
	_ =	sdelay $0x4  }
0xe7: {  	[tilespmem:s28+$0xC090] =	vst v3;
	v3 =	vpop (erf)  }
0xe8: {  	[tilespmem:s28+$0xB8C0] =	vst v3  }
0xe9: {  	v1 =	vld.idx.msk [tilespmem:v1+s10+$0x0], $0xffff  }
0xea: {  	v3 =	vld.idx.msk [tilespmem:v2+s14+$0x0], $0xffff  }
0xeb: {  	[tilespmem:s28+$0xC0A0] =	vst v2;
	_ =	sdelay $0x1  }
0xec: {  	v2 =	vld [tilespmem:s28+$0xB100];
	_ =	sdelay $0x2  }
0xed: {  	v1 =	vadd.f32 v3, v1;
	_ =	sdelay $0x1  }
0xee: {  	vm0 =	vge.f32 v1, $0.0e+00;
	v3 =	vmul.f32 $2.000000030e-01, v1;
	_ =	sdelay $0x1  }
0xef: {  	v1 =	vsel vm0, v1, v3  }
0xf0: {  	v1 =	vmul.f32 v1, v2;
	_ =	sdelay $0x1  }
0xf1: {  	v1 =	vmul.f32 $1.442695020e+00, v1;
	_ =	sdelay $0x1  }
0xf2: {  	(erf) = vpow2.f32 v1;
	_ =	sdelay $0x2  }
0xf3: {  	v1 =	vld [tilespmem:s28+$0xA170]  }
0xf4: {  	v2 =	vld [tilespmem:s28+$0xA940];
	_ =	sdelay $0x4  }
0xf5: {  	v3 =	vpop (erf)  }
0xf6: {  	[tilespmem:s28+$0xB8D0] =	vst v3  }
0xf7: {  	v1 =	vld.idx.msk [tilespmem:v1+s10+$0x0], $0xffff  }
0xf8: {  	v3 =	vld.idx.msk [tilespmem:v2+s14+$0x0], $0xffff  }
0xf9: {  	[tilespmem:s28+$0xC0B0] =	vst v2  }
0xfa: {  	v2 =	vld [tilespmem:s28+$0xB110];
	_ =	sdelay $0x3  }
0xfb: {  	v1 =	vadd.f32 v3, v1;
	_ =	sdelay $0x1  }
0xfc: {  	vm0 =	vge.f32 v1, $0.0e+00;
	v3 =	vmul.f32 $2.000000030e-01, v1;
	_ =	sdelay $0x1  }
0xfd: {  	v1 =	vsel vm0, v1, v3  }
0xfe: {  	v1 =	vmul.f32 v1, v2;
	_ =	sdelay $0x1  }
0xff: {  	v1 =	vmul.f32 $1.442695020e+00, v1;
	_ =	sdelay $0x1  }
0x100: {  	(erf) = vpow2.f32 v1;
	_ =	sdelay $0x1  }
0x101: {  	v1 =	vld [tilespmem:s28+$0xA950]  }
0x102: {  	v2 =	vld [tilespmem:s28+$0xA180];
	_ =	sdelay $0x5  }
0x103: {  	v3 =	vpop (erf)  }
0x104: {  	[tilespmem:s28+$0xB8E0] =	vst v3  }
0x105: {  	v2 =	vld.idx.msk [tilespmem:v2+s10+$0x0], $0xffff  }
0x106: {  	v3 =	vld.idx.msk [tilespmem:v1+s14+$0x0], $0xffff  }
0x107: {  	v4 =	vld [tilespmem:s28+$0xB120];
	[tilespmem:s28+$0xC0C0] =	vst v1;
	_ =	sdelay $0x4  }
0x108: {  	v1 =	vadd.f32 v3, v2;
	_ =	sdelay $0x1  }
0x109: {  	vm0 =	vge.f32 v1, $0.0e+00;
	v2 =	vmul.f32 $2.000000030e-01, v1;
	_ =	sdelay $0x1  }
0x10a: {  	v1 =	vsel vm0, v1, v2  }
0x10b: {  	v1 =	vmul.f32 v1, v4;
	_ =	sdelay $0x1  }
0x10c: {  	v1 =	vmul.f32 $1.442695020e+00, v1;
	_ =	sdelay $0x1  }
0x10d: {  	(erf) = vpow2.f32 v1  }
.Ltmp0:
0x10e: {  	(pc) =	sbr.rel @p0 .LBB2_3-.Ltmp0, $2  }
0x10f: {  	_ =	sdelay $0x2  }
0x110: {  	s30 =	sadd.s32 $0xB8B0, s28;
	s31 =	sadd.s32 $0xC080, s28  }
0x111: {  	_ =	sdelay $0x2  }
0x112: {  	v1 =	vpop (erf)  }
0x113: {  	s0 =	sadd.s32 s11, s26;
	[tilespmem:s28+$0xB8F0] =	vst v1  }
0x114: {  	[spmem:s2] =	stream.indirect.scatter.add.f32 [tilespmem:s30], [sflag:$0x1], $0x1, s31, s20, $0xb8;
	[tilespmem:$0xC850] =	vst v63  }
0x115: {  	s0 =	smul.u32 $0xA, s0;
	_ =	swait.ge [sflag:s12], $0x50  }
0x116: {  	[sflag:s12] =	ssyncset.done $0x0  }
0x117: {  	s0 =	sadd.s32 s7, s0;
	s28 =	simm.s32 $0x0;
	[sflag:s12] =	ssyncadd.s32 $0xFFFFFFB0  }
0x118: {  	[hbm4b:s0+s28] =	stream.linear.scatter [tilespmem:s21], [sflag:$0x1], $0x7D0, $0x38;
	[tilespmem:$0xC850] =	vst v63  }
0x119: {  	_ =	swait.ge [sflag:s12], $0x7D0  }
0x11a: {  	[sflag:s12] =	ssyncset.done $0x0  }
0x11b: {  	s28 =	simm.s32 $0x0;
	[sflag:s12] =	ssyncadd.s32 $0xFFFFF830  }
0x11c: {  	v1 =	vld [tilespmem:s28+$0xA140]  }
0x11d: {  	v2 =	vld [tilespmem:s28+$0xA910];
	_ =	sdelay $0x3  }
0x11e: {  	v1 =	vadd.s32 $0x2710, v1  }
0x11f: {  	v3 =	vadd.s32 $0x2710, v2;
	_ =	sdelay $0x3  }
0x120: {  	v1 =	vld.idx.msk [tilespmem:v1+s10+$0x0], $0xffff  }
0x121: {  	v3 =	vld.idx.msk [tilespmem:v3+s14+$0x0], $0xffff;
	_ =	sdelay $0x4  }
0x122: {  	v4 =	vld [tilespmem:s28+$0xB0E0];
	v1 =	vadd.f32 v3, v1;
	_ =	sdelay $0x1  }
0x123: {  	v3 =	vmul.f32 $2.000000030e-01, v1  }
0x124: {  	vm0 =	vge.f32 v1, $0.0e+00  }
0x125: {  	v1 =	vsel vm0, v1, v3  }
0x126: {  	v1 =	vmul.f32 v1, v4;
	_ =	sdelay $0x1  }
0x127: {  	v1 =	vmul.f32 $1.442695020e+00, v1;
	_ =	sdelay $0x1  }
0x128: {  	(erf) = vpow2.f32 v1  }
0x129: {  	v1 =	vld [tilespmem:s28+$0xA150]  }
0x12a: {  	v3 =	vld [tilespmem:s28+$0xA920];
	_ =	sdelay $0x3  }
0x12b: {  	v2 =	vadd.s32 $0x2800, v2;
	v1 =	vadd.s32 $0x2710, v1  }
0x12c: {  	v58 =	vadd.s32 $0x2710, v3;
	_ =	sdelay $0x1  }
0x12d: {  	[tilespmem:s28+$0xC080] =	vst v2;
	v2 =	vpop (erf)  }
0x12e: {  	[tilespmem:s28+$0xB8B0] =	vst v2  }
0x12f: {  	v1 =	vld.idx.msk [tilespmem:v1+s10+$0x0], $0xffff  }
0x130: {  	v2 =	vld.idx.msk [tilespmem:v58+s14+$0x0], $0xffff;
	_ =	sdelay $0x4  }
0x131: {  	v59 =	vld [tilespmem:s28+$0xB0F0];
	v1 =	vadd.f32 v2, v1;
	_ =	sdelay $0x1  }
0x132: {  	v2 =	vmul.f32 $2.000000030e-01, v1  }
0x133: {  	vm12 =	vge.f32 v1, $0.0e+00  }
0x134: {  	v1 =	vsel vm12, v1, v2  }
0x135: {  	v1 =	vmul.f32 v1, v59;
	_ =	sdelay $0x1  }
0x136: {  	v1 =	vmul.f32 $1.442695020e+00, v1;
	_ =	sdelay $0x1  }
0x137: {  	(erf) = vpow2.f32 v1  }
0x138: {  	v1 =	vld [tilespmem:s28+$0xA160]  }
0x139: {  	v2 =	vld [tilespmem:s28+$0xA930];
	_ =	sdelay $0x3  }
0x13a: {  	v3 =	vadd.s32 $0x2800, v3;
	v1 =	vadd.s32 $0x2710, v1  }
0x13b: {  	v60 =	vadd.s32 $0x2710, v2;
	_ =	sdelay $0x1  }
0x13c: {  	[tilespmem:s28+$0xC090] =	vst v3;
	v3 =	vpop (erf)  }
0x13d: {  	[tilespmem:s28+$0xB8C0] =	vst v3  }
0x13e: {  	v1 =	vld.idx.msk [tilespmem:v1+s10+$0x0], $0xffff  }
0x13f: {  	v3 =	vld.idx.msk [tilespmem:v60+s14+$0x0], $0xffff;
	_ =	sdelay $0x3  }
0x140: {  	v2 =	vadd.s32 $0x2800, v2  }
0x141: {  	[tilespmem:s28+$0xC0A0] =	vst v2;
	v2 =	vld [tilespmem:s28+$0xB100];
	v1 =	vadd.f32 v3, v1;
	_ =	sdelay $0x1  }
0x142: {  	v3 =	vmul.f32 $2.000000030e-01, v1  }
0x143: {  	vm13 =	vge.f32 v1, $0.0e+00  }
0x144: {  	v1 =	vsel vm13, v1, v3  }
0x145: {  	v1 =	vmul.f32 v1, v2;
	_ =	sdelay $0x1  }
0x146: {  	v1 =	vmul.f32 $1.442695020e+00, v1;
	_ =	sdelay $0x1  }
0x147: {  	(erf) = vpow2.f32 v1  }
0x148: {  	v1 =	vld [tilespmem:s28+$0xA170]  }
0x149: {  	v2 =	vld [tilespmem:s28+$0xA940];
	_ =	sdelay $0x3  }
0x14a: {  	v1 =	vadd.s32 $0x2710, v1  }
0x14b: {  	v3 =	vadd.s32 $0x2710, v2;
	_ =	sdelay $0x1  }
0x14c: {  	v61 =	vpop (erf)  }
0x14d: {  	[tilespmem:s28+$0xB8D0] =	vst v61  }
0x14e: {  	v1 =	vld.idx.msk [tilespmem:v1+s10+$0x0], $0xffff  }
0x14f: {  	v3 =	vld.idx.msk [tilespmem:v3+s14+$0x0], $0xffff;
	_ =	sdelay $0x3  }
0x150: {  	v2 =	vadd.s32 $0x2800, v2  }
0x151: {  	[tilespmem:s28+$0xC0B0] =	vst v2;
	v2 =	vld [tilespmem:s28+$0xB110];
	v1 =	vadd.f32 v3, v1;
	_ =	sdelay $0x1  }
0x152: {  	v3 =	vmul.f32 $2.000000030e-01, v1  }
0x153: {  	vm14 =	vge.f32 v1, $0.0e+00  }
0x154: {  	v1 =	vsel vm14, v1, v3  }
0x155: {  	v1 =	vmul.f32 v1, v2;
	_ =	sdelay $0x1  }
0x156: {  	v1 =	vmul.f32 $1.442695020e+00, v1;
	_ =	sdelay $0x1  }
0x157: {  	(erf) = vpow2.f32 v1  }
0x158: {  	v1 =	vld [tilespmem:s28+$0xA180]  }
0x159: {  	v2 =	vld [tilespmem:s28+$0xA950];
	_ =	sdelay $0x3  }
0x15a: {  	v1 =	vadd.s32 $0x2710, v1  }
0x15b: {  	v3 =	vadd.s32 $0x2710, v2;
	_ =	sdelay $0x1  }
0x15c: {  	v62 =	vpop (erf)  }
0x15d: {  	[tilespmem:s28+$0xB8E0] =	vst v62  }
0x15e: {  	v1 =	vld.idx.msk [tilespmem:v1+s10+$0x0], $0xffff  }
0x15f: {  	v3 =	vld.idx.msk [tilespmem:v3+s14+$0x0], $0xffff;
	_ =	sdelay $0x4  }
0x160: {  	v63 =	vld [tilespmem:s28+$0xB120];
	v1 =	vadd.f32 v3, v1;
	_ =	sdelay $0x1  }
0x161: {  	v3 =	vmul.f32 $2.000000030e-01, v1  }
0x162: {  	vm15 =	vge.f32 v1, $0.0e+00  }
0x163: {  	v1 =	vsel vm15, v1, v3  }
0x164: {  	v1 =	vmul.f32 v1, v63;
	_ =	sdelay $0x1  }
0x165: {  	v1 =	vmul.f32 $1.442695020e+00, v1;
	_ =	sdelay $0x1  }
0x166: {  	(erf) = vpow2.f32 v1;
	_ =	sdelay $0x3  }
0x167: {  	v2 =	vadd.s32 $0x2800, v2  }
0x168: {  	s29 =	simm.s32 $0x140;
	s30 =	simm.s32 $0xB8B0;
	s31 =	simm.s32 $0xC080;
	[tilespmem:s28+$0xC0C0] =	vst v2  }
.LBB2_5:
0x169: {  	_ =	sdelay $0x2  }
0x16a: {  	p0 =	sne.s32 s29, $0x1E00;
	s0 =	smov.u32 s29;
	s29 =	sadd.s32 $0x140, s29;
	v1 =	vpop (erf)  }
0x16b: {  	[tilespmem:s28+$0xB8F0] =	vst v1  }
0x16c: {  	[spmem:s2] =	stream.indirect.scatter.add.f32 [tilespmem:s30], [sflag:$0x1], $0x1, s31, s20, $0xb8;
	[tilespmem:$0xC850] =	vst v63  }
0x16d: {  	_ =	swait.ge [sflag:s12], $0x50  }
0x16e: {  	[sflag:s12] =	ssyncset.done $0x0  }
0x16f: {  	s28 =	sshra.s32 s0, $0x2;
	[sflag:s12] =	ssyncadd.s32 $0xFFFFFFB0  }
0x170: {  	v1 =	vld [tilespmem:s28+$0xA140]  }
0x171: {  	v2 =	vld [tilespmem:s28+$0xA910];
	_ =	sdelay $0x3  }
0x172: {  	v1 =	vadd.s32 $0x2710, v1  }
0x173: {  	v3 =	vadd.s32 $0x2710, v2;
	_ =	sdelay $0x3  }
0x174: {  	v1 =	vld.idx.msk [tilespmem:v1+s10+$0x0], $0xffff  }
0x175: {  	v3 =	vld.idx.msk [tilespmem:v3+s14+$0x0], $0xffff;
	_ =	sdelay $0x4  }
0x176: {  	v4 =	vld [tilespmem:s28+$0xB0E0]  }
0x177: {  	v1 =	vadd.f32 v3, v1;
	_ =	sdelay $0x1  }
0x178: {  	vm0 =	vge.f32 v1, $0.0e+00;
	v3 =	vmul.f32 $2.000000030e-01, v1;
	_ =	sdelay $0x1  }
0x179: {  	v1 =	vsel vm0, v1, v3  }
0x17a: {  	v1 =	vmul.f32 v1, v4;
	_ =	sdelay $0x1  }
0x17b: {  	v1 =	vmul.f32 $1.442695020e+00, v1;
	_ =	sdelay $0x1  }
0x17c: {  	v3 =	vld [tilespmem:s28+$0xA920];
	(erf) = vpow2.f32 v1  }
0x17d: {  	v1 =	vld [tilespmem:s28+$0xA150];
	_ =	sdelay $0x4  }
0x17e: {  	v4 =	vadd.s32 $0x2710, v3;
	v1 =	vadd.s32 $0x2710, v1;
	_ =	sdelay $0x1  }
0x17f: {  	v5 =	vadd.s32 $0x2800, v2  }
0x180: {  	[tilespmem:s28+$0xC080] =	vst v5;
	v2 =	vpop (erf)  }
0x181: {  	[tilespmem:s28+$0xB8B0] =	vst v2  }
0x182: {  	v1 =	vld.idx.msk [tilespmem:v1+s10+$0x0], $0xffff  }
0x183: {  	v2 =	vld.idx.msk [tilespmem:v4+s14+$0x0], $0xffff;
	_ =	sdelay $0x3  }
0x184: {  	v4 =	vld [tilespmem:s28+$0xB0F0];
	_ =	sdelay $0x1  }
0x185: {  	v1 =	vadd.f32 v2, v1;
	_ =	sdelay $0x1  }
0x186: {  	vm0 =	vge.f32 v1, $0.0e+00;
	v2 =	vmul.f32 $2.000000030e-01, v1;
	_ =	sdelay $0x1  }
0x187: {  	v1 =	vsel vm0, v1, v2  }
0x188: {  	v1 =	vmul.f32 v1, v4;
	_ =	sdelay $0x1  }
0x189: {  	v1 =	vmul.f32 $1.442695020e+00, v1;
	_ =	sdelay $0x1  }
0x18a: {  	v2 =	vld [tilespmem:s28+$0xA930];
	(erf) = vpow2.f32 v1  }
0x18b: {  	v1 =	vld [tilespmem:s28+$0xA160];
	_ =	sdelay $0x4  }
0x18c: {  	v4 =	vadd.s32 $0x2710, v2;
	v1 =	vadd.s32 $0x2710, v1;
	_ =	sdelay $0x1  }
0x18d: {  	v5 =	vadd.s32 $0x2800, v3  }
0x18e: {  	[tilespmem:s28+$0xC090] =	vst v5;
	v3 =	vpop (erf)  }
0x18f: {  	[tilespmem:s28+$0xB8C0] =	vst v3  }
0x190: {  	v1 =	vld.idx.msk [tilespmem:v1+s10+$0x0], $0xffff  }
0x191: {  	v2 =	vadd.s32 $0x2800, v2;
	v3 =	vld.idx.msk [tilespmem:v4+s14+$0x0], $0xffff  }
0x192: {  	[tilespmem:s28+$0xC0A0] =	vst v2;
	_ =	sdelay $0x1  }
0x193: {  	v2 =	vld [tilespmem:s28+$0xB100];
	_ =	sdelay $0x2  }
0x194: {  	v1 =	vadd.f32 v3, v1;
	_ =	sdelay $0x1  }
0x195: {  	vm0 =	vge.f32 v1, $0.0e+00;
	v3 =	vmul.f32 $2.000000030e-01, v1;
	_ =	sdelay $0x1  }
0x196: {  	v1 =	vsel vm0, v1, v3  }
0x197: {  	v1 =	vmul.f32 v1, v2;
	_ =	sdelay $0x1  }
0x198: {  	v1 =	vmul.f32 $1.442695020e+00, v1;
	_ =	sdelay $0x1  }
0x199: {  	v2 =	vld [tilespmem:s28+$0xA940];
	(erf) = vpow2.f32 v1  }
0x19a: {  	v1 =	vld [tilespmem:s28+$0xA170];
	_ =	sdelay $0x4  }
0x19b: {  	v3 =	vadd.s32 $0x2710, v2;
	v1 =	vadd.s32 $0x2710, v1;
	_ =	sdelay $0x2  }
0x19c: {  	v4 =	vpop (erf)  }
0x19d: {  	[tilespmem:s28+$0xB8D0] =	vst v4  }
0x19e: {  	v1 =	vld.idx.msk [tilespmem:v1+s10+$0x0], $0xffff  }
0x19f: {  	v2 =	vadd.s32 $0x2800, v2;
	v3 =	vld.idx.msk [tilespmem:v3+s14+$0x0], $0xffff  }
0x1a0: {  	[tilespmem:s28+$0xC0B0] =	vst v2  }
0x1a1: {  	v2 =	vld [tilespmem:s28+$0xB110];
	_ =	sdelay $0x3  }
0x1a2: {  	v1 =	vadd.f32 v3, v1;
	_ =	sdelay $0x1  }
0x1a3: {  	vm0 =	vge.f32 v1, $0.0e+00;
	v3 =	vmul.f32 $2.000000030e-01, v1;
	_ =	sdelay $0x1  }
0x1a4: {  	v1 =	vsel vm0, v1, v3  }
0x1a5: {  	v1 =	vmul.f32 v1, v2;
	_ =	sdelay $0x1  }
0x1a6: {  	v1 =	vmul.f32 $1.442695020e+00, v1;
	_ =	sdelay $0x1  }
0x1a7: {  	v2 =	vld [tilespmem:s28+$0xA950];
	(erf) = vpow2.f32 v1  }
0x1a8: {  	v1 =	vld [tilespmem:s28+$0xA180];
	_ =	sdelay $0x4  }
0x1a9: {  	v3 =	vadd.s32 $0x2710, v2;
	v1 =	vadd.s32 $0x2710, v1;
	_ =	sdelay $0x2  }
0x1aa: {  	v4 =	vpop (erf)  }
0x1ab: {  	[tilespmem:s28+$0xB8E0] =	vst v4  }
0x1ac: {  	v1 =	vld.idx.msk [tilespmem:v1+s10+$0x0], $0xffff  }
0x1ad: {  	v2 =	vadd.s32 $0x2800, v2;
	v3 =	vld.idx.msk [tilespmem:v3+s14+$0x0], $0xffff  }
0x1ae: {  	v4 =	vld [tilespmem:s28+$0xB120];
	[tilespmem:s28+$0xC0C0] =	vst v2;
	_ =	sdelay $0x4  }
0x1af: {  	v1 =	vadd.f32 v3, v1;
	_ =	sdelay $0x1  }
0x1b0: {  	vm0 =	vge.f32 v1, $0.0e+00;
	v2 =	vmul.f32 $2.000000030e-01, v1;
	_ =	sdelay $0x1  }
0x1b1: {  	v1 =	vsel vm0, v1, v2  }
0x1b2: {  	v1 =	vmul.f32 v1, v4;
	_ =	sdelay $0x1  }
0x1b3: {  	v1 =	vmul.f32 $1.442695020e+00, v1;
	_ =	sdelay $0x1  }
0x1b4: {  	(erf) = vpow2.f32 v1  }
.Ltmp1:
0x1b5: {  	(pc) =	sbr.rel @p0 .LBB2_5-.Ltmp1, $2  }
0x1b6: {  	_ =	sdelay $0x2  }
0x1b7: {  	s30 =	sadd.s32 $0xB8B0, s28;
	s31 =	sadd.s32 $0xC080, s28  }
0x1b8: {  	_ =	sdelay $0x2  }
0x1b9: {  	v1 =	vpop (erf)  }
0x1ba: {  	s0 =	sadd.s32 s16, s26;
	[tilespmem:s28+$0xB8F0] =	vst v1  }
0x1bb: {  	[spmem:s2] =	stream.indirect.scatter.add.f32 [tilespmem:s30], [sflag:$0x1], $0x1, s31, s20, $0xb8;
	[tilespmem:$0xC850] =	vst v63  }
0x1bc: {  	s25 =	sadd.s32 $0x1, s25;
	s0 =	smul.u32 $0xA, s0;
	_ =	swait.ge [sflag:s12], $0x50  }
0x1bd: {  	p0 =	sne.s32 s25, $0xA;
	[sflag:s12] =	ssyncset.done $0x0  }
.Ltmp2:
0x1be: {  	s0 =	sadd.s32 s7, s0;
	[sflag:s12] =	ssyncadd.s32 $0xFFFFFFB0;
	(pc) =	sbr.rel @p0 .LBB2_2-.Ltmp2, $4  }
0x1bf: {  	[hbm4b:s0+s3] =	stream.linear.scatter [tilespmem:s21], [sflag:$0x1], $0x7D0, $0x38;
	[tilespmem:$0xC850] =	vst v63  }
0x1c0: {  	_ =	swait.ge [sflag:s12], $0x7D0  }
0x1c1: {  	[sflag:s12] =	ssyncset.done $0x0  }
0x1c2: {  	[sflag:s12] =	ssyncadd.s32 $0xFFFFF830  }
0x1c3: {  	[bflag:$0x0] =	sbarrier.arrive $0xFFFF  }
0x1c4: {  	[tilespmem:s17], [sflag:$0x1] =	stream.linear.gather [spmem:s13], $0x50, $0x38;
	[tilespmem:$0xC850] =	vst v63  }
0x1c5: {  	_ =	swait.ge [sflag:s12], $0x50  }
0x1c6: {  	[sflag:s12] =	ssyncset.done $0x0  }
0x1c7: {  	[sflag:s12] =	ssyncadd.s32 $0xFFFFFFB0  }
0x1c8: {  	v1 =	vld [tilespmem:$0xB120]  }
0x1c9: {  	v2 =	vld [tilespmem:$0xB100]  }
0x1ca: {  	v3 =	vld [tilespmem:$0xB110]  }
0x1cb: {  	v4 =	vld [tilespmem:$0xB0F0]  }
0x1cc: {  	v5 =	vld [tilespmem:$0xB0E0]  }
0x1cd: {  	v1 =	vadd.f32 $1.000000010e-10, v1  }
0x1ce: {  	v2 =	vadd.f32 $1.000000010e-10, v2  }
0x1cf: {  	v3 =	vadd.f32 $1.000000010e-10, v3;
	(erf) = vrcp.f32 v1  }
0x1d0: {  	v1 =	vadd.f32 $1.000000010e-10, v4;
	(erf) = vrcp.f32 v2  }
0x1d1: {  	v2 =	vadd.f32 $1.000000010e-10, v5;
	(erf) = vrcp.f32 v3  }
0x1d2: {  	(erf) = vrcp.f32 v1  }
0x1d3: {  	(erf) = vrcp.f32 v2;
	_ =	sdelay $0x4  }
0x1d4: {  	v1 =	vpop (erf)  }
0x1d5: {  	[tilespmem:$0xB8F0] =	vst v1;
	v1 =	vpop (erf)  }
0x1d6: {  	[tilespmem:$0xB8D0] =	vst v1;
	v1 =	vpop (erf)  }
0x1d7: {  	s25 =	simm.s32 $0x0;
	[tilespmem:$0xB8E0] =	vst v1;
	v1 =	vpop (erf)  }
0x1d8: {  	s26 =	sadd.s32 $0x0, s23;
	s30 =	simm.s32 $0xA;
	s28 =	smov.u32 s13;
	[tilespmem:$0xB8C0] =	vst v1;
	v1 =	vpop (erf)  }
.LBB2_8:
0x1d9: {  	s29 =	smov.u32 s30  }
0x1da: {  	s0 =	sadd.s32 s30, s23;
	[tilespmem:$0xB8B0] =	vst v1;
	s28 =	sadd.s32 $0x50, s28;
	s29 =	sadd.s32 $0xA, s30  }
0x1db: {  	[hbm4b:s26+s25] =	stream.linear.scatter [tilespmem:s21], [sflag:$0x1], $0x50, $0x38;
	[tilespmem:$0xC850] =	vst v63  }
0x1dc: {  	p0 =	sne.s32 s30, $0x46;
	s26 =	smov.u32 s0;
	_ =	swait.ge [sflag:s12], $0x50  }
0x1dd: {  	[sflag:s12] =	ssyncset.done $0x0  }
0x1de: {  	[sflag:s12] =	ssyncadd.s32 $0xFFFFFFB0  }
0x1df: {  	[tilespmem:s17], [sflag:$0x1] =	stream.linear.gather [spmem:s28], $0x50, $0x38;
	[tilespmem:$0xC850] =	vst v63  }
0x1e0: {  	_ =	swait.ge [sflag:s12], $0x50  }
0x1e1: {  	[sflag:s12] =	ssyncset.done $0x0  }
0x1e2: {  	[sflag:s12] =	ssyncadd.s32 $0xFFFFFFB0  }
0x1e3: {  	v1 =	vld [tilespmem:$0xB120]  }
0x1e4: {  	v2 =	vld [tilespmem:$0xB100]  }
0x1e5: {  	v3 =	vld [tilespmem:$0xB110]  }
0x1e6: {  	v4 =	vld [tilespmem:$0xB0F0]  }
0x1e7: {  	v5 =	vld [tilespmem:$0xB0E0]  }
0x1e8: {  	v1 =	vadd.f32 $1.000000010e-10, v1  }
0x1e9: {  	v2 =	vadd.f32 $1.000000010e-10, v2  }
0x1ea: {  	v3 =	vadd.f32 $1.000000010e-10, v3;
	(erf) = vrcp.f32 v1  }
0x1eb: {  	v1 =	vadd.f32 $1.000000010e-10, v4;
	(erf) = vrcp.f32 v2  }
0x1ec: {  	v2 =	vadd.f32 $1.000000010e-10, v5;
	(erf) = vrcp.f32 v3  }
0x1ed: {  	(erf) = vrcp.f32 v1  }
0x1ee: {  	(erf) = vrcp.f32 v2;
	_ =	sdelay $0x4  }
.Ltmp3:
0x1ef: {  	v1 =	vpop (erf);
	(pc) =	sbr.rel @p0 .LBB2_8-.Ltmp3, $4  }
0x1f0: {  	[tilespmem:$0xB8F0] =	vst v1;
	v1 =	vpop (erf)  }
0x1f1: {  	[tilespmem:$0xB8D0] =	vst v1;
	v1 =	vpop (erf)  }
0x1f2: {  	[tilespmem:$0xB8E0] =	vst v1;
	v1 =	vpop (erf)  }
0x1f3: {  	s30 =	smov.u32 s29;
	[tilespmem:$0xB8C0] =	vst v1;
	v1 =	vpop (erf)  }
0x1f4: {  	[tilespmem:$0xB8B0] =	vst v1  }
0x1f5: {  	[hbm4b:s26+s25] =	stream.linear.scatter [tilespmem:s21], [sflag:$0x1], $0x50, $0x38;
	[tilespmem:$0xC850] =	vst v63  }
0x1f6: {  	_ =	swait.ge [sflag:s12], $0x50  }
0x1f7: {  	[sflag:s12] =	ssyncset.done $0x0  }
0x1f8: {  	[sflag:s12] =	ssyncadd.s32 $0xFFFFFFB0  }
0x1f9: {  	[tilespmem:s17], [sflag:$0x1] =	stream.linear.gather [spmem:s15], $0x50, $0x38;
	[tilespmem:$0xC850] =	vst v63  }
0x1fa: {  	_ =	swait.ge [sflag:s12], $0x50  }
0x1fb: {  	[sflag:s12] =	ssyncset.done $0x0  }
0x1fc: {  	[sflag:s12] =	ssyncadd.s32 $0xFFFFFFB0  }
0x1fd: {  	v1 =	vld [tilespmem:$0xB120]  }
0x1fe: {  	v2 =	vld [tilespmem:$0xB100]  }
0x1ff: {  	v3 =	vld [tilespmem:$0xB110]  }
0x200: {  	v4 =	vld [tilespmem:$0xB0F0]  }
0x201: {  	v5 =	vld [tilespmem:$0xB0E0]  }
0x202: {  	v1 =	vadd.f32 $1.000000010e-10, v1  }
0x203: {  	v2 =	vadd.f32 $1.000000010e-10, v2  }
0x204: {  	v3 =	vadd.f32 $1.000000010e-10, v3;
	(erf) = vrcp.f32 v1  }
0x205: {  	v1 =	vadd.f32 $1.000000010e-10, v4;
	(erf) = vrcp.f32 v2  }
0x206: {  	v2 =	vadd.f32 $1.000000010e-10, v5;
	(erf) = vrcp.f32 v3  }
0x207: {  	(erf) = vrcp.f32 v1  }
0x208: {  	(erf) = vrcp.f32 v2;
	_ =	sdelay $0x4  }
0x209: {  	v1 =	vpop (erf)  }
0x20a: {  	[tilespmem:$0xB8F0] =	vst v1;
	v1 =	vpop (erf)  }
0x20b: {  	[tilespmem:$0xB8D0] =	vst v1;
	v1 =	vpop (erf)  }
0x20c: {  	[tilespmem:$0xB8E0] =	vst v1;
	v1 =	vpop (erf)  }
0x20d: {  	s29 =	simm.s32 $0xA;
	s25 =	sadd.s32 $0x0, s24;
	s26 =	smov.u32 s15;
	[tilespmem:$0xB8C0] =	vst v1;
	v1 =	vpop (erf)  }
.LBB2_10:
0x20e: {  	s28 =	smov.u32 s29  }
0x20f: {  	s0 =	sadd.s32 s29, s24;
	[tilespmem:$0xB8B0] =	vst v1;
	s26 =	sadd.s32 $0x50, s26;
	s28 =	sadd.s32 $0xA, s29  }
0x210: {  	[hbm4b:s25+s3] =	stream.linear.scatter [tilespmem:s21], [sflag:$0x1], $0x50, $0x38;
	[tilespmem:$0xC850] =	vst v63  }
0x211: {  	p0 =	sne.s32 s29, $0x46;
	s25 =	smov.u32 s0;
	_ =	swait.ge [sflag:s12], $0x50  }
0x212: {  	[sflag:s12] =	ssyncset.done $0x0  }
0x213: {  	[sflag:s12] =	ssyncadd.s32 $0xFFFFFFB0  }
0x214: {  	[tilespmem:s17], [sflag:$0x1] =	stream.linear.gather [spmem:s26], $0x50, $0x38;
	[tilespmem:$0xC850] =	vst v63  }
0x215: {  	_ =	swait.ge [sflag:s12], $0x50  }
0x216: {  	[sflag:s12] =	ssyncset.done $0x0  }
0x217: {  	[sflag:s12] =	ssyncadd.s32 $0xFFFFFFB0  }
0x218: {  	v1 =	vld [tilespmem:$0xB120]  }
0x219: {  	v2 =	vld [tilespmem:$0xB100]  }
0x21a: {  	v3 =	vld [tilespmem:$0xB110]  }
0x21b: {  	v4 =	vld [tilespmem:$0xB0F0]  }
0x21c: {  	v5 =	vld [tilespmem:$0xB0E0]  }
0x21d: {  	v1 =	vadd.f32 $1.000000010e-10, v1  }
0x21e: {  	v2 =	vadd.f32 $1.000000010e-10, v2  }
0x21f: {  	v3 =	vadd.f32 $1.000000010e-10, v3;
	(erf) = vrcp.f32 v1  }
0x220: {  	v1 =	vadd.f32 $1.000000010e-10, v4;
	(erf) = vrcp.f32 v2  }
0x221: {  	v2 =	vadd.f32 $1.000000010e-10, v5;
	(erf) = vrcp.f32 v3  }
0x222: {  	(erf) = vrcp.f32 v1  }
0x223: {  	(erf) = vrcp.f32 v2;
	_ =	sdelay $0x4  }
.Ltmp4:
0x224: {  	v1 =	vpop (erf);
	(pc) =	sbr.rel @p0 .LBB2_10-.Ltmp4, $4  }
0x225: {  	[tilespmem:$0xB8F0] =	vst v1;
	v1 =	vpop (erf)  }
0x226: {  	[tilespmem:$0xB8D0] =	vst v1;
	v1 =	vpop (erf)  }
0x227: {  	[tilespmem:$0xB8E0] =	vst v1;
	v1 =	vpop (erf)  }
0x228: {  	s29 =	smov.u32 s28;
	[tilespmem:$0xB8C0] =	vst v1;
	v1 =	vpop (erf)  }
0x229: {  	[tilespmem:$0xB8B0] =	vst v1  }
0x22a: {  	[hbm4b:s25+s3] =	stream.linear.scatter [tilespmem:s21], [sflag:$0x1], $0x50, $0x38;
	[tilespmem:$0xC850] =	vst v63  }
0x22b: {  	_ =	swait.ge [sflag:s12], $0x50  }
0x22c: {  	s22 =	sadd.s32 $0x1, s22;
	s0 =	rddreg [dreg:$0x8]  }
0x22d: {  	p0 =	sne.s32 s22, s0  }
.Ltmp5:
0x22e: {  	_ = 	snop;
	(pc) =	sbr.rel @p0 .LBB2_1-.Ltmp5, $3  }
0x22f: {  	_ =	sdelay $0x1  }
0x230: {  	[sflag:s12] =	ssyncset.done $0x0  }
0x231: {  	[sflag:s12] =	ssyncadd.s32 $0xFFFFFFB0  }
0x232: {  	_ =	sfence.sel $0x180000  }
0x233: {  	[bflag:$0x0] =	sbarrier.arrive $0xFFFF  }
0x234: {  	_ =	strace $0x90000047  }
0x235: {  	s0 =	stileid.u32;
	[bflag:$0x2] =	sbarrier.arrive $0xFFFF  }
0x236: {  	p0 =	sne.s32 s0, $0x0;
	s0 =	rddreg [dreg:$0x3]  }
0x237: {  	s0 =	sadd.s32 @!p0 $0x100000, s0  }
0x238: {  	[sflag:s0] =	ssyncadd.tile.s32 @!p0 $0x1;
	_ =	shalt  }
.Lfunc_end2:
_tile_overlayer_lowered:
.L_overlay_start_2:
0x239: {  	(tag) =	ssettag $0x2  }
0x23a: {  	s0 =	rddreg [dreg:$0x0];
	s2 =	stileid.u32  }
0x23b: {  	s1 =	rddreg [dreg:$0x1];
	p0 =	sne.s32 s2, $0x0  }
0x23c: {  	s3 =	rddreg [dreg:$0x2];
	[bflag:$0x3] =	sbarrier.arrive $0xFFFF;
	s2 =	simm.s32 @!p0 $0x1C01  }
0x23d: {  	[timem:s3], [sflag:s2] =	dma.local @!p0 [hbm:s0], s1  }
0x23e: {  	s0 =	simm.s32 @!p0 $0x1  }
0x23f: {  	_ =	swait.ge @!p0 [sflag:s0], s1  }
0x240: {  	s1 =	ssub.s32 @!p0 $0x0, s1;
	[sflag:s0] =	ssyncset.done @!p0 $0x0  }
0x241: {  	[sflag:s0] =	ssyncadd.s32 @!p0 s1  }
0x242: {  	[bflag:$0x3] =	sbarrier.arrive $0xFFFF  }
0x243: {  	_ =	shalt  }

// kernel: kernel.8.cloned.1.call-start
scs
__scs_entry_jumppad:
0x0: {  	(pc) =	sbr.rel $0x88, $3  }
0x1: {  	(tag) =	ssettag $0x0;
	lr =	simm.s32 $0x1  }
0x2: {  	[smem:$0x3F9B] =	sst lr;
	_ =	strace $0xD0000000  }
0x3: {  	_ = 	snop  }
0x4: {  	_ = 	snop  }
0x5: {  	_ = 	snop  }
0x6: {  	_ = 	snop  }
0x7: {  	_ = 	snop  }
__scs_overlays_trampoline_lowered:
0x8: {  	[smem:$0x3FAA] =	sst s0  }
0x9: {  	[smem:$0x3FAB] =	sst s1  }
0xa: {  	[smem:$0x3FAC] =	sst s2  }
0xb: {  	[smem:$0x3FAD] =	sst s3  }
0xc: {  	[smem:$0x3FAE] =	sst s4  }
0xd: {  	[smem:$0x3FAF] =	sst s5  }
0xe: {  	[smem:$0x3FB0] =	sst s6  }
0xf: {  	[smem:$0x3FB1] =	sst s7  }
0x10: {  	[smem:$0x3FB2] =	sst s8  }
0x11: {  	[smem:$0x3FB3] =	sst s9;
	s0 =	simm.s32 @!p0 $0x0  }
0x12: {  	s1 =	sld [smem:$0x3F99];
	s0 =	simm.s32 @p0 $0x1  }
0x13: {  	[smem:$0x3FB4] =	sst s0;
	s0 =	simm.s32 @!p1 $0x0  }
0x14: {  	s2 =	sld [smem:$0x3F98];
	s0 =	simm.s32 @p1 $0x1  }
0x15: {  	[smem:$0x3FB5] =	sst s0;
	s0 =	simm.s32 @!p2 $0x0  }
0x16: {  	s3 =	sld [smem:$0x3FDB];
	s0 =	simm.s32 @p2 $0x1  }
0x17: {  	s4 =	simm.s32 $0x1BF5;
	[smem:$0x3FB7] =	sst s0  }
0x18: {  	s0 =	sld [smem:$0x3F9A];
	_ =	swait.ge [sflag:s4], $0x0  }
0x19: {  	s7 =	sld [smem:$0x3F9B]  }
0x1a: {  	s8 =	sadd.s32 $0xFFFFE003, lr  }
0x1b: {  	s9 =	sadd.s32 $0xFFFFFEF7, lr;
	s5 =	simm.s32 $0xFFFFFFFF;
	p2 =	slt.u32 s8, $0xFFFFF086  }
0x1c: {  	p1 =	slt.u32 s9, $0xF7A;
	s5 =	simm.s32 @!p2 $0x0  }
0x1d: {  	s5 =	simm.s32 @p1 $0x1;
	p0 =	seq.s32 s7, s2  }
0x1e: {  	s7 =	smul.u32 @!p0 $0xF7A, s2;
	p2 =	seq.s32 @!p0 s5, $0x0  }
0x1f: {  	s9 =	smul.u32 $0xF7A, s1;
	s8 =	simm.s32 @!p0 $0x1BF5;
	p2 =	por !p2, p0  }
0x20: {  	[sflag:s8] =	ssyncset.s32 @!p0 $0xFFFFF086;
	s6 =	sadd.s32 @!p0 s3, s7;
	s7 =	simm.s32 @!p0 $0x108  }
0x21: {  	s3 =	sadd.s32 s3, s9;
	s6 =	sadd.s32 @!p0 $0x88, s6;
	s7 =	simm.s32 @p2 $0x1082  }
0x22: {  	[simem:s7], [sflag:s8] =	dma.local @!p0 [hbm:s6], $0xF7A  }
0x23: {  	s9 =	sor.u32 $0xD0000000, s2;
	s6 =	simm.s32 $0x108;
	_ =	swait.ge @!p0 [sflag:s8], $0x0  }
0x24: {  	s3 =	sadd.s32 $0x88, s3;
	s6 =	simm.s32 @!p1 $0x1082;
	[sflag:s4] =	ssyncset.s32 $0xFFFFF086  }
0x25: {  	[simem:s6], [sflag:s4] =	dma.local [hbm:s3], $0xF7A  }
0x26: {  	[smem:$0x3F9B] =	sst s1;
	(tag) =	ssettag s2;
	_ =	strace s9  }
0x27: {  	s1 =	sld [smem:$0x3FAB]  }
0x28: {  	s2 =	sld [smem:$0x3FAC]  }
0x29: {  	s4 =	sld [smem:$0x3FAE]  }
0x2a: {  	p0 =	seq.s32 s5, $0x0;
	s5 =	sld [smem:$0x3FAF]  }
0x2b: {  	s6 =	sld [smem:$0x3FB0]  }
0x2c: {  	s7 =	sld [smem:$0x3FB1]  }
0x2d: {  	s3 =	simm.s32 $0x108;
	s8 =	sld [smem:$0x3FB2]  }
0x2e: {  	s3 =	simm.s32 @!p0 $0x1082;
	s9 =	sld [smem:$0x3FB3]  }
0x2f: {  	lr =	sadd.s32 s0, s3;
	s0 =	sld [smem:$0x3FAA]  }
0x30: {  	s3 =	sld [smem:$0x3FAD]  }
0x31: {  	[smem:$0x3FB6] =	sst s10  }
0x32: {  	s10 =	sld [smem:$0x3FB4];
	_ =	sdelay $0x3  }
0x33: {  	p0 =	seq.s32 s10, $0x1;
	s10 =	sld [smem:$0x3FB6];
	_ =	sdelay $0x3  }
0x34: {  	[smem:$0x3FB6] =	sst s10  }
0x35: {  	s10 =	sld [smem:$0x3FB5];
	_ =	sdelay $0x3  }
0x36: {  	p1 =	seq.s32 s10, $0x1;
	s10 =	sld [smem:$0x3FB6];
	_ =	sdelay $0x3  }
0x37: {  	[smem:$0x3FB6] =	sst s10  }
0x38: {  	s10 =	sld [smem:$0x3FB7]  }
0x39: {  	_ = 	snop;
	(pc) =	sbr.ind lr, $3  }
0x3a: {  	_ = 	snop  }
0x3b: {  	_ = 	snop  }
0x3c: {  	p2 =	seq.s32 s10, $0x1;
	s10 =	sld [smem:$0x3FB6]  }
0x3d: {  	_ =	shalt  }
0x3e: {  	_ =	shalt  }
0x3f: {  	_ =	shalt  }
0x40: {  	_ =	shalt  }
0x41: {  	_ =	shalt  }
0x42: {  	_ =	shalt  }
0x43: {  	_ =	shalt  }
0x44: {  	_ =	shalt  }
0x45: {  	_ =	shalt  }
0x46: {  	_ =	shalt  }
0x47: {  	_ =	shalt  }
0x48: {  	_ =	shalt  }
0x49: {  	_ =	shalt  }
0x4a: {  	_ =	shalt  }
0x4b: {  	_ =	shalt  }
0x4c: {  	_ =	shalt  }
0x4d: {  	_ =	shalt  }
0x4e: {  	_ =	shalt  }
0x4f: {  	_ =	shalt  }
0x50: {  	_ =	shalt  }
0x51: {  	_ =	shalt  }
0x52: {  	_ =	shalt  }
0x53: {  	_ =	shalt  }
0x54: {  	_ =	shalt  }
0x55: {  	_ =	shalt  }
0x56: {  	_ =	shalt  }
0x57: {  	_ =	shalt  }
0x58: {  	_ =	shalt  }
0x59: {  	_ =	shalt  }
0x5a: {  	_ =	shalt  }
0x5b: {  	_ =	shalt  }
0x5c: {  	_ =	shalt  }
0x5d: {  	_ =	shalt  }
0x5e: {  	_ =	shalt  }
0x5f: {  	_ =	shalt  }
0x60: {  	_ =	shalt  }
0x61: {  	_ =	shalt  }
0x62: {  	_ =	shalt  }
0x63: {  	_ =	shalt  }
0x64: {  	_ =	shalt  }
0x65: {  	_ =	shalt  }
0x66: {  	_ =	shalt  }
0x67: {  	_ =	shalt  }
0x68: {  	_ =	shalt  }
0x69: {  	_ =	shalt  }
0x6a: {  	_ =	shalt  }
0x6b: {  	_ =	shalt  }
0x6c: {  	_ =	shalt  }
0x6d: {  	_ =	shalt  }
0x6e: {  	_ =	shalt  }
0x6f: {  	_ =	shalt  }
0x70: {  	_ =	shalt  }
0x71: {  	_ =	shalt  }
0x72: {  	_ =	shalt  }
0x73: {  	_ =	shalt  }
0x74: {  	_ =	shalt  }
0x75: {  	_ =	shalt  }
0x76: {  	_ =	shalt  }
0x77: {  	_ =	shalt  }
0x78: {  	_ =	shalt  }
0x79: {  	_ =	shalt  }
0x7a: {  	_ =	shalt  }
0x7b: {  	_ =	shalt  }
0x7c: {  	_ =	shalt  }
0x7d: {  	_ =	shalt  }
0x7e: {  	_ =	shalt  }
0x7f: {  	_ =	shalt  }
0x80: {  	_ =	shalt  }
0x81: {  	_ =	shalt  }
0x82: {  	_ =	shalt  }
0x83: {  	_ =	shalt  }
0x84: {  	_ =	shalt  }
0x85: {  	_ =	shalt  }
0x86: {  	_ =	shalt  }
0x87: {  	_ =	shalt  }
.Lfunc_end0:
.L_simem_size_0:
called_computation.1_lowered:
.L_overlay_start_0:
0x88: {  	s2 =	sld [smem:$0x3FD9]  }
0x89: {  	s3 =	sld [smem:$0x3FFE];
	_ =	sdelay $0x1  }
0x8a: {  	s1 =	srdreg.scid  }
0x8b: {  	s0 =	sand.u32 $0x1, s1  }
0x8c: {  	s17 =	sshll.u32 s0, $0xA;
	s2 =	sadd.s32 s3, s2  }
0x8d: {  	s2 =	sadd.s32 s2, s17  }
0x8e: {  	[smem:$0x3FC2] =	sst s2  }
0x8f: {  	_ = 	snop  }
0x90: {  	s2 =	sld [smem:$0x3FD0];
	(tm) =	ssettm $0x1  }
0x91: {  	s18 =	sld [smem:$0x3FFB];
	_ =	sdelay $0x3  }
0x92: {  	_ =	strace s18  }
0x93: {  	s3 =	sld [smem:$0x3FFC];
	_ =	sdelay $0x3  }
0x94: {  	_ =	strace s3  }
0x95: {  	s3 =	sld [smem:$0x3FFD];
	_ =	sdelay $0x3  }
0x96: {  	_ =	strace s3  }
0x97: {  	_ =	strace $0x8FFFFFFF  }
0x98: {  	s19 =	sld [smem:$0x3FDB];
	_ =	sdelay $0x1  }
0x99: {  	s4 =	simm.s32 $_scs_section_size  }
0x9a: {  	s5 =	simm.s32 $_size__tile_overlayer_lowered;
	s6 =	simm.s32 $_tile_overlayer_lowered  }
0x9b: {  	s22 =	simm.s32 $0x1BFF;
	s21 =	sshll.u32 s6, $0x1;
	s3 =	sadd.s32 s4, s19  }
0x9c: {  	s7 =	simm.s32 $0x0;
	s20 =	sshll.u32 s5, $0x1;
	s5 =	sadd.s32 s21, s3  }
0x9d: {  	[timem:s7], [sflag:s22] =	dma.local [hbm:s5], s20  }
0x9e: {  	_ =	swait.ge [sflag:s22], s20  }
0x9f: {  	s4 =	ssub.s32 $0x0, s20;
	[sflag:s22] =	ssyncset.done $0x0  }
0xa0: {  	[sflag:s22] =	ssyncadd.s32 s4;
	_ =	sdelay $0x1  }
0xa1: {  	s23 =	simm.s32 $0x1B8B  }
0xa2: {  	_ =	swait.ge [sflag:s23], $0x1  }
0xa3: {  	[sflag:s23] =	ssyncset.done $0x0  }
0xa4: {  	s25 =	simm.s32 $0x1B8E;
	s24 =	sld [smem:$0x3FFE];
	[sflag:s23] =	ssyncadd.s32 $0xFFFFFFFF  }
0xa5: {  	s26 =	simm.s32 $execute0_lowered;
	[smem:$0x3FD2] =	sst s25  }
0xa6: {  	s5 =	sshll.u32 s26, $0x1;
	_ =	strace $0x80000049;
	[dreg:$0x1] =	wrdreg $0xFFFFFFFF  }
0xa7: {  	s28 =	simm.s32 $_size_execute0_lowered;
	s3 =	sadd.s32 s3, s5;
	[dreg:$0x0] =	wrdreg $0x0  }
0xa8: {  	s5 =	sshll.u32 s28, $0x1;
	[dreg:$0x2] =	wrdreg s3  }
0xa9: {  	[dreg:$0x3] =	wrdreg s5  }
0xaa: {  	[dreg:$0x4] =	wrdreg $0xC0  }
0xab: {  	_ =	task [dreg:s7], $0x5FFFF  }
0xac: {  	[dreg:$0x1] =	wrdreg $0xFFFFFFFF  }
0xad: {  	[dreg:$0x0] =	wrdreg $0x60  }
0xae: {  	[dreg:$0x2] =	wrdreg s24  }
0xaf: {  	[dreg:$0x3] =	wrdreg s2  }
0xb0: {  	[dreg:$0x4] =	wrdreg $0x0  }
0xb1: {  	[dreg:$0x5] =	wrdreg $0x9  }
0xb2: {  	_ =	task.clear_ibuf [dreg:s7], $0x6FFFF;
	_ =	strace $0x90000049  }
0xb3: {  	s29 =	simm.s32 $0x9;
	_ =	strace $0x8000004B  }
0xb4: {  	_ =	swait.ge [sflag:s29], $0x1  }
0xb5: {  	[sflag:s29] =	ssyncadd.s32 $0xFFFFFFFF  }
0xb6: {  	_ =	strace $0x9000004B  }
0xb7: {  	_ =	sfence  }
0xb8: {  	s30 =	sld [smem:$0x0];
	_ =	sdelay $0x2  }
0xb9: {  	s31 =	sshll.u32 s1, $0xD;
	s1 =	sshrl.u32 s1, $0x2  }
0xba: {  	s3 =	sand.u32 $0x4000, s31;
	s1 =	sadd.s32 s1, s30  }
0xbb: {  	s0 =	sor.u32 s3, s0;
	s1 =	sshll.u32 s1, $0x11  }
0xbc: {  	s0 =	sor.u32 s1, s0  }
0xbd: {  	s0 =	sadd.s32 $0x8F2B, s0  }
0xbe: {  	[sflag:s0] =	ssyncadd.remote.s32 $0x1  }
0xbf: {  	_ =	sfence.sel $0xFFFF  }
0xc0: {  	[dreg:$0x0] =	wrdreg $0xFFFFFFFF;
	(pc) =	sbr.abs _section_cstart, $3  }
0xc1: {  	[dreg:$0x1] =	wrdreg $0xFFFFFFFF  }
0xc2: {  	_ =	task.clear_ibuf [dreg:s7], $0x2FFFF;
	_ =	strace $0x9FFFFFFF  }
0xc3: {  	(tm) =	ssettm $0x7FFFFFFF  }
tec
execute0_lowered:
.L_overlay_start_1:
0x0: {  	(tag) =	ssettag $0x1  }
0x1: {  	s2 =	rddreg [dreg:$0x0];
	s20 =	simm.s32 $0x0;
	s0 =	srdreg.scid  }
0x2: {  	s22 =	stileid.u32;
	[smem:$0x7FF] =	sst s20  }
0x3: {  	s6 =	sadd.s32 $0x3E000, s2;
	s0 =	sand.u32 $0x1, s0;
	s16 =	smul.u32 $0x280, s22  }
0x4: {  	s1 =	ssub.s32 $0x2, s0;
	s14 =	smul.u32 $0x5000, s0;
	s4 =	sshllo.u32 s0, $0x1  }
0x5: {  	s10 =	sadd.s32 $0x3F400, s2;
	s3 =	sshrl.u32 s1, $0x1;
	s15 =	smul.u32 $0x2800, s4  }
0x6: {  	s13 =	sor.u32 $0x50, s16;
	s11 =	sadd.s32 $0xA0, s16;
	s28 =	smul.u32 $0xFA0, s4  }
0x7: {  	s12 =	sadd.s32 $0xF0, s16;
	s5 =	ssub.s32 s1, s3;
	s1 =	smul.u32 $0x4E20, s0  }
0x8: {  	s26 =	sshrl.u32 s14, $0x3;
	s9 =	sadd.s32 s14, s16;
	s17 =	sadd.s32 s14, s13  }
0x9: {  	s18 =	sadd.s32 s14, s11;
	s19 =	sadd.s32 s14, s12;
	s7 =	sshrl.u32 s15, $0x3  }
0xa: {  	s3 =	sadd.s32 s6, s26;
	s17 =	sshll.u32 s17, $0x4;
	s5 =	smax.u32 s5, $0x1  }
0xb: {  	[dreg:$0x4] =	wrdreg s3;
	s3 =	smul.u32 $0x1F40, s0;
	s8 =	sadd.s32 s6, s7  }
0xc: {  	s7 =	sadd.s32 $0x140, s16;
	s6 =	sadd.s32 $0x190, s16;
	s0 =	sshll.u32 s9, $0x4  }
0xd: {  	s9 =	sadd.s32 $0x230, s16;
	[dreg:$0x5] =	wrdreg s8;
	s8 =	sadd.s32 $0x1E0, s16  }
0xe: {  	s0 =	sadd.s32 s10, s0;
	s24 =	sadd.s32 s14, s6;
	s16 =	sadd.s32 s15, s16  }
0xf: {  	[dreg:$0x6] =	wrdreg s0;
	s0 =	sadd.s32 s10, s17;
	s17 =	sshll.u32 s19, $0x4  }
0x10: {  	s25 =	sadd.s32 s14, s8;
	[dreg:$0x7] =	wrdreg s0;
	s0 =	sshll.u32 s18, $0x4  }
0x11: {  	s18 =	sadd.s32 s14, s7;
	s21 =	sadd.s32 s10, s17;
	s17 =	sshll.u32 s25, $0x4  }
0x12: {  	s14 =	sadd.s32 s14, s9;
	s25 =	sadd.s32 s15, s6;
	s0 =	sadd.s32 s10, s0  }
0x13: {  	[dreg:$0x9] =	wrdreg s21;
	s23 =	sshll.u32 s18, $0x4;
	s26 =	sadd.s32 s10, s17  }
0x14: {  	s14 =	sshll.u32 s14, $0x4;
	s17 =	sadd.s32 s15, s13;
	[dreg:$0x8] =	wrdreg s0  }
0x15: {  	s18 =	sadd.s32 s15, s11;
	s0 =	sadd.s32 s10, s23;
	[dreg:$0xc] =	wrdreg s26  }
0x16: {  	s11 =	sshll.u32 s11, $0x7;
	[dreg:$0xa] =	wrdreg s0;
	s0 =	sshll.u32 s24, $0x4  }
0x17: {  	s21 =	sshll.u32 s18, $0x4;
	s23 =	sadd.s32 s15, s12;
	s0 =	sadd.s32 s10, s0  }
0x18: {  	s24 =	sadd.s32 s15, s7;
	[dreg:$0xb] =	wrdreg s0;
	s0 =	sadd.s32 s10, s14  }
0x19: {  	s14 =	sshll.u32 s17, $0x4;
	s17 =	sadd.s32 s15, s9;
	[dreg:$0xd] =	wrdreg s0  }
0x1a: {  	s0 =	sshll.u32 s16, $0x4;
	s19 =	sadd.s32 s10, s14;
	s14 =	sshll.u32 s24, $0x4  }
0x1b: {  	s16 =	sadd.s32 s15, s8;
	s18 =	sshll.u32 s17, $0x4;
	[dreg:$0xf] =	wrdreg s19  }
0x1c: {  	s24 =	sadd.s32 $0xA800, s2;
	s0 =	sadd.s32 s10, s0;
	s19 =	rddreg [dreg:$0x1]  }
0x1d: {  	s15 =	sshll.u32 s6, $0x7;
	s26 =	sadd.s32 s10, s14;
	[dreg:$0xe] =	wrdreg s0  }
0x1e: {  	s14 =	sshll.u32 s25, $0x4;
	s25 =	sadd.s32 $0xA00, s2;
	[dreg:$0x12] =	wrdreg s26  }
0x1f: {  	s0 =	sadd.s32 s10, s21;
	s21 =	rddreg [dreg:$0x2];
	s26 =	sadd.s32 $0x16E00, s2  }
0x20: {  	[dreg:$0x10] =	wrdreg s0;
	s0 =	sshll.u32 s23, $0x4;
	s23 =	smul.u32 $0x50000, s22  }
0x21: {  	s29 =	sadd.s32 s11, s21;
	s11 =	simm.s32 $0x16800;
	s0 =	sadd.s32 s10, s0  }
0x22: {  	[dreg:$0x11] =	wrdreg s0;
	s0 =	sadd.s32 s10, s14;
	s14 =	sshll.u32 s7, $0x7  }
0x23: {  	s7 =	smul.u32 $0xFA, s22;
	s22 =	simm.s32 $0x17750;
	[dreg:$0x13] =	wrdreg s0  }
0x24: {  	s0 =	sshll.u32 s16, $0x4;
	s31 =	sadd.s32 s14, s21;
	s16 =	sshll.u32 s8, $0x7  }
0x25: {  	s8 =	simm.s32 $0x14000;
	s14 =	simm.s32 $0x50;
	s0 =	sadd.s32 s10, s0  }
0x26: {  	s17 =	sadd.s32 s16, s21;
	[dreg:$0x14] =	wrdreg s0;
	s0 =	sadd.s32 s10, s18  }
0x27: {  	s16 =	simm.s32 $0x1AF40;
	s18 =	smul.u32 $0x2710, s4;
	[dreg:$0x15] =	wrdreg s0  }
0x28: {  	s10 =	sshll.u32 s13, $0x7;
	_ =	strace $0x8000004A;
	[dreg:$0x17] =	wrdreg s5  }
0x29: {  	s13 =	sshll.u32 s12, $0x7;
	s12 =	simm.s32 $0x16FD0;
	[dreg:$0x1d] =	wrdreg s17  }
0x2a: {  	s0 =	sshrl.u32 s23, $0x2;
	s30 =	sadd.s32 s13, s21;
	[dreg:$0x19] =	wrdreg s29  }
0x2b: {  	s23 =	sshll.u32 s9, $0x7;
	s9 =	simm.s32 $0x3;
	[dreg:$0x1a] =	wrdreg s30  }
0x2c: {  	s4 =	sadd.s32 s0, s21;
	s0 =	sadd.s32 s15, s21;
	[dreg:$0x1b] =	wrdreg s31  }
0x2d: {  	s13 =	simm.s32 $0x177A0;
	s5 =	sadd.s32 s10, s21;
	[dreg:$0x1c] =	wrdreg s0  }
0x2e: {  	s10 =	simm.s32 $0x18740;
	s15 =	simm.s32 $0x17F70;
	[dreg:$0x16] =	wrdreg s4  }
0x2f: {  	s17 =	simm.s32 $0x1;
	s0 =	sadd.s32 s23, s21;
	[dreg:$0x18] =	wrdreg s5  }
0x30: {  	v2 =	vimm.f32 $0.0e+00;
	v0 =	vmov s1;
	v1 =	vmov s18;
	s18 =	simm.s32 $0x2;
	s23 =	simm.s32 $0x0;
	[dreg:$0x1e] =	wrdreg s0  }
.LBB2_1:
0x31: {  	s0 =	rddreg [dreg:$0x4]  }
0x32: {  	[tilespmem:s8], [sflag:$0x3] =	stream.linear.gather [hbm4b:s0+s20], $0x2800, $0x38;
	[tilespmem:$0x1D740] =	vst v63  }
0x33: {  	_ =	swait.ge [sflag:s9], $0x2800  }
0x34: {  	[sflag:s9] =	ssyncset.done $0x0  }
0x35: {  	s1 =	simm.s32 $0x200;
	s0 =	simm.s32 $0x0;
	[sflag:s9] =	ssyncadd.s32 $0xFFFFD800  }
.LBB2_2:
0x36: {  	p0 =	sne.s32 s1, $0x9E00;
	[tilespmem:s0+$0x187B0] =	vst v2  }
0x37: {  	[tilespmem:s0+$0x18740] =	vst v2  }
0x38: {  	[tilespmem:s0+$0x18750] =	vst v2  }
.Ltmp0:
0x39: {  	[tilespmem:s0+$0x18760] =	vst v2;
	(pc) =	sbr.rel @p0 .LBB2_2-.Ltmp0, $4  }
0x3a: {  	[tilespmem:s0+$0x18770] =	vst v2  }
0x3b: {  	[tilespmem:s0+$0x18780] =	vst v2  }
0x3c: {  	[tilespmem:s0+$0x18790] =	vst v2  }
0x3d: {  	[tilespmem:s0+$0x187A0] =	vst v2;
	s0 =	sshra.s32 s1, $0x2;
	s1 =	sadd.s32 $0x200, s1  }
0x3e: {  	[tilespmem:s0+$0x187B0] =	vst v2  }
0x3f: {  	[tilespmem:s0+$0x18740] =	vst v2  }
0x40: {  	[tilespmem:s0+$0x18750] =	vst v2  }
0x41: {  	[tilespmem:s0+$0x18760] =	vst v2  }
0x42: {  	[tilespmem:s0+$0x18770] =	vst v2  }
0x43: {  	[tilespmem:s0+$0x18780] =	vst v2  }
0x44: {  	[tilespmem:s0+$0x18790] =	vst v2  }
0x45: {  	[tilespmem:s0+$0x187A0] =	vst v2  }
0x46: {  	[spmem:s4] =	stream.linear.scatter [tilespmem:s10], [sflag:$0x3], $0x2800, $0x38;
	[tilespmem:$0x1D740] =	vst v63  }
0x47: {  	_ =	swait.ge [sflag:s9], $0x2800  }
0x48: {  	[sflag:s9] =	ssyncset.done $0x0  }
0x49: {  	[sflag:s9] =	ssyncadd.s32 $0xFFFFD800  }
0x4a: {  	[spmem:s5] =	stream.linear.scatter [tilespmem:s10], [sflag:$0x3], $0x2800, $0x38;
	[tilespmem:$0x1D740] =	vst v63  }
0x4b: {  	_ =	swait.ge [sflag:s9], $0x2800  }
0x4c: {  	[sflag:s9] =	ssyncset.done $0x0  }
0x4d: {  	[sflag:s9] =	ssyncadd.s32 $0xFFFFD800  }
0x4e: {  	[spmem:s29] =	stream.linear.scatter [tilespmem:s10], [sflag:$0x3], $0x2800, $0x38;
	[tilespmem:$0x1D740] =	vst v63  }
0x4f: {  	_ =	swait.ge [sflag:s9], $0x2800  }
0x50: {  	[sflag:s9] =	ssyncset.done $0x0  }
0x51: {  	[sflag:s9] =	ssyncadd.s32 $0xFFFFD800  }
0x52: {  	[spmem:s30] =	stream.linear.scatter [tilespmem:s10], [sflag:$0x3], $0x2800, $0x38;
	[tilespmem:$0x1D740] =	vst v63  }
0x53: {  	_ =	swait.ge [sflag:s9], $0x2800  }
0x54: {  	[sflag:s9] =	ssyncset.done $0x0  }
0x55: {  	[sflag:s9] =	ssyncadd.s32 $0xFFFFD800  }
0x56: {  	[spmem:s31] =	stream.linear.scatter [tilespmem:s10], [sflag:$0x3], $0x2800, $0x38;
	[tilespmem:$0x1D740] =	vst v63  }
0x57: {  	_ =	swait.ge [sflag:s9], $0x2800  }
0x58: {  	[sflag:s9] =	ssyncset.done $0x0  }
0x59: {  	s6 =	rddreg [dreg:$0x1c];
	[sflag:s9] =	ssyncadd.s32 $0xFFFFD800  }
0x5a: {  	[spmem:s6] =	stream.linear.scatter [tilespmem:s10], [sflag:$0x3], $0x2800, $0x38;
	[tilespmem:$0x1D740] =	vst v63  }
0x5b: {  	_ =	swait.ge [sflag:s9], $0x2800  }
0x5c: {  	[sflag:s9] =	ssyncset.done $0x0  }
0x5d: {  	s20 =	rddreg [dreg:$0x1d];
	[sflag:s9] =	ssyncadd.s32 $0xFFFFD800  }
0x5e: {  	[spmem:s20] =	stream.linear.scatter [tilespmem:s10], [sflag:$0x3], $0x2800, $0x38;
	[tilespmem:$0x1D740] =	vst v63  }
0x5f: {  	_ =	swait.ge [sflag:s9], $0x2800  }
0x60: {  	[sflag:s9] =	ssyncset.done $0x0  }
0x61: {  	s31 =	rddreg [dreg:$0x1e];
	[sflag:s9] =	ssyncadd.s32 $0xFFFFD800  }
0x62: {  	[spmem:s31] =	stream.linear.scatter [tilespmem:s10], [sflag:$0x3], $0x2800, $0x38;
	[tilespmem:$0x1D740] =	vst v63  }
0x63: {  	_ =	swait.ge [sflag:s9], $0x2800  }
0x64: {  	[sflag:s9] =	ssyncset.done $0x0  }
0x65: {  	[sflag:s9] =	ssyncadd.s32 $0xFFFFD800  }
0x66: {  	s29 =	simm.s32 $0x0;
	s30 =	simm.s32 $0x0;
	[bflag:$0x0] =	sbarrier.arrive $0xFFFF  }
.LBB2_4:
0x67: {  	s0 =	smul.u32 $0x19, s29;
	_ =	sdelay $0x1  }
0x68: {  	s0 =	sadd.s32 s7, s0  }
0x69: {  	s1 =	smul.u32 $0xA, s0;
	_ =	sdelay $0x1  }
0x6a: {  	s2 =	sadd.s32 s24, s1  }
0x6b: {  	[tilespmem:s11], [sflag:$0x3] =	stream.linear.gather [hbm4b:s2+s30], $0x7D0, $0x38;
	[tilespmem:$0x1D740] =	vst v63  }
0x6c: {  	_ =	swait.ge [sflag:s9], $0x7D0  }
0x6d: {  	[sflag:s9] =	ssyncset.done $0x0  }
0x6e: {  	s0 =	sadd.s32 s3, s0;
	s1 =	sadd.s32 s25, s1;
	[sflag:s9] =	ssyncadd.s32 $0xFFFFF830  }
0x6f: {  	[tilespmem:s12], [sflag:$0x3] =	stream.linear.gather [hbm4b:s1+s30], $0x7D0, $0x38;
	[tilespmem:$0x1D740] =	vst v63  }
0x70: {  	s0 =	smul.u32 $0xA, s0;
	_ =	swait.ge [sflag:s9], $0x7D0  }
0x71: {  	[sflag:s9] =	ssyncset.done $0x0  }
0x72: {  	s0 =	sadd.s32 s26, s0;
	[sflag:s9] =	ssyncadd.s32 $0xFFFFF830  }
0x73: {  	[tilespmem:s13], [sflag:$0x3] =	stream.linear.gather [hbm4b:s0+s30], $0x7D0, $0x38;
	[tilespmem:$0x1D740] =	vst v63  }
0x74: {  	_ =	swait.ge [sflag:s9], $0x7D0  }
0x75: {  	[sflag:s9] =	ssyncset.done $0x0  }
0x76: {  	[sflag:s9] =	ssyncadd.s32 $0xFFFFF830  }
0x77: {  	v3 =	vld [tilespmem:$0x16FD0];
	_ =	sdelay $0x6  }
0x78: {  	v4 =	vld [tilespmem:$0x177A0]  }
0x79: {  	v3 =	vld.idx.msk [tilespmem:v3+s8+$0x0], $0xffff  }
0x7a: {  	v5 =	vld [tilespmem:$0x16FE0]  }
0x7b: {  	v6 =	vld [tilespmem:$0x16800];
	_ =	sdelay $0x2  }
0x7c: {  	v3 =	vmul.f32 v3, v4;
	_ =	sdelay $0x1  }
0x7d: {  	[tilespmem:$0x177A0] =	vst v3;
	v3 =	vadd.s32 v0, v6  }
0x7e: {  	[tilespmem:$0x17F70] =	vst v3;
	v3 =	vld [tilespmem:$0x177B0]  }
0x7f: {  	v53 =	vld.idx.msk [tilespmem:v5+s8+$0x0], $0xffff  }
0x80: {  	v54 =	vld [tilespmem:$0x16FF0]  }
0x81: {  	v55 =	vld [tilespmem:$0x16810];
	_ =	sdelay $0x2  }
0x82: {  	v3 =	vmul.f32 v53, v3;
	_ =	sdelay $0x1  }
0x83: {  	[tilespmem:$0x177B0] =	vst v3;
	v3 =	vadd.s32 v0, v55  }
0x84: {  	[tilespmem:$0x17F80] =	vst v3;
	v3 =	vld [tilespmem:$0x177C0]  }
0x85: {  	v56 =	vld.idx.msk [tilespmem:v54+s8+$0x0], $0xffff  }
0x86: {  	v57 =	vld [tilespmem:$0x17000]  }
0x87: {  	v58 =	vld [tilespmem:$0x16820];
	_ =	sdelay $0x2  }
0x88: {  	v3 =	vmul.f32 v56, v3;
	_ =	sdelay $0x1  }
0x89: {  	[tilespmem:$0x177C0] =	vst v3;
	v3 =	vadd.s32 v0, v58  }
0x8a: {  	[tilespmem:$0x17F90] =	vst v3;
	v3 =	vld [tilespmem:$0x177D0]  }
0x8b: {  	v59 =	vld.idx.msk [tilespmem:v57+s8+$0x0], $0xffff  }
0x8c: {  	v60 =	vld [tilespmem:$0x17010]  }
0x8d: {  	v61 =	vld [tilespmem:$0x16830];
	_ =	sdelay $0x2  }
0x8e: {  	v3 =	vmul.f32 v59, v3;
	_ =	sdelay $0x1  }
0x8f: {  	[tilespmem:$0x177D0] =	vst v3;
	v3 =	vadd.s32 v0, v61  }
0x90: {  	[tilespmem:$0x17FA0] =	vst v3;
	v3 =	vld [tilespmem:$0x177E0]  }
0x91: {  	v62 =	vld.idx.msk [tilespmem:v60+s8+$0x0], $0xffff;
	_ =	sdelay $0x1  }
0x92: {  	v63 =	vld [tilespmem:$0x16840];
	_ =	sdelay $0x2  }
0x93: {  	v3 =	vmul.f32 v62, v3;
	_ =	sdelay $0x1  }
0x94: {  	[tilespmem:$0x177E0] =	vst v3;
	v3 =	vadd.s32 v0, v63  }
0x95: {  	s31 =	simm.s32 $0x0;
	[tilespmem:$0x17FB0] =	vst v3  }
0x96: {  	[tilespmem:s10], [sflag:$0x1] =	stream.indirect.gather [hbm4b:s19+s14], $0x80, s15, s14, $0xb8;
	[tilespmem:$0x1D740] =	vst v63  }
.LBB2_5:
0x97: {  	s1 =	sshllo.u32 s31, $0x1  }
0x98: {  	s20 =	smul.u32 $0x50, s1;
	_ =	sdelay $0x1  }
0x99: {  	v3 =	vld [tilespmem:s20+$0x16FD0];
	_ =	sdelay $0x6  }
0x9a: {  	v4 =	vld [tilespmem:s20+$0x177A0]  }
0x9b: {  	v3 =	vld.idx.msk [tilespmem:v3+s8+$0x0], $0xffff  }
0x9c: {  	v5 =	vld [tilespmem:s20+$0x16FE0]  }
0x9d: {  	v6 =	vld [tilespmem:s20+$0x16800];
	_ =	sdelay $0x2  }
0x9e: {  	v3 =	vmul.f32 v3, v4;
	_ =	sdelay $0x1  }
0x9f: {  	[tilespmem:s20+$0x177A0] =	vst v3;
	v3 =	vadd.s32 v0, v6  }
0xa0: {  	[tilespmem:s20+$0x17F70] =	vst v3;
	v3 =	vld [tilespmem:s20+$0x177B0]  }
0xa1: {  	v4 =	vld.idx.msk [tilespmem:v5+s8+$0x0], $0xffff  }
0xa2: {  	v5 =	vld [tilespmem:s20+$0x16FF0]  }
0xa3: {  	v6 =	vld [tilespmem:s20+$0x16810];
	_ =	sdelay $0x2  }
0xa4: {  	v3 =	vmul.f32 v4, v3;
	_ =	sdelay $0x1  }
0xa5: {  	[tilespmem:s20+$0x177B0] =	vst v3;
	v3 =	vadd.s32 v0, v6  }
0xa6: {  	[tilespmem:s20+$0x17F80] =	vst v3;
	v3 =	vld [tilespmem:s20+$0x177C0]  }
0xa7: {  	v4 =	vld.idx.msk [tilespmem:v5+s8+$0x0], $0xffff  }
0xa8: {  	v5 =	vld [tilespmem:s20+$0x17000]  }
0xa9: {  	v6 =	vld [tilespmem:s20+$0x16820];
	_ =	sdelay $0x2  }
0xaa: {  	v3 =	vmul.f32 v4, v3;
	_ =	sdelay $0x1  }
0xab: {  	[tilespmem:s20+$0x177C0] =	vst v3;
	v3 =	vadd.s32 v0, v6  }
0xac: {  	[tilespmem:s20+$0x17F90] =	vst v3;
	v3 =	vld [tilespmem:s20+$0x177D0]  }
0xad: {  	v4 =	vld.idx.msk [tilespmem:v5+s8+$0x0], $0xffff  }
0xae: {  	v5 =	vld [tilespmem:s20+$0x17010]  }
0xaf: {  	v6 =	vld [tilespmem:s20+$0x16830];
	_ =	sdelay $0x2  }
0xb0: {  	v3 =	vmul.f32 v4, v3;
	_ =	sdelay $0x1  }
0xb1: {  	[tilespmem:s20+$0x177D0] =	vst v3;
	v3 =	vadd.s32 v0, v6  }
0xb2: {  	[tilespmem:s20+$0x17FA0] =	vst v3;
	v3 =	vld [tilespmem:s20+$0x177E0]  }
0xb3: {  	v4 =	vld.idx.msk [tilespmem:v5+s8+$0x0], $0xffff;
	_ =	sdelay $0x1  }
0xb4: {  	v5 =	vld [tilespmem:s20+$0x16840];
	_ =	sdelay $0x1  }
0xb5: {  	s2 =	sshll.u32 s31, $0x1  }
0xb6: {  	v3 =	vmul.f32 v4, v3;
	v4 =	vmov s2  }
0xb7: {  	v4 =	vmul.u32 $0x50, v4  }
0xb8: {  	s0 =	simm.s32 $0x0;
	[tilespmem:s20+$0x177E0] =	vst v3;
	v3 =	vadd.s32 v0, v5  }
0xb9: {  	s4 =	sadd.s32 $0x17F70, s20;
	[tilespmem:s20+$0x17FB0] =	vst v3;
	v3 =	vbroadcast v4, $0x0;
	v4 =	vmov s0  }
0xba: {  	[tilespmem:s16], [sflag:$0x2] =	stream.indirect.gather [hbm4b:s19+s14], $0x80, s4, s14, $0xb8;
	v5 =	vand.u32 $0x78, v4;
	[tilespmem:$0x1D740] =	vst v63  }
0xbb: {  	v4 =	vand.u32 $0x7, v4;
	_ =	swait.ge [sflag:s17], $0x2800;
	v5 =	vadd.s32 v3, v5  }
0xbc: {  	[sflag:s17] =	ssyncset.done $0x0;
	v4 =	vor.u32 v4, v5  }
0xbd: {  	s4 =	simm.s32 $0x18780;
	[sflag:s17] =	ssyncadd.s32 $0xFFFFD800  }
0xbe: {  	v8 =	vld [tilespmem:s4+$0x30]  }
0xbf: {  	v11 =	vld [tilespmem:s4+$0x10]  }
0xc0: {  	v9 =	vld [tilespmem:s4+$0xFFFFFFC0]  }
0xc1: {  	v4 =	vld.idx.msk [tilespmem:v4+s13+$0x0], $0xffff  }
0xc2: {  	v13 =	vld [tilespmem:s4+$0xFFFFFFE0]  }
0xc3: {  	v5 =	vld [tilespmem:s4+$0xFFFFFFF0]  }
0xc4: {  	v6 =	vld [tilespmem:s4+$0x20]  }
0xc5: {  	v7 =	vld [tilespmem:s4+$0xFFFFFFD0]  }
0xc6: {  	v12 =	vmul.f32 v8, v4;
	v8 =	vld [tilespmem:s4+$0x0]  }
0xc7: {  	s6 =	simm.s32 $0x2;
	v10 =	vmul.f32 v9, v4  }
0xc8: {  	s5 =	simm.s32 $0x18780;
	s20 =	sadd.s32 $0x16FD0, s20;
	s0 =	simm.s32 $0x1;
	v9 =	vmul.f32 v13, v4;
	v11 =	vmul.f32 v11, v4  }
.LBB2_6:
0xc9: {  	p0 =	sne.s32 s6, $0x4F  }
0xca: {  	v13 =	vmov s0;
	v7 =	vmul.f32 v7, v4;
	v6 =	vmul.f32 v6, v4;
	[tilespmem:s4+$0x30] =	vst v12;
	s5 =	sadd.s32 $0x80, s5;
	s0 =	smov.u32 s6;
	s6 =	sadd.s32 $0x1, s6  }
0xcb: {  	v12 =	vand.u32 $0x78, v13;
	[tilespmem:s4+$0xFFFFFFC0] =	vst v10;
	v10 =	vmul.f32 v5, v4;
	v4 =	vmul.f32 v8, v4  }
0xcc: {  	v5 =	vand.u32 $0x7, v13;
	v8 =	vadd.s32 v3, v12;
	[tilespmem:s4+$0x10] =	vst v11  }
0xcd: {  	v8 =	vor.u32 v5, v8;
	[tilespmem:s4+$0xFFFFFFE0] =	vst v9  }
0xce: {  	v5 =	vld [tilespmem:s5+$0xFFFFFFF0];
	[tilespmem:s4+$0xFFFFFFF0] =	vst v10  }
0xcf: {  	v9 =	vld [tilespmem:s5+$0x30];
	[tilespmem:s4+$0x0] =	vst v4  }
0xd0: {  	v11 =	vld [tilespmem:s5+$0x10];
	[tilespmem:s4+$0x20] =	vst v6  }
0xd1: {  	v10 =	vld [tilespmem:s5+$0xFFFFFFC0];
	[tilespmem:s4+$0xFFFFFFD0] =	vst v7;
	s4 =	smov.u32 s5  }
0xd2: {  	v4 =	vld.idx.msk [tilespmem:v8+s13+$0x0], $0xffff  }
0xd3: {  	v13 =	vld [tilespmem:s5+$0xFFFFFFE0]  }
0xd4: {  	v6 =	vld [tilespmem:s5+$0x20]  }
.Ltmp1:
0xd5: {  	v7 =	vld [tilespmem:s5+$0xFFFFFFD0];
	(pc) =	sbr.rel @p0 .LBB2_6-.Ltmp1, $3  }
0xd6: {  	v8 =	vld [tilespmem:s5+$0x0];
	_ =	sdelay $0x1  }
0xd7: {  	v10 =	vmul.f32 v10, v4;
	v12 =	vmul.f32 v9, v4  }
0xd8: {  	v11 =	vmul.f32 v11, v4;
	v9 =	vmul.f32 v13, v4  }
0xd9: {  	[tilespmem:s4+$0xFFFFFFC0] =	vst v10;
	v10 =	vmov s0  }
0xda: {  	[tilespmem:s4+$0x10] =	vst v11;
	v11 =	vand.u32 $0x78, v10  }
0xdb: {  	v5 =	vmul.f32 v5, v4;
	[tilespmem:s4+$0xFFFFFFE0] =	vst v9;
	v9 =	vand.u32 $0x7, v10;
	v3 =	vadd.s32 v3, v11  }
0xdc: {  	[tilespmem:s4+$0x30] =	vst v12;
	s5 =	sadd.s32 $0x80, s5;
	v8 =	vmul.f32 v8, v4;
	v3 =	vor.u32 v9, v3  }
0xdd: {  	v6 =	vmul.f32 v6, v4;
	v10 =	vld [tilespmem:s5+$0xFFFFFFF0];
	[tilespmem:s4+$0xFFFFFFF0] =	vst v5  }
0xde: {  	v4 =	vmul.f32 v7, v4;
	v5 =	vld [tilespmem:s5+$0x30];
	[tilespmem:s4+$0x0] =	vst v8  }
0xdf: {  	v7 =	vld [tilespmem:s5+$0x10];
	[tilespmem:s4+$0x20] =	vst v6  }
0xe0: {  	v6 =	vld [tilespmem:s5+$0xFFFFFFC0];
	[tilespmem:s4+$0xFFFFFFD0] =	vst v4  }
0xe1: {  	v3 =	vld.idx.msk [tilespmem:v3+s13+$0x0], $0xffff;
	_ =	sdelay $0x2  }
0xe2: {  	v4 =	vld [tilespmem:s5+$0xFFFFFFE0];
	_ =	sdelay $0x1  }
0xe3: {  	v8 =	vld [tilespmem:s5+$0x0];
	v5 =	vmul.f32 v5, v3  }
0xe4: {  	v9 =	vld [tilespmem:s5+$0x20];
	v6 =	vmul.f32 v6, v3  }
0xe5: {  	v11 =	vld [tilespmem:s5+$0xFFFFFFD0];
	v7 =	vmul.f32 v7, v3;
	[tilespmem:s5+$0x30] =	vst v5  }
0xe6: {  	v4 =	vmul.f32 v4, v3;
	[tilespmem:s5+$0xFFFFFFC0] =	vst v6  }
0xe7: {  	v5 =	vmul.f32 v10, v3;
	[tilespmem:s5+$0x10] =	vst v7  }
0xe8: {  	v6 =	vmul.f32 v8, v3;
	[tilespmem:s5+$0xFFFFFFE0] =	vst v4  }
0xe9: {  	s6 =	smul.u32 $0x280, s31;
	v4 =	vmul.f32 v9, v3;
	[tilespmem:s5+$0xFFFFFFF0] =	vst v5  }
0xea: {  	v3 =	vmul.f32 v11, v3;
	[tilespmem:s5+$0x0] =	vst v6  }
0xeb: {  	s4 =	sshra.s32 s6, $0x2;
	[tilespmem:s5+$0x20] =	vst v4  }
0xec: {  	s4 =	sadd.s32 $0x16FD0, s4;
	[tilespmem:s5+$0xFFFFFFD0] =	vst v3  }
0xed: {  	[spmem:s21] =	stream.indirect.scatter.add.f32 [tilespmem:s10], [sflag:$0x3], $0x80, s4, s14, $0xb8;
	[tilespmem:$0x1D740] =	vst v63  }
0xee: {  	s5 =	sadd.s32 $0x2, s2;
	_ =	swait.ge [sflag:s9], $0x2800  }
0xef: {  	s2 =	smul.u32 $0x50, s5;
	[sflag:s9] =	ssyncset.done $0x0  }
0xf0: {  	[sflag:s9] =	ssyncadd.s32 $0xFFFFD800  }
0xf1: {  	v3 =	vld [tilespmem:s2+$0x16FD0];
	_ =	sdelay $0x6  }
0xf2: {  	v4 =	vld [tilespmem:s2+$0x177A0]  }
0xf3: {  	v3 =	vld.idx.msk [tilespmem:v3+s8+$0x0], $0xffff  }
0xf4: {  	v5 =	vld [tilespmem:s2+$0x16FE0]  }
0xf5: {  	v6 =	vld [tilespmem:s2+$0x16800];
	_ =	sdelay $0x2  }
0xf6: {  	v3 =	vmul.f32 v3, v4;
	_ =	sdelay $0x1  }
0xf7: {  	[tilespmem:s2+$0x177A0] =	vst v3;
	v3 =	vadd.s32 v0, v6  }
0xf8: {  	[tilespmem:s2+$0x17F70] =	vst v3;
	v3 =	vld [tilespmem:s2+$0x177B0]  }
0xf9: {  	v4 =	vld.idx.msk [tilespmem:v5+s8+$0x0], $0xffff  }
0xfa: {  	v5 =	vld [tilespmem:s2+$0x16FF0]  }
0xfb: {  	v6 =	vld [tilespmem:s2+$0x16810];
	_ =	sdelay $0x2  }
0xfc: {  	v3 =	vmul.f32 v4, v3;
	_ =	sdelay $0x1  }
0xfd: {  	[tilespmem:s2+$0x177B0] =	vst v3;
	v3 =	vadd.s32 v0, v6  }
0xfe: {  	[tilespmem:s2+$0x17F80] =	vst v3;
	v3 =	vld [tilespmem:s2+$0x177C0]  }
0xff: {  	v4 =	vld.idx.msk [tilespmem:v5+s8+$0x0], $0xffff  }
0x100: {  	v5 =	vld [tilespmem:s2+$0x17000]  }
0x101: {  	v6 =	vld [tilespmem:s2+$0x16820];
	_ =	sdelay $0x2  }
0x102: {  	v3 =	vmul.f32 v4, v3;
	_ =	sdelay $0x1  }
0x103: {  	[tilespmem:s2+$0x177C0] =	vst v3;
	v3 =	vadd.s32 v0, v6  }
0x104: {  	[tilespmem:s2+$0x17F90] =	vst v3;
	v3 =	vld [tilespmem:s2+$0x177D0]  }
0x105: {  	v4 =	vld.idx.msk [tilespmem:v5+s8+$0x0], $0xffff  }
0x106: {  	v5 =	vld [tilespmem:s2+$0x17010]  }
0x107: {  	v6 =	vld [tilespmem:s2+$0x16830];
	_ =	sdelay $0x2  }
0x108: {  	v3 =	vmul.f32 v4, v3;
	_ =	sdelay $0x1  }
0x109: {  	[tilespmem:s2+$0x177D0] =	vst v3;
	v3 =	vadd.s32 v0, v6  }
0x10a: {  	[tilespmem:s2+$0x17FA0] =	vst v3;
	v3 =	vld [tilespmem:s2+$0x177E0]  }
0x10b: {  	v4 =	vld.idx.msk [tilespmem:v5+s8+$0x0], $0xffff;
	_ =	sdelay $0x1  }
0x10c: {  	v5 =	vld [tilespmem:s2+$0x16840];
	_ =	sdelay $0x2  }
0x10d: {  	s0 =	smul.u32 $0x140, s5;
	v3 =	vmul.f32 v4, v3;
	v4 =	vmov s1  }
0x10e: {  	v4 =	vmul.u32 $0x50, v4  }
0x10f: {  	s6 =	simm.s32 $0x0;
	s0 =	sshra.s32 s0, $0x2;
	[tilespmem:s2+$0x177E0] =	vst v3;
	v3 =	vadd.s32 v0, v5  }
0x110: {  	s0 =	sadd.s32 $0x17F70, s0;
	[tilespmem:s2+$0x17FB0] =	vst v3;
	v3 =	vbroadcast v4, $0x0;
	v4 =	vmov s6  }
0x111: {  	[tilespmem:s10], [sflag:$0x1] =	stream.indirect.gather [hbm4b:s19+s14], $0x80, s0, s14, $0xb8;
	v5 =	vand.u32 $0x78, v4;
	[tilespmem:$0x1D740] =	vst v63  }
0x112: {  	v4 =	vand.u32 $0x7, v4;
	_ =	swait.ge [sflag:s18], $0x2800;
	v5 =	vadd.s32 v3, v5  }
0x113: {  	[sflag:s18] =	ssyncset.done $0x0;
	v4 =	vor.u32 v4, v5  }
0x114: {  	s1 =	simm.s32 $0x1AF80;
	[sflag:s18] =	ssyncadd.s32 $0xFFFFD800  }
0x115: {  	v8 =	vld [tilespmem:s1+$0x30]  }
0x116: {  	v11 =	vld [tilespmem:s1+$0x10]  }
0x117: {  	v9 =	vld [tilespmem:s1+$0xFFFFFFC0]  }
0x118: {  	v4 =	vld.idx.msk [tilespmem:v4+s13+$0x0], $0xffff  }
0x119: {  	v13 =	vld [tilespmem:s1+$0xFFFFFFE0]  }
0x11a: {  	v5 =	vld [tilespmem:s1+$0xFFFFFFF0]  }
0x11b: {  	v6 =	vld [tilespmem:s1+$0x20]  }
0x11c: {  	v7 =	vld [tilespmem:s1+$0xFFFFFFD0]  }
0x11d: {  	v12 =	vmul.f32 v8, v4;
	v8 =	vld [tilespmem:s1+$0x0]  }
0x11e: {  	v10 =	vmul.f32 v9, v4  }
0x11f: {  	s4 =	simm.s32 $0x2;
	s2 =	simm.s32 $0x1AF80;
	s0 =	simm.s32 $0x1;
	v9 =	vmul.f32 v13, v4;
	v11 =	vmul.f32 v11, v4  }
.LBB2_8:
0x120: {  	p0 =	sne.s32 s4, $0x4F  }
0x121: {  	v13 =	vmov s0;
	v7 =	vmul.f32 v7, v4;
	v6 =	vmul.f32 v6, v4;
	[tilespmem:s1+$0x30] =	vst v12;
	s2 =	sadd.s32 $0x80, s2;
	s0 =	smov.u32 s4;
	s4 =	sadd.s32 $0x1, s4  }
0x122: {  	v12 =	vand.u32 $0x78, v13;
	[tilespmem:s1+$0xFFFFFFC0] =	vst v10;
	v10 =	vmul.f32 v5, v4;
	v4 =	vmul.f32 v8, v4  }
0x123: {  	v5 =	vand.u32 $0x7, v13;
	v8 =	vadd.s32 v3, v12;
	[tilespmem:s1+$0x10] =	vst v11  }
0x124: {  	v8 =	vor.u32 v5, v8;
	[tilespmem:s1+$0xFFFFFFE0] =	vst v9  }
0x125: {  	v5 =	vld [tilespmem:s2+$0xFFFFFFF0];
	[tilespmem:s1+$0xFFFFFFF0] =	vst v10  }
0x126: {  	v9 =	vld [tilespmem:s2+$0x30];
	[tilespmem:s1+$0x0] =	vst v4  }
0x127: {  	v11 =	vld [tilespmem:s2+$0x10];
	[tilespmem:s1+$0x20] =	vst v6  }
0x128: {  	v10 =	vld [tilespmem:s2+$0xFFFFFFC0];
	[tilespmem:s1+$0xFFFFFFD0] =	vst v7;
	s1 =	smov.u32 s2  }
0x129: {  	v4 =	vld.idx.msk [tilespmem:v8+s13+$0x0], $0xffff  }
0x12a: {  	v13 =	vld [tilespmem:s2+$0xFFFFFFE0]  }
0x12b: {  	v6 =	vld [tilespmem:s2+$0x20]  }
.Ltmp2:
0x12c: {  	v7 =	vld [tilespmem:s2+$0xFFFFFFD0];
	(pc) =	sbr.rel @p0 .LBB2_8-.Ltmp2, $3  }
0x12d: {  	v8 =	vld [tilespmem:s2+$0x0];
	_ =	sdelay $0x1  }
0x12e: {  	v10 =	vmul.f32 v10, v4;
	v12 =	vmul.f32 v9, v4  }
0x12f: {  	v11 =	vmul.f32 v11, v4;
	v9 =	vmul.f32 v13, v4  }
0x130: {  	[tilespmem:s1+$0x30] =	vst v12;
	v51 =	vmov s0  }
0x131: {  	[tilespmem:s1+$0xFFFFFFC0] =	vst v10;
	v52 =	vand.u32 $0x78, v51  }
0x132: {  	v5 =	vmul.f32 v5, v4;
	[tilespmem:s1+$0x10] =	vst v11;
	v53 =	vand.u32 $0x7, v51;
	v3 =	vadd.s32 v3, v52  }
0x133: {  	s6 =	sadd.s32 $0x80, s2;
	[tilespmem:s1+$0xFFFFFFE0] =	vst v9;
	v8 =	vmul.f32 v8, v4;
	v3 =	vor.u32 v53, v3  }
0x134: {  	v56 =	vmul.f32 v7, v4;
	v54 =	vld [tilespmem:s6+$0xFFFFFFF0];
	[tilespmem:s1+$0xFFFFFFF0] =	vst v5  }
0x135: {  	v6 =	vmul.f32 v6, v4;
	v55 =	vld [tilespmem:s6+$0x30];
	[tilespmem:s1+$0x0] =	vst v8  }
0x136: {  	v58 =	vld [tilespmem:s6+$0xFFFFFFC0];
	[tilespmem:s1+$0xFFFFFFD0] =	vst v56  }
0x137: {  	v57 =	vld [tilespmem:s6+$0x10];
	[tilespmem:s1+$0x20] =	vst v6  }
0x138: {  	v3 =	vld.idx.msk [tilespmem:v3+s13+$0x0], $0xffff;
	_ =	sdelay $0x2  }
0x139: {  	v4 =	vld [tilespmem:s6+$0xFFFFFFE0];
	_ =	sdelay $0x1  }
0x13a: {  	v8 =	vld [tilespmem:s6+$0x0];
	v5 =	vmul.f32 v55, v3  }
0x13b: {  	v59 =	vld [tilespmem:s6+$0x20];
	v6 =	vmul.f32 v58, v3  }
0x13c: {  	v60 =	vld [tilespmem:s6+$0xFFFFFFD0];
	v7 =	vmul.f32 v57, v3;
	[tilespmem:s6+$0x30] =	vst v5  }
0x13d: {  	v4 =	vmul.f32 v4, v3;
	[tilespmem:s6+$0xFFFFFFC0] =	vst v6  }
0x13e: {  	v61 =	vmul.f32 v54, v3;
	[tilespmem:s6+$0x10] =	vst v7  }
0x13f: {  	v62 =	vmul.f32 v8, v3;
	[tilespmem:s6+$0xFFFFFFE0] =	vst v4  }
0x140: {  	v63 =	vmul.f32 v59, v3;
	[tilespmem:s6+$0xFFFFFFF0] =	vst v61  }
0x141: {  	s31 =	sadd.s32 $0x1, s31;
	v3 =	vmul.f32 v60, v3;
	[tilespmem:s6+$0x0] =	vst v62  }
0x142: {  	p0 =	sne.s32 s31, $0xC;
	[tilespmem:s6+$0x20] =	vst v63  }
.Ltmp3:
0x143: {  	[tilespmem:s6+$0xFFFFFFD0] =	vst v3;
	(pc) =	sbr.rel @p0 .LBB2_5-.Ltmp3, $4  }
0x144: {  	[spmem:s21] =	stream.indirect.scatter.add.f32 [tilespmem:s16], [sflag:$0x3], $0x80, s20, s14, $0xb8;
	[tilespmem:$0x1D740] =	vst v63  }
0x145: {  	_ =	swait.ge [sflag:s9], $0x2800  }
0x146: {  	[sflag:s9] =	ssyncset.done $0x0  }
0x147: {  	[sflag:s9] =	ssyncadd.s32 $0xFFFFD800  }
0x148: {  	s0 =	simm.s32 $0x0  }
0x149: {  	v3 =	vmov s0  }
0x14a: {  	v3 =	vand.u32 $0x7F, v3  }
0x14b: {  	v3 =	vor.u32 $0x780, v3  }
0x14c: {  	_ =	swait.ge [sflag:s17], $0x2800;
	v3 =	vbroadcast v3, $0x0  }
0x14d: {  	[sflag:s17] =	ssyncset.done $0x0  }
0x14e: {  	s1 =	simm.s32 $0x18780;
	[sflag:s17] =	ssyncadd.s32 $0xFFFFD800  }
0x14f: {  	v7 =	vld [tilespmem:s1+$0x30]  }
0x150: {  	v10 =	vld [tilespmem:s1+$0x10]  }
0x151: {  	v8 =	vld [tilespmem:s1+$0xFFFFFFC0]  }
0x152: {  	v4 =	vld.idx.msk [tilespmem:v3+s13+$0x0], $0xffff  }
0x153: {  	v13 =	vld [tilespmem:s1+$0xFFFFFFE0]  }
0x154: {  	v5 =	vld [tilespmem:s1+$0x20]  }
0x155: {  	v6 =	vld [tilespmem:s1+$0xFFFFFFD0]  }
0x156: {  	v3 =	vld [tilespmem:s1+$0xFFFFFFF0]  }
0x157: {  	v11 =	vmul.f32 v7, v4;
	v7 =	vld [tilespmem:s1+$0x0]  }
0x158: {  	s31 =	simm.s32 $0x1;
	v9 =	vmul.f32 v8, v4  }
0x159: {  	s4 =	simm.s32 $0x2;
	s2 =	simm.s32 $0x18780;
	v12 =	vmov s31;
	v8 =	vmul.f32 v13, v4;
	v10 =	vmul.f32 v10, v4  }
.LBB2_11:
0x15a: {  	p0 =	sne.s32 s4, $0x4F  }
0x15b: {  	v12 =	vand.u32 $0x7F, v12;
	v6 =	vmul.f32 v6, v4;
	v5 =	vmul.f32 v5, v4;
	[tilespmem:s1+$0x30] =	vst v11;
	s2 =	sadd.s32 $0x80, s2;
	s0 =	smov.u32 s4;
	s4 =	sadd.s32 $0x1, s4  }
0x15c: {  	v11 =	vor.u32 $0x780, v12;
	[tilespmem:s1+$0xFFFFFFC0] =	vst v9;
	v9 =	vmul.f32 v3, v4;
	v4 =	vmul.f32 v7, v4  }
0x15d: {  	v7 =	vbroadcast v11, $0x0;
	[tilespmem:s1+$0x10] =	vst v10  }
0x15e: {  	[tilespmem:s1+$0xFFFFFFE0] =	vst v8  }
0x15f: {  	v3 =	vld [tilespmem:s2+$0xFFFFFFF0];
	[tilespmem:s1+$0xFFFFFFF0] =	vst v9  }
0x160: {  	v8 =	vld [tilespmem:s2+$0x30];
	[tilespmem:s1+$0x0] =	vst v4  }
0x161: {  	v10 =	vld [tilespmem:s2+$0x10];
	[tilespmem:s1+$0x20] =	vst v5  }
0x162: {  	v9 =	vld [tilespmem:s2+$0xFFFFFFC0];
	[tilespmem:s1+$0xFFFFFFD0] =	vst v6;
	s1 =	smov.u32 s2  }
0x163: {  	v4 =	vld.idx.msk [tilespmem:v7+s13+$0x0], $0xffff  }
0x164: {  	v13 =	vld [tilespmem:s2+$0xFFFFFFE0]  }
0x165: {  	v5 =	vld [tilespmem:s2+$0x20]  }
.Ltmp4:
0x166: {  	v6 =	vld [tilespmem:s2+$0xFFFFFFD0];
	(pc) =	sbr.rel @p0 .LBB2_11-.Ltmp4, $3  }
0x167: {  	v7 =	vld [tilespmem:s2+$0x0];
	_ =	sdelay $0x1  }
0x168: {  	v9 =	vmul.f32 v9, v4;
	v11 =	vmul.f32 v8, v4  }
0x169: {  	v12 =	vmov s0;
	v10 =	vmul.f32 v10, v4;
	v8 =	vmul.f32 v13, v4  }
0x16a: {  	[tilespmem:s1+$0x30] =	vst v11;
	v54 =	vand.u32 $0x7F, v12  }
0x16b: {  	[tilespmem:s1+$0xFFFFFFC0] =	vst v9;
	v9 =	vor.u32 $0x780, v54  }
0x16c: {  	v3 =	vmul.f32 v3, v4;
	[tilespmem:s1+$0x10] =	vst v10;
	v55 =	vbroadcast v9, $0x0  }
0x16d: {  	s0 =	sadd.s32 $0x80, s2;
	[tilespmem:s1+$0xFFFFFFE0] =	vst v8;
	v7 =	vmul.f32 v7, v4  }
0x16e: {  	v57 =	vmul.f32 v6, v4;
	v56 =	vld [tilespmem:s0+$0xFFFFFFF0];
	[tilespmem:s1+$0xFFFFFFF0] =	vst v3  }
0x16f: {  	v5 =	vmul.f32 v5, v4;
	v3 =	vld [tilespmem:s0+$0x30];
	[tilespmem:s1+$0x0] =	vst v7  }
0x170: {  	v59 =	vld [tilespmem:s0+$0xFFFFFFC0];
	[tilespmem:s1+$0xFFFFFFD0] =	vst v57  }
0x171: {  	v58 =	vld [tilespmem:s0+$0x10];
	[tilespmem:s1+$0x20] =	vst v5  }
0x172: {  	v4 =	vld.idx.msk [tilespmem:v55+s13+$0x0], $0xffff;
	_ =	sdelay $0x3  }
0x173: {  	v7 =	vld [tilespmem:s0+$0xFFFFFFE0]  }
0x174: {  	v60 =	vld [tilespmem:s0+$0x0];
	v3 =	vmul.f32 v3, v4  }
0x175: {  	v10 =	vld [tilespmem:s0+$0x20];
	v5 =	vmul.f32 v59, v4  }
0x176: {  	v61 =	vld [tilespmem:s0+$0xFFFFFFD0];
	v6 =	vmul.f32 v58, v4;
	[tilespmem:s0+$0x30] =	vst v3  }
0x177: {  	v62 =	vmul.f32 v56, v4;
	[tilespmem:s0+$0xFFFFFFC0] =	vst v5  }
0x178: {  	v3 =	vmul.f32 v7, v4;
	[tilespmem:s0+$0x10] =	vst v6  }
0x179: {  	v63 =	vmul.f32 v60, v4;
	[tilespmem:s0+$0xFFFFFFF0] =	vst v62  }
0x17a: {  	[tilespmem:s0+$0xFFFFFFE0] =	vst v3;
	v3 =	vmul.f32 v10, v4  }
0x17b: {  	s29 =	sadd.s32 $0x1, s29;
	[tilespmem:s0+$0x0] =	vst v63;
	v4 =	vmul.f32 v61, v4  }
0x17c: {  	p0 =	sne.s32 s29, $0xA;
	[tilespmem:s0+$0x20] =	vst v3  }
.Ltmp5:
0x17d: {  	[tilespmem:s0+$0xFFFFFFD0] =	vst v4;
	(pc) =	sbr.rel @p0 .LBB2_4-.Ltmp5, $4  }
0x17e: {  	[spmem:s21] =	stream.indirect.scatter.add.f32 [tilespmem:s10], [sflag:$0x3], $0x80, s22, s14, $0xb8;
	[tilespmem:$0x1D740] =	vst v63  }
0x17f: {  	_ =	swait.ge [sflag:s9], $0x2800  }
0x180: {  	[sflag:s9] =	ssyncset.done $0x0  }
0x181: {  	[sflag:s9] =	ssyncadd.s32 $0xFFFFD800  }
0x182: {  	[bflag:$0x0] =	sbarrier.arrive $0xFFFF  }
0x183: {  	s2 =	rddreg [dreg:$0x16]  }
0x184: {  	[tilespmem:s10], [sflag:$0x3] =	stream.linear.gather [spmem:s2], $0x2800, $0x38;
	[tilespmem:$0x1D740] =	vst v63  }
0x185: {  	_ =	swait.ge [sflag:s9], $0x2800  }
0x186: {  	[sflag:s9] =	ssyncset.done $0x0  }
0x187: {  	s0 =	simm.s32 $0x0;
	s1 =	rddreg [dreg:$0x6];
	[sflag:s9] =	ssyncadd.s32 $0xFFFFD800  }
0x188: {  	[hbm4b:s1+s0] =	stream.linear.scatter [tilespmem:s10], [sflag:$0x3], $0x2800, $0x38;
	[tilespmem:$0x1D740] =	vst v63  }
0x189: {  	_ =	swait.ge [sflag:s9], $0x2800  }
0x18a: {  	[sflag:s9] =	ssyncset.done $0x0  }
0x18b: {  	s4 =	rddreg [dreg:$0x18];
	[sflag:s9] =	ssyncadd.s32 $0xFFFFD800  }
0x18c: {  	[tilespmem:s10], [sflag:$0x3] =	stream.linear.gather [spmem:s4], $0x2800, $0x38;
	[tilespmem:$0x1D740] =	vst v63  }
0x18d: {  	_ =	swait.ge [sflag:s9], $0x2800  }
0x18e: {  	[sflag:s9] =	ssyncset.done $0x0  }
0x18f: {  	s6 =	rddreg [dreg:$0x7];
	[sflag:s9] =	ssyncadd.s32 $0xFFFFD800  }
0x190: {  	[hbm4b:s6+s0] =	stream.linear.scatter [tilespmem:s10], [sflag:$0x3], $0x2800, $0x38;
	[tilespmem:$0x1D740] =	vst v63  }
0x191: {  	_ =	swait.ge [sflag:s9], $0x2800  }
0x192: {  	[sflag:s9] =	ssyncset.done $0x0  }
0x193: {  	s5 =	rddreg [dreg:$0x19];
	[sflag:s9] =	ssyncadd.s32 $0xFFFFD800  }
0x194: {  	[tilespmem:s10], [sflag:$0x3] =	stream.linear.gather [spmem:s5], $0x2800, $0x38;
	[tilespmem:$0x1D740] =	vst v63  }
0x195: {  	_ =	swait.ge [sflag:s9], $0x2800  }
0x196: {  	[sflag:s9] =	ssyncset.done $0x0  }
0x197: {  	s20 =	rddreg [dreg:$0x8];
	[sflag:s9] =	ssyncadd.s32 $0xFFFFD800  }
0x198: {  	[hbm4b:s20+s0] =	stream.linear.scatter [tilespmem:s10], [sflag:$0x3], $0x2800, $0x38;
	[tilespmem:$0x1D740] =	vst v63  }
0x199: {  	_ =	swait.ge [sflag:s9], $0x2800  }
0x19a: {  	[sflag:s9] =	ssyncset.done $0x0  }
0x19b: {  	s6 =	rddreg [dreg:$0x1a];
	[sflag:s9] =	ssyncadd.s32 $0xFFFFD800  }
0x19c: {  	[tilespmem:s10], [sflag:$0x3] =	stream.linear.gather [spmem:s6], $0x2800, $0x38;
	[tilespmem:$0x1D740] =	vst v63  }
0x19d: {  	_ =	swait.ge [sflag:s9], $0x2800  }
0x19e: {  	[sflag:s9] =	ssyncset.done $0x0  }
0x19f: {  	s29 =	rddreg [dreg:$0x9];
	[sflag:s9] =	ssyncadd.s32 $0xFFFFD800  }
0x1a0: {  	[hbm4b:s29+s0] =	stream.linear.scatter [tilespmem:s10], [sflag:$0x3], $0x2800, $0x38;
	[tilespmem:$0x1D740] =	vst v63  }
0x1a1: {  	_ =	swait.ge [sflag:s9], $0x2800  }
0x1a2: {  	[sflag:s9] =	ssyncset.done $0x0  }
0x1a3: {  	s20 =	rddreg [dreg:$0x1b];
	[sflag:s9] =	ssyncadd.s32 $0xFFFFD800  }
0x1a4: {  	[tilespmem:s10], [sflag:$0x3] =	stream.linear.gather [spmem:s20], $0x2800, $0x38;
	[tilespmem:$0x1D740] =	vst v63  }
0x1a5: {  	_ =	swait.ge [sflag:s9], $0x2800  }
0x1a6: {  	[sflag:s9] =	ssyncset.done $0x0  }
0x1a7: {  	s30 =	rddreg [dreg:$0xa];
	[sflag:s9] =	ssyncadd.s32 $0xFFFFD800  }
0x1a8: {  	[hbm4b:s30+s0] =	stream.linear.scatter [tilespmem:s10], [sflag:$0x3], $0x2800, $0x38;
	[tilespmem:$0x1D740] =	vst v63  }
0x1a9: {  	_ =	swait.ge [sflag:s9], $0x2800  }
0x1aa: {  	[sflag:s9] =	ssyncset.done $0x0  }
0x1ab: {  	s31 =	rddreg [dreg:$0x1c];
	[sflag:s9] =	ssyncadd.s32 $0xFFFFD800  }
0x1ac: {  	[tilespmem:s10], [sflag:$0x3] =	stream.linear.gather [spmem:s31], $0x2800, $0x38;
	[tilespmem:$0x1D740] =	vst v63  }
0x1ad: {  	_ =	swait.ge [sflag:s9], $0x2800  }
0x1ae: {  	[sflag:s9] =	ssyncset.done $0x0  }
0x1af: {  	s29 =	rddreg [dreg:$0xb];
	[sflag:s9] =	ssyncadd.s32 $0xFFFFD800  }
0x1b0: {  	[hbm4b:s29+s0] =	stream.linear.scatter [tilespmem:s10], [sflag:$0x3], $0x2800, $0x38;
	[tilespmem:$0x1D740] =	vst v63  }
0x1b1: {  	_ =	swait.ge [sflag:s9], $0x2800  }
0x1b2: {  	[sflag:s9] =	ssyncset.done $0x0  }
0x1b3: {  	s30 =	rddreg [dreg:$0x1d];
	[sflag:s9] =	ssyncadd.s32 $0xFFFFD800  }
0x1b4: {  	[tilespmem:s10], [sflag:$0x3] =	stream.linear.gather [spmem:s30], $0x2800, $0x38;
	[tilespmem:$0x1D740] =	vst v63  }
0x1b5: {  	_ =	swait.ge [sflag:s9], $0x2800  }
0x1b6: {  	[sflag:s9] =	ssyncset.done $0x0  }
0x1b7: {  	s31 =	rddreg [dreg:$0xc];
	[sflag:s9] =	ssyncadd.s32 $0xFFFFD800  }
0x1b8: {  	[hbm4b:s31+s0] =	stream.linear.scatter [tilespmem:s10], [sflag:$0x3], $0x2800, $0x38;
	[tilespmem:$0x1D740] =	vst v63  }
0x1b9: {  	_ =	swait.ge [sflag:s9], $0x2800  }
0x1ba: {  	[sflag:s9] =	ssyncset.done $0x0  }
0x1bb: {  	s29 =	rddreg [dreg:$0x1e];
	[sflag:s9] =	ssyncadd.s32 $0xFFFFD800  }
0x1bc: {  	[tilespmem:s10], [sflag:$0x3] =	stream.linear.gather [spmem:s29], $0x2800, $0x38;
	[tilespmem:$0x1D740] =	vst v63  }
0x1bd: {  	_ =	swait.ge [sflag:s9], $0x2800  }
0x1be: {  	[sflag:s9] =	ssyncset.done $0x0  }
0x1bf: {  	s30 =	rddreg [dreg:$0xd];
	[sflag:s9] =	ssyncadd.s32 $0xFFFFD800  }
0x1c0: {  	[hbm4b:s30+s0] =	stream.linear.scatter [tilespmem:s10], [sflag:$0x3], $0x2800, $0x38;
	[tilespmem:$0x1D740] =	vst v63  }
0x1c1: {  	_ =	swait.ge [sflag:s9], $0x2800  }
0x1c2: {  	[sflag:s9] =	ssyncset.done $0x0  }
0x1c3: {  	s31 =	rddreg [dreg:$0x5];
	[sflag:s9] =	ssyncadd.s32 $0xFFFFD800  }
0x1c4: {  	[tilespmem:s8], [sflag:$0x3] =	stream.linear.gather [hbm4b:s31+s0], $0x2800, $0x38;
	[tilespmem:$0x1D740] =	vst v63  }
0x1c5: {  	_ =	swait.ge [sflag:s9], $0x2800  }
0x1c6: {  	[sflag:s9] =	ssyncset.done $0x0  }
0x1c7: {  	s1 =	simm.s32 $0x200;
	s0 =	simm.s32 $0x0;
	[sflag:s9] =	ssyncadd.s32 $0xFFFFD800  }
.LBB2_14:
0x1c8: {  	p0 =	sne.s32 s1, $0x9E00;
	[tilespmem:s0+$0x187B0] =	vst v2  }
0x1c9: {  	[tilespmem:s0+$0x18740] =	vst v2  }
0x1ca: {  	[tilespmem:s0+$0x18750] =	vst v2  }
.Ltmp6:
0x1cb: {  	[tilespmem:s0+$0x18760] =	vst v2;
	(pc) =	sbr.rel @p0 .LBB2_14-.Ltmp6, $4  }
0x1cc: {  	[tilespmem:s0+$0x18770] =	vst v2  }
0x1cd: {  	[tilespmem:s0+$0x18780] =	vst v2  }
0x1ce: {  	[tilespmem:s0+$0x18790] =	vst v2  }
0x1cf: {  	[tilespmem:s0+$0x187A0] =	vst v2;
	s0 =	sshra.s32 s1, $0x2;
	s1 =	sadd.s32 $0x200, s1  }
0x1d0: {  	[tilespmem:s0+$0x187B0] =	vst v2  }
0x1d1: {  	[tilespmem:s0+$0x18740] =	vst v2  }
0x1d2: {  	[tilespmem:s0+$0x18750] =	vst v2  }
0x1d3: {  	[tilespmem:s0+$0x18760] =	vst v2  }
0x1d4: {  	[tilespmem:s0+$0x18770] =	vst v2  }
0x1d5: {  	[tilespmem:s0+$0x18780] =	vst v2  }
0x1d6: {  	[tilespmem:s0+$0x18790] =	vst v2  }
0x1d7: {  	[tilespmem:s0+$0x187A0] =	vst v2  }
0x1d8: {  	[spmem:s2] =	stream.linear.scatter [tilespmem:s10], [sflag:$0x3], $0x2800, $0x38;
	[tilespmem:$0x1D740] =	vst v63  }
0x1d9: {  	_ =	swait.ge [sflag:s9], $0x2800  }
0x1da: {  	[sflag:s9] =	ssyncset.done $0x0  }
0x1db: {  	[sflag:s9] =	ssyncadd.s32 $0xFFFFD800  }
0x1dc: {  	[spmem:s4] =	stream.linear.scatter [tilespmem:s10], [sflag:$0x3], $0x2800, $0x38;
	[tilespmem:$0x1D740] =	vst v63  }
0x1dd: {  	_ =	swait.ge [sflag:s9], $0x2800  }
0x1de: {  	[sflag:s9] =	ssyncset.done $0x0  }
0x1df: {  	[sflag:s9] =	ssyncadd.s32 $0xFFFFD800  }
0x1e0: {  	[spmem:s5] =	stream.linear.scatter [tilespmem:s10], [sflag:$0x3], $0x2800, $0x38;
	[tilespmem:$0x1D740] =	vst v63  }
0x1e1: {  	_ =	swait.ge [sflag:s9], $0x2800  }
0x1e2: {  	[sflag:s9] =	ssyncset.done $0x0  }
0x1e3: {  	[sflag:s9] =	ssyncadd.s32 $0xFFFFD800  }
0x1e4: {  	[spmem:s6] =	stream.linear.scatter [tilespmem:s10], [sflag:$0x3], $0x2800, $0x38;
	[tilespmem:$0x1D740] =	vst v63  }
0x1e5: {  	_ =	swait.ge [sflag:s9], $0x2800  }
0x1e6: {  	[sflag:s9] =	ssyncset.done $0x0  }
0x1e7: {  	[sflag:s9] =	ssyncadd.s32 $0xFFFFD800  }
0x1e8: {  	[spmem:s20] =	stream.linear.scatter [tilespmem:s10], [sflag:$0x3], $0x2800, $0x38;
	[tilespmem:$0x1D740] =	vst v63  }
0x1e9: {  	_ =	swait.ge [sflag:s9], $0x2800  }
0x1ea: {  	[sflag:s9] =	ssyncset.done $0x0  }
0x1eb: {  	s6 =	rddreg [dreg:$0x1c];
	[sflag:s9] =	ssyncadd.s32 $0xFFFFD800  }
0x1ec: {  	[spmem:s6] =	stream.linear.scatter [tilespmem:s10], [sflag:$0x3], $0x2800, $0x38;
	[tilespmem:$0x1D740] =	vst v63  }
0x1ed: {  	_ =	swait.ge [sflag:s9], $0x2800  }
0x1ee: {  	[sflag:s9] =	ssyncset.done $0x0  }
0x1ef: {  	s20 =	rddreg [dreg:$0x1d];
	[sflag:s9] =	ssyncadd.s32 $0xFFFFD800  }
0x1f0: {  	[spmem:s20] =	stream.linear.scatter [tilespmem:s10], [sflag:$0x3], $0x2800, $0x38;
	[tilespmem:$0x1D740] =	vst v63  }
0x1f1: {  	_ =	swait.ge [sflag:s9], $0x2800  }
0x1f2: {  	[sflag:s9] =	ssyncset.done $0x0  }
0x1f3: {  	s31 =	rddreg [dreg:$0x1e];
	[sflag:s9] =	ssyncadd.s32 $0xFFFFD800  }
0x1f4: {  	[spmem:s31] =	stream.linear.scatter [tilespmem:s10], [sflag:$0x3], $0x2800, $0x38;
	[tilespmem:$0x1D740] =	vst v63  }
0x1f5: {  	_ =	swait.ge [sflag:s9], $0x2800  }
0x1f6: {  	[sflag:s9] =	ssyncset.done $0x0  }
0x1f7: {  	[sflag:s9] =	ssyncadd.s32 $0xFFFFD800  }
0x1f8: {  	s30 =	simm.s32 $0x0;
	s29 =	simm.s32 $0x0;
	[bflag:$0x0] =	sbarrier.arrive $0xFFFF  }
.LBB2_16:
0x1f9: {  	s0 =	smul.u32 $0x19, s29;
	_ =	sdelay $0x1  }
0x1fa: {  	s0 =	sadd.s32 s7, s0  }
0x1fb: {  	s1 =	smul.u32 $0xA, s0;
	_ =	sdelay $0x1  }
0x1fc: {  	s2 =	sadd.s32 s24, s1  }
0x1fd: {  	[tilespmem:s11], [sflag:$0x3] =	stream.linear.gather [hbm4b:s2+s30], $0x7D0, $0x38;
	[tilespmem:$0x1D740] =	vst v63  }
0x1fe: {  	_ =	swait.ge [sflag:s9], $0x7D0  }
0x1ff: {  	[sflag:s9] =	ssyncset.done $0x0  }
0x200: {  	s0 =	sadd.s32 s28, s0;
	s1 =	sadd.s32 s25, s1;
	[sflag:s9] =	ssyncadd.s32 $0xFFFFF830  }
0x201: {  	[tilespmem:s12], [sflag:$0x3] =	stream.linear.gather [hbm4b:s1+s30], $0x7D0, $0x38;
	[tilespmem:$0x1D740] =	vst v63  }
0x202: {  	s0 =	smul.u32 $0xA, s0;
	_ =	swait.ge [sflag:s9], $0x7D0  }
0x203: {  	[sflag:s9] =	ssyncset.done $0x0  }
0x204: {  	s0 =	sadd.s32 s26, s0;
	[sflag:s9] =	ssyncadd.s32 $0xFFFFF830  }
0x205: {  	[tilespmem:s13], [sflag:$0x3] =	stream.linear.gather [hbm4b:s0+s30], $0x7D0, $0x38;
	[tilespmem:$0x1D740] =	vst v63  }
0x206: {  	_ =	swait.ge [sflag:s9], $0x7D0  }
0x207: {  	[sflag:s9] =	ssyncset.done $0x0  }
0x208: {  	[sflag:s9] =	ssyncadd.s32 $0xFFFFF830  }
0x209: {  	v3 =	vld [tilespmem:$0x16FD0];
	_ =	sdelay $0x6  }
0x20a: {  	v4 =	vld [tilespmem:$0x177A0]  }
0x20b: {  	v3 =	vld.idx.msk [tilespmem:v3+s8+$0x0], $0xffff  }
0x20c: {  	v5 =	vld [tilespmem:$0x16FE0]  }
0x20d: {  	v6 =	vld [tilespmem:$0x16800];
	_ =	sdelay $0x2  }
0x20e: {  	v3 =	vmul.f32 v3, v4;
	_ =	sdelay $0x1  }
0x20f: {  	[tilespmem:$0x177A0] =	vst v3;
	v3 =	vadd.s32 v1, v6  }
0x210: {  	[tilespmem:$0x17F70] =	vst v3;
	v3 =	vld [tilespmem:$0x177B0]  }
0x211: {  	v53 =	vld.idx.msk [tilespmem:v5+s8+$0x0], $0xffff  }
0x212: {  	v54 =	vld [tilespmem:$0x16FF0]  }
0x213: {  	v55 =	vld [tilespmem:$0x16810];
	_ =	sdelay $0x2  }
0x214: {  	v3 =	vmul.f32 v53, v3;
	_ =	sdelay $0x1  }
0x215: {  	[tilespmem:$0x177B0] =	vst v3;
	v3 =	vadd.s32 v1, v55  }
0x216: {  	[tilespmem:$0x17F80] =	vst v3;
	v3 =	vld [tilespmem:$0x177C0]  }
0x217: {  	v56 =	vld.idx.msk [tilespmem:v54+s8+$0x0], $0xffff  }
0x218: {  	v57 =	vld [tilespmem:$0x17000]  }
0x219: {  	v58 =	vld [tilespmem:$0x16820];
	_ =	sdelay $0x2  }
0x21a: {  	v3 =	vmul.f32 v56, v3;
	_ =	sdelay $0x1  }
0x21b: {  	[tilespmem:$0x177C0] =	vst v3;
	v3 =	vadd.s32 v1, v58  }
0x21c: {  	[tilespmem:$0x17F90] =	vst v3;
	v3 =	vld [tilespmem:$0x177D0]  }
0x21d: {  	v59 =	vld.idx.msk [tilespmem:v57+s8+$0x0], $0xffff  }
0x21e: {  	v60 =	vld [tilespmem:$0x17010]  }
0x21f: {  	v61 =	vld [tilespmem:$0x16830];
	_ =	sdelay $0x2  }
0x220: {  	v3 =	vmul.f32 v59, v3;
	_ =	sdelay $0x1  }
0x221: {  	[tilespmem:$0x177D0] =	vst v3;
	v3 =	vadd.s32 v1, v61  }
0x222: {  	[tilespmem:$0x17FA0] =	vst v3;
	v3 =	vld [tilespmem:$0x177E0]  }
0x223: {  	v62 =	vld.idx.msk [tilespmem:v60+s8+$0x0], $0xffff;
	_ =	sdelay $0x1  }
0x224: {  	v63 =	vld [tilespmem:$0x16840];
	_ =	sdelay $0x2  }
0x225: {  	v3 =	vmul.f32 v62, v3;
	_ =	sdelay $0x1  }
0x226: {  	[tilespmem:$0x177E0] =	vst v3;
	v3 =	vadd.s32 v1, v63  }
0x227: {  	s31 =	simm.s32 $0x0;
	[tilespmem:$0x17FB0] =	vst v3  }
0x228: {  	[tilespmem:s10], [sflag:$0x1] =	stream.indirect.gather [hbm4b:s19+s14], $0x80, s15, s14, $0xb8;
	[tilespmem:$0x1D740] =	vst v63  }
.LBB2_17:
0x229: {  	s1 =	sshllo.u32 s31, $0x1  }
0x22a: {  	s20 =	smul.u32 $0x50, s1;
	_ =	sdelay $0x1  }
0x22b: {  	v3 =	vld [tilespmem:s20+$0x16FD0];
	_ =	sdelay $0x6  }
0x22c: {  	v4 =	vld [tilespmem:s20+$0x177A0]  }
0x22d: {  	v3 =	vld.idx.msk [tilespmem:v3+s8+$0x0], $0xffff  }
0x22e: {  	v5 =	vld [tilespmem:s20+$0x16FE0]  }
0x22f: {  	v6 =	vld [tilespmem:s20+$0x16800];
	_ =	sdelay $0x2  }
0x230: {  	v3 =	vmul.f32 v3, v4;
	_ =	sdelay $0x1  }
0x231: {  	[tilespmem:s20+$0x177A0] =	vst v3;
	v3 =	vadd.s32 v1, v6  }
0x232: {  	[tilespmem:s20+$0x17F70] =	vst v3;
	v3 =	vld [tilespmem:s20+$0x177B0]  }
0x233: {  	v4 =	vld.idx.msk [tilespmem:v5+s8+$0x0], $0xffff  }
0x234: {  	v5 =	vld [tilespmem:s20+$0x16FF0]  }
0x235: {  	v6 =	vld [tilespmem:s20+$0x16810];
	_ =	sdelay $0x2  }
0x236: {  	v3 =	vmul.f32 v4, v3;
	_ =	sdelay $0x1  }
0x237: {  	[tilespmem:s20+$0x177B0] =	vst v3;
	v3 =	vadd.s32 v1, v6  }
0x238: {  	[tilespmem:s20+$0x17F80] =	vst v3;
	v3 =	vld [tilespmem:s20+$0x177C0]  }
0x239: {  	v4 =	vld.idx.msk [tilespmem:v5+s8+$0x0], $0xffff  }
0x23a: {  	v5 =	vld [tilespmem:s20+$0x17000]  }
0x23b: {  	v6 =	vld [tilespmem:s20+$0x16820];
	_ =	sdelay $0x2  }
0x23c: {  	v3 =	vmul.f32 v4, v3;
	_ =	sdelay $0x1  }
0x23d: {  	[tilespmem:s20+$0x177C0] =	vst v3;
	v3 =	vadd.s32 v1, v6  }
0x23e: {  	[tilespmem:s20+$0x17F90] =	vst v3;
	v3 =	vld [tilespmem:s20+$0x177D0]  }
0x23f: {  	v4 =	vld.idx.msk [tilespmem:v5+s8+$0x0], $0xffff  }
0x240: {  	v5 =	vld [tilespmem:s20+$0x17010]  }
0x241: {  	v6 =	vld [tilespmem:s20+$0x16830];
	_ =	sdelay $0x2  }
0x242: {  	v3 =	vmul.f32 v4, v3;
	_ =	sdelay $0x1  }
0x243: {  	[tilespmem:s20+$0x177D0] =	vst v3;
	v3 =	vadd.s32 v1, v6  }
0x244: {  	[tilespmem:s20+$0x17FA0] =	vst v3;
	v3 =	vld [tilespmem:s20+$0x177E0]  }
0x245: {  	v4 =	vld.idx.msk [tilespmem:v5+s8+$0x0], $0xffff;
	_ =	sdelay $0x1  }
0x246: {  	v5 =	vld [tilespmem:s20+$0x16840];
	_ =	sdelay $0x1  }
0x247: {  	s2 =	sshll.u32 s31, $0x1  }
0x248: {  	v3 =	vmul.f32 v4, v3;
	v4 =	vmov s2  }
0x249: {  	v4 =	vmul.u32 $0x50, v4  }
0x24a: {  	s0 =	simm.s32 $0x0;
	[tilespmem:s20+$0x177E0] =	vst v3;
	v3 =	vadd.s32 v1, v5  }
0x24b: {  	s4 =	sadd.s32 $0x17F70, s20;
	[tilespmem:s20+$0x17FB0] =	vst v3;
	v3 =	vbroadcast v4, $0x0;
	v4 =	vmov s0  }
0x24c: {  	[tilespmem:s16], [sflag:$0x2] =	stream.indirect.gather [hbm4b:s19+s14], $0x80, s4, s14, $0xb8;
	v5 =	vand.u32 $0x78, v4;
	[tilespmem:$0x1D740] =	vst v63  }
0x24d: {  	v4 =	vand.u32 $0x7, v4;
	_ =	swait.ge [sflag:s17], $0x2800;
	v5 =	vadd.s32 v3, v5  }
0x24e: {  	[sflag:s17] =	ssyncset.done $0x0;
	v4 =	vor.u32 v4, v5  }
0x24f: {  	s4 =	simm.s32 $0x18780;
	[sflag:s17] =	ssyncadd.s32 $0xFFFFD800  }
0x250: {  	v8 =	vld [tilespmem:s4+$0x30]  }
0x251: {  	v11 =	vld [tilespmem:s4+$0x10]  }
0x252: {  	v9 =	vld [tilespmem:s4+$0xFFFFFFC0]  }
0x253: {  	v4 =	vld.idx.msk [tilespmem:v4+s13+$0x0], $0xffff  }
0x254: {  	v13 =	vld [tilespmem:s4+$0xFFFFFFE0]  }
0x255: {  	v5 =	vld [tilespmem:s4+$0xFFFFFFF0]  }
0x256: {  	v6 =	vld [tilespmem:s4+$0x20]  }
0x257: {  	v7 =	vld [tilespmem:s4+$0xFFFFFFD0]  }
0x258: {  	v12 =	vmul.f32 v8, v4;
	v8 =	vld [tilespmem:s4+$0x0]  }
0x259: {  	s6 =	simm.s32 $0x2;
	v10 =	vmul.f32 v9, v4  }
0x25a: {  	s5 =	simm.s32 $0x18780;
	s20 =	sadd.s32 $0x16FD0, s20;
	s0 =	simm.s32 $0x1;
	v9 =	vmul.f32 v13, v4;
	v11 =	vmul.f32 v11, v4  }
.LBB2_18:
0x25b: {  	p0 =	sne.s32 s6, $0x4F  }
0x25c: {  	v13 =	vmov s0;
	v7 =	vmul.f32 v7, v4;
	v6 =	vmul.f32 v6, v4;
	[tilespmem:s4+$0x30] =	vst v12;
	s5 =	sadd.s32 $0x80, s5;
	s0 =	smov.u32 s6;
	s6 =	sadd.s32 $0x1, s6  }
0x25d: {  	v12 =	vand.u32 $0x78, v13;
	[tilespmem:s4+$0xFFFFFFC0] =	vst v10;
	v10 =	vmul.f32 v5, v4;
	v4 =	vmul.f32 v8, v4  }
0x25e: {  	v5 =	vand.u32 $0x7, v13;
	v8 =	vadd.s32 v3, v12;
	[tilespmem:s4+$0x10] =	vst v11  }
0x25f: {  	v8 =	vor.u32 v5, v8;
	[tilespmem:s4+$0xFFFFFFE0] =	vst v9  }
0x260: {  	v5 =	vld [tilespmem:s5+$0xFFFFFFF0];
	[tilespmem:s4+$0xFFFFFFF0] =	vst v10  }
0x261: {  	v9 =	vld [tilespmem:s5+$0x30];
	[tilespmem:s4+$0x0] =	vst v4  }
0x262: {  	v11 =	vld [tilespmem:s5+$0x10];
	[tilespmem:s4+$0x20] =	vst v6  }
0x263: {  	v10 =	vld [tilespmem:s5+$0xFFFFFFC0];
	[tilespmem:s4+$0xFFFFFFD0] =	vst v7;
	s4 =	smov.u32 s5  }
0x264: {  	v4 =	vld.idx.msk [tilespmem:v8+s13+$0x0], $0xffff  }
0x265: {  	v13 =	vld [tilespmem:s5+$0xFFFFFFE0]  }
0x266: {  	v6 =	vld [tilespmem:s5+$0x20]  }
.Ltmp7:
0x267: {  	v7 =	vld [tilespmem:s5+$0xFFFFFFD0];
	(pc) =	sbr.rel @p0 .LBB2_18-.Ltmp7, $3  }
0x268: {  	v8 =	vld [tilespmem:s5+$0x0];
	_ =	sdelay $0x1  }
0x269: {  	v10 =	vmul.f32 v10, v4;
	v12 =	vmul.f32 v9, v4  }
0x26a: {  	v11 =	vmul.f32 v11, v4;
	v9 =	vmul.f32 v13, v4  }
0x26b: {  	[tilespmem:s4+$0xFFFFFFC0] =	vst v10;
	v10 =	vmov s0  }
0x26c: {  	[tilespmem:s4+$0x10] =	vst v11;
	v11 =	vand.u32 $0x78, v10  }
0x26d: {  	v5 =	vmul.f32 v5, v4;
	[tilespmem:s4+$0xFFFFFFE0] =	vst v9;
	v9 =	vand.u32 $0x7, v10;
	v3 =	vadd.s32 v3, v11  }
0x26e: {  	[tilespmem:s4+$0x30] =	vst v12;
	s5 =	sadd.s32 $0x80, s5;
	v8 =	vmul.f32 v8, v4;
	v3 =	vor.u32 v9, v3  }
0x26f: {  	v6 =	vmul.f32 v6, v4;
	v10 =	vld [tilespmem:s5+$0xFFFFFFF0];
	[tilespmem:s4+$0xFFFFFFF0] =	vst v5  }
0x270: {  	v4 =	vmul.f32 v7, v4;
	v5 =	vld [tilespmem:s5+$0x30];
	[tilespmem:s4+$0x0] =	vst v8  }
0x271: {  	v7 =	vld [tilespmem:s5+$0x10];
	[tilespmem:s4+$0x20] =	vst v6  }
0x272: {  	v6 =	vld [tilespmem:s5+$0xFFFFFFC0];
	[tilespmem:s4+$0xFFFFFFD0] =	vst v4  }
0x273: {  	v3 =	vld.idx.msk [tilespmem:v3+s13+$0x0], $0xffff;
	_ =	sdelay $0x2  }
0x274: {  	v4 =	vld [tilespmem:s5+$0xFFFFFFE0];
	_ =	sdelay $0x1  }
0x275: {  	v8 =	vld [tilespmem:s5+$0x0];
	v5 =	vmul.f32 v5, v3  }
0x276: {  	v9 =	vld [tilespmem:s5+$0x20];
	v6 =	vmul.f32 v6, v3  }
0x277: {  	v11 =	vld [tilespmem:s5+$0xFFFFFFD0];
	v7 =	vmul.f32 v7, v3;
	[tilespmem:s5+$0x30] =	vst v5  }
0x278: {  	v4 =	vmul.f32 v4, v3;
	[tilespmem:s5+$0xFFFFFFC0] =	vst v6  }
0x279: {  	v5 =	vmul.f32 v10, v3;
	[tilespmem:s5+$0x10] =	vst v7  }
0x27a: {  	v6 =	vmul.f32 v8, v3;
	[tilespmem:s5+$0xFFFFFFE0] =	vst v4  }
0x27b: {  	s6 =	smul.u32 $0x280, s31;
	v4 =	vmul.f32 v9, v3;
	[tilespmem:s5+$0xFFFFFFF0] =	vst v5  }
0x27c: {  	v3 =	vmul.f32 v11, v3;
	[tilespmem:s5+$0x0] =	vst v6  }
0x27d: {  	s4 =	sshra.s32 s6, $0x2;
	[tilespmem:s5+$0x20] =	vst v4  }
0x27e: {  	s4 =	sadd.s32 $0x16FD0, s4;
	[tilespmem:s5+$0xFFFFFFD0] =	vst v3  }
0x27f: {  	[spmem:s21] =	stream.indirect.scatter.add.f32 [tilespmem:s10], [sflag:$0x3], $0x80, s4, s14, $0xb8;
	[tilespmem:$0x1D740] =	vst v63  }
0x280: {  	s5 =	sadd.s32 $0x2, s2;
	_ =	swait.ge [sflag:s9], $0x2800  }
0x281: {  	s2 =	smul.u32 $0x50, s5;
	[sflag:s9] =	ssyncset.done $0x0  }
0x282: {  	[sflag:s9] =	ssyncadd.s32 $0xFFFFD800  }
0x283: {  	v3 =	vld [tilespmem:s2+$0x16FD0];
	_ =	sdelay $0x6  }
0x284: {  	v4 =	vld [tilespmem:s2+$0x177A0]  }
0x285: {  	v3 =	vld.idx.msk [tilespmem:v3+s8+$0x0], $0xffff  }
0x286: {  	v5 =	vld [tilespmem:s2+$0x16FE0]  }
0x287: {  	v6 =	vld [tilespmem:s2+$0x16800];
	_ =	sdelay $0x2  }
0x288: {  	v3 =	vmul.f32 v3, v4;
	_ =	sdelay $0x1  }
0x289: {  	[tilespmem:s2+$0x177A0] =	vst v3;
	v3 =	vadd.s32 v1, v6  }
0x28a: {  	[tilespmem:s2+$0x17F70] =	vst v3;
	v3 =	vld [tilespmem:s2+$0x177B0]  }
0x28b: {  	v4 =	vld.idx.msk [tilespmem:v5+s8+$0x0], $0xffff  }
0x28c: {  	v5 =	vld [tilespmem:s2+$0x16FF0]  }
0x28d: {  	v6 =	vld [tilespmem:s2+$0x16810];
	_ =	sdelay $0x2  }
0x28e: {  	v3 =	vmul.f32 v4, v3;
	_ =	sdelay $0x1  }
0x28f: {  	[tilespmem:s2+$0x177B0] =	vst v3;
	v3 =	vadd.s32 v1, v6  }
0x290: {  	[tilespmem:s2+$0x17F80] =	vst v3;
	v3 =	vld [tilespmem:s2+$0x177C0]  }
0x291: {  	v4 =	vld.idx.msk [tilespmem:v5+s8+$0x0], $0xffff  }
0x292: {  	v5 =	vld [tilespmem:s2+$0x17000]  }
0x293: {  	v6 =	vld [tilespmem:s2+$0x16820];
	_ =	sdelay $0x2  }
0x294: {  	v3 =	vmul.f32 v4, v3;
	_ =	sdelay $0x1  }
0x295: {  	[tilespmem:s2+$0x177C0] =	vst v3;
	v3 =	vadd.s32 v1, v6  }
0x296: {  	[tilespmem:s2+$0x17F90] =	vst v3;
	v3 =	vld [tilespmem:s2+$0x177D0]  }
0x297: {  	v4 =	vld.idx.msk [tilespmem:v5+s8+$0x0], $0xffff  }
0x298: {  	v5 =	vld [tilespmem:s2+$0x17010]  }
0x299: {  	v6 =	vld [tilespmem:s2+$0x16830];
	_ =	sdelay $0x2  }
0x29a: {  	v3 =	vmul.f32 v4, v3;
	_ =	sdelay $0x1  }
0x29b: {  	[tilespmem:s2+$0x177D0] =	vst v3;
	v3 =	vadd.s32 v1, v6  }
0x29c: {  	[tilespmem:s2+$0x17FA0] =	vst v3;
	v3 =	vld [tilespmem:s2+$0x177E0]  }
0x29d: {  	v4 =	vld.idx.msk [tilespmem:v5+s8+$0x0], $0xffff;
	_ =	sdelay $0x1  }
0x29e: {  	v5 =	vld [tilespmem:s2+$0x16840];
	_ =	sdelay $0x2  }
0x29f: {  	s0 =	smul.u32 $0x140, s5;
	v3 =	vmul.f32 v4, v3;
	v4 =	vmov s1  }
0x2a0: {  	v4 =	vmul.u32 $0x50, v4  }
0x2a1: {  	s6 =	simm.s32 $0x0;
	s0 =	sshra.s32 s0, $0x2;
	[tilespmem:s2+$0x177E0] =	vst v3;
	v3 =	vadd.s32 v1, v5  }
0x2a2: {  	s0 =	sadd.s32 $0x17F70, s0;
	[tilespmem:s2+$0x17FB0] =	vst v3;
	v3 =	vbroadcast v4, $0x0;
	v4 =	vmov s6  }
0x2a3: {  	[tilespmem:s10], [sflag:$0x1] =	stream.indirect.gather [hbm4b:s19+s14], $0x80, s0, s14, $0xb8;
	v5 =	vand.u32 $0x78, v4;
	[tilespmem:$0x1D740] =	vst v63  }
0x2a4: {  	v4 =	vand.u32 $0x7, v4;
	_ =	swait.ge [sflag:s18], $0x2800;
	v5 =	vadd.s32 v3, v5  }
0x2a5: {  	[sflag:s18] =	ssyncset.done $0x0;
	v4 =	vor.u32 v4, v5  }
0x2a6: {  	s1 =	simm.s32 $0x1AF80;
	[sflag:s18] =	ssyncadd.s32 $0xFFFFD800  }
0x2a7: {  	v8 =	vld [tilespmem:s1+$0x30]  }
0x2a8: {  	v11 =	vld [tilespmem:s1+$0x10]  }
0x2a9: {  	v9 =	vld [tilespmem:s1+$0xFFFFFFC0]  }
0x2aa: {  	v4 =	vld.idx.msk [tilespmem:v4+s13+$0x0], $0xffff  }
0x2ab: {  	v13 =	vld [tilespmem:s1+$0xFFFFFFE0]  }
0x2ac: {  	v5 =	vld [tilespmem:s1+$0xFFFFFFF0]  }
0x2ad: {  	v6 =	vld [tilespmem:s1+$0x20]  }
0x2ae: {  	v7 =	vld [tilespmem:s1+$0xFFFFFFD0]  }
0x2af: {  	v12 =	vmul.f32 v8, v4;
	v8 =	vld [tilespmem:s1+$0x0]  }
0x2b0: {  	v10 =	vmul.f32 v9, v4  }
0x2b1: {  	s4 =	simm.s32 $0x2;
	s2 =	simm.s32 $0x1AF80;
	s0 =	simm.s32 $0x1;
	v9 =	vmul.f32 v13, v4;
	v11 =	vmul.f32 v11, v4  }
.LBB2_20:
0x2b2: {  	p0 =	sne.s32 s4, $0x4F  }
0x2b3: {  	v13 =	vmov s0;
	v7 =	vmul.f32 v7, v4;
	v6 =	vmul.f32 v6, v4;
	[tilespmem:s1+$0x30] =	vst v12;
	s2 =	sadd.s32 $0x80, s2;
	s0 =	smov.u32 s4;
	s4 =	sadd.s32 $0x1, s4  }
0x2b4: {  	v12 =	vand.u32 $0x78, v13;
	[tilespmem:s1+$0xFFFFFFC0] =	vst v10;
	v10 =	vmul.f32 v5, v4;
	v4 =	vmul.f32 v8, v4  }
0x2b5: {  	v5 =	vand.u32 $0x7, v13;
	v8 =	vadd.s32 v3, v12;
	[tilespmem:s1+$0x10] =	vst v11  }
0x2b6: {  	v8 =	vor.u32 v5, v8;
	[tilespmem:s1+$0xFFFFFFE0] =	vst v9  }
0x2b7: {  	v5 =	vld [tilespmem:s2+$0xFFFFFFF0];
	[tilespmem:s1+$0xFFFFFFF0] =	vst v10  }
0x2b8: {  	v9 =	vld [tilespmem:s2+$0x30];
	[tilespmem:s1+$0x0] =	vst v4  }
0x2b9: {  	v11 =	vld [tilespmem:s2+$0x10];
	[tilespmem:s1+$0x20] =	vst v6  }
0x2ba: {  	v10 =	vld [tilespmem:s2+$0xFFFFFFC0];
	[tilespmem:s1+$0xFFFFFFD0] =	vst v7;
	s1 =	smov.u32 s2  }
0x2bb: {  	v4 =	vld.idx.msk [tilespmem:v8+s13+$0x0], $0xffff  }
0x2bc: {  	v13 =	vld [tilespmem:s2+$0xFFFFFFE0]  }
0x2bd: {  	v6 =	vld [tilespmem:s2+$0x20]  }
.Ltmp8:
0x2be: {  	v7 =	vld [tilespmem:s2+$0xFFFFFFD0];
	(pc) =	sbr.rel @p0 .LBB2_20-.Ltmp8, $3  }
0x2bf: {  	v8 =	vld [tilespmem:s2+$0x0];
	_ =	sdelay $0x1  }
0x2c0: {  	v10 =	vmul.f32 v10, v4;
	v12 =	vmul.f32 v9, v4  }
0x2c1: {  	v11 =	vmul.f32 v11, v4;
	v9 =	vmul.f32 v13, v4  }
0x2c2: {  	[tilespmem:s1+$0x30] =	vst v12;
	v51 =	vmov s0  }
0x2c3: {  	[tilespmem:s1+$0xFFFFFFC0] =	vst v10;
	v52 =	vand.u32 $0x78, v51  }
0x2c4: {  	v5 =	vmul.f32 v5, v4;
	[tilespmem:s1+$0x10] =	vst v11;
	v53 =	vand.u32 $0x7, v51;
	v3 =	vadd.s32 v3, v52  }
0x2c5: {  	s6 =	sadd.s32 $0x80, s2;
	[tilespmem:s1+$0xFFFFFFE0] =	vst v9;
	v8 =	vmul.f32 v8, v4;
	v3 =	vor.u32 v53, v3  }
0x2c6: {  	v56 =	vmul.f32 v7, v4;
	v54 =	vld [tilespmem:s6+$0xFFFFFFF0];
	[tilespmem:s1+$0xFFFFFFF0] =	vst v5  }
0x2c7: {  	v6 =	vmul.f32 v6, v4;
	v55 =	vld [tilespmem:s6+$0x30];
	[tilespmem:s1+$0x0] =	vst v8  }
0x2c8: {  	v58 =	vld [tilespmem:s6+$0xFFFFFFC0];
	[tilespmem:s1+$0xFFFFFFD0] =	vst v56  }
0x2c9: {  	v57 =	vld [tilespmem:s6+$0x10];
	[tilespmem:s1+$0x20] =	vst v6  }
0x2ca: {  	v3 =	vld.idx.msk [tilespmem:v3+s13+$0x0], $0xffff;
	_ =	sdelay $0x2  }
0x2cb: {  	v4 =	vld [tilespmem:s6+$0xFFFFFFE0];
	_ =	sdelay $0x1  }
0x2cc: {  	v8 =	vld [tilespmem:s6+$0x0];
	v5 =	vmul.f32 v55, v3  }
0x2cd: {  	v59 =	vld [tilespmem:s6+$0x20];
	v6 =	vmul.f32 v58, v3  }
0x2ce: {  	v60 =	vld [tilespmem:s6+$0xFFFFFFD0];
	v7 =	vmul.f32 v57, v3;
	[tilespmem:s6+$0x30] =	vst v5  }
0x2cf: {  	v4 =	vmul.f32 v4, v3;
	[tilespmem:s6+$0xFFFFFFC0] =	vst v6  }
0x2d0: {  	v61 =	vmul.f32 v54, v3;
	[tilespmem:s6+$0x10] =	vst v7  }
0x2d1: {  	v62 =	vmul.f32 v8, v3;
	[tilespmem:s6+$0xFFFFFFE0] =	vst v4  }
0x2d2: {  	v63 =	vmul.f32 v59, v3;
	[tilespmem:s6+$0xFFFFFFF0] =	vst v61  }
0x2d3: {  	s31 =	sadd.s32 $0x1, s31;
	v3 =	vmul.f32 v60, v3;
	[tilespmem:s6+$0x0] =	vst v62  }
0x2d4: {  	p0 =	sne.s32 s31, $0xC;
	[tilespmem:s6+$0x20] =	vst v63  }
.Ltmp9:
0x2d5: {  	[tilespmem:s6+$0xFFFFFFD0] =	vst v3;
	(pc) =	sbr.rel @p0 .LBB2_17-.Ltmp9, $4  }
0x2d6: {  	[spmem:s21] =	stream.indirect.scatter.add.f32 [tilespmem:s16], [sflag:$0x3], $0x80, s20, s14, $0xb8;
	[tilespmem:$0x1D740] =	vst v63  }
0x2d7: {  	_ =	swait.ge [sflag:s9], $0x2800  }
0x2d8: {  	[sflag:s9] =	ssyncset.done $0x0  }
0x2d9: {  	[sflag:s9] =	ssyncadd.s32 $0xFFFFD800  }
0x2da: {  	s0 =	simm.s32 $0x0  }
0x2db: {  	v3 =	vmov s0  }
0x2dc: {  	v3 =	vand.u32 $0x7F, v3  }
0x2dd: {  	v3 =	vor.u32 $0x780, v3  }
0x2de: {  	_ =	swait.ge [sflag:s17], $0x2800;
	v3 =	vbroadcast v3, $0x0  }
0x2df: {  	[sflag:s17] =	ssyncset.done $0x0  }
0x2e0: {  	s1 =	simm.s32 $0x18780;
	[sflag:s17] =	ssyncadd.s32 $0xFFFFD800  }
0x2e1: {  	v7 =	vld [tilespmem:s1+$0x30]  }
0x2e2: {  	v10 =	vld [tilespmem:s1+$0x10]  }
0x2e3: {  	v8 =	vld [tilespmem:s1+$0xFFFFFFC0]  }
0x2e4: {  	v4 =	vld.idx.msk [tilespmem:v3+s13+$0x0], $0xffff  }
0x2e5: {  	v13 =	vld [tilespmem:s1+$0xFFFFFFE0]  }
0x2e6: {  	v5 =	vld [tilespmem:s1+$0x20]  }
0x2e7: {  	v6 =	vld [tilespmem:s1+$0xFFFFFFD0]  }
0x2e8: {  	v3 =	vld [tilespmem:s1+$0xFFFFFFF0]  }
0x2e9: {  	v11 =	vmul.f32 v7, v4;
	v7 =	vld [tilespmem:s1+$0x0]  }
0x2ea: {  	s31 =	simm.s32 $0x1;
	v9 =	vmul.f32 v8, v4  }
0x2eb: {  	s4 =	simm.s32 $0x2;
	s2 =	simm.s32 $0x18780;
	v12 =	vmov s31;
	v8 =	vmul.f32 v13, v4;
	v10 =	vmul.f32 v10, v4  }
.LBB2_23:
0x2ec: {  	p0 =	sne.s32 s4, $0x4F  }
0x2ed: {  	v12 =	vand.u32 $0x7F, v12;
	v6 =	vmul.f32 v6, v4;
	v5 =	vmul.f32 v5, v4;
	[tilespmem:s1+$0x30] =	vst v11;
	s2 =	sadd.s32 $0x80, s2;
	s0 =	smov.u32 s4;
	s4 =	sadd.s32 $0x1, s4  }
0x2ee: {  	v11 =	vor.u32 $0x780, v12;
	[tilespmem:s1+$0xFFFFFFC0] =	vst v9;
	v9 =	vmul.f32 v3, v4;
	v4 =	vmul.f32 v7, v4  }
0x2ef: {  	v7 =	vbroadcast v11, $0x0;
	[tilespmem:s1+$0x10] =	vst v10  }
0x2f0: {  	[tilespmem:s1+$0xFFFFFFE0] =	vst v8  }
0x2f1: {  	v3 =	vld [tilespmem:s2+$0xFFFFFFF0];
	[tilespmem:s1+$0xFFFFFFF0] =	vst v9  }
0x2f2: {  	v8 =	vld [tilespmem:s2+$0x30];
	[tilespmem:s1+$0x0] =	vst v4  }
0x2f3: {  	v10 =	vld [tilespmem:s2+$0x10];
	[tilespmem:s1+$0x20] =	vst v5  }
0x2f4: {  	v9 =	vld [tilespmem:s2+$0xFFFFFFC0];
	[tilespmem:s1+$0xFFFFFFD0] =	vst v6;
	s1 =	smov.u32 s2  }
0x2f5: {  	v4 =	vld.idx.msk [tilespmem:v7+s13+$0x0], $0xffff  }
0x2f6: {  	v13 =	vld [tilespmem:s2+$0xFFFFFFE0]  }
0x2f7: {  	v5 =	vld [tilespmem:s2+$0x20]  }
.Ltmp10:
0x2f8: {  	v6 =	vld [tilespmem:s2+$0xFFFFFFD0];
	(pc) =	sbr.rel @p0 .LBB2_23-.Ltmp10, $3  }
0x2f9: {  	v7 =	vld [tilespmem:s2+$0x0];
	_ =	sdelay $0x1  }
0x2fa: {  	v9 =	vmul.f32 v9, v4;
	v11 =	vmul.f32 v8, v4  }
0x2fb: {  	v12 =	vmov s0;
	v10 =	vmul.f32 v10, v4;
	v8 =	vmul.f32 v13, v4  }
0x2fc: {  	[tilespmem:s1+$0x30] =	vst v11;
	v54 =	vand.u32 $0x7F, v12  }
0x2fd: {  	[tilespmem:s1+$0xFFFFFFC0] =	vst v9;
	v9 =	vor.u32 $0x780, v54  }
0x2fe: {  	v3 =	vmul.f32 v3, v4;
	[tilespmem:s1+$0x10] =	vst v10;
	v55 =	vbroadcast v9, $0x0  }
0x2ff: {  	s0 =	sadd.s32 $0x80, s2;
	[tilespmem:s1+$0xFFFFFFE0] =	vst v8;
	v7 =	vmul.f32 v7, v4  }
0x300: {  	v57 =	vmul.f32 v6, v4;
	v56 =	vld [tilespmem:s0+$0xFFFFFFF0];
	[tilespmem:s1+$0xFFFFFFF0] =	vst v3  }
0x301: {  	v5 =	vmul.f32 v5, v4;
	v3 =	vld [tilespmem:s0+$0x30];
	[tilespmem:s1+$0x0] =	vst v7  }
0x302: {  	v59 =	vld [tilespmem:s0+$0xFFFFFFC0];
	[tilespmem:s1+$0xFFFFFFD0] =	vst v57  }
0x303: {  	v58 =	vld [tilespmem:s0+$0x10];
	[tilespmem:s1+$0x20] =	vst v5  }
0x304: {  	v4 =	vld.idx.msk [tilespmem:v55+s13+$0x0], $0xffff;
	_ =	sdelay $0x3  }
0x305: {  	v7 =	vld [tilespmem:s0+$0xFFFFFFE0]  }
0x306: {  	v60 =	vld [tilespmem:s0+$0x0];
	v3 =	vmul.f32 v3, v4  }
0x307: {  	v10 =	vld [tilespmem:s0+$0x20];
	v5 =	vmul.f32 v59, v4  }
0x308: {  	v61 =	vld [tilespmem:s0+$0xFFFFFFD0];
	v6 =	vmul.f32 v58, v4;
	[tilespmem:s0+$0x30] =	vst v3  }
0x309: {  	v62 =	vmul.f32 v56, v4;
	[tilespmem:s0+$0xFFFFFFC0] =	vst v5  }
0x30a: {  	v3 =	vmul.f32 v7, v4;
	[tilespmem:s0+$0x10] =	vst v6  }
0x30b: {  	v63 =	vmul.f32 v60, v4;
	[tilespmem:s0+$0xFFFFFFF0] =	vst v62  }
0x30c: {  	[tilespmem:s0+$0xFFFFFFE0] =	vst v3;
	v3 =	vmul.f32 v10, v4  }
0x30d: {  	s29 =	sadd.s32 $0x1, s29;
	[tilespmem:s0+$0x0] =	vst v63;
	v4 =	vmul.f32 v61, v4  }
0x30e: {  	p0 =	sne.s32 s29, $0xA;
	[tilespmem:s0+$0x20] =	vst v3  }
.Ltmp11:
0x30f: {  	[tilespmem:s0+$0xFFFFFFD0] =	vst v4;
	(pc) =	sbr.rel @p0 .LBB2_16-.Ltmp11, $4  }
0x310: {  	[spmem:s21] =	stream.indirect.scatter.add.f32 [tilespmem:s10], [sflag:$0x3], $0x80, s22, s14, $0xb8;
	[tilespmem:$0x1D740] =	vst v63  }
0x311: {  	_ =	swait.ge [sflag:s9], $0x2800  }
0x312: {  	[sflag:s9] =	ssyncset.done $0x0  }
0x313: {  	[sflag:s9] =	ssyncadd.s32 $0xFFFFD800  }
0x314: {  	[bflag:$0x0] =	sbarrier.arrive $0xFFFF  }
0x315: {  	s4 =	rddreg [dreg:$0x16]  }
0x316: {  	[tilespmem:s10], [sflag:$0x3] =	stream.linear.gather [spmem:s4], $0x2800, $0x38;
	[tilespmem:$0x1D740] =	vst v63  }
0x317: {  	_ =	swait.ge [sflag:s9], $0x2800  }
0x318: {  	[sflag:s9] =	ssyncset.done $0x0  }
0x319: {  	s20 =	simm.s32 $0x0;
	s0 =	rddreg [dreg:$0xe];
	[sflag:s9] =	ssyncadd.s32 $0xFFFFD800  }
0x31a: {  	[hbm4b:s0+s20] =	stream.linear.scatter [tilespmem:s10], [sflag:$0x3], $0x2800, $0x38;
	[tilespmem:$0x1D740] =	vst v63  }
0x31b: {  	_ =	swait.ge [sflag:s9], $0x2800  }
0x31c: {  	[sflag:s9] =	ssyncset.done $0x0  }
0x31d: {  	s5 =	rddreg [dreg:$0x18];
	[sflag:s9] =	ssyncadd.s32 $0xFFFFD800  }
0x31e: {  	[tilespmem:s10], [sflag:$0x3] =	stream.linear.gather [spmem:s5], $0x2800, $0x38;
	[tilespmem:$0x1D740] =	vst v63  }
0x31f: {  	_ =	swait.ge [sflag:s9], $0x2800  }
0x320: {  	[sflag:s9] =	ssyncset.done $0x0  }
0x321: {  	s2 =	rddreg [dreg:$0xf];
	[sflag:s9] =	ssyncadd.s32 $0xFFFFD800  }
0x322: {  	[hbm4b:s2+s20] =	stream.linear.scatter [tilespmem:s10], [sflag:$0x3], $0x2800, $0x38;
	[tilespmem:$0x1D740] =	vst v63  }
0x323: {  	_ =	swait.ge [sflag:s9], $0x2800  }
0x324: {  	[sflag:s9] =	ssyncset.done $0x0  }
0x325: {  	s29 =	rddreg [dreg:$0x19];
	[sflag:s9] =	ssyncadd.s32 $0xFFFFD800  }
0x326: {  	[tilespmem:s10], [sflag:$0x3] =	stream.linear.gather [spmem:s29], $0x2800, $0x38;
	[tilespmem:$0x1D740] =	vst v63  }
0x327: {  	_ =	swait.ge [sflag:s9], $0x2800  }
0x328: {  	[sflag:s9] =	ssyncset.done $0x0  }
0x329: {  	s6 =	rddreg [dreg:$0x10];
	[sflag:s9] =	ssyncadd.s32 $0xFFFFD800  }
0x32a: {  	[hbm4b:s6+s20] =	stream.linear.scatter [tilespmem:s10], [sflag:$0x3], $0x2800, $0x38;
	[tilespmem:$0x1D740] =	vst v63  }
0x32b: {  	_ =	swait.ge [sflag:s9], $0x2800  }
0x32c: {  	[sflag:s9] =	ssyncset.done $0x0  }
0x32d: {  	s30 =	rddreg [dreg:$0x1a];
	[sflag:s9] =	ssyncadd.s32 $0xFFFFD800  }
0x32e: {  	[tilespmem:s10], [sflag:$0x3] =	stream.linear.gather [spmem:s30], $0x2800, $0x38;
	[tilespmem:$0x1D740] =	vst v63  }
0x32f: {  	_ =	swait.ge [sflag:s9], $0x2800  }
0x330: {  	[sflag:s9] =	ssyncset.done $0x0  }
0x331: {  	s1 =	rddreg [dreg:$0x11];
	[sflag:s9] =	ssyncadd.s32 $0xFFFFD800  }
0x332: {  	[hbm4b:s1+s20] =	stream.linear.scatter [tilespmem:s10], [sflag:$0x3], $0x2800, $0x38;
	[tilespmem:$0x1D740] =	vst v63  }
0x333: {  	_ =	swait.ge [sflag:s9], $0x2800  }
0x334: {  	[sflag:s9] =	ssyncset.done $0x0  }
0x335: {  	s31 =	rddreg [dreg:$0x1b];
	[sflag:s9] =	ssyncadd.s32 $0xFFFFD800  }
0x336: {  	[tilespmem:s10], [sflag:$0x3] =	stream.linear.gather [spmem:s31], $0x2800, $0x38;
	[tilespmem:$0x1D740] =	vst v63  }
0x337: {  	_ =	swait.ge [sflag:s9], $0x2800  }
0x338: {  	[sflag:s9] =	ssyncset.done $0x0  }
0x339: {  	s2 =	rddreg [dreg:$0x12];
	[sflag:s9] =	ssyncadd.s32 $0xFFFFD800  }
0x33a: {  	[hbm4b:s2+s20] =	stream.linear.scatter [tilespmem:s10], [sflag:$0x3], $0x2800, $0x38;
	[tilespmem:$0x1D740] =	vst v63  }
0x33b: {  	_ =	swait.ge [sflag:s9], $0x2800  }
0x33c: {  	[sflag:s9] =	ssyncset.done $0x0  }
0x33d: {  	s6 =	rddreg [dreg:$0x1c];
	[sflag:s9] =	ssyncadd.s32 $0xFFFFD800  }
0x33e: {  	[tilespmem:s10], [sflag:$0x3] =	stream.linear.gather [spmem:s6], $0x2800, $0x38;
	[tilespmem:$0x1D740] =	vst v63  }
0x33f: {  	_ =	swait.ge [sflag:s9], $0x2800  }
0x340: {  	[sflag:s9] =	ssyncset.done $0x0  }
0x341: {  	s1 =	rddreg [dreg:$0x13];
	[sflag:s9] =	ssyncadd.s32 $0xFFFFD800  }
0x342: {  	[hbm4b:s1+s20] =	stream.linear.scatter [tilespmem:s10], [sflag:$0x3], $0x2800, $0x38;
	[tilespmem:$0x1D740] =	vst v63  }
0x343: {  	_ =	swait.ge [sflag:s9], $0x2800  }
0x344: {  	[sflag:s9] =	ssyncset.done $0x0  }
0x345: {  	s2 =	rddreg [dreg:$0x1d];
	[sflag:s9] =	ssyncadd.s32 $0xFFFFD800  }
0x346: {  	[tilespmem:s10], [sflag:$0x3] =	stream.linear.gather [spmem:s2], $0x2800, $0x38;
	[tilespmem:$0x1D740] =	vst v63  }
0x347: {  	_ =	swait.ge [sflag:s9], $0x2800  }
0x348: {  	[sflag:s9] =	ssyncset.done $0x0  }
0x349: {  	s6 =	rddreg [dreg:$0x14];
	[sflag:s9] =	ssyncadd.s32 $0xFFFFD800  }
0x34a: {  	[hbm4b:s6+s20] =	stream.linear.scatter [tilespmem:s10], [sflag:$0x3], $0x2800, $0x38;
	[tilespmem:$0x1D740] =	vst v63  }
0x34b: {  	_ =	swait.ge [sflag:s9], $0x2800  }
0x34c: {  	[sflag:s9] =	ssyncset.done $0x0  }
0x34d: {  	s1 =	rddreg [dreg:$0x1e];
	[sflag:s9] =	ssyncadd.s32 $0xFFFFD800  }
0x34e: {  	[tilespmem:s10], [sflag:$0x3] =	stream.linear.gather [spmem:s1], $0x2800, $0x38;
	[tilespmem:$0x1D740] =	vst v63  }
0x34f: {  	_ =	swait.ge [sflag:s9], $0x2800  }
0x350: {  	[sflag:s9] =	ssyncset.done $0x0  }
0x351: {  	s2 =	rddreg [dreg:$0x15];
	[sflag:s9] =	ssyncadd.s32 $0xFFFFD800  }
0x352: {  	[hbm4b:s2+s20] =	stream.linear.scatter [tilespmem:s10], [sflag:$0x3], $0x2800, $0x38;
	[tilespmem:$0x1D740] =	vst v63  }
0x353: {  	_ =	swait.ge [sflag:s9], $0x2800  }
0x354: {  	s23 =	sadd.s32 $0x1, s23;
	s6 =	rddreg [dreg:$0x17]  }
0x355: {  	p0 =	sne.s32 s23, s6  }
.Ltmp12:
0x356: {  	_ = 	snop;
	(pc) =	sbr.rel @p0 .LBB2_1-.Ltmp12, $3  }
0x357: {  	_ =	sdelay $0x1  }
0x358: {  	[sflag:s9] =	ssyncset.done $0x0  }
0x359: {  	[sflag:s9] =	ssyncadd.s32 $0xFFFFD800  }
0x35a: {  	_ =	sfence.sel $0x180000  }
0x35b: {  	[bflag:$0x0] =	sbarrier.arrive $0xFFFF  }
0x35c: {  	_ =	strace $0x9000004A  }
0x35d: {  	s0 =	stileid.u32;
	[bflag:$0x2] =	sbarrier.arrive $0xFFFF  }
0x35e: {  	p0 =	sne.s32 s0, $0x0;
	s0 =	rddreg [dreg:$0x3]  }
0x35f: {  	s0 =	sadd.s32 @!p0 $0x100000, s0  }
0x360: {  	[sflag:s0] =	ssyncadd.tile.s32 @!p0 $0x1;
	_ =	shalt  }
.Lfunc_end2:
_tile_overlayer_lowered:
.L_overlay_start_2:
0x361: {  	(tag) =	ssettag $0x2  }
0x362: {  	s0 =	rddreg [dreg:$0x0];
	s2 =	stileid.u32  }
0x363: {  	s1 =	rddreg [dreg:$0x1];
	p0 =	sne.s32 s2, $0x0  }
0x364: {  	s3 =	rddreg [dreg:$0x2];
	[bflag:$0x3] =	sbarrier.arrive $0xFFFF;
	s2 =	simm.s32 @!p0 $0x1C03  }
0x365: {  	[timem:s3], [sflag:s2] =	dma.local @!p0 [hbm:s0], s1  }
0x366: {  	s0 =	simm.s32 @!p0 $0x3  }
0x367: {  	_ =	swait.ge @!p0 [sflag:s0], s1  }
0x368: {  	s1 =	ssub.s32 @!p0 $0x0, s1;
	[sflag:s0] =	ssyncset.done @!p0 $0x0  }
0x369: {  	[sflag:s0] =	ssyncadd.s32 @!p0 s1  }
0x36a: {  	[bflag:$0x3] =	sbarrier.arrive $0xFFFF  }
0x36b: {  	_ =	shalt  }

</sc_bundles>
